<compile_context>
chip_gen: v7x
topology: tpu7x:2x2x1
jax: 0.10.2.dev20260603
libtpu: 0.0.44.dev20260713+nightly
codegen_flags: <defaults>
</compile_context>

<pallas_src>
import jax
import jax.numpy as jnp
from jax import lax
from jax.experimental import pallas as pl
from jax.experimental.pallas import tpu as pltpu
from jax.experimental.pallas import tpu_sc as plsc

_B = 16384
_F = 26
_D = 32
_V = 1000000

_C = 32768
_Q = _C // 4
_NG = (_V + _C - 1) // _C
_VP = _NG * _C

_NC = 2
_NS = 16
_NW = _NC * _NS
_ROWS_PER_W = _B // _NW
_ROWS_PER_CHUNK = 4
_IDX_PER_CHUNK = _ROWS_PER_CHUNK * _F
_NCHUNK = _ROWS_PER_W // _ROWS_PER_CHUNK
_SCALE = 1.0 / _F


def _tpose_kernel(in_ref, idxT_ref, out_ref, addr_ref):
    x = in_ref[...]
    y = jnp.concatenate([x[:, j * _Q:(j + 1) * _Q] for j in range(4)], axis=0)
    eye = (lax.broadcasted_iota(jnp.int32, (128, 128), 0)
           == lax.broadcasted_iota(jnp.int32, (128, 128), 1)
           ).astype(jnp.bfloat16)
    out_ref[...] = lax.dot_general(
        y.astype(jnp.bfloat16), eye, (((0,), (0,)), ((), ())),
        preferred_element_type=jnp.float32)

    @pl.when(pl.program_id(0) == 0)
    def _():
        xi = idxT_ref[...]
        yi = jnp.concatenate(
            [xi[:, a * 4096:(a + 1) * 4096] for a in range(4)],
            axis=0).astype(jnp.float32)
        eyei = (lax.broadcasted_iota(jnp.int32, (104, 104), 0)
                == lax.broadcasted_iota(jnp.int32, (104, 104), 1)
                ).astype(jnp.float32)
        ti = lax.dot_general(
            yi, eyei, (((0,), (0,)), ((), ())),
            precision=lax.Precision.HIGHEST)
        idx = ti.astype(jnp.int32)
        addr = ((idx & ~(_C - 1)) | ((idx & (_Q - 1)) << 2)
                | ((idx & (_C - 1)) >> (_Q.bit_length() - 1)))
        addr_ref[:, 0:_IDX_PER_CHUNK] = addr


def _accumulate(buf, out_vT, g):
    lanes = lax.iota(jnp.int32, 16)
    for r in range(_ROWS_PER_CHUNK):
        base = r * _F
        acc0 = buf[base, pl.ds(0, 16)]
        acc1 = buf[base, pl.ds(16, 16)]
        for j in range(1, _F):
            acc0 = acc0 + buf[base + j, pl.ds(0, 16)]
            acc1 = acc1 + buf[base + j, pl.ds(16, 16)]
        col = jnp.zeros((16,), jnp.int32) + (r * _NCHUNK + g)
        plsc.store_scatter(out_vT, [lanes, col], acc0 * _SCALE)
        plsc.store_scatter(out_vT, [lanes + 16, col], acc1 * _SCALE)


def _sc_kernel(idx_hbm, table_hbm, out_hbm, idx_v, buf0, buf1, buf2, buf3,
               out_vT, sem0, sem1, sem2, sem3):
    wid = lax.axis_index("s") * _NC + lax.axis_index("c")
    bufs = (buf0, buf1, buf2, buf3)
    sems = (sem0, sem1, sem2, sem3)
    pltpu.sync_copy(idx_hbm.at[pl.ds(wid * _NCHUNK, _NCHUNK)], idx_v)

    for k in range(3):
        pltpu.async_copy(table_hbm.at[idx_v.at[k, pl.ds(0, _IDX_PER_CHUNK)]], bufs[k], sems[k])

    def loop_body(i, carry):
        g0 = 4 * i
        for k in range(4):
            g = g0 + k
            nxt = (k + 3) % 4

            @pl.when(g + 3 < _NCHUNK)
            def _():
                pltpu.async_copy(table_hbm.at[idx_v.at[g + 3, pl.ds(0, _IDX_PER_CHUNK)]], bufs[nxt],
                                 sems[nxt])

            pltpu.make_async_copy(table_hbm.at[idx_v.at[0, pl.ds(0, _IDX_PER_CHUNK)]], bufs[k],
                                  sems[k]).wait()
            _accumulate(bufs[k], out_vT, g)
        return carry

    lax.fori_loop(0, _NCHUNK // 4, loop_body, 0)

    for a in range(_ROWS_PER_CHUNK):
        pltpu.sync_copy(
            out_vT.at[:, pl.ds(a * _NCHUNK, _NCHUNK)],
            out_hbm.at[:, pl.ds(a * (_NW * _NCHUNK) + wid * _NCHUNK,
                                _NCHUNK)])


@jax.jit
def kernel(indices, embedding_w):
    t4, addr = pl.pallas_call(
        _tpose_kernel,
        grid=(_NG,),
        in_specs=[pl.BlockSpec((_D, _C), lambda g: (0, g)),
                  pl.BlockSpec((_F, _B), lambda g: (0, 0))],
        out_specs=[pl.BlockSpec((_Q, 128), lambda g: (g, 0)),
                   pl.BlockSpec((_NW * _NCHUNK, 128), lambda g: (0, 0))],
        out_shape=[jax.ShapeDtypeStruct((_VP // 4, 128), jnp.float32),
                   jax.ShapeDtypeStruct((_NW * _NCHUNK, 128), jnp.int32)],
    )(embedding_w.T, indices.astype(jnp.int32).T)
    table_lin = t4.reshape(_VP, _D)

    mesh = plsc.VectorSubcoreMesh(core_axis_name="c", subcore_axis_name="s")
    run = pl.kernel(
        _sc_kernel,
        out_type=jax.ShapeDtypeStruct((_D, _B), jnp.float32),
        mesh=mesh,
        scratch_types=[
            pltpu.VMEM((_NCHUNK, 128), jnp.int32),
            pltpu.VMEM((_IDX_PER_CHUNK, _D), jnp.float32),
            pltpu.VMEM((_IDX_PER_CHUNK, _D), jnp.float32),
            pltpu.VMEM((_IDX_PER_CHUNK, _D), jnp.float32),
            pltpu.VMEM((_IDX_PER_CHUNK, _D), jnp.float32),
            pltpu.VMEM((_D, _ROWS_PER_W), jnp.float32),
            pltpu.SemaphoreType.DMA,
            pltpu.SemaphoreType.DMA,
            pltpu.SemaphoreType.DMA,
            pltpu.SemaphoreType.DMA,
        ],
        compiler_params=pltpu.CompilerParams(use_tc_tiling_on_sc=False,
                                             needs_layout_passes=False),
    )
    return run(addr, table_lin).T

# --- scband reference (transcript-rebuilt; emitter-appended) ---
"""Pipeline reference for scband-embedding-lookup-89120571392534 (READ-ONLY COPY).

The authoritative reference and input builder live on the scoring server;
editing this copy changes nothing except your own understanding.
"""

import jax, jax.numpy as jnp
import numpy as np

FEATURE_SIZE = 1000000
EMBED_DIM = 32
BATCH = 16384
N_FIELDS = 26

def setup_inputs(seed: int = 0) -> dict:
    key = jax.random.key(seed)
    k1, k2 = jax.random.split(key)
    indices = jax.random.randint(k1, (BATCH, N_FIELDS), 0, FEATURE_SIZE, dtype=jnp.int64 if jax.config.jax_enable_x64 else jnp.int32)
    # GlorotNormal-like init for the embedding table
    fan_in, fan_out = FEATURE_SIZE, EMBED_DIM
    stddev = jnp.sqrt(2.0 / (fan_in + fan_out))
    embedding_w = jax.random.normal(k2, (FEATURE_SIZE, EMBED_DIM), dtype=jnp.float32) * stddev
    return {"indices": indices, "embedding_w": embedding_w}

def reference(indices, embedding_w):
    # tf.nn.embedding_lookup_sparse with combiner='mean': gather rows per sparse id,
    # then mean-combine over the ids belonging to each batch row. Here each batch
    # row has exactly N_FIELDS ids (dense-ragged layout), so the mean is over axis 1.
    gathered = jnp.take(embedding_w, indices, axis=0)  # [B, N_FIELDS, D]
    return jnp.mean(gathered, axis=1)                   # [B, D]

if __name__ == "__main__":
    import jax
    _d = setup_inputs()
    print(jax.jit(kernel)(*tuple(_d.values())))

</pallas_src>

<mosaic_0001>
#map = affine_map<(d0, d1) -> (0, 0)>
module attributes {stable_mosaic.version = 14 : i64} {
  func.func @_sc_kernel(%arg0: i32, %arg1: i32, %arg2: memref<4096x128xi32, #tpu.memory_space<hbm>>, %arg3: memref<1015808x32xf32, #tpu.memory_space<hbm>>, %arg4: memref<32x16384xf32, #tpu.memory_space<hbm>>, %arg5: memref<128x128xi32, #tpu.memory_space<vmem>>, %arg6: memref<104x32xf32, #tpu.memory_space<vmem>>, %arg7: memref<104x32xf32, #tpu.memory_space<vmem>>, %arg8: memref<104x32xf32, #tpu.memory_space<vmem>>, %arg9: memref<104x32xf32, #tpu.memory_space<vmem>>, %arg10: memref<32x512xf32, #tpu.memory_space<vmem>>, %arg11: memref<!tpu.dma_semaphore, #tpu.memory_space<semaphore_mem>>, %arg12: memref<!tpu.dma_semaphore, #tpu.memory_space<semaphore_mem>>, %arg13: memref<!tpu.dma_semaphore, #tpu.memory_space<semaphore_mem>>, %arg14: memref<!tpu.dma_semaphore, #tpu.memory_space<semaphore_mem>>) attributes {dimension_semantics = [#tpu.dimension_semantics<core_parallel>, #tpu.dimension_semantics<subcore_parallel>], iteration_bounds = array<i64: 2, 16>, scalar_prefetch = 0 : i64, scratch_operands = 10 : i64, tpu.core_type = #tpu.core_type<sc_vector_subcore>, window_params = [{transform_indices = #map}, {transform_indices = #map}, {transform_indices = #map}]} {
    %mul3A = arith.constant 2 : i32
    %mul3A_0 = arith.muli %arg1, %mul3A : i32
    %add3A = arith.addi %mul3A_0, %arg0 : i32
    %mul3A_1 = arith.constant 128 : i32
    %mul3A_2 = arith.muli %add3A, %mul3A_1 : i32
    "tpu.region"() ({
      %run_scoped3A = tpu.sem_alloc : memref<!tpu.dma_semaphore, #tpu.memory_space<semaphore_mem>>
      %dma_start3A_44 = arith.constant 0 : i32
      %dma_start3A_45 = tpu.memref_slice %arg2[%mul3A_2, %dma_start3A_44] : memref<4096x128xi32, #tpu.memory_space<hbm>> -> memref<128x128xi32, #tpu.memory_space<hbm>>
      %dma_start3A_46 = arith.constant 0 : i32
      %dma_start3A_47 = tpu.memref_slice %arg2[%mul3A_2, %dma_start3A_46] : memref<4096x128xi32, #tpu.memory_space<hbm>> -> memref<128x128xi32, #tpu.memory_space<hbm>>
      tpu.enqueue_dma source(%dma_start3A_47 : memref<128x128xi32, #tpu.memory_space<hbm>>) target(%arg5 : memref<128x128xi32, #tpu.memory_space<vmem>>) target_semaphore(%run_scoped3A : memref<!tpu.dma_semaphore, #tpu.memory_space<semaphore_mem>>)
      %dma_wait3A = arith.constant 0 : i32
      %dma_wait3A_48 = tpu.memref_slice %arg2[%mul3A_2, %dma_wait3A] : memref<4096x128xi32, #tpu.memory_space<hbm>> -> memref<128x128xi32, #tpu.memory_space<hbm>>
      %dma_wait3A_49 = arith.constant 0 : i32
      %dma_wait3A_50 = tpu.memref_slice %arg2[%mul3A_2, %dma_wait3A_49] : memref<4096x128xi32, #tpu.memory_space<hbm>> -> memref<128x128xi32, #tpu.memory_space<hbm>>
      tpu.wait_dma2 semaphore(%run_scoped3A : memref<!tpu.dma_semaphore, #tpu.memory_space<semaphore_mem>>) src(%dma_wait3A_50 : memref<128x128xi32, #tpu.memory_space<hbm>>) dst(%arg5 : memref<128x128xi32, #tpu.memory_space<vmem>>)
      tpu.yield
    }) : () -> ()
    %dma_start3A = arith.constant 0 : i32
    %dma_start3A_3 = arith.constant 0 : i32
    %dma_start3A_4 = tpu.memref_slice %arg5[%dma_start3A, %dma_start3A_3] : memref<128x128xi32, #tpu.memory_space<vmem>> -> memref<1x104xi32, #tpu.memory_space<vmem>>
    %dma_start3A_5 = tpu.memref_squeeze %dma_start3A_4 : memref<1x104xi32, #tpu.memory_space<vmem>> -> memref<104xi32, #tpu.memory_space<vmem>>
    %dma_start3A_6 = arith.constant 0 : i32
    %dma_start3A_7 = arith.constant 0 : i32
    %dma_start3A_8 = tpu.memref_slice %arg3[%dma_start3A_6, %dma_start3A_7] : memref<1015808x32xf32, #tpu.memory_space<hbm>> -> memref<1015808x32xf32, #tpu.memory_space<hbm>>
    tpu.enqueue_indirect_dma source(%dma_start3A_8 : memref<1015808x32xf32, #tpu.memory_space<hbm>>) target(%arg6 : memref<104x32xf32, #tpu.memory_space<vmem>>) offsets(%dma_start3A_5 : memref<104xi32, #tpu.memory_space<vmem>>) semaphore(%arg11 : memref<!tpu.dma_semaphore, #tpu.memory_space<semaphore_mem>>)
    %dma_start3A_9 = arith.constant 1 : i32
    %dma_start3A_10 = arith.constant 0 : i32
    %dma_start3A_11 = tpu.memref_slice %arg5[%dma_start3A_9, %dma_start3A_10] : memref<128x128xi32, #tpu.memory_space<vmem>> -> memref<1x104xi32, #tpu.memory_space<vmem>>
    %dma_start3A_12 = tpu.memref_squeeze %dma_start3A_11 : memref<1x104xi32, #tpu.memory_space<vmem>> -> memref<104xi32, #tpu.memory_space<vmem>>
    %dma_start3A_13 = arith.constant 0 : i32
    %dma_start3A_14 = arith.constant 0 : i32
    %dma_start3A_15 = tpu.memref_slice %arg3[%dma_start3A_13, %dma_start3A_14] : memref<1015808x32xf32, #tpu.memory_space<hbm>> -> memref<1015808x32xf32, #tpu.memory_space<hbm>>
    tpu.enqueue_indirect_dma source(%dma_start3A_15 : memref<1015808x32xf32, #tpu.memory_space<hbm>>) target(%arg7 : memref<104x32xf32, #tpu.memory_space<vmem>>) offsets(%dma_start3A_12 : memref<104xi32, #tpu.memory_space<vmem>>) semaphore(%arg12 : memref<!tpu.dma_semaphore, #tpu.memory_space<semaphore_mem>>)
    %dma_start3A_16 = arith.constant 2 : i32
    %dma_start3A_17 = arith.constant 0 : i32
    %dma_start3A_18 = tpu.memref_slice %arg5[%dma_start3A_16, %dma_start3A_17] : memref<128x128xi32, #tpu.memory_space<vmem>> -> memref<1x104xi32, #tpu.memory_space<vmem>>
    %dma_start3A_19 = tpu.memref_squeeze %dma_start3A_18 : memref<1x104xi32, #tpu.memory_space<vmem>> -> memref<104xi32, #tpu.memory_space<vmem>>
    %dma_start3A_20 = arith.constant 0 : i32
    %dma_start3A_21 = arith.constant 0 : i32
    %dma_start3A_22 = tpu.memref_slice %arg3[%dma_start3A_20, %dma_start3A_21] : memref<1015808x32xf32, #tpu.memory_space<hbm>> -> memref<1015808x32xf32, #tpu.memory_space<hbm>>
    tpu.enqueue_indirect_dma source(%dma_start3A_22 : memref<1015808x32xf32, #tpu.memory_space<hbm>>) target(%arg8 : memref<104x32xf32, #tpu.memory_space<vmem>>) offsets(%dma_start3A_19 : memref<104xi32, #tpu.memory_space<vmem>>) semaphore(%arg13 : memref<!tpu.dma_semaphore, #tpu.memory_space<semaphore_mem>>)
    %scan3A = arith.constant 0 : i32
    %scan3A_23 = arith.constant 0 : i32
    %scan3A_24 = arith.constant 32 : i32
    %scan3A_25 = arith.addi %scan3A_23, %scan3A_24 : i32
    %scan3A_26 = arith.constant 1 : i32
    scf.for %scan3A_44 = %scan3A_23 to %scan3A_25 step %scan3A_26  : i32 {
      %mul3A_45 = arith.constant 4 : i32
      %mul3A_46 = arith.muli %mul3A_45, %scan3A_44 : i32
      %add3A_47 = arith.constant 0 : i32
      %add3A_48 = arith.addi %mul3A_46, %add3A_47 : i32
      %add3A_49 = arith.constant 3 : i32
      %add3A_50 = arith.addi %add3A_48, %add3A_49 : i32
      %lt3A = arith.constant 128 : i32
      %lt3A_51 = arith.cmpi slt, %add3A_50, %lt3A : i32
      %convert_element_type3A = arith.extui %lt3A_51 : i1 to i32
      %cond3A = arith.constant 0 : i32
      %cond3A_52 = arith.cmpi ne, %convert_element_type3A, %cond3A : i32
      scf.if %cond3A_52 {
        %add3A_4476 = arith.constant 3 : i32
        %add3A_4477 = arith.addi %add3A_48, %add3A_4476 : i32
        %dma_start3A_4478 = arith.constant 0 : i32
        %dma_start3A_4479 = tpu.memref_slice %arg5[%add3A_4477, %dma_start3A_4478] : memref<128x128xi32, #tpu.memory_space<vmem>> -> memref<1x104xi32, #tpu.memory_space<vmem>>
        %dma_start3A_4480 = tpu.memref_squeeze %dma_start3A_4479 : memref<1x104xi32, #tpu.memory_space<vmem>> -> memref<104xi32, #tpu.memory_space<vmem>>
        %dma_start3A_4481 = arith.constant 0 : i32
        %dma_start3A_4482 = arith.constant 0 : i32
        %dma_start3A_4483 = tpu.memref_slice %arg3[%dma_start3A_4481, %dma_start3A_4482] : memref<1015808x32xf32, #tpu.memory_space<hbm>> -> memref<1015808x32xf32, #tpu.memory_space<hbm>>
        tpu.enqueue_indirect_dma source(%dma_start3A_4483 : memref<1015808x32xf32, #tpu.memory_space<hbm>>) target(%arg9 : memref<104x32xf32, #tpu.memory_space<vmem>>) offsets(%dma_start3A_4480 : memref<104xi32, #tpu.memory_space<vmem>>) semaphore(%arg14 : memref<!tpu.dma_semaphore, #tpu.memory_space<semaphore_mem>>)
      } else {
      }
      %dma_wait3A = arith.constant 0 : i32
      %dma_wait3A_53 = arith.constant 0 : i32
      %dma_wait3A_54 = tpu.memref_slice %arg5[%dma_wait3A, %dma_wait3A_53] : memref<128x128xi32, #tpu.memory_space<vmem>> -> memref<1x104xi32, #tpu.memory_space<vmem>>
      %dma_wait3A_55 = tpu.memref_squeeze %dma_wait3A_54 : memref<1x104xi32, #tpu.memory_space<vmem>> -> memref<104xi32, #tpu.memory_space<vmem>>
      %dma_wait3A_56 = arith.constant 0 : i32
      %dma_wait3A_57 = arith.constant 0 : i32
      %dma_wait3A_58 = tpu.memref_slice %arg3[%dma_wait3A_56, %dma_wait3A_57] : memref<1015808x32xf32, #tpu.memory_space<hbm>> -> memref<1015808x32xf32, #tpu.memory_space<hbm>>
      tpu.wait_indirect_dma semaphore(%arg11 : memref<!tpu.dma_semaphore, #tpu.memory_space<semaphore_mem>>) src(%dma_wait3A_58 : memref<1015808x32xf32, #tpu.memory_space<hbm>>) dst(%arg6 : memref<104x32xf32, #tpu.memory_space<vmem>>)
      %iota3A = tpu.iota {dimensions = array<i32: 0>} : vector<16xi32>
      %get3A = arith.constant 0 : i32
      %get3A_59 = arith.index_cast %get3A : i32 to index
      %get3A_60 = arith.constant 0 : index
      %get3A_61 = tpu.vector_load %arg6[%get3A_59, %get3A_60] {strides = array<i32>} : memref<104x32xf32, #tpu.memory_space<vmem>>, vector<16xf32>,
      %get3A_62 = arith.constant 0 : i32
      %get3A_63 = arith.index_cast %get3A_62 : i32 to index
      %get3A_64 = arith.constant 16 : index
      %get3A_65 = tpu.vector_load %arg6[%get3A_63, %get3A_64] {strides = array<i32>} : memref<104x32xf32, #tpu.memory_space<vmem>>, vector<16xf32>,
      %get3A_66 = arith.constant 1 : i32
      %get3A_67 = arith.index_cast %get3A_66 : i32 to index
      %get3A_68 = arith.constant 0 : index
      %get3A_69 = tpu.vector_load %arg6[%get3A_67, %get3A_68] {strides = array<i32>} : memref<104x32xf32, #tpu.memory_space<vmem>>, vector<16xf32>,
      %add3A_70 = arith.addf %get3A_61, %get3A_69 : vector<16xf32>
      %get3A_71 = arith.constant 1 : i32
      %get3A_72 = arith.index_cast %get3A_71 : i32 to index
      %get3A_73 = arith.constant 16 : index
      %get3A_74 = tpu.vector_load %arg6[%get3A_72, %get3A_73] {strides = array<i32>} : memref<104x32xf32, #tpu.memory_space<vmem>>, vector<16xf32>,
      %add3A_75 = arith.addf %get3A_65, %get3A_74 : vector<16xf32>
      %get3A_76 = arith.constant 2 : i32
      %get3A_77 = arith.index_cast %get3A_76 : i32 to index
      %get3A_78 = arith.constant 0 : index
      %get3A_79 = tpu.vector_load %arg6[%get3A_77, %get3A_78] {strides = array<i32>} : memref<104x32xf32, #tpu.memory_space<vmem>>, vector<16xf32>,
      %add3A_80 = arith.addf %add3A_70, %get3A_79 : vector<16xf32>
      %get3A_81 = arith.constant 2 : i32
      %get3A_82 = arith.index_cast %get3A_81 : i32 to index
      %get3A_83 = arith.constant 16 : index
      %get3A_84 = tpu.vector_load %arg6[%get3A_82, %get3A_83] {strides = array<i32>} : memref<104x32xf32, #tpu.memory_space<vmem>>, vector<16xf32>,
      %add3A_85 = arith.addf %add3A_75, %get3A_84 : vector<16xf32>
      %get3A_86 = arith.constant 3 : i32
      %get3A_87 = arith.index_cast %get3A_86 : i32 to index
      %get3A_88 = arith.constant 0 : index
      %get3A_89 = tpu.vector_load %arg6[%get3A_87, %get3A_88] {strides = array<i32>} : memref<104x32xf32, #tpu.memory_space<vmem>>, vector<16xf32>,
      %add3A_90 = arith.addf %add3A_80, %get3A_89 : vector<16xf32>
      %get3A_91 = arith.constant 3 : i32
      %get3A_92 = arith.index_cast %get3A_91 : i32 to index
      %get3A_93 = arith.constant 16 : index
      %get3A_94 = tpu.vector_load %arg6[%get3A_92, %get3A_93] {strides = array<i32>} : memref<104x32xf32, #tpu.memory_space<vmem>>, vector<16xf32>,
      %add3A_95 = arith.addf %add3A_85, %get3A_94 : vector<16xf32>
      %get3A_96 = arith.constant 4 : i32
      %get3A_97 = arith.index_cast %get3A_96 : i32 to index
      %get3A_98 = arith.constant 0 : index
      %get3A_99 = tpu.vector_load %arg6[%get3A_97, %get3A_98] {strides = array<i32>} : memref<104x32xf32, #tpu.memory_space<vmem>>, vector<16xf32>,
      %add3A_100 = arith.addf %add3A_90, %get3A_99 : vector<16xf32>
      %get3A_101 = arith.constant 4 : i32
      %get3A_102 = arith.index_cast %get3A_101 : i32 to index
      %get3A_103 = arith.constant 16 : index
      %get3A_104 = tpu.vector_load %arg6[%get3A_102, %get3A_103] {strides = array<i32>} : memref<104x32xf32, #tpu.memory_space<vmem>>, vector<16xf32>,
      %add3A_105 = arith.addf %add3A_95, %get3A_104 : vector<16xf32>
      %get3A_106 = arith.constant 5 : i32
      %get3A_107 = arith.index_cast %get3A_106 : i32 to index
      %get3A_108 = arith.constant 0 : index
      %get3A_109 = tpu.vector_load %arg6[%get3A_107, %get3A_108] {strides = array<i32>} : memref<104x32xf32, #tpu.memory_space<vmem>>, vector<16xf32>,
      %add3A_110 = arith.addf %add3A_100, %get3A_109 : vector<16xf32>
      %get3A_111 = arith.constant 5 : i32
      %get3A_112 = arith.index_cast %get3A_111 : i32 to index
      %get3A_113 = arith.constant 16 : index
      %get3A_114 = tpu.vector_load %arg6[%get3A_112, %get3A_113] {strides = array<i32>} : memref<104x32xf32, #tpu.memory_space<vmem>>, vector<16xf32>,
      %add3A_115 = arith.addf %add3A_105, %get3A_114 : vector<16xf32>
      %get3A_116 = arith.constant 6 : i32
      %get3A_117 = arith.index_cast %get3A_116 : i32 to index
      %get3A_118 = arith.constant 0 : index
      %get3A_119 = tpu.vector_load %arg6[%get3A_117, %get3A_118] {strides = array<i32>} : memref<104x32xf32, #tpu.memory_space<vmem>>, vector<16xf32>,
      %add3A_120 = arith.addf %add3A_110, %get3A_119 : vector<16xf32>
      %get3A_121 = arith.constant 6 : i32
      %get3A_122 = arith.index_cast %get3A_121 : i32 to index
      %get3A_123 = arith.constant 16 : index
      %get3A_124 = tpu.vector_load %arg6[%get3A_122, %get3A_123] {strides = array<i32>} : memref<104x32xf32, #tpu.memory_space<vmem>>, vector<16xf32>,
      %add3A_125 = arith.addf %add3A_115, %get3A_124 : vector<16xf32>
      %get3A_126 = arith.constant 7 : i32
      %get3A_127 = arith.index_cast %get3A_126 : i32 to index
      %get3A_128 = arith.constant 0 : index
      %get3A_129 = tpu.vector_load %arg6[%get3A_127, %get3A_128] {strides = array<i32>} : memref<104x32xf32, #tpu.memory_space<vmem>>, vector<16xf32>,
      %add3A_130 = arith.addf %add3A_120, %get3A_129 : vector<16xf32>
      %get3A_131 = arith.constant 7 : i32
      %get3A_132 = arith.index_cast %get3A_131 : i32 to index
      %get3A_133 = arith.constant 16 : index
      %get3A_134 = tpu.vector_load %arg6[%get3A_132, %get3A_133] {strides = array<i32>} : memref<104x32xf32, #tpu.memory_space<vmem>>, vector<16xf32>,
      %add3A_135 = arith.addf %add3A_125, %get3A_134 : vector<16xf32>
      %get3A_136 = arith.constant 8 : i32
      %get3A_137 = arith.index_cast %get3A_136 : i32 to index
      %get3A_138 = arith.constant 0 : index
      %get3A_139 = tpu.vector_load %arg6[%get3A_137, %get3A_138] {strides = array<i32>} : memref<104x32xf32, #tpu.memory_space<vmem>>, vector<16xf32>,
      %add3A_140 = arith.addf %add3A_130, %get3A_139 : vector<16xf32>
      %get3A_141 = arith.constant 8 : i32
      %get3A_142 = arith.index_cast %get3A_141 : i32 to index
      %get3A_143 = arith.constant 16 : index
      %get3A_144 = tpu.vector_load %arg6[%get3A_142, %get3A_143] {strides = array<i32>} : memref<104x32xf32, #tpu.memory_space<vmem>>, vector<16xf32>,
      %add3A_145 = arith.addf %add3A_135, %get3A_144 : vector<16xf32>
      %get3A_146 = arith.constant 9 : i32
      %get3A_147 = arith.index_cast %get3A_146 : i32 to index
      %get3A_148 = arith.constant 0 : index
      %get3A_149 = tpu.vector_load %arg6[%get3A_147, %get3A_148] {strides = array<i32>} : memref<104x32xf32, #tpu.memory_space<vmem>>, vector<16xf32>,
      %add3A_150 = arith.addf %add3A_140, %get3A_149 : vector<16xf32>
      %get3A_151 = arith.constant 9 : i32
      %get3A_152 = arith.index_cast %get3A_151 : i32 to index
      %get3A_153 = arith.constant 16 : index
      %get3A_154 = tpu.vector_load %arg6[%get3A_152, %get3A_153] {strides = array<i32>} : memref<104x32xf32, #tpu.memory_space<vmem>>, vector<16xf32>,
      %add3A_155 = arith.addf %add3A_145, %get3A_154 : vector<16xf32>
      %get3A_156 = arith.constant 10 : i32
      %get3A_157 = arith.index_cast %get3A_156 : i32 to index
      %get3A_158 = arith.constant 0 : index
      %get3A_159 = tpu.vector_load %arg6[%get3A_157, %get3A_158] {strides = array<i32>} : memref<104x32xf32, #tpu.memory_space<vmem>>, vector<16xf32>,
      %add3A_160 = arith.addf %add3A_150, %get3A_159 : vector<16xf32>
      %get3A_161 = arith.constant 10 : i32
      %get3A_162 = arith.index_cast %get3A_161 : i32 to index
      %get3A_163 = arith.constant 16 : index
      %get3A_164 = tpu.vector_load %arg6[%get3A_162, %get3A_163] {strides = array<i32>} : memref<104x32xf32, #tpu.memory_space<vmem>>, vector<16xf32>,
      %add3A_165 = arith.addf %add3A_155, %get3A_164 : vector<16xf32>
      %get3A_166 = arith.constant 11 : i32
      %get3A_167 = arith.index_cast %get3A_166 : i32 to index
      %get3A_168 = arith.constant 0 : index
      %get3A_169 = tpu.vector_load %arg6[%get3A_167, %get3A_168] {strides = array<i32>} : memref<104x32xf32, #tpu.memory_space<vmem>>, vector<16xf32>,
      %add3A_170 = arith.addf %add3A_160, %get3A_169 : vector<16xf32>
      %get3A_171 = arith.constant 11 : i32
      %get3A_172 = arith.index_cast %get3A_171 : i32 to index
      %get3A_173 = arith.constant 16 : index
      %get3A_174 = tpu.vector_load %arg6[%get3A_172, %get3A_173] {strides = array<i32>} : memref<104x32xf32, #tpu.memory_space<vmem>>, vector<16xf32>,
      %add3A_175 = arith.addf %add3A_165, %get3A_174 : vector<16xf32>
      %get3A_176 = arith.constant 12 : i32
      %get3A_177 = arith.index_cast %get3A_176 : i32 to index
      %get3A_178 = arith.constant 0 : index
      %get3A_179 = tpu.vector_load %arg6[%get3A_177, %get3A_178] {strides = array<i32>} : memref<104x32xf32, #tpu.memory_space<vmem>>, vector<16xf32>,
      %add3A_180 = arith.addf %add3A_170, %get3A_179 : vector<16xf32>
      %get3A_181 = arith.constant 12 : i32
      %get3A_182 = arith.index_cast %get3A_181 : i32 to index
      %get3A_183 = arith.constant 16 : index
      %get3A_184 = tpu.vector_load %arg6[%get3A_182, %get3A_183] {strides = array<i32>} : memref<104x32xf32, #tpu.memory_space<vmem>>, vector<16xf32>,
      %add3A_185 = arith.addf %add3A_175, %get3A_184 : vector<16xf32>
      %get3A_186 = arith.constant 13 : i32
      %get3A_187 = arith.index_cast %get3A_186 : i32 to index
      %get3A_188 = arith.constant 0 : index
      %get3A_189 = tpu.vector_load %arg6[%get3A_187, %get3A_188] {strides = array<i32>} : memref<104x32xf32, #tpu.memory_space<vmem>>, vector<16xf32>,
      %add3A_190 = arith.addf %add3A_180, %get3A_189 : vector<16xf32>
      %get3A_191 = arith.constant 13 : i32
      %get3A_192 = arith.index_cast %get3A_191 : i32 to index
      %get3A_193 = arith.constant 16 : index
      %get3A_194 = tpu.vector_load %arg6[%get3A_192, %get3A_193] {strides = array<i32>} : memref<104x32xf32, #tpu.memory_space<vmem>>, vector<16xf32>,
      %add3A_195 = arith.addf %add3A_185, %get3A_194 : vector<16xf32>
      %get3A_196 = arith.constant 14 : i32
      %get3A_197 = arith.index_cast %get3A_196 : i32 to index
      %get3A_198 = arith.constant 0 : index
      %get3A_199 = tpu.vector_load %arg6[%get3A_197, %get3A_198] {strides = array<i32>} : memref<104x32xf32, #tpu.memory_space<vmem>>, vector<16xf32>,
      %add3A_200 = arith.addf %add3A_190, %get3A_199 : vector<16xf32>
      %get3A_201 = arith.constant 14 : i32
      %get3A_202 = arith.index_cast %get3A_201 : i32 to index
      %get3A_203 = arith.constant 16 : index
      %get3A_204 = tpu.vector_load %arg6[%get3A_202, %get3A_203] {strides = array<i32>} : memref<104x32xf32, #tpu.memory_space<vmem>>, vector<16xf32>,
      %add3A_205 = arith.addf %add3A_195, %get3A_204 : vector<16xf32>
      %get3A_206 = arith.constant 15 : i32
      %get3A_207 = arith.index_cast %get3A_206 : i32 to index
      %get3A_208 = arith.constant 0 : index
      %get3A_209 = tpu.vector_load %arg6[%get3A_207, %get3A_208] {strides = array<i32>} : memref<104x32xf32, #tpu.memory_space<vmem>>, vector<16xf32>,
      %add3A_210 = arith.addf %add3A_200, %get3A_209 : vector<16xf32>
      %get3A_211 = arith.constant 15 : i32
      %get3A_212 = arith.index_cast %get3A_211 : i32 to index
      %get3A_213 = arith.constant 16 : index
      %get3A_214 = tpu.vector_load %arg6[%get3A_212, %get3A_213] {strides = array<i32>} : memref<104x32xf32, #tpu.memory_space<vmem>>, vector<16xf32>,
      %add3A_215 = arith.addf %add3A_205, %get3A_214 : vector<16xf32>
      %get3A_216 = arith.constant 16 : i32
      %get3A_217 = arith.index_cast %get3A_216 : i32 to index
      %get3A_218 = arith.constant 0 : index
      %get3A_219 = tpu.vector_load %arg6[%get3A_217, %get3A_218] {strides = array<i32>} : memref<104x32xf32, #tpu.memory_space<vmem>>, vector<16xf32>,
      %add3A_220 = arith.addf %add3A_210, %get3A_219 : vector<16xf32>
      %get3A_221 = arith.constant 16 : i32
      %get3A_222 = arith.index_cast %get3A_221 : i32 to index
      %get3A_223 = arith.constant 16 : index
      %get3A_224 = tpu.vector_load %arg6[%get3A_222, %get3A_223] {strides = array<i32>} : memref<104x32xf32, #tpu.memory_space<vmem>>, vector<16xf32>,
      %add3A_225 = arith.addf %add3A_215, %get3A_224 : vector<16xf32>
      %get3A_226 = arith.constant 17 : i32
      %get3A_227 = arith.index_cast %get3A_226 : i32 to index
      %get3A_228 = arith.constant 0 : index
      %get3A_229 = tpu.vector_load %arg6[%get3A_227, %get3A_228] {strides = array<i32>} : memref<104x32xf32, #tpu.memory_space<vmem>>, vector<16xf32>,
      %add3A_230 = arith.addf %add3A_220, %get3A_229 : vector<16xf32>
      %get3A_231 = arith.constant 17 : i32
      %get3A_232 = arith.index_cast %get3A_231 : i32 to index
      %get3A_233 = arith.constant 16 : index
      %get3A_234 = tpu.vector_load %arg6[%get3A_232, %get3A_233] {strides = array<i32>} : memref<104x32xf32, #tpu.memory_space<vmem>>, vector<16xf32>,
      %add3A_235 = arith.addf %add3A_225, %get3A_234 : vector<16xf32>
      %get3A_236 = arith.constant 18 : i32
      %get3A_237 = arith.index_cast %get3A_236 : i32 to index
      %get3A_238 = arith.constant 0 : index
      %get3A_239 = tpu.vector_load %arg6[%get3A_237, %get3A_238] {strides = array<i32>} : memref<104x32xf32, #tpu.memory_space<vmem>>, vector<16xf32>,
      %add3A_240 = arith.addf %add3A_230, %get3A_239 : vector<16xf32>
      %get3A_241 = arith.constant 18 : i32
      %get3A_242 = arith.index_cast %get3A_241 : i32 to index
      %get3A_243 = arith.constant 16 : index
      %get3A_244 = tpu.vector_load %arg6[%get3A_242, %get3A_243] {strides = array<i32>} : memref<104x32xf32, #tpu.memory_space<vmem>>, vector<16xf32>,
      %add3A_245 = arith.addf %add3A_235, %get3A_244 : vector<16xf32>
      %get3A_246 = arith.constant 19 : i32
      %get3A_247 = arith.index_cast %get3A_246 : i32 to index
      %get3A_248 = arith.constant 0 : index
      %get3A_249 = tpu.vector_load %arg6[%get3A_247, %get3A_248] {strides = array<i32>} : memref<104x32xf32, #tpu.memory_space<vmem>>, vector<16xf32>,
      %add3A_250 = arith.addf %add3A_240, %get3A_249 : vector<16xf32>
      %get3A_251 = arith.constant 19 : i32
      %get3A_252 = arith.index_cast %get3A_251 : i32 to index
      %get3A_253 = arith.constant 16 : index
      %get3A_254 = tpu.vector_load %arg6[%get3A_252, %get3A_253] {strides = array<i32>} : memref<104x32xf32, #tpu.memory_space<vmem>>, vector<16xf32>,
      %add3A_255 = arith.addf %add3A_245, %get3A_254 : vector<16xf32>
      %get3A_256 = arith.constant 20 : i32
      %get3A_257 = arith.index_cast %get3A_256 : i32 to index
      %get3A_258 = arith.constant 0 : index
      %get3A_259 = tpu.vector_load %arg6[%get3A_257, %get3A_258] {strides = array<i32>} : memref<104x32xf32, #tpu.memory_space<vmem>>, vector<16xf32>,
      %add3A_260 = arith.addf %add3A_250, %get3A_259 : vector<16xf32>
      %get3A_261 = arith.constant 20 : i32
      %get3A_262 = arith.index_cast %get3A_261 : i32 to index
      %get3A_263 = arith.constant 16 : index
      %get3A_264 = tpu.vector_load %arg6[%get3A_262, %get3A_263] {strides = array<i32>} : memref<104x32xf32, #tpu.memory_space<vmem>>, vector<16xf32>,
      %add3A_265 = arith.addf %add3A_255, %get3A_264 : vector<16xf32>
      %get3A_266 = arith.constant 21 : i32
      %get3A_267 = arith.index_cast %get3A_266 : i32 to index
      %get3A_268 = arith.constant 0 : index
      %get3A_269 = tpu.vector_load %arg6[%get3A_267, %get3A_268] {strides = array<i32>} : memref<104x32xf32, #tpu.memory_space<vmem>>, vector<16xf32>,
      %add3A_270 = arith.addf %add3A_260, %get3A_269 : vector<16xf32>
      %get3A_271 = arith.constant 21 : i32
      %get3A_272 = arith.index_cast %get3A_271 : i32 to index
      %get3A_273 = arith.constant 16 : index
      %get3A_274 = tpu.vector_load %arg6[%get3A_272, %get3A_273] {strides = array<i32>} : memref<104x32xf32, #tpu.memory_space<vmem>>, vector<16xf32>,
      %add3A_275 = arith.addf %add3A_265, %get3A_274 : vector<16xf32>
      %get3A_276 = arith.constant 22 : i32
      %get3A_277 = arith.index_cast %get3A_276 : i32 to index
      %get3A_278 = arith.constant 0 : index
      %get3A_279 = tpu.vector_load %arg6[%get3A_277, %get3A_278] {strides = array<i32>} : memref<104x32xf32, #tpu.memory_space<vmem>>, vector<16xf32>,
      %add3A_280 = arith.addf %add3A_270, %get3A_279 : vector<16xf32>
      %get3A_281 = arith.constant 22 : i32
      %get3A_282 = arith.index_cast %get3A_281 : i32 to index
      %get3A_283 = arith.constant 16 : index
      %get3A_284 = tpu.vector_load %arg6[%get3A_282, %get3A_283] {strides = array<i32>} : memref<104x32xf32, #tpu.memory_space<vmem>>, vector<16xf32>,
      %add3A_285 = arith.addf %add3A_275, %get3A_284 : vector<16xf32>
      %get3A_286 = arith.constant 23 : i32
      %get3A_287 = arith.index_cast %get3A_286 : i32 to index
      %get3A_288 = arith.constant 0 : index
      %get3A_289 = tpu.vector_load %arg6[%get3A_287, %get3A_288] {strides = array<i32>} : memref<104x32xf32, #tpu.memory_space<vmem>>, vector<16xf32>,
      %add3A_290 = arith.addf %add3A_280, %get3A_289 : vector<16xf32>
      %get3A_291 = arith.constant 23 : i32
      %get3A_292 = arith.index_cast %get3A_291 : i32 to index
      %get3A_293 = arith.constant 16 : index
      %get3A_294 = tpu.vector_load %arg6[%get3A_292, %get3A_293] {strides = array<i32>} : memref<104x32xf32, #tpu.memory_space<vmem>>, vector<16xf32>,
      %add3A_295 = arith.addf %add3A_285, %get3A_294 : vector<16xf32>
      %get3A_296 = arith.constant 24 : i32
      %get3A_297 = arith.index_cast %get3A_296 : i32 to index
      %get3A_298 = arith.constant 0 : index
      %get3A_299 = tpu.vector_load %arg6[%get3A_297, %get3A_298] {strides = array<i32>} : memref<104x32xf32, #tpu.memory_space<vmem>>, vector<16xf32>,
      %add3A_300 = arith.addf %add3A_290, %get3A_299 : vector<16xf32>
      %get3A_301 = arith.constant 24 : i32
      %get3A_302 = arith.index_cast %get3A_301 : i32 to index
      %get3A_303 = arith.constant 16 : index
      %get3A_304 = tpu.vector_load %arg6[%get3A_302, %get3A_303] {strides = array<i32>} : memref<104x32xf32, #tpu.memory_space<vmem>>, vector<16xf32>,
      %add3A_305 = arith.addf %add3A_295, %get3A_304 : vector<16xf32>
      %get3A_306 = arith.constant 25 : i32
      %get3A_307 = arith.index_cast %get3A_306 : i32 to index
      %get3A_308 = arith.constant 0 : index
      %get3A_309 = tpu.vector_load %arg6[%get3A_307, %get3A_308] {strides = array<i32>} : memref<104x32xf32, #tpu.memory_space<vmem>>, vector<16xf32>,
      %add3A_310 = arith.addf %add3A_300, %get3A_309 : vector<16xf32>
      %get3A_311 = arith.constant 25 : i32
      %get3A_312 = arith.index_cast %get3A_311 : i32 to index
      %get3A_313 = arith.constant 16 : index
      %get3A_314 = tpu.vector_load %arg6[%get3A_312, %get3A_313] {strides = array<i32>} : memref<104x32xf32, #tpu.memory_space<vmem>>, vector<16xf32>,
      %add3A_315 = arith.addf %add3A_305, %get3A_314 : vector<16xf32>
      %broadcast_in_dim3A = arith.constant 0 : i32
      %broadcast_in_dim3A_316 = vector.broadcast %broadcast_in_dim3A : i32 to vector<16xi32>
      %add3A_317 = arith.constant 0 : i32
      %add3A_318 = arith.addi %add3A_317, %add3A_48 : i32
      %add3A_319 = vector.broadcast %add3A_318 : i32 to vector<16xi32>
      %add3A_320 = arith.addi %broadcast_in_dim3A_316, %add3A_319 : vector<16xi32>
      %mul3A_321 = arith.constant 0.0384615399 : f32
      %mul3A_322 = vector.broadcast %mul3A_321 : f32 to vector<16xf32>
      %mul3A_323 = arith.mulf %add3A_310, %mul3A_322 : vector<16xf32>
      tpu.vector_store_idx %arg10[%iota3A, %add3A_320], %mul3A_323 : memref<32x512xf32, #tpu.memory_space<vmem>>[vector<16xi32>, vector<16xi32>], vector<16xf32>,
      %add3A_324 = arith.constant 16 : i32
      %add3A_325 = vector.broadcast %add3A_324 : i32 to vector<16xi32>
      %add3A_326 = arith.addi %iota3A, %add3A_325 : vector<16xi32>
      %mul3A_327 = arith.constant 0.0384615399 : f32
      %mul3A_328 = vector.broadcast %mul3A_327 : f32 to vector<16xf32>
      %mul3A_329 = arith.mulf %add3A_315, %mul3A_328 : vector<16xf32>
      tpu.vector_store_idx %arg10[%add3A_326, %add3A_320], %mul3A_329 : memref<32x512xf32, #tpu.memory_space<vmem>>[vector<16xi32>, vector<16xi32>], vector<16xf32>,
      %get3A_330 = arith.constant 26 : i32
      %get3A_331 = arith.index_cast %get3A_330 : i32 to index
      %get3A_332 = arith.constant 0 : index
      %get3A_333 = tpu.vector_load %arg6[%get3A_331, %get3A_332] {strides = array<i32>} : memref<104x32xf32, #tpu.memory_space<vmem>>, vector<16xf32>,
      %get3A_334 = arith.constant 26 : i32
      %get3A_335 = arith.index_cast %get3A_334 : i32 to index
      %get3A_336 = arith.constant 16 : index
      %get3A_337 = tpu.vector_load %arg6[%get3A_335, %get3A_336] {strides = array<i32>} : memref<104x32xf32, #tpu.memory_space<vmem>>, vector<16xf32>,
      %get3A_338 = arith.constant 27 : i32
      %get3A_339 = arith.index_cast %get3A_338 : i32 to index
      %get3A_340 = arith.constant 0 : index
      %get3A_341 = tpu.vector_load %arg6[%get3A_339, %get3A_340] {strides = array<i32>} : memref<104x32xf32, #tpu.memory_space<vmem>>, vector<16xf32>,
      %add3A_342 = arith.addf %get3A_333, %get3A_341 : vector<16xf32>
      %get3A_343 = arith.constant 27 : i32
      %get3A_344 = arith.index_cast %get3A_343 : i32 to index
      %get3A_345 = arith.constant 16 : index
      %get3A_346 = tpu.vector_load %arg6[%get3A_344, %get3A_345] {strides = array<i32>} : memref<104x32xf32, #tpu.memory_space<vmem>>, vector<16xf32>,
      %add3A_347 = arith.addf %get3A_337, %get3A_346 : vector<16xf32>
      %get3A_348 = arith.constant 28 : i32
      %get3A_349 = arith.index_cast %get3A_348 : i32 to index
      %get3A_350 = arith.constant 0 : index
      %get3A_351 = tpu.vector_load %arg6[%get3A_349, %get3A_350] {strides = array<i32>} : memref<104x32xf32, #tpu.memory_space<vmem>>, vector<16xf32>,
      %add3A_352 = arith.addf %add3A_342, %get3A_351 : vector<16xf32>
      %get3A_353 = arith.constant 28 : i32
      %get3A_354 = arith.index_cast %get3A_353 : i32 to index
      %get3A_355 = arith.constant 16 : index
      %get3A_356 = tpu.vector_load %arg6[%get3A_354, %get3A_355] {strides = array<i32>} : memref<104x32xf32, #tpu.memory_space<vmem>>, vector<16xf32>,
      %add3A_357 = arith.addf %add3A_347, %get3A_356 : vector<16xf32>
      %get3A_358 = arith.constant 29 : i32
      %get3A_359 = arith.index_cast %get3A_358 : i32 to index
      %get3A_360 = arith.constant 0 : index
      %get3A_361 = tpu.vector_load %arg6[%get3A_359, %get3A_360] {strides = array<i32>} : memref<104x32xf32, #tpu.memory_space<vmem>>, vector<16xf32>,
      %add3A_362 = arith.addf %add3A_352, %get3A_361 : vector<16xf32>
      %get3A_363 = arith.constant 29 : i32
      %get3A_364 = arith.index_cast %get3A_363 : i32 to index
      %get3A_365 = arith.constant 16 : index
      %get3A_366 = tpu.vector_load %arg6[%get3A_364, %get3A_365] {strides = array<i32>} : memref<104x32xf32, #tpu.memory_space<vmem>>, vector<16xf32>,
      %add3A_367 = arith.addf %add3A_357, %get3A_366 : vector<16xf32>
      %get3A_368 = arith.constant 30 : i32
      %get3A_369 = arith.index_cast %get3A_368 : i32 to index
      %get3A_370 = arith.constant 0 : index
      %get3A_371 = tpu.vector_load %arg6[%get3A_369, %get3A_370] {strides = array<i32>} : memref<104x32xf32, #tpu.memory_space<vmem>>, vector<16xf32>,
      %add3A_372 = arith.addf %add3A_362, %get3A_371 : vector<16xf32>
      %get3A_373 = arith.constant 30 : i32
      %get3A_374 = arith.index_cast %get3A_373 : i32 to index
      %get3A_375 = arith.constant 16 : index
      %get3A_376 = tpu.vector_load %arg6[%get3A_374, %get3A_375] {strides = array<i32>} : memref<104x32xf32, #tpu.memory_space<vmem>>, vector<16xf32>,
      %add3A_377 = arith.addf %add3A_367, %get3A_376 : vector<16xf32>
      %get3A_378 = arith.constant 31 : i32
      %get3A_379 = arith.index_cast %get3A_378 : i32 to index
      %get3A_380 = arith.constant 0 : index
      %get3A_381 = tpu.vector_load %arg6[%get3A_379, %get3A_380] {strides = array<i32>} : memref<104x32xf32, #tpu.memory_space<vmem>>, vector<16xf32>,
      %add3A_382 = arith.addf %add3A_372, %get3A_381 : vector<16xf32>
      %get3A_383 = arith.constant 31 : i32
      %get3A_384 = arith.index_cast %get3A_383 : i32 to index
      %get3A_385 = arith.constant 16 : index
      %get3A_386 = tpu.vector_load %arg6[%get3A_384, %get3A_385] {strides = array<i32>} : memref<104x32xf32, #tpu.memory_space<vmem>>, vector<16xf32>,
      %add3A_387 = arith.addf %add3A_377, %get3A_386 : vector<16xf32>
      %get3A_388 = arith.constant 32 : i32
      %get3A_389 = arith.index_cast %get3A_388 : i32 to index
      %get3A_390 = arith.constant 0 : index
      %get3A_391 = tpu.vector_load %arg6[%get3A_389, %get3A_390] {strides = array<i32>} : memref<104x32xf32, #tpu.memory_space<vmem>>, vector<16xf32>,
      %add3A_392 = arith.addf %add3A_382, %get3A_391 : vector<16xf32>
      %get3A_393 = arith.constant 32 : i32
      %get3A_394 = arith.index_cast %get3A_393 : i32 to index
      %get3A_395 = arith.constant 16 : index
      %get3A_396 = tpu.vector_load %arg6[%get3A_394, %get3A_395] {strides = array<i32>} : memref<104x32xf32, #tpu.memory_space<vmem>>, vector<16xf32>,
      %add3A_397 = arith.addf %add3A_387, %get3A_396 : vector<16xf32>
      %get3A_398 = arith.constant 33 : i32
      %get3A_399 = arith.index_cast %get3A_398 : i32 to index
      %get3A_400 = arith.constant 0 : index
      %get3A_401 = tpu.vector_load %arg6[%get3A_399, %get3A_400] {strides = array<i32>} : memref<104x32xf32, #tpu.memory_space<vmem>>, vector<16xf32>,
      %add3A_402 = arith.addf %add3A_392, %get3A_401 : vector<16xf32>
      %get3A_403 = arith.constant 33 : i32
      %get3A_404 = arith.index_cast %get3A_403 : i32 to index
      %get3A_405 = arith.constant 16 : index
      %get3A_406 = tpu.vector_load %arg6[%get3A_404, %get3A_405] {strides = array<i32>} : memref<104x32xf32, #tpu.memory_space<vmem>>, vector<16xf32>,
      %add3A_407 = arith.addf %add3A_397, %get3A_406 : vector<16xf32>
      %get3A_408 = arith.constant 34 : i32
      %get3A_409 = arith.index_cast %get3A_408 : i32 to index
      %get3A_410 = arith.constant 0 : index
      %get3A_411 = tpu.vector_load %arg6[%get3A_409, %get3A_410] {strides = array<i32>} : memref<104x32xf32, #tpu.memory_space<vmem>>, vector<16xf32>,
      %add3A_412 = arith.addf %add3A_402, %get3A_411 : vector<16xf32>
      %get3A_413 = arith.constant 34 : i32
      %get3A_414 = arith.index_cast %get3A_413 : i32 to index
      %get3A_415 = arith.constant 16 : index
      %get3A_416 = tpu.vector_load %arg6[%get3A_414, %get3A_415] {strides = array<i32>} : memref<104x32xf32, #tpu.memory_space<vmem>>, vector<16xf32>,
      %add3A_417 = arith.addf %add3A_407, %get3A_416 : vector<16xf32>
      %get3A_418 = arith.constant 35 : i32
      %get3A_419 = arith.index_cast %get3A_418 : i32 to index
      %get3A_420 = arith.constant 0 : index
      %get3A_421 = tpu.vector_load %arg6[%get3A_419, %get3A_420] {strides = array<i32>} : memref<104x32xf32, #tpu.memory_space<vmem>>, vector<16xf32>,
      %add3A_422 = arith.addf %add3A_412, %get3A_421 : vector<16xf32>
      %get3A_423 = arith.constant 35 : i32
      %get3A_424 = arith.index_cast %get3A_423 : i32 to index
      %get3A_425 = arith.constant 16 : index
      %get3A_426 = tpu.vector_load %arg6[%get3A_424, %get3A_425] {strides = array<i32>} : memref<104x32xf32, #tpu.memory_space<vmem>>, vector<16xf32>,
      %add3A_427 = arith.addf %add3A_417, %get3A_426 : vector<16xf32>
      %get3A_428 = arith.constant 36 : i32
      %get3A_429 = arith.index_cast %get3A_428 : i32 to index
      %get3A_430 = arith.constant 0 : index
      %get3A_431 = tpu.vector_load %arg6[%get3A_429, %get3A_430] {strides = array<i32>} : memref<104x32xf32, #tpu.memory_space<vmem>>, vector<16xf32>,
      %add3A_432 = arith.addf %add3A_422, %get3A_431 : vector<16xf32>
      %get3A_433 = arith.constant 36 : i32
      %get3A_434 = arith.index_cast %get3A_433 : i32 to index
      %get3A_435 = arith.constant 16 : index
      %get3A_436 = tpu.vector_load %arg6[%get3A_434, %get3A_435] {strides = array<i32>} : memref<104x32xf32, #tpu.memory_space<vmem>>, vector<16xf32>,
      %add3A_437 = arith.addf %add3A_427, %get3A_436 : vector<16xf32>
      %get3A_438 = arith.constant 37 : i32
      %get3A_439 = arith.index_cast %get3A_438 : i32 to index
      %get3A_440 = arith.constant 0 : index
      %get3A_441 = tpu.vector_load %arg6[%get3A_439, %get3A_440] {strides = array<i32>} : memref<104x32xf32, #tpu.memory_space<vmem>>, vector<16xf32>,
      %add3A_442 = arith.addf %add3A_432, %get3A_441 : vector<16xf32>
      %get3A_443 = arith.constant 37 : i32
      %get3A_444 = arith.index_cast %get3A_443 : i32 to index
      %get3A_445 = arith.constant 16 : index
      %get3A_446 = tpu.vector_load %arg6[%get3A_444, %get3A_445] {strides = array<i32>} : memref<104x32xf32, #tpu.memory_space<vmem>>, vector<16xf32>,
      %add3A_447 = arith.addf %add3A_437, %get3A_446 : vector<16xf32>
      %get3A_448 = arith.constant 38 : i32
      %get3A_449 = arith.index_cast %get3A_448 : i32 to index
      %get3A_450 = arith.constant 0 : index
      %get3A_451 = tpu.vector_load %arg6[%get3A_449, %get3A_450] {strides = array<i32>} : memref<104x32xf32, #tpu.memory_space<vmem>>, vector<16xf32>,
      %add3A_452 = arith.addf %add3A_442, %get3A_451 : vector<16xf32>
      %get3A_453 = arith.constant 38 : i32
      %get3A_454 = arith.index_cast %get3A_453 : i32 to index
      %get3A_455 = arith.constant 16 : index
      %get3A_456 = tpu.vector_load %arg6[%get3A_454, %get3A_455] {strides = array<i32>} : memref<104x32xf32, #tpu.memory_space<vmem>>, vector<16xf32>,
      %add3A_457 = arith.addf %add3A_447, %get3A_456 : vector<16xf32>
      %get3A_458 = arith.constant 39 : i32
      %get3A_459 = arith.index_cast %get3A_458 : i32 to index
      %get3A_460 = arith.constant 0 : index
      %get3A_461 = tpu.vector_load %arg6[%get3A_459, %get3A_460] {strides = array<i32>} : memref<104x32xf32, #tpu.memory_space<vmem>>, vector<16xf32>,
      %add3A_462 = arith.addf %add3A_452, %get3A_461 : vector<16xf32>
      %get3A_463 = arith.constant 39 : i32
      %get3A_464 = arith.index_cast %get3A_463 : i32 to index
      %get3A_465 = arith.constant 16 : index
      %get3A_466 = tpu.vector_load %arg6[%get3A_464, %get3A_465] {strides = array<i32>} : memref<104x32xf32, #tpu.memory_space<vmem>>, vector<16xf32>,
      %add3A_467 = arith.addf %add3A_457, %get3A_466 : vector<16xf32>
      %get3A_468 = arith.constant 40 : i32
      %get3A_469 = arith.index_cast %get3A_468 : i32 to index
      %get3A_470 = arith.constant 0 : index
      %get3A_471 = tpu.vector_load %arg6[%get3A_469, %get3A_470] {strides = array<i32>} : memref<104x32xf32, #tpu.memory_space<vmem>>, vector<16xf32>,
      %add3A_472 = arith.addf %add3A_462, %get3A_471 : vector<16xf32>
      %get3A_473 = arith.constant 40 : i32
      %get3A_474 = arith.index_cast %get3A_473 : i32 to index
      %get3A_475 = arith.constant 16 : index
      %get3A_476 = tpu.vector_load %arg6[%get3A_474, %get3A_475] {strides = array<i32>} : memref<104x32xf32, #tpu.memory_space<vmem>>, vector<16xf32>,
      %add3A_477 = arith.addf %add3A_467, %get3A_476 : vector<16xf32>
      %get3A_478 = arith.constant 41 : i32
      %get3A_479 = arith.index_cast %get3A_478 : i32 to index
      %get3A_480 = arith.constant 0 : index
      %get3A_481 = tpu.vector_load %arg6[%get3A_479, %get3A_480] {strides = array<i32>} : memref<104x32xf32, #tpu.memory_space<vmem>>, vector<16xf32>,
      %add3A_482 = arith.addf %add3A_472, %get3A_481 : vector<16xf32>
      %get3A_483 = arith.constant 41 : i32
      %get3A_484 = arith.index_cast %get3A_483 : i32 to index
      %get3A_485 = arith.constant 16 : index
      %get3A_486 = tpu.vector_load %arg6[%get3A_484, %get3A_485] {strides = array<i32>} : memref<104x32xf32, #tpu.memory_space<vmem>>, vector<16xf32>,
      %add3A_487 = arith.addf %add3A_477, %get3A_486 : vector<16xf32>
      %get3A_488 = arith.constant 42 : i32
      %get3A_489 = arith.index_cast %get3A_488 : i32 to index
      %get3A_490 = arith.constant 0 : index
      %get3A_491 = tpu.vector_load %arg6[%get3A_489, %get3A_490] {strides = array<i32>} : memref<104x32xf32, #tpu.memory_space<vmem>>, vector<16xf32>,
      %add3A_492 = arith.addf %add3A_482, %get3A_491 : vector<16xf32>
      %get3A_493 = arith.constant 42 : i32
      %get3A_494 = arith.index_cast %get3A_493 : i32 to index
      %get3A_495 = arith.constant 16 : index
      %get3A_496 = tpu.vector_load %arg6[%get3A_494, %get3A_495] {strides = array<i32>} : memref<104x32xf32, #tpu.memory_space<vmem>>, vector<16xf32>,
      %add3A_497 = arith.addf %add3A_487, %get3A_496 : vector<16xf32>
      %get3A_498 = arith.constant 43 : i32
      %get3A_499 = arith.index_cast %get3A_498 : i32 to index
      %get3A_500 = arith.constant 0 : index
      %get3A_501 = tpu.vector_load %arg6[%get3A_499, %get3A_500] {strides = array<i32>} : memref<104x32xf32, #tpu.memory_space<vmem>>, vector<16xf32>,
      %add3A_502 = arith.addf %add3A_492, %get3A_501 : vector<16xf32>
      %get3A_503 = arith.constant 43 : i32
      %get3A_504 = arith.index_cast %get3A_503 : i32 to index
      %get3A_505 = arith.constant 16 : index
      %get3A_506 = tpu.vector_load %arg6[%get3A_504, %get3A_505] {strides = array<i32>} : memref<104x32xf32, #tpu.memory_space<vmem>>, vector<16xf32>,
      %add3A_507 = arith.addf %add3A_497, %get3A_506 : vector<16xf32>
      %get3A_508 = arith.constant 44 : i32
      %get3A_509 = arith.index_cast %get3A_508 : i32 to index
      %get3A_510 = arith.constant 0 : index
      %get3A_511 = tpu.vector_load %arg6[%get3A_509, %get3A_510] {strides = array<i32>} : memref<104x32xf32, #tpu.memory_space<vmem>>, vector<16xf32>,
      %add3A_512 = arith.addf %add3A_502, %get3A_511 : vector<16xf32>
      %get3A_513 = arith.constant 44 : i32
      %get3A_514 = arith.index_cast %get3A_513 : i32 to index
      %get3A_515 = arith.constant 16 : index
      %get3A_516 = tpu.vector_load %arg6[%get3A_514, %get3A_515] {strides = array<i32>} : memref<104x32xf32, #tpu.memory_space<vmem>>, vector<16xf32>,
      %add3A_517 = arith.addf %add3A_507, %get3A_516 : vector<16xf32>
      %get3A_518 = arith.constant 45 : i32
      %get3A_519 = arith.index_cast %get3A_518 : i32 to index
      %get3A_520 = arith.constant 0 : index
      %get3A_521 = tpu.vector_load %arg6[%get3A_519, %get3A_520] {strides = array<i32>} : memref<104x32xf32, #tpu.memory_space<vmem>>, vector<16xf32>,
      %add3A_522 = arith.addf %add3A_512, %get3A_521 : vector<16xf32>
      %get3A_523 = arith.constant 45 : i32
      %get3A_524 = arith.index_cast %get3A_523 : i32 to index
      %get3A_525 = arith.constant 16 : index
      %get3A_526 = tpu.vector_load %arg6[%get3A_524, %get3A_525] {strides = array<i32>} : memref<104x32xf32, #tpu.memory_space<vmem>>, vector<16xf32>,
      %add3A_527 = arith.addf %add3A_517, %get3A_526 : vector<16xf32>
      %get3A_528 = arith.constant 46 : i32
      %get3A_529 = arith.index_cast %get3A_528 : i32 to index
      %get3A_530 = arith.constant 0 : index
      %get3A_531 = tpu.vector_load %arg6[%get3A_529, %get3A_530] {strides = array<i32>} : memref<104x32xf32, #tpu.memory_space<vmem>>, vector<16xf32>,
      %add3A_532 = arith.addf %add3A_522, %get3A_531 : vector<16xf32>
      %get3A_533 = arith.constant 46 : i32
      %get3A_534 = arith.index_cast %get3A_533 : i32 to index
      %get3A_535 = arith.constant 16 : index
      %get3A_536 = tpu.vector_load %arg6[%get3A_534, %get3A_535] {strides = array<i32>} : memref<104x32xf32, #tpu.memory_space<vmem>>, vector<16xf32>,
      %add3A_537 = arith.addf %add3A_527, %get3A_536 : vector<16xf32>
      %get3A_538 = arith.constant 47 : i32
      %get3A_539 = arith.index_cast %get3A_538 : i32 to index
      %get3A_540 = arith.constant 0 : index
      %get3A_541 = tpu.vector_load %arg6[%get3A_539, %get3A_540] {strides = array<i32>} : memref<104x32xf32, #tpu.memory_space<vmem>>, vector<16xf32>,
      %add3A_542 = arith.addf %add3A_532, %get3A_541 : vector<16xf32>
      %get3A_543 = arith.constant 47 : i32
      %get3A_544 = arith.index_cast %get3A_543 : i32 to index
      %get3A_545 = arith.constant 16 : index
      %get3A_546 = tpu.vector_load %arg6[%get3A_544, %get3A_545] {strides = array<i32>} : memref<104x32xf32, #tpu.memory_space<vmem>>, vector<16xf32>,
      %add3A_547 = arith.addf %add3A_537, %get3A_546 : vector<16xf32>
      %get3A_548 = arith.constant 48 : i32
      %get3A_549 = arith.index_cast %get3A_548 : i32 to index
      %get3A_550 = arith.constant 0 : index
      %get3A_551 = tpu.vector_load %arg6[%get3A_549, %get3A_550] {strides = array<i32>} : memref<104x32xf32, #tpu.memory_space<vmem>>, vector<16xf32>,
      %add3A_552 = arith.addf %add3A_542, %get3A_551 : vector<16xf32>
      %get3A_553 = arith.constant 48 : i32
      %get3A_554 = arith.index_cast %get3A_553 : i32 to index
      %get3A_555 = arith.constant 16 : index
      %get3A_556 = tpu.vector_load %arg6[%get3A_554, %get3A_555] {strides = array<i32>} : memref<104x32xf32, #tpu.memory_space<vmem>>, vector<16xf32>,
      %add3A_557 = arith.addf %add3A_547, %get3A_556 : vector<16xf32>
      %get3A_558 = arith.constant 49 : i32
      %get3A_559 = arith.index_cast %get3A_558 : i32 to index
      %get3A_560 = arith.constant 0 : index
      %get3A_561 = tpu.vector_load %arg6[%get3A_559, %get3A_560] {strides = array<i32>} : memref<104x32xf32, #tpu.memory_space<vmem>>, vector<16xf32>,
      %add3A_562 = arith.addf %add3A_552, %get3A_561 : vector<16xf32>
      %get3A_563 = arith.constant 49 : i32
      %get3A_564 = arith.index_cast %get3A_563 : i32 to index
      %get3A_565 = arith.constant 16 : index
      %get3A_566 = tpu.vector_load %arg6[%get3A_564, %get3A_565] {strides = array<i32>} : memref<104x32xf32, #tpu.memory_space<vmem>>, vector<16xf32>,
      %add3A_567 = arith.addf %add3A_557, %get3A_566 : vector<16xf32>
      %get3A_568 = arith.constant 50 : i32
      %get3A_569 = arith.index_cast %get3A_568 : i32 to index
      %get3A_570 = arith.constant 0 : index
      %get3A_571 = tpu.vector_load %arg6[%get3A_569, %get3A_570] {strides = array<i32>} : memref<104x32xf32, #tpu.memory_space<vmem>>, vector<16xf32>,
      %add3A_572 = arith.addf %add3A_562, %get3A_571 : vector<16xf32>
      %get3A_573 = arith.constant 50 : i32
      %get3A_574 = arith.index_cast %get3A_573 : i32 to index
      %get3A_575 = arith.constant 16 : index
      %get3A_576 = tpu.vector_load %arg6[%get3A_574, %get3A_575] {strides = array<i32>} : memref<104x32xf32, #tpu.memory_space<vmem>>, vector<16xf32>,
      %add3A_577 = arith.addf %add3A_567, %get3A_576 : vector<16xf32>
      %get3A_578 = arith.constant 51 : i32
      %get3A_579 = arith.index_cast %get3A_578 : i32 to index
      %get3A_580 = arith.constant 0 : index
      %get3A_581 = tpu.vector_load %arg6[%get3A_579, %get3A_580] {strides = array<i32>} : memref<104x32xf32, #tpu.memory_space<vmem>>, vector<16xf32>,
      %add3A_582 = arith.addf %add3A_572, %get3A_581 : vector<16xf32>
      %get3A_583 = arith.constant 51 : i32
      %get3A_584 = arith.index_cast %get3A_583 : i32 to index
      %get3A_585 = arith.constant 16 : index
      %get3A_586 = tpu.vector_load %arg6[%get3A_584, %get3A_585] {strides = array<i32>} : memref<104x32xf32, #tpu.memory_space<vmem>>, vector<16xf32>,
      %add3A_587 = arith.addf %add3A_577, %get3A_586 : vector<16xf32>
      %broadcast_in_dim3A_588 = arith.constant 0 : i32
      %broadcast_in_dim3A_589 = vector.broadcast %broadcast_in_dim3A_588 : i32 to vector<16xi32>
      %add3A_590 = arith.constant 128 : i32
      %add3A_591 = arith.addi %add3A_590, %add3A_48 : i32
      %add3A_592 = vector.broadcast %add3A_591 : i32 to vector<16xi32>
      %add3A_593 = arith.addi %broadcast_in_dim3A_589, %add3A_592 : vector<16xi32>
      %mul3A_594 = arith.constant 0.0384615399 : f32
      %mul3A_595 = vector.broadcast %mul3A_594 : f32 to vector<16xf32>
      %mul3A_596 = arith.mulf %add3A_582, %mul3A_595 : vector<16xf32>
      tpu.vector_store_idx %arg10[%iota3A, %add3A_593], %mul3A_596 : memref<32x512xf32, #tpu.memory_space<vmem>>[vector<16xi32>, vector<16xi32>], vector<16xf32>,
      %add3A_597 = arith.constant 16 : i32
      %add3A_598 = vector.broadcast %add3A_597 : i32 to vector<16xi32>
      %add3A_599 = arith.addi %iota3A, %add3A_598 : vector<16xi32>
      %mul3A_600 = arith.constant 0.0384615399 : f32
      %mul3A_601 = vector.broadcast %mul3A_600 : f32 to vector<16xf32>
      %mul3A_602 = arith.mulf %add3A_587, %mul3A_601 : vector<16xf32>
      tpu.vector_store_idx %arg10[%add3A_599, %add3A_593], %mul3A_602 : memref<32x512xf32, #tpu.memory_space<vmem>>[vector<16xi32>, vector<16xi32>], vector<16xf32>,
      %get3A_603 = arith.constant 52 : i32
      %get3A_604 = arith.index_cast %get3A_603 : i32 to index
      %get3A_605 = arith.constant 0 : index
      %get3A_606 = tpu.vector_load %arg6[%get3A_604, %get3A_605] {strides = array<i32>} : memref<104x32xf32, #tpu.memory_space<vmem>>, vector<16xf32>,
      %get3A_607 = arith.constant 52 : i32
      %get3A_608 = arith.index_cast %get3A_607 : i32 to index
      %get3A_609 = arith.constant 16 : index
      %get3A_610 = tpu.vector_load %arg6[%get3A_608, %get3A_609] {strides = array<i32>} : memref<104x32xf32, #tpu.memory_space<vmem>>, vector<16xf32>,
      %get3A_611 = arith.constant 53 : i32
      %get3A_612 = arith.index_cast %get3A_611 : i32 to index
      %get3A_613 = arith.constant 0 : index
      %get3A_614 = tpu.vector_load %arg6[%get3A_612, %get3A_613] {strides = array<i32>} : memref<104x32xf32, #tpu.memory_space<vmem>>, vector<16xf32>,
      %add3A_615 = arith.addf %get3A_606, %get3A_614 : vector<16xf32>
      %get3A_616 = arith.constant 53 : i32
      %get3A_617 = arith.index_cast %get3A_616 : i32 to index
      %get3A_618 = arith.constant 16 : index
      %get3A_619 = tpu.vector_load %arg6[%get3A_617, %get3A_618] {strides = array<i32>} : memref<104x32xf32, #tpu.memory_space<vmem>>, vector<16xf32>,
      %add3A_620 = arith.addf %get3A_610, %get3A_619 : vector<16xf32>
      %get3A_621 = arith.constant 54 : i32
      %get3A_622 = arith.index_cast %get3A_621 : i32 to index
      %get3A_623 = arith.constant 0 : index
      %get3A_624 = tpu.vector_load %arg6[%get3A_622, %get3A_623] {strides = array<i32>} : memref<104x32xf32, #tpu.memory_space<vmem>>, vector<16xf32>,
      %add3A_625 = arith.addf %add3A_615, %get3A_624 : vector<16xf32>
      %get3A_626 = arith.constant 54 : i32
      %get3A_627 = arith.index_cast %get3A_626 : i32 to index
      %get3A_628 = arith.constant 16 : index
      %get3A_629 = tpu.vector_load %arg6[%get3A_627, %get3A_628] {strides = array<i32>} : memref<104x32xf32, #tpu.memory_space<vmem>>, vector<16xf32>,
      %add3A_630 = arith.addf %add3A_620, %get3A_629 : vector<16xf32>
      %get3A_631 = arith.constant 55 : i32
      %get3A_632 = arith.index_cast %get3A_631 : i32 to index
      %get3A_633 = arith.constant 0 : index
      %get3A_634 = tpu.vector_load %arg6[%get3A_632, %get3A_633] {strides = array<i32>} : memref<104x32xf32, #tpu.memory_space<vmem>>, vector<16xf32>,
      %add3A_635 = arith.addf %add3A_625, %get3A_634 : vector<16xf32>
      %get3A_636 = arith.constant 55 : i32
      %get3A_637 = arith.index_cast %get3A_636 : i32 to index
      %get3A_638 = arith.constant 16 : index
      %get3A_639 = tpu.vector_load %arg6[%get3A_637, %get3A_638] {strides = array<i32>} : memref<104x32xf32, #tpu.memory_space<vmem>>, vector<16xf32>,
      %add3A_640 = arith.addf %add3A_630, %get3A_639 : vector<16xf32>
      %get3A_641 = arith.constant 56 : i32
      %get3A_642 = arith.index_cast %get3A_641 : i32 to index
      %get3A_643 = arith.constant 0 : index
      %get3A_644 = tpu.vector_load %arg6[%get3A_642, %get3A_643] {strides = array<i32>} : memref<104x32xf32, #tpu.memory_space<vmem>>, vector<16xf32>,
      %add3A_645 = arith.addf %add3A_635, %get3A_644 : vector<16xf32>
      %get3A_646 = arith.constant 56 : i32
      %get3A_647 = arith.index_cast %get3A_646 : i32 to index
      %get3A_648 = arith.constant 16 : index
      %get3A_649 = tpu.vector_load %arg6[%get3A_647, %get3A_648] {strides = array<i32>} : memref<104x32xf32, #tpu.memory_space<vmem>>, vector<16xf32>,
      %add3A_650 = arith.addf %add3A_640, %get3A_649 : vector<16xf32>
      %get3A_651 = arith.constant 57 : i32
      %get3A_652 = arith.index_cast %get3A_651 : i32 to index
      %get3A_653 = arith.constant 0 : index
      %get3A_654 = tpu.vector_load %arg6[%get3A_652, %get3A_653] {strides = array<i32>} : memref<104x32xf32, #tpu.memory_space<vmem>>, vector<16xf32>,
      %add3A_655 = arith.addf %add3A_645, %get3A_654 : vector<16xf32>
      %get3A_656 = arith.constant 57 : i32
      %get3A_657 = arith.index_cast %get3A_656 : i32 to index
      %get3A_658 = arith.constant 16 : index
      %get3A_659 = tpu.vector_load %arg6[%get3A_657, %get3A_658] {strides = array<i32>} : memref<104x32xf32, #tpu.memory_space<vmem>>, vector<16xf32>,
      %add3A_660 = arith.addf %add3A_650, %get3A_659 : vector<16xf32>
      %get3A_661 = arith.constant 58 : i32
      %get3A_662 = arith.index_cast %get3A_661 : i32 to index
      %get3A_663 = arith.constant 0 : index
      %get3A_664 = tpu.vector_load %arg6[%get3A_662, %get3A_663] {strides = array<i32>} : memref<104x32xf32, #tpu.memory_space<vmem>>, vector<16xf32>,
      %add3A_665 = arith.addf %add3A_655, %get3A_664 : vector<16xf32>
      %get3A_666 = arith.constant 58 : i32
      %get3A_667 = arith.index_cast %get3A_666 : i32 to index
      %get3A_668 = arith.constant 16 : index
      %get3A_669 = tpu.vector_load %arg6[%get3A_667, %get3A_668] {strides = array<i32>} : memref<104x32xf32, #tpu.memory_space<vmem>>, vector<16xf32>,
      %add3A_670 = arith.addf %add3A_660, %get3A_669 : vector<16xf32>
      %get3A_671 = arith.constant 59 : i32
      %get3A_672 = arith.index_cast %get3A_671 : i32 to index
      %get3A_673 = arith.constant 0 : index
      %get3A_674 = tpu.vector_load %arg6[%get3A_672, %get3A_673] {strides = array<i32>} : memref<104x32xf32, #tpu.memory_space<vmem>>, vector<16xf32>,
      %add3A_675 = arith.addf %add3A_665, %get3A_674 : vector<16xf32>
      %get3A_676 = arith.constant 59 : i32
      %get3A_677 = arith.index_cast %get3A_676 : i32 to index
      %get3A_678 = arith.constant 16 : index
      %get3A_679 = tpu.vector_load %arg6[%get3A_677, %get3A_678] {strides = array<i32>} : memref<104x32xf32, #tpu.memory_space<vmem>>, vector<16xf32>,
      %add3A_680 = arith.addf %add3A_670, %get3A_679 : vector<16xf32>
      %get3A_681 = arith.constant 60 : i32
      %get3A_682 = arith.index_cast %get3A_681 : i32 to index
      %get3A_683 = arith.constant 0 : index
      %get3A_684 = tpu.vector_load %arg6[%get3A_682, %get3A_683] {strides = array<i32>} : memref<104x32xf32, #tpu.memory_space<vmem>>, vector<16xf32>,
      %add3A_685 = arith.addf %add3A_675, %get3A_684 : vector<16xf32>
      %get3A_686 = arith.constant 60 : i32
      %get3A_687 = arith.index_cast %get3A_686 : i32 to index
      %get3A_688 = arith.constant 16 : index
      %get3A_689 = tpu.vector_load %arg6[%get3A_687, %get3A_688] {strides = array<i32>} : memref<104x32xf32, #tpu.memory_space<vmem>>, vector<16xf32>,
      %add3A_690 = arith.addf %add3A_680, %get3A_689 : vector<16xf32>
      %get3A_691 = arith.constant 61 : i32
      %get3A_692 = arith.index_cast %get3A_691 : i32 to index
      %get3A_693 = arith.constant 0 : index
      %get3A_694 = tpu.vector_load %arg6[%get3A_692, %get3A_693] {strides = array<i32>} : memref<104x32xf32, #tpu.memory_space<vmem>>, vector<16xf32>,
      %add3A_695 = arith.addf %add3A_685, %get3A_694 : vector<16xf32>
      %get3A_696 = arith.constant 61 : i32
      %get3A_697 = arith.index_cast %get3A_696 : i32 to index
      %get3A_698 = arith.constant 16 : index
      %get3A_699 = tpu.vector_load %arg6[%get3A_697, %get3A_698] {strides = array<i32>} : memref<104x32xf32, #tpu.memory_space<vmem>>, vector<16xf32>,
      %add3A_700 = arith.addf %add3A_690, %get3A_699 : vector<16xf32>
      %get3A_701 = arith.constant 62 : i32
      %get3A_702 = arith.index_cast %get3A_701 : i32 to index
      %get3A_703 = arith.constant 0 : index
      %get3A_704 = tpu.vector_load %arg6[%get3A_702, %get3A_703] {strides = array<i32>} : memref<104x32xf32, #tpu.memory_space<vmem>>, vector<16xf32>,
      %add3A_705 = arith.addf %add3A_695, %get3A_704 : vector<16xf32>
      %get3A_706 = arith.constant 62 : i32
      %get3A_707 = arith.index_cast %get3A_706 : i32 to index
      %get3A_708 = arith.constant 16 : index
      %get3A_709 = tpu.vector_load %arg6[%get3A_707, %get3A_708] {strides = array<i32>} : memref<104x32xf32, #tpu.memory_space<vmem>>, vector<16xf32>,
      %add3A_710 = arith.addf %add3A_700, %get3A_709 : vector<16xf32>
      %get3A_711 = arith.constant 63 : i32
      %get3A_712 = arith.index_cast %get3A_711 : i32 to index
      %get3A_713 = arith.constant 0 : index
      %get3A_714 = tpu.vector_load %arg6[%get3A_712, %get3A_713] {strides = array<i32>} : memref<104x32xf32, #tpu.memory_space<vmem>>, vector<16xf32>,
      %add3A_715 = arith.addf %add3A_705, %get3A_714 : vector<16xf32>
      %get3A_716 = arith.constant 63 : i32
      %get3A_717 = arith.index_cast %get3A_716 : i32 to index
      %get3A_718 = arith.constant 16 : index
      %get3A_719 = tpu.vector_load %arg6[%get3A_717, %get3A_718] {strides = array<i32>} : memref<104x32xf32, #tpu.memory_space<vmem>>, vector<16xf32>,
      %add3A_720 = arith.addf %add3A_710, %get3A_719 : vector<16xf32>
      %get3A_721 = arith.constant 64 : i32
      %get3A_722 = arith.index_cast %get3A_721 : i32 to index
      %get3A_723 = arith.constant 0 : index
      %get3A_724 = tpu.vector_load %arg6[%get3A_722, %get3A_723] {strides = array<i32>} : memref<104x32xf32, #tpu.memory_space<vmem>>, vector<16xf32>,
      %add3A_725 = arith.addf %add3A_715, %get3A_724 : vector<16xf32>
      %get3A_726 = arith.constant 64 : i32
      %get3A_727 = arith.index_cast %get3A_726 : i32 to index
      %get3A_728 = arith.constant 16 : index
      %get3A_729 = tpu.vector_load %arg6[%get3A_727, %get3A_728] {strides = array<i32>} : memref<104x32xf32, #tpu.memory_space<vmem>>, vector<16xf32>,
      %add3A_730 = arith.addf %add3A_720, %get3A_729 : vector<16xf32>
      %get3A_731 = arith.constant 65 : i32
      %get3A_732 = arith.index_cast %get3A_731 : i32 to index
      %get3A_733 = arith.constant 0 : index
      %get3A_734 = tpu.vector_load %arg6[%get3A_732, %get3A_733] {strides = array<i32>} : memref<104x32xf32, #tpu.memory_space<vmem>>, vector<16xf32>,
      %add3A_735 = arith.addf %add3A_725, %get3A_734 : vector<16xf32>
      %get3A_736 = arith.constant 65 : i32
      %get3A_737 = arith.index_cast %get3A_736 : i32 to index
      %get3A_738 = arith.constant 16 : index
      %get3A_739 = tpu.vector_load %arg6[%get3A_737, %get3A_738] {strides = array<i32>} : memref<104x32xf32, #tpu.memory_space<vmem>>, vector<16xf32>,
      %add3A_740 = arith.addf %add3A_730, %get3A_739 : vector<16xf32>
      %get3A_741 = arith.constant 66 : i32
      %get3A_742 = arith.index_cast %get3A_741 : i32 to index
      %get3A_743 = arith.constant 0 : index
      %get3A_744 = tpu.vector_load %arg6[%get3A_742, %get3A_743] {strides = array<i32>} : memref<104x32xf32, #tpu.memory_space<vmem>>, vector<16xf32>,
      %add3A_745 = arith.addf %add3A_735, %get3A_744 : vector<16xf32>
      %get3A_746 = arith.constant 66 : i32
      %get3A_747 = arith.index_cast %get3A_746 : i32 to index
      %get3A_748 = arith.constant 16 : index
      %get3A_749 = tpu.vector_load %arg6[%get3A_747, %get3A_748] {strides = array<i32>} : memref<104x32xf32, #tpu.memory_space<vmem>>, vector<16xf32>,
      %add3A_750 = arith.addf %add3A_740, %get3A_749 : vector<16xf32>
      %get3A_751 = arith.constant 67 : i32
      %get3A_752 = arith.index_cast %get3A_751 : i32 to index
      %get3A_753 = arith.constant 0 : index
      %get3A_754 = tpu.vector_load %arg6[%get3A_752, %get3A_753] {strides = array<i32>} : memref<104x32xf32, #tpu.memory_space<vmem>>, vector<16xf32>,
      %add3A_755 = arith.addf %add3A_745, %get3A_754 : vector<16xf32>
      %get3A_756 = arith.constant 67 : i32
      %get3A_757 = arith.index_cast %get3A_756 : i32 to index
      %get3A_758 = arith.constant 16 : index
      %get3A_759 = tpu.vector_load %arg6[%get3A_757, %get3A_758] {strides = array<i32>} : memref<104x32xf32, #tpu.memory_space<vmem>>, vector<16xf32>,
      %add3A_760 = arith.addf %add3A_750, %get3A_759 : vector<16xf32>
      %get3A_761 = arith.constant 68 : i32
      %get3A_762 = arith.index_cast %get3A_761 : i32 to index
      %get3A_763 = arith.constant 0 : index
      %get3A_764 = tpu.vector_load %arg6[%get3A_762, %get3A_763] {strides = array<i32>} : memref<104x32xf32, #tpu.memory_space<vmem>>, vector<16xf32>,
      %add3A_765 = arith.addf %add3A_755, %get3A_764 : vector<16xf32>
      %get3A_766 = arith.constant 68 : i32
      %get3A_767 = arith.index_cast %get3A_766 : i32 to index
      %get3A_768 = arith.constant 16 : index
      %get3A_769 = tpu.vector_load %arg6[%get3A_767, %get3A_768] {strides = array<i32>} : memref<104x32xf32, #tpu.memory_space<vmem>>, vector<16xf32>,
      %add3A_770 = arith.addf %add3A_760, %get3A_769 : vector<16xf32>
      %get3A_771 = arith.constant 69 : i32
      %get3A_772 = arith.index_cast %get3A_771 : i32 to index
      %get3A_773 = arith.constant 0 : index
      %get3A_774 = tpu.vector_load %arg6[%get3A_772, %get3A_773] {strides = array<i32>} : memref<104x32xf32, #tpu.memory_space<vmem>>, vector<16xf32>,
      %add3A_775 = arith.addf %add3A_765, %get3A_774 : vector<16xf32>
      %get3A_776 = arith.constant 69 : i32
      %get3A_777 = arith.index_cast %get3A_776 : i32 to index
      %get3A_778 = arith.constant 16 : index
      %get3A_779 = tpu.vector_load %arg6[%get3A_777, %get3A_778] {strides = array<i32>} : memref<104x32xf32, #tpu.memory_space<vmem>>, vector<16xf32>,
      %add3A_780 = arith.addf %add3A_770, %get3A_779 : vector<16xf32>
      %get3A_781 = arith.constant 70 : i32
      %get3A_782 = arith.index_cast %get3A_781 : i32 to index
      %get3A_783 = arith.constant 0 : index
      %get3A_784 = tpu.vector_load %arg6[%get3A_782, %get3A_783] {strides = array<i32>} : memref<104x32xf32, #tpu.memory_space<vmem>>, vector<16xf32>,
      %add3A_785 = arith.addf %add3A_775, %get3A_784 : vector<16xf32>
      %get3A_786 = arith.constant 70 : i32
      %get3A_787 = arith.index_cast %get3A_786 : i32 to index
      %get3A_788 = arith.constant 16 : index
      %get3A_789 = tpu.vector_load %arg6[%get3A_787, %get3A_788] {strides = array<i32>} : memref<104x32xf32, #tpu.memory_space<vmem>>, vector<16xf32>,
      %add3A_790 = arith.addf %add3A_780, %get3A_789 : vector<16xf32>
      %get3A_791 = arith.constant 71 : i32
      %get3A_792 = arith.index_cast %get3A_791 : i32 to index
      %get3A_793 = arith.constant 0 : index
      %get3A_794 = tpu.vector_load %arg6[%get3A_792, %get3A_793] {strides = array<i32>} : memref<104x32xf32, #tpu.memory_space<vmem>>, vector<16xf32>,
      %add3A_795 = arith.addf %add3A_785, %get3A_794 : vector<16xf32>
      %get3A_796 = arith.constant 71 : i32
      %get3A_797 = arith.index_cast %get3A_796 : i32 to index
      %get3A_798 = arith.constant 16 : index
      %get3A_799 = tpu.vector_load %arg6[%get3A_797, %get3A_798] {strides = array<i32>} : memref<104x32xf32, #tpu.memory_space<vmem>>, vector<16xf32>,
      %add3A_800 = arith.addf %add3A_790, %get3A_799 : vector<16xf32>
      %get3A_801 = arith.constant 72 : i32
      %get3A_802 = arith.index_cast %get3A_801 : i32 to index
      %get3A_803 = arith.constant 0 : index
      %get3A_804 = tpu.vector_load %arg6[%get3A_802, %get3A_803] {strides = array<i32>} : memref<104x32xf32, #tpu.memory_space<vmem>>, vector<16xf32>,
      %add3A_805 = arith.addf %add3A_795, %get3A_804 : vector<16xf32>
      %get3A_806 = arith.constant 72 : i32
      %get3A_807 = arith.index_cast %get3A_806 : i32 to index
      %get3A_808 = arith.constant 16 : index
      %get3A_809 = tpu.vector_load %arg6[%get3A_807, %get3A_808] {strides = array<i32>} : memref<104x32xf32, #tpu.memory_space<vmem>>, vector<16xf32>,
      %add3A_810 = arith.addf %add3A_800, %get3A_809 : vector<16xf32>
      %get3A_811 = arith.constant 73 : i32
      %get3A_812 = arith.index_cast %get3A_811 : i32 to index
      %get3A_813 = arith.constant 0 : index
      %get3A_814 = tpu.vector_load %arg6[%get3A_812, %get3A_813] {strides = array<i32>} : memref<104x32xf32, #tpu.memory_space<vmem>>, vector<16xf32>,
      %add3A_815 = arith.addf %add3A_805, %get3A_814 : vector<16xf32>
      %get3A_816 = arith.constant 73 : i32
      %get3A_817 = arith.index_cast %get3A_816 : i32 to index
      %get3A_818 = arith.constant 16 : index
      %get3A_819 = tpu.vector_load %arg6[%get3A_817, %get3A_818] {strides = array<i32>} : memref<104x32xf32, #tpu.memory_space<vmem>>, vector<16xf32>,
      %add3A_820 = arith.addf %add3A_810, %get3A_819 : vector<16xf32>
      %get3A_821 = arith.constant 74 : i32
      %get3A_822 = arith.index_cast %get3A_821 : i32 to index
      %get3A_823 = arith.constant 0 : index
      %get3A_824 = tpu.vector_load %arg6[%get3A_822, %get3A_823] {strides = array<i32>} : memref<104x32xf32, #tpu.memory_space<vmem>>, vector<16xf32>,
      %add3A_825 = arith.addf %add3A_815, %get3A_824 : vector<16xf32>
      %get3A_826 = arith.constant 74 : i32
      %get3A_827 = arith.index_cast %get3A_826 : i32 to index
      %get3A_828 = arith.constant 16 : index
      %get3A_829 = tpu.vector_load %arg6[%get3A_827, %get3A_828] {strides = array<i32>} : memref<104x32xf32, #tpu.memory_space<vmem>>, vector<16xf32>,
      %add3A_830 = arith.addf %add3A_820, %get3A_829 : vector<16xf32>
      %get3A_831 = arith.constant 75 : i32
      %get3A_832 = arith.index_cast %get3A_831 : i32 to index
      %get3A_833 = arith.constant 0 : index
      %get3A_834 = tpu.vector_load %arg6[%get3A_832, %get3A_833] {strides = array<i32>} : memref<104x32xf32, #tpu.memory_space<vmem>>, vector<16xf32>,
      %add3A_835 = arith.addf %add3A_825, %get3A_834 : vector<16xf32>
      %get3A_836 = arith.constant 75 : i32
      %get3A_837 = arith.index_cast %get3A_836 : i32 to index
      %get3A_838 = arith.constant 16 : index
      %get3A_839 = tpu.vector_load %arg6[%get3A_837, %get3A_838] {strides = array<i32>} : memref<104x32xf32, #tpu.memory_space<vmem>>, vector<16xf32>,
      %add3A_840 = arith.addf %add3A_830, %get3A_839 : vector<16xf32>
      %get3A_841 = arith.constant 76 : i32
      %get3A_842 = arith.index_cast %get3A_841 : i32 to index
      %get3A_843 = arith.constant 0 : index
      %get3A_844 = tpu.vector_load %arg6[%get3A_842, %get3A_843] {strides = array<i32>} : memref<104x32xf32, #tpu.memory_space<vmem>>, vector<16xf32>,
      %add3A_845 = arith.addf %add3A_835, %get3A_844 : vector<16xf32>
      %get3A_846 = arith.constant 76 : i32
      %get3A_847 = arith.index_cast %get3A_846 : i32 to index
      %get3A_848 = arith.constant 16 : index
      %get3A_849 = tpu.vector_load %arg6[%get3A_847, %get3A_848] {strides = array<i32>} : memref<104x32xf32, #tpu.memory_space<vmem>>, vector<16xf32>,
      %add3A_850 = arith.addf %add3A_840, %get3A_849 : vector<16xf32>
      %get3A_851 = arith.constant 77 : i32
      %get3A_852 = arith.index_cast %get3A_851 : i32 to index
      %get3A_853 = arith.constant 0 : index
      %get3A_854 = tpu.vector_load %arg6[%get3A_852, %get3A_853] {strides = array<i32>} : memref<104x32xf32, #tpu.memory_space<vmem>>, vector<16xf32>,
      %add3A_855 = arith.addf %add3A_845, %get3A_854 : vector<16xf32>
      %get3A_856 = arith.constant 77 : i32
      %get3A_857 = arith.index_cast %get3A_856 : i32 to index
      %get3A_858 = arith.constant 16 : index
      %get3A_859 = tpu.vector_load %arg6[%get3A_857, %get3A_858] {strides = array<i32>} : memref<104x32xf32, #tpu.memory_space<vmem>>, vector<16xf32>,
      %add3A_860 = arith.addf %add3A_850, %get3A_859 : vector<16xf32>
      %broadcast_in_dim3A_861 = arith.constant 0 : i32
      %broadcast_in_dim3A_862 = vector.broadcast %broadcast_in_dim3A_861 : i32 to vector<16xi32>
      %add3A_863 = arith.constant 256 : i32
      %add3A_864 = arith.addi %add3A_863, %add3A_48 : i32
      %add3A_865 = vector.broadcast %add3A_864 : i32 to vector<16xi32>
      %add3A_866 = arith.addi %broadcast_in_dim3A_862, %add3A_865 : vector<16xi32>
      %mul3A_867 = arith.constant 0.0384615399 : f32
      %mul3A_868 = vector.broadcast %mul3A_867 : f32 to vector<16xf32>
      %mul3A_869 = arith.mulf %add3A_855, %mul3A_868 : vector<16xf32>
      tpu.vector_store_idx %arg10[%iota3A, %add3A_866], %mul3A_869 : memref<32x512xf32, #tpu.memory_space<vmem>>[vector<16xi32>, vector<16xi32>], vector<16xf32>,
      %add3A_870 = arith.constant 16 : i32
      %add3A_871 = vector.broadcast %add3A_870 : i32 to vector<16xi32>
      %add3A_872 = arith.addi %iota3A, %add3A_871 : vector<16xi32>
      %mul3A_873 = arith.constant 0.0384615399 : f32
      %mul3A_874 = vector.broadcast %mul3A_873 : f32 to vector<16xf32>
      %mul3A_875 = arith.mulf %add3A_860, %mul3A_874 : vector<16xf32>
      tpu.vector_store_idx %arg10[%add3A_872, %add3A_866], %mul3A_875 : memref<32x512xf32, #tpu.memory_space<vmem>>[vector<16xi32>, vector<16xi32>], vector<16xf32>,
      %get3A_876 = arith.constant 78 : i32
      %get3A_877 = arith.index_cast %get3A_876 : i32 to index
      %get3A_878 = arith.constant 0 : index
      %get3A_879 = tpu.vector_load %arg6[%get3A_877, %get3A_878] {strides = array<i32>} : memref<104x32xf32, #tpu.memory_space<vmem>>, vector<16xf32>,
      %get3A_880 = arith.constant 78 : i32
      %get3A_881 = arith.index_cast %get3A_880 : i32 to index
      %get3A_882 = arith.constant 16 : index
      %get3A_883 = tpu.vector_load %arg6[%get3A_881, %get3A_882] {strides = array<i32>} : memref<104x32xf32, #tpu.memory_space<vmem>>, vector<16xf32>,
      %get3A_884 = arith.constant 79 : i32
      %get3A_885 = arith.index_cast %get3A_884 : i32 to index
      %get3A_886 = arith.constant 0 : index
      %get3A_887 = tpu.vector_load %arg6[%get3A_885, %get3A_886] {strides = array<i32>} : memref<104x32xf32, #tpu.memory_space<vmem>>, vector<16xf32>,
      %add3A_888 = arith.addf %get3A_879, %get3A_887 : vector<16xf32>
      %get3A_889 = arith.constant 79 : i32
      %get3A_890 = arith.index_cast %get3A_889 : i32 to index
      %get3A_891 = arith.constant 16 : index
      %get3A_892 = tpu.vector_load %arg6[%get3A_890, %get3A_891] {strides = array<i32>} : memref<104x32xf32, #tpu.memory_space<vmem>>, vector<16xf32>,
      %add3A_893 = arith.addf %get3A_883, %get3A_892 : vector<16xf32>
      %get3A_894 = arith.constant 80 : i32
      %get3A_895 = arith.index_cast %get3A_894 : i32 to index
      %get3A_896 = arith.constant 0 : index
      %get3A_897 = tpu.vector_load %arg6[%get3A_895, %get3A_896] {strides = array<i32>} : memref<104x32xf32, #tpu.memory_space<vmem>>, vector<16xf32>,
      %add3A_898 = arith.addf %add3A_888, %get3A_897 : vector<16xf32>
      %get3A_899 = arith.constant 80 : i32
      %get3A_900 = arith.index_cast %get3A_899 : i32 to index
      %get3A_901 = arith.constant 16 : index
      %get3A_902 = tpu.vector_load %arg6[%get3A_900, %get3A_901] {strides = array<i32>} : memref<104x32xf32, #tpu.memory_space<vmem>>, vector<16xf32>,
      %add3A_903 = arith.addf %add3A_893, %get3A_902 : vector<16xf32>
      %get3A_904 = arith.constant 81 : i32
      %get3A_905 = arith.index_cast %get3A_904 : i32 to index
      %get3A_906 = arith.constant 0 : index
      %get3A_907 = tpu.vector_load %arg6[%get3A_905, %get3A_906] {strides = array<i32>} : memref<104x32xf32, #tpu.memory_space<vmem>>, vector<16xf32>,
      %add3A_908 = arith.addf %add3A_898, %get3A_907 : vector<16xf32>
      %get3A_909 = arith.constant 81 : i32
      %get3A_910 = arith.index_cast %get3A_909 : i32 to index
      %get3A_911 = arith.constant 16 : index
      %get3A_912 = tpu.vector_load %arg6[%get3A_910, %get3A_911] {strides = array<i32>} : memref<104x32xf32, #tpu.memory_space<vmem>>, vector<16xf32>,
      %add3A_913 = arith.addf %add3A_903, %get3A_912 : vector<16xf32>
      %get3A_914 = arith.constant 82 : i32
      %get3A_915 = arith.index_cast %get3A_914 : i32 to index
      %get3A_916 = arith.constant 0 : index
      %get3A_917 = tpu.vector_load %arg6[%get3A_915, %get3A_916] {strides = array<i32>} : memref<104x32xf32, #tpu.memory_space<vmem>>, vector<16xf32>,
      %add3A_918 = arith.addf %add3A_908, %get3A_917 : vector<16xf32>
      %get3A_919 = arith.constant 82 : i32
      %get3A_920 = arith.index_cast %get3A_919 : i32 to index
      %get3A_921 = arith.constant 16 : index
      %get3A_922 = tpu.vector_load %arg6[%get3A_920, %get3A_921] {strides = array<i32>} : memref<104x32xf32, #tpu.memory_space<vmem>>, vector<16xf32>,
      %add3A_923 = arith.addf %add3A_913, %get3A_922 : vector<16xf32>
      %get3A_924 = arith.constant 83 : i32
      %get3A_925 = arith.index_cast %get3A_924 : i32 to index
      %get3A_926 = arith.constant 0 : index
      %get3A_927 = tpu.vector_load %arg6[%get3A_925, %get3A_926] {strides = array<i32>} : memref<104x32xf32, #tpu.memory_space<vmem>>, vector<16xf32>,
      %add3A_928 = arith.addf %add3A_918, %get3A_927 : vector<16xf32>
      %get3A_929 = arith.constant 83 : i32
      %get3A_930 = arith.index_cast %get3A_929 : i32 to index
      %get3A_931 = arith.constant 16 : index
      %get3A_932 = tpu.vector_load %arg6[%get3A_930, %get3A_931] {strides = array<i32>} : memref<104x32xf32, #tpu.memory_space<vmem>>, vector<16xf32>,
      %add3A_933 = arith.addf %add3A_923, %get3A_932 : vector<16xf32>
      %get3A_934 = arith.constant 84 : i32
      %get3A_935 = arith.index_cast %get3A_934 : i32 to index
      %get3A_936 = arith.constant 0 : index
      %get3A_937 = tpu.vector_load %arg6[%get3A_935, %get3A_936] {strides = array<i32>} : memref<104x32xf32, #tpu.memory_space<vmem>>, vector<16xf32>,
      %add3A_938 = arith.addf %add3A_928, %get3A_937 : vector<16xf32>
      %get3A_939 = arith.constant 84 : i32
      %get3A_940 = arith.index_cast %get3A_939 : i32 to index
      %get3A_941 = arith.constant 16 : index
      %get3A_942 = tpu.vector_load %arg6[%get3A_940, %get3A_941] {strides = array<i32>} : memref<104x32xf32, #tpu.memory_space<vmem>>, vector<16xf32>,
      %add3A_943 = arith.addf %add3A_933, %get3A_942 : vector<16xf32>
      %get3A_944 = arith.constant 85 : i32
      %get3A_945 = arith.index_cast %get3A_944 : i32 to index
      %get3A_946 = arith.constant 0 : index
      %get3A_947 = tpu.vector_load %arg6[%get3A_945, %get3A_946] {strides = array<i32>} : memref<104x32xf32, #tpu.memory_space<vmem>>, vector<16xf32>,
      %add3A_948 = arith.addf %add3A_938, %get3A_947 : vector<16xf32>
      %get3A_949 = arith.constant 85 : i32
      %get3A_950 = arith.index_cast %get3A_949 : i32 to index
      %get3A_951 = arith.constant 16 : index
      %get3A_952 = tpu.vector_load %arg6[%get3A_950, %get3A_951] {strides = array<i32>} : memref<104x32xf32, #tpu.memory_space<vmem>>, vector<16xf32>,
      %add3A_953 = arith.addf %add3A_943, %get3A_952 : vector<16xf32>
      %get3A_954 = arith.constant 86 : i32
      %get3A_955 = arith.index_cast %get3A_954 : i32 to index
      %get3A_956 = arith.constant 0 : index
      %get3A_957 = tpu.vector_load %arg6[%get3A_955, %get3A_956] {strides = array<i32>} : memref<104x32xf32, #tpu.memory_space<vmem>>, vector<16xf32>,
      %add3A_958 = arith.addf %add3A_948, %get3A_957 : vector<16xf32>
      %get3A_959 = arith.constant 86 : i32
      %get3A_960 = arith.index_cast %get3A_959 : i32 to index
      %get3A_961 = arith.constant 16 : index
      %get3A_962 = tpu.vector_load %arg6[%get3A_960, %get3A_961] {strides = array<i32>} : memref<104x32xf32, #tpu.memory_space<vmem>>, vector<16xf32>,
      %add3A_963 = arith.addf %add3A_953, %get3A_962 : vector<16xf32>
      %get3A_964 = arith.constant 87 : i32
      %get3A_965 = arith.index_cast %get3A_964 : i32 to index
      %get3A_966 = arith.constant 0 : index
      %get3A_967 = tpu.vector_load %arg6[%get3A_965, %get3A_966] {strides = array<i32>} : memref<104x32xf32, #tpu.memory_space<vmem>>, vector<16xf32>,
      %add3A_968 = arith.addf %add3A_958, %get3A_967 : vector<16xf32>
      %get3A_969 = arith.constant 87 : i32
      %get3A_970 = arith.index_cast %get3A_969 : i32 to index
      %get3A_971 = arith.constant 16 : index
      %get3A_972 = tpu.vector_load %arg6[%get3A_970, %get3A_971] {strides = array<i32>} : memref<104x32xf32, #tpu.memory_space<vmem>>, vector<16xf32>,
      %add3A_973 = arith.addf %add3A_963, %get3A_972 : vector<16xf32>
      %get3A_974 = arith.constant 88 : i32
      %get3A_975 = arith.index_cast %get3A_974 : i32 to index
      %get3A_976 = arith.constant 0 : index
      %get3A_977 = tpu.vector_load %arg6[%get3A_975, %get3A_976] {strides = array<i32>} : memref<104x32xf32, #tpu.memory_space<vmem>>, vector<16xf32>,
      %add3A_978 = arith.addf %add3A_968, %get3A_977 : vector<16xf32>
      %get3A_979 = arith.constant 88 : i32
      %get3A_980 = arith.index_cast %get3A_979 : i32 to index
      %get3A_981 = arith.constant 16 : index
      %get3A_982 = tpu.vector_load %arg6[%get3A_980, %get3A_981] {strides = array<i32>} : memref<104x32xf32, #tpu.memory_space<vmem>>, vector<16xf32>,
      %add3A_983 = arith.addf %add3A_973, %get3A_982 : vector<16xf32>
      %get3A_984 = arith.constant 89 : i32
      %get3A_985 = arith.index_cast %get3A_984 : i32 to index
      %get3A_986 = arith.constant 0 : index
      %get3A_987 = tpu.vector_load %arg6[%get3A_985, %get3A_986] {strides = array<i32>} : memref<104x32xf32, #tpu.memory_space<vmem>>, vector<16xf32>,
      %add3A_988 = arith.addf %add3A_978, %get3A_987 : vector<16xf32>
      %get3A_989 = arith.constant 89 : i32
      %get3A_990 = arith.index_cast %get3A_989 : i32 to index
      %get3A_991 = arith.constant 16 : index
      %get3A_992 = tpu.vector_load %arg6[%get3A_990, %get3A_991] {strides = array<i32>} : memref<104x32xf32, #tpu.memory_space<vmem>>, vector<16xf32>,
      %add3A_993 = arith.addf %add3A_983, %get3A_992 : vector<16xf32>
      %get3A_994 = arith.constant 90 : i32
      %get3A_995 = arith.index_cast %get3A_994 : i32 to index
      %get3A_996 = arith.constant 0 : index
      %get3A_997 = tpu.vector_load %arg6[%get3A_995, %get3A_996] {strides = array<i32>} : memref<104x32xf32, #tpu.memory_space<vmem>>, vector<16xf32>,
      %add3A_998 = arith.addf %add3A_988, %get3A_997 : vector<16xf32>
      %get3A_999 = arith.constant 90 : i32
      %get3A_1000 = arith.index_cast %get3A_999 : i32 to index
      %get3A_1001 = arith.constant 16 : index
      %get3A_1002 = tpu.vector_load %arg6[%get3A_1000, %get3A_1001] {strides = array<i32>} : memref<104x32xf32, #tpu.memory_space<vmem>>, vector<16xf32>,
      %add3A_1003 = arith.addf %add3A_993, %get3A_1002 : vector<16xf32>
      %get3A_1004 = arith.constant 91 : i32
      %get3A_1005 = arith.index_cast %get3A_1004 : i32 to index
      %get3A_1006 = arith.constant 0 : index
      %get3A_1007 = tpu.vector_load %arg6[%get3A_1005, %get3A_1006] {strides = array<i32>} : memref<104x32xf32, #tpu.memory_space<vmem>>, vector<16xf32>,
      %add3A_1008 = arith.addf %add3A_998, %get3A_1007 : vector<16xf32>
      %get3A_1009 = arith.constant 91 : i32
      %get3A_1010 = arith.index_cast %get3A_1009 : i32 to index
      %get3A_1011 = arith.constant 16 : index
      %get3A_1012 = tpu.vector_load %arg6[%get3A_1010, %get3A_1011] {strides = array<i32>} : memref<104x32xf32, #tpu.memory_space<vmem>>, vector<16xf32>,
      %add3A_1013 = arith.addf %add3A_1003, %get3A_1012 : vector<16xf32>
      %get3A_1014 = arith.constant 92 : i32
      %get3A_1015 = arith.index_cast %get3A_1014 : i32 to index
      %get3A_1016 = arith.constant 0 : index
      %get3A_1017 = tpu.vector_load %arg6[%get3A_1015, %get3A_1016] {strides = array<i32>} : memref<104x32xf32, #tpu.memory_space<vmem>>, vector<16xf32>,
      %add3A_1018 = arith.addf %add3A_1008, %get3A_1017 : vector<16xf32>
      %get3A_1019 = arith.constant 92 : i32
      %get3A_1020 = arith.index_cast %get3A_1019 : i32 to index
      %get3A_1021 = arith.constant 16 : index
      %get3A_1022 = tpu.vector_load %arg6[%get3A_1020, %get3A_1021] {strides = array<i32>} : memref<104x32xf32, #tpu.memory_space<vmem>>, vector<16xf32>,
      %add3A_1023 = arith.addf %add3A_1013, %get3A_1022 : vector<16xf32>
      %get3A_1024 = arith.constant 93 : i32
      %get3A_1025 = arith.index_cast %get3A_1024 : i32 to index
      %get3A_1026 = arith.constant 0 : index
      %get3A_1027 = tpu.vector_load %arg6[%get3A_1025, %get3A_1026] {strides = array<i32>} : memref<104x32xf32, #tpu.memory_space<vmem>>, vector<16xf32>,
      %add3A_1028 = arith.addf %add3A_1018, %get3A_1027 : vector<16xf32>
      %get3A_1029 = arith.constant 93 : i32
      %get3A_1030 = arith.index_cast %get3A_1029 : i32 to index
      %get3A_1031 = arith.constant 16 : index
      %get3A_1032 = tpu.vector_load %arg6[%get3A_1030, %get3A_1031] {strides = array<i32>} : memref<104x32xf32, #tpu.memory_space<vmem>>, vector<16xf32>,
      %add3A_1033 = arith.addf %add3A_1023, %get3A_1032 : vector<16xf32>
      %get3A_1034 = arith.constant 94 : i32
      %get3A_1035 = arith.index_cast %get3A_1034 : i32 to index
      %get3A_1036 = arith.constant 0 : index
      %get3A_1037 = tpu.vector_load %arg6[%get3A_1035, %get3A_1036] {strides = array<i32>} : memref<104x32xf32, #tpu.memory_space<vmem>>, vector<16xf32>,
      %add3A_1038 = arith.addf %add3A_1028, %get3A_1037 : vector<16xf32>
      %get3A_1039 = arith.constant 94 : i32
      %get3A_1040 = arith.index_cast %get3A_1039 : i32 to index
      %get3A_1041 = arith.constant 16 : index
      %get3A_1042 = tpu.vector_load %arg6[%get3A_1040, %get3A_1041] {strides = array<i32>} : memref<104x32xf32, #tpu.memory_space<vmem>>, vector<16xf32>,
      %add3A_1043 = arith.addf %add3A_1033, %get3A_1042 : vector<16xf32>
      %get3A_1044 = arith.constant 95 : i32
      %get3A_1045 = arith.index_cast %get3A_1044 : i32 to index
      %get3A_1046 = arith.constant 0 : index
      %get3A_1047 = tpu.vector_load %arg6[%get3A_1045, %get3A_1046] {strides = array<i32>} : memref<104x32xf32, #tpu.memory_space<vmem>>, vector<16xf32>,
      %add3A_1048 = arith.addf %add3A_1038, %get3A_1047 : vector<16xf32>
      %get3A_1049 = arith.constant 95 : i32
      %get3A_1050 = arith.index_cast %get3A_1049 : i32 to index
      %get3A_1051 = arith.constant 16 : index
      %get3A_1052 = tpu.vector_load %arg6[%get3A_1050, %get3A_1051] {strides = array<i32>} : memref<104x32xf32, #tpu.memory_space<vmem>>, vector<16xf32>,
      %add3A_1053 = arith.addf %add3A_1043, %get3A_1052 : vector<16xf32>
      %get3A_1054 = arith.constant 96 : i32
      %get3A_1055 = arith.index_cast %get3A_1054 : i32 to index
      %get3A_1056 = arith.constant 0 : index
      %get3A_1057 = tpu.vector_load %arg6[%get3A_1055, %get3A_1056] {strides = array<i32>} : memref<104x32xf32, #tpu.memory_space<vmem>>, vector<16xf32>,
      %add3A_1058 = arith.addf %add3A_1048, %get3A_1057 : vector<16xf32>
      %get3A_1059 = arith.constant 96 : i32
      %get3A_1060 = arith.index_cast %get3A_1059 : i32 to index
      %get3A_1061 = arith.constant 16 : index
      %get3A_1062 = tpu.vector_load %arg6[%get3A_1060, %get3A_1061] {strides = array<i32>} : memref<104x32xf32, #tpu.memory_space<vmem>>, vector<16xf32>,
      %add3A_1063 = arith.addf %add3A_1053, %get3A_1062 : vector<16xf32>
      %get3A_1064 = arith.constant 97 : i32
      %get3A_1065 = arith.index_cast %get3A_1064 : i32 to index
      %get3A_1066 = arith.constant 0 : index
      %get3A_1067 = tpu.vector_load %arg6[%get3A_1065, %get3A_1066] {strides = array<i32>} : memref<104x32xf32, #tpu.memory_space<vmem>>, vector<16xf32>,
      %add3A_1068 = arith.addf %add3A_1058, %get3A_1067 : vector<16xf32>
      %get3A_1069 = arith.constant 97 : i32
      %get3A_1070 = arith.index_cast %get3A_1069 : i32 to index
      %get3A_1071 = arith.constant 16 : index
      %get3A_1072 = tpu.vector_load %arg6[%get3A_1070, %get3A_1071] {strides = array<i32>} : memref<104x32xf32, #tpu.memory_space<vmem>>, vector<16xf32>,
      %add3A_1073 = arith.addf %add3A_1063, %get3A_1072 : vector<16xf32>
      %get3A_1074 = arith.constant 98 : i32
      %get3A_1075 = arith.index_cast %get3A_1074 : i32 to index
      %get3A_1076 = arith.constant 0 : index
      %get3A_1077 = tpu.vector_load %arg6[%get3A_1075, %get3A_1076] {strides = array<i32>} : memref<104x32xf32, #tpu.memory_space<vmem>>, vector<16xf32>,
      %add3A_1078 = arith.addf %add3A_1068, %get3A_1077 : vector<16xf32>
      %get3A_1079 = arith.constant 98 : i32
      %get3A_1080 = arith.index_cast %get3A_1079 : i32 to index
      %get3A_1081 = arith.constant 16 : index
      %get3A_1082 = tpu.vector_load %arg6[%get3A_1080, %get3A_1081] {strides = array<i32>} : memref<104x32xf32, #tpu.memory_space<vmem>>, vector<16xf32>,
      %add3A_1083 = arith.addf %add3A_1073, %get3A_1082 : vector<16xf32>
      %get3A_1084 = arith.constant 99 : i32
      %get3A_1085 = arith.index_cast %get3A_1084 : i32 to index
      %get3A_1086 = arith.constant 0 : index
      %get3A_1087 = tpu.vector_load %arg6[%get3A_1085, %get3A_1086] {strides = array<i32>} : memref<104x32xf32, #tpu.memory_space<vmem>>, vector<16xf32>,
      %add3A_1088 = arith.addf %add3A_1078, %get3A_1087 : vector<16xf32>
      %get3A_1089 = arith.constant 99 : i32
      %get3A_1090 = arith.index_cast %get3A_1089 : i32 to index
      %get3A_1091 = arith.constant 16 : index
      %get3A_1092 = tpu.vector_load %arg6[%get3A_1090, %get3A_1091] {strides = array<i32>} : memref<104x32xf32, #tpu.memory_space<vmem>>, vector<16xf32>,
      %add3A_1093 = arith.addf %add3A_1083, %get3A_1092 : vector<16xf32>
      %get3A_1094 = arith.constant 100 : i32
      %get3A_1095 = arith.index_cast %get3A_1094 : i32 to index
      %get3A_1096 = arith.constant 0 : index
      %get3A_1097 = tpu.vector_load %arg6[%get3A_1095, %get3A_1096] {strides = array<i32>} : memref<104x32xf32, #tpu.memory_space<vmem>>, vector<16xf32>,
      %add3A_1098 = arith.addf %add3A_1088, %get3A_1097 : vector<16xf32>
      %get3A_1099 = arith.constant 100 : i32
      %get3A_1100 = arith.index_cast %get3A_1099 : i32 to index
      %get3A_1101 = arith.constant 16 : index
      %get3A_1102 = tpu.vector_load %arg6[%get3A_1100, %get3A_1101] {strides = array<i32>} : memref<104x32xf32, #tpu.memory_space<vmem>>, vector<16xf32>,
      %add3A_1103 = arith.addf %add3A_1093, %get3A_1102 : vector<16xf32>
      %get3A_1104 = arith.constant 101 : i32
      %get3A_1105 = arith.index_cast %get3A_1104 : i32 to index
      %get3A_1106 = arith.constant 0 : index
      %get3A_1107 = tpu.vector_load %arg6[%get3A_1105, %get3A_1106] {strides = array<i32>} : memref<104x32xf32, #tpu.memory_space<vmem>>, vector<16xf32>,
      %add3A_1108 = arith.addf %add3A_1098, %get3A_1107 : vector<16xf32>
      %get3A_1109 = arith.constant 101 : i32
      %get3A_1110 = arith.index_cast %get3A_1109 : i32 to index
      %get3A_1111 = arith.constant 16 : index
      %get3A_1112 = tpu.vector_load %arg6[%get3A_1110, %get3A_1111] {strides = array<i32>} : memref<104x32xf32, #tpu.memory_space<vmem>>, vector<16xf32>,
      %add3A_1113 = arith.addf %add3A_1103, %get3A_1112 : vector<16xf32>
      %get3A_1114 = arith.constant 102 : i32
      %get3A_1115 = arith.index_cast %get3A_1114 : i32 to index
      %get3A_1116 = arith.constant 0 : index
      %get3A_1117 = tpu.vector_load %arg6[%get3A_1115, %get3A_1116] {strides = array<i32>} : memref<104x32xf32, #tpu.memory_space<vmem>>, vector<16xf32>,
      %add3A_1118 = arith.addf %add3A_1108, %get3A_1117 : vector<16xf32>
      %get3A_1119 = arith.constant 102 : i32
      %get3A_1120 = arith.index_cast %get3A_1119 : i32 to index
      %get3A_1121 = arith.constant 16 : index
      %get3A_1122 = tpu.vector_load %arg6[%get3A_1120, %get3A_1121] {strides = array<i32>} : memref<104x32xf32, #tpu.memory_space<vmem>>, vector<16xf32>,
      %add3A_1123 = arith.addf %add3A_1113, %get3A_1122 : vector<16xf32>
      %get3A_1124 = arith.constant 103 : i32
      %get3A_1125 = arith.index_cast %get3A_1124 : i32 to index
      %get3A_1126 = arith.constant 0 : index
      %get3A_1127 = tpu.vector_load %arg6[%get3A_1125, %get3A_1126] {strides = array<i32>} : memref<104x32xf32, #tpu.memory_space<vmem>>, vector<16xf32>,
      %add3A_1128 = arith.addf %add3A_1118, %get3A_1127 : vector<16xf32>
      %get3A_1129 = arith.constant 103 : i32
      %get3A_1130 = arith.index_cast %get3A_1129 : i32 to index
      %get3A_1131 = arith.constant 16 : index
      %get3A_1132 = tpu.vector_load %arg6[%get3A_1130, %get3A_1131] {strides = array<i32>} : memref<104x32xf32, #tpu.memory_space<vmem>>, vector<16xf32>,
      %add3A_1133 = arith.addf %add3A_1123, %get3A_1132 : vector<16xf32>
      %broadcast_in_dim3A_1134 = arith.constant 0 : i32
      %broadcast_in_dim3A_1135 = vector.broadcast %broadcast_in_dim3A_1134 : i32 to vector<16xi32>
      %add3A_1136 = arith.constant 384 : i32
      %add3A_1137 = arith.addi %add3A_1136, %add3A_48 : i32
      %add3A_1138 = vector.broadcast %add3A_1137 : i32 to vector<16xi32>
      %add3A_1139 = arith.addi %broadcast_in_dim3A_1135, %add3A_1138 : vector<16xi32>
      %mul3A_1140 = arith.constant 0.0384615399 : f32
      %mul3A_1141 = vector.broadcast %mul3A_1140 : f32 to vector<16xf32>
      %mul3A_1142 = arith.mulf %add3A_1128, %mul3A_1141 : vector<16xf32>
      tpu.vector_store_idx %arg10[%iota3A, %add3A_1139], %mul3A_1142 : memref<32x512xf32, #tpu.memory_space<vmem>>[vector<16xi32>, vector<16xi32>], vector<16xf32>,
      %add3A_1143 = arith.constant 16 : i32
      %add3A_1144 = vector.broadcast %add3A_1143 : i32 to vector<16xi32>
      %add3A_1145 = arith.addi %iota3A, %add3A_1144 : vector<16xi32>
      %mul3A_1146 = arith.constant 0.0384615399 : f32
      %mul3A_1147 = vector.broadcast %mul3A_1146 : f32 to vector<16xf32>
      %mul3A_1148 = arith.mulf %add3A_1133, %mul3A_1147 : vector<16xf32>
      tpu.vector_store_idx %arg10[%add3A_1145, %add3A_1139], %mul3A_1148 : memref<32x512xf32, #tpu.memory_space<vmem>>[vector<16xi32>, vector<16xi32>], vector<16xf32>,
      %add3A_1149 = arith.constant 1 : i32
      %add3A_1150 = arith.addi %mul3A_46, %add3A_1149 : i32
      %add3A_1151 = arith.constant 3 : i32
      %add3A_1152 = arith.addi %add3A_1150, %add3A_1151 : i32
      %lt3A_1153 = arith.constant 128 : i32
      %lt3A_1154 = arith.cmpi slt, %add3A_1152, %lt3A_1153 : i32
      %convert_element_type3A_1155 = arith.extui %lt3A_1154 : i1 to i32
      %cond3A_1156 = arith.constant 0 : i32
      %cond3A_1157 = arith.cmpi ne, %convert_element_type3A_1155, %cond3A_1156 : i32
      scf.if %cond3A_1157 {
        %add3A_4476 = arith.constant 3 : i32
        %add3A_4477 = arith.addi %add3A_1150, %add3A_4476 : i32
        %dma_start3A_4478 = arith.constant 0 : i32
        %dma_start3A_4479 = tpu.memref_slice %arg5[%add3A_4477, %dma_start3A_4478] : memref<128x128xi32, #tpu.memory_space<vmem>> -> memref<1x104xi32, #tpu.memory_space<vmem>>
        %dma_start3A_4480 = tpu.memref_squeeze %dma_start3A_4479 : memref<1x104xi32, #tpu.memory_space<vmem>> -> memref<104xi32, #tpu.memory_space<vmem>>
        %dma_start3A_4481 = arith.constant 0 : i32
        %dma_start3A_4482 = arith.constant 0 : i32
        %dma_start3A_4483 = tpu.memref_slice %arg3[%dma_start3A_4481, %dma_start3A_4482] : memref<1015808x32xf32, #tpu.memory_space<hbm>> -> memref<1015808x32xf32, #tpu.memory_space<hbm>>
        tpu.enqueue_indirect_dma source(%dma_start3A_4483 : memref<1015808x32xf32, #tpu.memory_space<hbm>>) target(%arg6 : memref<104x32xf32, #tpu.memory_space<vmem>>) offsets(%dma_start3A_4480 : memref<104xi32, #tpu.memory_space<vmem>>) semaphore(%arg11 : memref<!tpu.dma_semaphore, #tpu.memory_space<semaphore_mem>>)
      } else {
      }
      %dma_wait3A_1158 = arith.constant 0 : i32
      %dma_wait3A_1159 = arith.constant 0 : i32
      %dma_wait3A_1160 = tpu.memref_slice %arg5[%dma_wait3A_1158, %dma_wait3A_1159] : memref<128x128xi32, #tpu.memory_space<vmem>> -> memref<1x104xi32, #tpu.memory_space<vmem>>
      %dma_wait3A_1161 = tpu.memref_squeeze %dma_wait3A_1160 : memref<1x104xi32, #tpu.memory_space<vmem>> -> memref<104xi32, #tpu.memory_space<vmem>>
      %dma_wait3A_1162 = arith.constant 0 : i32
      %dma_wait3A_1163 = arith.constant 0 : i32
      %dma_wait3A_1164 = tpu.memref_slice %arg3[%dma_wait3A_1162, %dma_wait3A_1163] : memref<1015808x32xf32, #tpu.memory_space<hbm>> -> memref<1015808x32xf32, #tpu.memory_space<hbm>>
      tpu.wait_indirect_dma semaphore(%arg12 : memref<!tpu.dma_semaphore, #tpu.memory_space<semaphore_mem>>) src(%dma_wait3A_1164 : memref<1015808x32xf32, #tpu.memory_space<hbm>>) dst(%arg7 : memref<104x32xf32, #tpu.memory_space<vmem>>)
      %iota3A_1165 = tpu.iota {dimensions = array<i32: 0>} : vector<16xi32>
      %get3A_1166 = arith.constant 0 : i32
      %get3A_1167 = arith.index_cast %get3A_1166 : i32 to index
      %get3A_1168 = arith.constant 0 : index
      %get3A_1169 = tpu.vector_load %arg7[%get3A_1167, %get3A_1168] {strides = array<i32>} : memref<104x32xf32, #tpu.memory_space<vmem>>, vector<16xf32>,
      %get3A_1170 = arith.constant 0 : i32
      %get3A_1171 = arith.index_cast %get3A_1170 : i32 to index
      %get3A_1172 = arith.constant 16 : index
      %get3A_1173 = tpu.vector_load %arg7[%get3A_1171, %get3A_1172] {strides = array<i32>} : memref<104x32xf32, #tpu.memory_space<vmem>>, vector<16xf32>,
      %get3A_1174 = arith.constant 1 : i32
      %get3A_1175 = arith.index_cast %get3A_1174 : i32 to index
      %get3A_1176 = arith.constant 0 : index
      %get3A_1177 = tpu.vector_load %arg7[%get3A_1175, %get3A_1176] {strides = array<i32>} : memref<104x32xf32, #tpu.memory_space<vmem>>, vector<16xf32>,
      %add3A_1178 = arith.addf %get3A_1169, %get3A_1177 : vector<16xf32>
      %get3A_1179 = arith.constant 1 : i32
      %get3A_1180 = arith.index_cast %get3A_1179 : i32 to index
      %get3A_1181 = arith.constant 16 : index
      %get3A_1182 = tpu.vector_load %arg7[%get3A_1180, %get3A_1181] {strides = array<i32>} : memref<104x32xf32, #tpu.memory_space<vmem>>, vector<16xf32>,
      %add3A_1183 = arith.addf %get3A_1173, %get3A_1182 : vector<16xf32>
      %get3A_1184 = arith.constant 2 : i32
      %get3A_1185 = arith.index_cast %get3A_1184 : i32 to index
      %get3A_1186 = arith.constant 0 : index
      %get3A_1187 = tpu.vector_load %arg7[%get3A_1185, %get3A_1186] {strides = array<i32>} : memref<104x32xf32, #tpu.memory_space<vmem>>, vector<16xf32>,
      %add3A_1188 = arith.addf %add3A_1178, %get3A_1187 : vector<16xf32>
      %get3A_1189 = arith.constant 2 : i32
      %get3A_1190 = arith.index_cast %get3A_1189 : i32 to index
      %get3A_1191 = arith.constant 16 : index
      %get3A_1192 = tpu.vector_load %arg7[%get3A_1190, %get3A_1191] {strides = array<i32>} : memref<104x32xf32, #tpu.memory_space<vmem>>, vector<16xf32>,
      %add3A_1193 = arith.addf %add3A_1183, %get3A_1192 : vector<16xf32>
      %get3A_1194 = arith.constant 3 : i32
      %get3A_1195 = arith.index_cast %get3A_1194 : i32 to index
      %get3A_1196 = arith.constant 0 : index
      %get3A_1197 = tpu.vector_load %arg7[%get3A_1195, %get3A_1196] {strides = array<i32>} : memref<104x32xf32, #tpu.memory_space<vmem>>, vector<16xf32>,
      %add3A_1198 = arith.addf %add3A_1188, %get3A_1197 : vector<16xf32>
      %get3A_1199 = arith.constant 3 : i32
      %get3A_1200 = arith.index_cast %get3A_1199 : i32 to index
      %get3A_1201 = arith.constant 16 : index
      %get3A_1202 = tpu.vector_load %arg7[%get3A_1200, %get3A_1201] {strides = array<i32>} : memref<104x32xf32, #tpu.memory_space<vmem>>, vector<16xf32>,
      %add3A_1203 = arith.addf %add3A_1193, %get3A_1202 : vector<16xf32>
      %get3A_1204 = arith.constant 4 : i32
      %get3A_1205 = arith.index_cast %get3A_1204 : i32 to index
      %get3A_1206 = arith.constant 0 : index
      %get3A_1207 = tpu.vector_load %arg7[%get3A_1205, %get3A_1206] {strides = array<i32>} : memref<104x32xf32, #tpu.memory_space<vmem>>, vector<16xf32>,
      %add3A_1208 = arith.addf %add3A_1198, %get3A_1207 : vector<16xf32>
      %get3A_1209 = arith.constant 4 : i32
      %get3A_1210 = arith.index_cast %get3A_1209 : i32 to index
      %get3A_1211 = arith.constant 16 : index
      %get3A_1212 = tpu.vector_load %arg7[%get3A_1210, %get3A_1211] {strides = array<i32>} : memref<104x32xf32, #tpu.memory_space<vmem>>, vector<16xf32>,
      %add3A_1213 = arith.addf %add3A_1203, %get3A_1212 : vector<16xf32>
      %get3A_1214 = arith.constant 5 : i32
      %get3A_1215 = arith.index_cast %get3A_1214 : i32 to index
      %get3A_1216 = arith.constant 0 : index
      %get3A_1217 = tpu.vector_load %arg7[%get3A_1215, %get3A_1216] {strides = array<i32>} : memref<104x32xf32, #tpu.memory_space<vmem>>, vector<16xf32>,
      %add3A_1218 = arith.addf %add3A_1208, %get3A_1217 : vector<16xf32>
      %get3A_1219 = arith.constant 5 : i32
      %get3A_1220 = arith.index_cast %get3A_1219 : i32 to index
      %get3A_1221 = arith.constant 16 : index
      %get3A_1222 = tpu.vector_load %arg7[%get3A_1220, %get3A_1221] {strides = array<i32>} : memref<104x32xf32, #tpu.memory_space<vmem>>, vector<16xf32>,
      %add3A_1223 = arith.addf %add3A_1213, %get3A_1222 : vector<16xf32>
      %get3A_1224 = arith.constant 6 : i32
      %get3A_1225 = arith.index_cast %get3A_1224 : i32 to index
      %get3A_1226 = arith.constant 0 : index
      %get3A_1227 = tpu.vector_load %arg7[%get3A_1225, %get3A_1226] {strides = array<i32>} : memref<104x32xf32, #tpu.memory_space<vmem>>, vector<16xf32>,
      %add3A_1228 = arith.addf %add3A_1218, %get3A_1227 : vector<16xf32>
      %get3A_1229 = arith.constant 6 : i32
      %get3A_1230 = arith.index_cast %get3A_1229 : i32 to index
      %get3A_1231 = arith.constant 16 : index
      %get3A_1232 = tpu.vector_load %arg7[%get3A_1230, %get3A_1231] {strides = array<i32>} : memref<104x32xf32, #tpu.memory_space<vmem>>, vector<16xf32>,
      %add3A_1233 = arith.addf %add3A_1223, %get3A_1232 : vector<16xf32>
      %get3A_1234 = arith.constant 7 : i32
      %get3A_1235 = arith.index_cast %get3A_1234 : i32 to index
      %get3A_1236 = arith.constant 0 : index
      %get3A_1237 = tpu.vector_load %arg7[%get3A_1235, %get3A_1236] {strides = array<i32>} : memref<104x32xf32, #tpu.memory_space<vmem>>, vector<16xf32>,
      %add3A_1238 = arith.addf %add3A_1228, %get3A_1237 : vector<16xf32>
      %get3A_1239 = arith.constant 7 : i32
      %get3A_1240 = arith.index_cast %get3A_1239 : i32 to index
      %get3A_1241 = arith.constant 16 : index
      %get3A_1242 = tpu.vector_load %arg7[%get3A_1240, %get3A_1241] {strides = array<i32>} : memref<104x32xf32, #tpu.memory_space<vmem>>, vector<16xf32>,
      %add3A_1243 = arith.addf %add3A_1233, %get3A_1242 : vector<16xf32>
      %get3A_1244 = arith.constant 8 : i32
      %get3A_1245 = arith.index_cast %get3A_1244 : i32 to index
      %get3A_1246 = arith.constant 0 : index
      %get3A_1247 = tpu.vector_load %arg7[%get3A_1245, %get3A_1246] {strides = array<i32>} : memref<104x32xf32, #tpu.memory_space<vmem>>, vector<16xf32>,
      %add3A_1248 = arith.addf %add3A_1238, %get3A_1247 : vector<16xf32>
      %get3A_1249 = arith.constant 8 : i32
      %get3A_1250 = arith.index_cast %get3A_1249 : i32 to index
      %get3A_1251 = arith.constant 16 : index
      %get3A_1252 = tpu.vector_load %arg7[%get3A_1250, %get3A_1251] {strides = array<i32>} : memref<104x32xf32, #tpu.memory_space<vmem>>, vector<16xf32>,
      %add3A_1253 = arith.addf %add3A_1243, %get3A_1252 : vector<16xf32>
      %get3A_1254 = arith.constant 9 : i32
      %get3A_1255 = arith.index_cast %get3A_1254 : i32 to index
      %get3A_1256 = arith.constant 0 : index
      %get3A_1257 = tpu.vector_load %arg7[%get3A_1255, %get3A_1256] {strides = array<i32>} : memref<104x32xf32, #tpu.memory_space<vmem>>, vector<16xf32>,
      %add3A_1258 = arith.addf %add3A_1248, %get3A_1257 : vector<16xf32>
      %get3A_1259 = arith.constant 9 : i32
      %get3A_1260 = arith.index_cast %get3A_1259 : i32 to index
      %get3A_1261 = arith.constant 16 : index
      %get3A_1262 = tpu.vector_load %arg7[%get3A_1260, %get3A_1261] {strides = array<i32>} : memref<104x32xf32, #tpu.memory_space<vmem>>, vector<16xf32>,
      %add3A_1263 = arith.addf %add3A_1253, %get3A_1262 : vector<16xf32>
      %get3A_1264 = arith.constant 10 : i32
      %get3A_1265 = arith.index_cast %get3A_1264 : i32 to index
      %get3A_1266 = arith.constant 0 : index
      %get3A_1267 = tpu.vector_load %arg7[%get3A_1265, %get3A_1266] {strides = array<i32>} : memref<104x32xf32, #tpu.memory_space<vmem>>, vector<16xf32>,
      %add3A_1268 = arith.addf %add3A_1258, %get3A_1267 : vector<16xf32>
      %get3A_1269 = arith.constant 10 : i32
      %get3A_1270 = arith.index_cast %get3A_1269 : i32 to index
      %get3A_1271 = arith.constant 16 : index
      %get3A_1272 = tpu.vector_load %arg7[%get3A_1270, %get3A_1271] {strides = array<i32>} : memref<104x32xf32, #tpu.memory_space<vmem>>, vector<16xf32>,
      %add3A_1273 = arith.addf %add3A_1263, %get3A_1272 : vector<16xf32>
      %get3A_1274 = arith.constant 11 : i32
      %get3A_1275 = arith.index_cast %get3A_1274 : i32 to index
      %get3A_1276 = arith.constant 0 : index
      %get3A_1277 = tpu.vector_load %arg7[%get3A_1275, %get3A_1276] {strides = array<i32>} : memref<104x32xf32, #tpu.memory_space<vmem>>, vector<16xf32>,
      %add3A_1278 = arith.addf %add3A_1268, %get3A_1277 : vector<16xf32>
      %get3A_1279 = arith.constant 11 : i32
      %get3A_1280 = arith.index_cast %get3A_1279 : i32 to index
      %get3A_1281 = arith.constant 16 : index
      %get3A_1282 = tpu.vector_load %arg7[%get3A_1280, %get3A_1281] {strides = array<i32>} : memref<104x32xf32, #tpu.memory_space<vmem>>, vector<16xf32>,
      %add3A_1283 = arith.addf %add3A_1273, %get3A_1282 : vector<16xf32>
      %get3A_1284 = arith.constant 12 : i32
      %get3A_1285 = arith.index_cast %get3A_1284 : i32 to index
      %get3A_1286 = arith.constant 0 : index
      %get3A_1287 = tpu.vector_load %arg7[%get3A_1285, %get3A_1286] {strides = array<i32>} : memref<104x32xf32, #tpu.memory_space<vmem>>, vector<16xf32>,
      %add3A_1288 = arith.addf %add3A_1278, %get3A_1287 : vector<16xf32>
      %get3A_1289 = arith.constant 12 : i32
      %get3A_1290 = arith.index_cast %get3A_1289 : i32 to index
      %get3A_1291 = arith.constant 16 : index
      %get3A_1292 = tpu.vector_load %arg7[%get3A_1290, %get3A_1291] {strides = array<i32>} : memref<104x32xf32, #tpu.memory_space<vmem>>, vector<16xf32>,
      %add3A_1293 = arith.addf %add3A_1283, %get3A_1292 : vector<16xf32>
      %get3A_1294 = arith.constant 13 : i32
      %get3A_1295 = arith.index_cast %get3A_1294 : i32 to index
      %get3A_1296 = arith.constant 0 : index
      %get3A_1297 = tpu.vector_load %arg7[%get3A_1295, %get3A_1296] {strides = array<i32>} : memref<104x32xf32, #tpu.memory_space<vmem>>, vector<16xf32>,
      %add3A_1298 = arith.addf %add3A_1288, %get3A_1297 : vector<16xf32>
      %get3A_1299 = arith.constant 13 : i32
      %get3A_1300 = arith.index_cast %get3A_1299 : i32 to index
      %get3A_1301 = arith.constant 16 : index
      %get3A_1302 = tpu.vector_load %arg7[%get3A_1300, %get3A_1301] {strides = array<i32>} : memref<104x32xf32, #tpu.memory_space<vmem>>, vector<16xf32>,
      %add3A_1303 = arith.addf %add3A_1293, %get3A_1302 : vector<16xf32>
      %get3A_1304 = arith.constant 14 : i32
      %get3A_1305 = arith.index_cast %get3A_1304 : i32 to index
      %get3A_1306 = arith.constant 0 : index
      %get3A_1307 = tpu.vector_load %arg7[%get3A_1305, %get3A_1306] {strides = array<i32>} : memref<104x32xf32, #tpu.memory_space<vmem>>, vector<16xf32>,
      %add3A_1308 = arith.addf %add3A_1298, %get3A_1307 : vector<16xf32>
      %get3A_1309 = arith.constant 14 : i32
      %get3A_1310 = arith.index_cast %get3A_1309 : i32 to index
      %get3A_1311 = arith.constant 16 : index
      %get3A_1312 = tpu.vector_load %arg7[%get3A_1310, %get3A_1311] {strides = array<i32>} : memref<104x32xf32, #tpu.memory_space<vmem>>, vector<16xf32>,
      %add3A_1313 = arith.addf %add3A_1303, %get3A_1312 : vector<16xf32>
      %get3A_1314 = arith.constant 15 : i32
      %get3A_1315 = arith.index_cast %get3A_1314 : i32 to index
      %get3A_1316 = arith.constant 0 : index
      %get3A_1317 = tpu.vector_load %arg7[%get3A_1315, %get3A_1316] {strides = array<i32>} : memref<104x32xf32, #tpu.memory_space<vmem>>, vector<16xf32>,
      %add3A_1318 = arith.addf %add3A_1308, %get3A_1317 : vector<16xf32>
      %get3A_1319 = arith.constant 15 : i32
      %get3A_1320 = arith.index_cast %get3A_1319 : i32 to index
      %get3A_1321 = arith.constant 16 : index
      %get3A_1322 = tpu.vector_load %arg7[%get3A_1320, %get3A_1321] {strides = array<i32>} : memref<104x32xf32, #tpu.memory_space<vmem>>, vector<16xf32>,
      %add3A_1323 = arith.addf %add3A_1313, %get3A_1322 : vector<16xf32>
      %get3A_1324 = arith.constant 16 : i32
      %get3A_1325 = arith.index_cast %get3A_1324 : i32 to index
      %get3A_1326 = arith.constant 0 : index
      %get3A_1327 = tpu.vector_load %arg7[%get3A_1325, %get3A_1326] {strides = array<i32>} : memref<104x32xf32, #tpu.memory_space<vmem>>, vector<16xf32>,
      %add3A_1328 = arith.addf %add3A_1318, %get3A_1327 : vector<16xf32>
      %get3A_1329 = arith.constant 16 : i32
      %get3A_1330 = arith.index_cast %get3A_1329 : i32 to index
      %get3A_1331 = arith.constant 16 : index
      %get3A_1332 = tpu.vector_load %arg7[%get3A_1330, %get3A_1331] {strides = array<i32>} : memref<104x32xf32, #tpu.memory_space<vmem>>, vector<16xf32>,
      %add3A_1333 = arith.addf %add3A_1323, %get3A_1332 : vector<16xf32>
      %get3A_1334 = arith.constant 17 : i32
      %get3A_1335 = arith.index_cast %get3A_1334 : i32 to index
      %get3A_1336 = arith.constant 0 : index
      %get3A_1337 = tpu.vector_load %arg7[%get3A_1335, %get3A_1336] {strides = array<i32>} : memref<104x32xf32, #tpu.memory_space<vmem>>, vector<16xf32>,
      %add3A_1338 = arith.addf %add3A_1328, %get3A_1337 : vector<16xf32>
      %get3A_1339 = arith.constant 17 : i32
      %get3A_1340 = arith.index_cast %get3A_1339 : i32 to index
      %get3A_1341 = arith.constant 16 : index
      %get3A_1342 = tpu.vector_load %arg7[%get3A_1340, %get3A_1341] {strides = array<i32>} : memref<104x32xf32, #tpu.memory_space<vmem>>, vector<16xf32>,
      %add3A_1343 = arith.addf %add3A_1333, %get3A_1342 : vector<16xf32>
      %get3A_1344 = arith.constant 18 : i32
      %get3A_1345 = arith.index_cast %get3A_1344 : i32 to index
      %get3A_1346 = arith.constant 0 : index
      %get3A_1347 = tpu.vector_load %arg7[%get3A_1345, %get3A_1346] {strides = array<i32>} : memref<104x32xf32, #tpu.memory_space<vmem>>, vector<16xf32>,
      %add3A_1348 = arith.addf %add3A_1338, %get3A_1347 : vector<16xf32>
      %get3A_1349 = arith.constant 18 : i32
      %get3A_1350 = arith.index_cast %get3A_1349 : i32 to index
      %get3A_1351 = arith.constant 16 : index
      %get3A_1352 = tpu.vector_load %arg7[%get3A_1350, %get3A_1351] {strides = array<i32>} : memref<104x32xf32, #tpu.memory_space<vmem>>, vector<16xf32>,
      %add3A_1353 = arith.addf %add3A_1343, %get3A_1352 : vector<16xf32>
      %get3A_1354 = arith.constant 19 : i32
      %get3A_1355 = arith.index_cast %get3A_1354 : i32 to index
      %get3A_1356 = arith.constant 0 : index
      %get3A_1357 = tpu.vector_load %arg7[%get3A_1355, %get3A_1356] {strides = array<i32>} : memref<104x32xf32, #tpu.memory_space<vmem>>, vector<16xf32>,
      %add3A_1358 = arith.addf %add3A_1348, %get3A_1357 : vector<16xf32>
      %get3A_1359 = arith.constant 19 : i32
      %get3A_1360 = arith.index_cast %get3A_1359 : i32 to index
      %get3A_1361 = arith.constant 16 : index
      %get3A_1362 = tpu.vector_load %arg7[%get3A_1360, %get3A_1361] {strides = array<i32>} : memref<104x32xf32, #tpu.memory_space<vmem>>, vector<16xf32>,
      %add3A_1363 = arith.addf %add3A_1353, %get3A_1362 : vector<16xf32>
      %get3A_1364 = arith.constant 20 : i32
      %get3A_1365 = arith.index_cast %get3A_1364 : i32 to index
      %get3A_1366 = arith.constant 0 : index
      %get3A_1367 = tpu.vector_load %arg7[%get3A_1365, %get3A_1366] {strides = array<i32>} : memref<104x32xf32, #tpu.memory_space<vmem>>, vector<16xf32>,
      %add3A_1368 = arith.addf %add3A_1358, %get3A_1367 : vector<16xf32>
      %get3A_1369 = arith.constant 20 : i32
      %get3A_1370 = arith.index_cast %get3A_1369 : i32 to index
      %get3A_1371 = arith.constant 16 : index
      %get3A_1372 = tpu.vector_load %arg7[%get3A_1370, %get3A_1371] {strides = array<i32>} : memref<104x32xf32, #tpu.memory_space<vmem>>, vector<16xf32>,
      %add3A_1373 = arith.addf %add3A_1363, %get3A_1372 : vector<16xf32>
      %get3A_1374 = arith.constant 21 : i32
      %get3A_1375 = arith.index_cast %get3A_1374 : i32 to index
      %get3A_1376 = arith.constant 0 : index
      %get3A_1377 = tpu.vector_load %arg7[%get3A_1375, %get3A_1376] {strides = array<i32>} : memref<104x32xf32, #tpu.memory_space<vmem>>, vector<16xf32>,
      %add3A_1378 = arith.addf %add3A_1368, %get3A_1377 : vector<16xf32>
      %get3A_1379 = arith.constant 21 : i32
      %get3A_1380 = arith.index_cast %get3A_1379 : i32 to index
      %get3A_1381 = arith.constant 16 : index
      %get3A_1382 = tpu.vector_load %arg7[%get3A_1380, %get3A_1381] {strides = array<i32>} : memref<104x32xf32, #tpu.memory_space<vmem>>, vector<16xf32>,
      %add3A_1383 = arith.addf %add3A_1373, %get3A_1382 : vector<16xf32>
      %get3A_1384 = arith.constant 22 : i32
      %get3A_1385 = arith.index_cast %get3A_1384 : i32 to index
      %get3A_1386 = arith.constant 0 : index
      %get3A_1387 = tpu.vector_load %arg7[%get3A_1385, %get3A_1386] {strides = array<i32>} : memref<104x32xf32, #tpu.memory_space<vmem>>, vector<16xf32>,
      %add3A_1388 = arith.addf %add3A_1378, %get3A_1387 : vector<16xf32>
      %get3A_1389 = arith.constant 22 : i32
      %get3A_1390 = arith.index_cast %get3A_1389 : i32 to index
      %get3A_1391 = arith.constant 16 : index
      %get3A_1392 = tpu.vector_load %arg7[%get3A_1390, %get3A_1391] {strides = array<i32>} : memref<104x32xf32, #tpu.memory_space<vmem>>, vector<16xf32>,
      %add3A_1393 = arith.addf %add3A_1383, %get3A_1392 : vector<16xf32>
      %get3A_1394 = arith.constant 23 : i32
      %get3A_1395 = arith.index_cast %get3A_1394 : i32 to index
      %get3A_1396 = arith.constant 0 : index
      %get3A_1397 = tpu.vector_load %arg7[%get3A_1395, %get3A_1396] {strides = array<i32>} : memref<104x32xf32, #tpu.memory_space<vmem>>, vector<16xf32>,
      %add3A_1398 = arith.addf %add3A_1388, %get3A_1397 : vector<16xf32>
      %get3A_1399 = arith.constant 23 : i32
      %get3A_1400 = arith.index_cast %get3A_1399 : i32 to index
      %get3A_1401 = arith.constant 16 : index
      %get3A_1402 = tpu.vector_load %arg7[%get3A_1400, %get3A_1401] {strides = array<i32>} : memref<104x32xf32, #tpu.memory_space<vmem>>, vector<16xf32>,
      %add3A_1403 = arith.addf %add3A_1393, %get3A_1402 : vector<16xf32>
      %get3A_1404 = arith.constant 24 : i32
      %get3A_1405 = arith.index_cast %get3A_1404 : i32 to index
      %get3A_1406 = arith.constant 0 : index
      %get3A_1407 = tpu.vector_load %arg7[%get3A_1405, %get3A_1406] {strides = array<i32>} : memref<104x32xf32, #tpu.memory_space<vmem>>, vector<16xf32>,
      %add3A_1408 = arith.addf %add3A_1398, %get3A_1407 : vector<16xf32>
      %get3A_1409 = arith.constant 24 : i32
      %get3A_1410 = arith.index_cast %get3A_1409 : i32 to index
      %get3A_1411 = arith.constant 16 : index
      %get3A_1412 = tpu.vector_load %arg7[%get3A_1410, %get3A_1411] {strides = array<i32>} : memref<104x32xf32, #tpu.memory_space<vmem>>, vector<16xf32>,
      %add3A_1413 = arith.addf %add3A_1403, %get3A_1412 : vector<16xf32>
      %get3A_1414 = arith.constant 25 : i32
      %get3A_1415 = arith.index_cast %get3A_1414 : i32 to index
      %get3A_1416 = arith.constant 0 : index
      %get3A_1417 = tpu.vector_load %arg7[%get3A_1415, %get3A_1416] {strides = array<i32>} : memref<104x32xf32, #tpu.memory_space<vmem>>, vector<16xf32>,
      %add3A_1418 = arith.addf %add3A_1408, %get3A_1417 : vector<16xf32>
      %get3A_1419 = arith.constant 25 : i32
      %get3A_1420 = arith.index_cast %get3A_1419 : i32 to index
      %get3A_1421 = arith.constant 16 : index
      %get3A_1422 = tpu.vector_load %arg7[%get3A_1420, %get3A_1421] {strides = array<i32>} : memref<104x32xf32, #tpu.memory_space<vmem>>, vector<16xf32>,
      %add3A_1423 = arith.addf %add3A_1413, %get3A_1422 : vector<16xf32>
      %broadcast_in_dim3A_1424 = arith.constant 0 : i32
      %broadcast_in_dim3A_1425 = vector.broadcast %broadcast_in_dim3A_1424 : i32 to vector<16xi32>
      %add3A_1426 = arith.constant 0 : i32
      %add3A_1427 = arith.addi %add3A_1426, %add3A_1150 : i32
      %add3A_1428 = vector.broadcast %add3A_1427 : i32 to vector<16xi32>
      %add3A_1429 = arith.addi %broadcast_in_dim3A_1425, %add3A_1428 : vector<16xi32>
      %mul3A_1430 = arith.constant 0.0384615399 : f32
      %mul3A_1431 = vector.broadcast %mul3A_1430 : f32 to vector<16xf32>
      %mul3A_1432 = arith.mulf %add3A_1418, %mul3A_1431 : vector<16xf32>
      tpu.vector_store_idx %arg10[%iota3A_1165, %add3A_1429], %mul3A_1432 : memref<32x512xf32, #tpu.memory_space<vmem>>[vector<16xi32>, vector<16xi32>], vector<16xf32>,
      %add3A_1433 = arith.constant 16 : i32
      %add3A_1434 = vector.broadcast %add3A_1433 : i32 to vector<16xi32>
      %add3A_1435 = arith.addi %iota3A_1165, %add3A_1434 : vector<16xi32>
      %mul3A_1436 = arith.constant 0.0384615399 : f32
      %mul3A_1437 = vector.broadcast %mul3A_1436 : f32 to vector<16xf32>
      %mul3A_1438 = arith.mulf %add3A_1423, %mul3A_1437 : vector<16xf32>
      tpu.vector_store_idx %arg10[%add3A_1435, %add3A_1429], %mul3A_1438 : memref<32x512xf32, #tpu.memory_space<vmem>>[vector<16xi32>, vector<16xi32>], vector<16xf32>,
      %get3A_1439 = arith.constant 26 : i32
      %get3A_1440 = arith.index_cast %get3A_1439 : i32 to index
      %get3A_1441 = arith.constant 0 : index
      %get3A_1442 = tpu.vector_load %arg7[%get3A_1440, %get3A_1441] {strides = array<i32>} : memref<104x32xf32, #tpu.memory_space<vmem>>, vector<16xf32>,
      %get3A_1443 = arith.constant 26 : i32
      %get3A_1444 = arith.index_cast %get3A_1443 : i32 to index
      %get3A_1445 = arith.constant 16 : index
      %get3A_1446 = tpu.vector_load %arg7[%get3A_1444, %get3A_1445] {strides = array<i32>} : memref<104x32xf32, #tpu.memory_space<vmem>>, vector<16xf32>,
      %get3A_1447 = arith.constant 27 : i32
      %get3A_1448 = arith.index_cast %get3A_1447 : i32 to index
      %get3A_1449 = arith.constant 0 : index
      %get3A_1450 = tpu.vector_load %arg7[%get3A_1448, %get3A_1449] {strides = array<i32>} : memref<104x32xf32, #tpu.memory_space<vmem>>, vector<16xf32>,
      %add3A_1451 = arith.addf %get3A_1442, %get3A_1450 : vector<16xf32>
      %get3A_1452 = arith.constant 27 : i32
      %get3A_1453 = arith.index_cast %get3A_1452 : i32 to index
      %get3A_1454 = arith.constant 16 : index
      %get3A_1455 = tpu.vector_load %arg7[%get3A_1453, %get3A_1454] {strides = array<i32>} : memref<104x32xf32, #tpu.memory_space<vmem>>, vector<16xf32>,
      %add3A_1456 = arith.addf %get3A_1446, %get3A_1455 : vector<16xf32>
      %get3A_1457 = arith.constant 28 : i32
      %get3A_1458 = arith.index_cast %get3A_1457 : i32 to index
      %get3A_1459 = arith.constant 0 : index
      %get3A_1460 = tpu.vector_load %arg7[%get3A_1458, %get3A_1459] {strides = array<i32>} : memref<104x32xf32, #tpu.memory_space<vmem>>, vector<16xf32>,
      %add3A_1461 = arith.addf %add3A_1451, %get3A_1460 : vector<16xf32>
      %get3A_1462 = arith.constant 28 : i32
      %get3A_1463 = arith.index_cast %get3A_1462 : i32 to index
      %get3A_1464 = arith.constant 16 : index
      %get3A_1465 = tpu.vector_load %arg7[%get3A_1463, %get3A_1464] {strides = array<i32>} : memref<104x32xf32, #tpu.memory_space<vmem>>, vector<16xf32>,
      %add3A_1466 = arith.addf %add3A_1456, %get3A_1465 : vector<16xf32>
      %get3A_1467 = arith.constant 29 : i32
      %get3A_1468 = arith.index_cast %get3A_1467 : i32 to index
      %get3A_1469 = arith.constant 0 : index
      %get3A_1470 = tpu.vector_load %arg7[%get3A_1468, %get3A_1469] {strides = array<i32>} : memref<104x32xf32, #tpu.memory_space<vmem>>, vector<16xf32>,
      %add3A_1471 = arith.addf %add3A_1461, %get3A_1470 : vector<16xf32>
      %get3A_1472 = arith.constant 29 : i32
      %get3A_1473 = arith.index_cast %get3A_1472 : i32 to index
      %get3A_1474 = arith.constant 16 : index
      %get3A_1475 = tpu.vector_load %arg7[%get3A_1473, %get3A_1474] {strides = array<i32>} : memref<104x32xf32, #tpu.memory_space<vmem>>, vector<16xf32>,
      %add3A_1476 = arith.addf %add3A_1466, %get3A_1475 : vector<16xf32>
      %get3A_1477 = arith.constant 30 : i32
      %get3A_1478 = arith.index_cast %get3A_1477 : i32 to index
      %get3A_1479 = arith.constant 0 : index
      %get3A_1480 = tpu.vector_load %arg7[%get3A_1478, %get3A_1479] {strides = array<i32>} : memref<104x32xf32, #tpu.memory_space<vmem>>, vector<16xf32>,
      %add3A_1481 = arith.addf %add3A_1471, %get3A_1480 : vector<16xf32>
      %get3A_1482 = arith.constant 30 : i32
      %get3A_1483 = arith.index_cast %get3A_1482 : i32 to index
      %get3A_1484 = arith.constant 16 : index
      %get3A_1485 = tpu.vector_load %arg7[%get3A_1483, %get3A_1484] {strides = array<i32>} : memref<104x32xf32, #tpu.memory_space<vmem>>, vector<16xf32>,
      %add3A_1486 = arith.addf %add3A_1476, %get3A_1485 : vector<16xf32>
      %get3A_1487 = arith.constant 31 : i32
      %get3A_1488 = arith.index_cast %get3A_1487 : i32 to index
      %get3A_1489 = arith.constant 0 : index
      %get3A_1490 = tpu.vector_load %arg7[%get3A_1488, %get3A_1489] {strides = array<i32>} : memref<104x32xf32, #tpu.memory_space<vmem>>, vector<16xf32>,
      %add3A_1491 = arith.addf %add3A_1481, %get3A_1490 : vector<16xf32>
      %get3A_1492 = arith.constant 31 : i32
      %get3A_1493 = arith.index_cast %get3A_1492 : i32 to index
      %get3A_1494 = arith.constant 16 : index
      %get3A_1495 = tpu.vector_load %arg7[%get3A_1493, %get3A_1494] {strides = array<i32>} : memref<104x32xf32, #tpu.memory_space<vmem>>, vector<16xf32>,
      %add3A_1496 = arith.addf %add3A_1486, %get3A_1495 : vector<16xf32>
      %get3A_1497 = arith.constant 32 : i32
      %get3A_1498 = arith.index_cast %get3A_1497 : i32 to index
      %get3A_1499 = arith.constant 0 : index
      %get3A_1500 = tpu.vector_load %arg7[%get3A_1498, %get3A_1499] {strides = array<i32>} : memref<104x32xf32, #tpu.memory_space<vmem>>, vector<16xf32>,
      %add3A_1501 = arith.addf %add3A_1491, %get3A_1500 : vector<16xf32>
      %get3A_1502 = arith.constant 32 : i32
      %get3A_1503 = arith.index_cast %get3A_1502 : i32 to index
      %get3A_1504 = arith.constant 16 : index
      %get3A_1505 = tpu.vector_load %arg7[%get3A_1503, %get3A_1504] {strides = array<i32>} : memref<104x32xf32, #tpu.memory_space<vmem>>, vector<16xf32>,
      %add3A_1506 = arith.addf %add3A_1496, %get3A_1505 : vector<16xf32>
      %get3A_1507 = arith.constant 33 : i32
      %get3A_1508 = arith.index_cast %get3A_1507 : i32 to index
      %get3A_1509 = arith.constant 0 : index
      %get3A_1510 = tpu.vector_load %arg7[%get3A_1508, %get3A_1509] {strides = array<i32>} : memref<104x32xf32, #tpu.memory_space<vmem>>, vector<16xf32>,
      %add3A_1511 = arith.addf %add3A_1501, %get3A_1510 : vector<16xf32>
      %get3A_1512 = arith.constant 33 : i32
      %get3A_1513 = arith.index_cast %get3A_1512 : i32 to index
      %get3A_1514 = arith.constant 16 : index
      %get3A_1515 = tpu.vector_load %arg7[%get3A_1513, %get3A_1514] {strides = array<i32>} : memref<104x32xf32, #tpu.memory_space<vmem>>, vector<16xf32>,
      %add3A_1516 = arith.addf %add3A_1506, %get3A_1515 : vector<16xf32>
      %get3A_1517 = arith.constant 34 : i32
      %get3A_1518 = arith.index_cast %get3A_1517 : i32 to index
      %get3A_1519 = arith.constant 0 : index
      %get3A_1520 = tpu.vector_load %arg7[%get3A_1518, %get3A_1519] {strides = array<i32>} : memref<104x32xf32, #tpu.memory_space<vmem>>, vector<16xf32>,
      %add3A_1521 = arith.addf %add3A_1511, %get3A_1520 : vector<16xf32>
      %get3A_1522 = arith.constant 34 : i32
      %get3A_1523 = arith.index_cast %get3A_1522 : i32 to index
      %get3A_1524 = arith.constant 16 : index
      %get3A_1525 = tpu.vector_load %arg7[%get3A_1523, %get3A_1524] {strides = array<i32>} : memref<104x32xf32, #tpu.memory_space<vmem>>, vector<16xf32>,
      %add3A_1526 = arith.addf %add3A_1516, %get3A_1525 : vector<16xf32>
      %get3A_1527 = arith.constant 35 : i32
      %get3A_1528 = arith.index_cast %get3A_1527 : i32 to index
      %get3A_1529 = arith.constant 0 : index
      %get3A_1530 = tpu.vector_load %arg7[%get3A_1528, %get3A_1529] {strides = array<i32>} : memref<104x32xf32, #tpu.memory_space<vmem>>, vector<16xf32>,
      %add3A_1531 = arith.addf %add3A_1521, %get3A_1530 : vector<16xf32>
      %get3A_1532 = arith.constant 35 : i32
      %get3A_1533 = arith.index_cast %get3A_1532 : i32 to index
      %get3A_1534 = arith.constant 16 : index
      %get3A_1535 = tpu.vector_load %arg7[%get3A_1533, %get3A_1534] {strides = array<i32>} : memref<104x32xf32, #tpu.memory_space<vmem>>, vector<16xf32>,
      %add3A_1536 = arith.addf %add3A_1526, %get3A_1535 : vector<16xf32>
      %get3A_1537 = arith.constant 36 : i32
      %get3A_1538 = arith.index_cast %get3A_1537 : i32 to index
      %get3A_1539 = arith.constant 0 : index
      %get3A_1540 = tpu.vector_load %arg7[%get3A_1538, %get3A_1539] {strides = array<i32>} : memref<104x32xf32, #tpu.memory_space<vmem>>, vector<16xf32>,
      %add3A_1541 = arith.addf %add3A_1531, %get3A_1540 : vector<16xf32>
      %get3A_1542 = arith.constant 36 : i32
      %get3A_1543 = arith.index_cast %get3A_1542 : i32 to index
      %get3A_1544 = arith.constant 16 : index
      %get3A_1545 = tpu.vector_load %arg7[%get3A_1543, %get3A_1544] {strides = array<i32>} : memref<104x32xf32, #tpu.memory_space<vmem>>, vector<16xf32>,
      %add3A_1546 = arith.addf %add3A_1536, %get3A_1545 : vector<16xf32>
      %get3A_1547 = arith.constant 37 : i32
      %get3A_1548 = arith.index_cast %get3A_1547 : i32 to index
      %get3A_1549 = arith.constant 0 : index
      %get3A_1550 = tpu.vector_load %arg7[%get3A_1548, %get3A_1549] {strides = array<i32>} : memref<104x32xf32, #tpu.memory_space<vmem>>, vector<16xf32>,
      %add3A_1551 = arith.addf %add3A_1541, %get3A_1550 : vector<16xf32>
      %get3A_1552 = arith.constant 37 : i32
      %get3A_1553 = arith.index_cast %get3A_1552 : i32 to index
      %get3A_1554 = arith.constant 16 : index
      %get3A_1555 = tpu.vector_load %arg7[%get3A_1553, %get3A_1554] {strides = array<i32>} : memref<104x32xf32, #tpu.memory_space<vmem>>, vector<16xf32>,
      %add3A_1556 = arith.addf %add3A_1546, %get3A_1555 : vector<16xf32>
      %get3A_1557 = arith.constant 38 : i32
      %get3A_1558 = arith.index_cast %get3A_1557 : i32 to index
      %get3A_1559 = arith.constant 0 : index
      %get3A_1560 = tpu.vector_load %arg7[%get3A_1558, %get3A_1559] {strides = array<i32>} : memref<104x32xf32, #tpu.memory_space<vmem>>, vector<16xf32>,
      %add3A_1561 = arith.addf %add3A_1551, %get3A_1560 : vector<16xf32>
      %get3A_1562 = arith.constant 38 : i32
      %get3A_1563 = arith.index_cast %get3A_1562 : i32 to index
      %get3A_1564 = arith.constant 16 : index
      %get3A_1565 = tpu.vector_load %arg7[%get3A_1563, %get3A_1564] {strides = array<i32>} : memref<104x32xf32, #tpu.memory_space<vmem>>, vector<16xf32>,
      %add3A_1566 = arith.addf %add3A_1556, %get3A_1565 : vector<16xf32>
      %get3A_1567 = arith.constant 39 : i32
      %get3A_1568 = arith.index_cast %get3A_1567 : i32 to index
      %get3A_1569 = arith.constant 0 : index
      %get3A_1570 = tpu.vector_load %arg7[%get3A_1568, %get3A_1569] {strides = array<i32>} : memref<104x32xf32, #tpu.memory_space<vmem>>, vector<16xf32>,
      %add3A_1571 = arith.addf %add3A_1561, %get3A_1570 : vector<16xf32>
      %get3A_1572 = arith.constant 39 : i32
      %get3A_1573 = arith.index_cast %get3A_1572 : i32 to index
      %get3A_1574 = arith.constant 16 : index
      %get3A_1575 = tpu.vector_load %arg7[%get3A_1573, %get3A_1574] {strides = array<i32>} : memref<104x32xf32, #tpu.memory_space<vmem>>, vector<16xf32>,
      %add3A_1576 = arith.addf %add3A_1566, %get3A_1575 : vector<16xf32>
      %get3A_1577 = arith.constant 40 : i32
      %get3A_1578 = arith.index_cast %get3A_1577 : i32 to index
      %get3A_1579 = arith.constant 0 : index
      %get3A_1580 = tpu.vector_load %arg7[%get3A_1578, %get3A_1579] {strides = array<i32>} : memref<104x32xf32, #tpu.memory_space<vmem>>, vector<16xf32>,
      %add3A_1581 = arith.addf %add3A_1571, %get3A_1580 : vector<16xf32>
      %get3A_1582 = arith.constant 40 : i32
      %get3A_1583 = arith.index_cast %get3A_1582 : i32 to index
      %get3A_1584 = arith.constant 16 : index
      %get3A_1585 = tpu.vector_load %arg7[%get3A_1583, %get3A_1584] {strides = array<i32>} : memref<104x32xf32, #tpu.memory_space<vmem>>, vector<16xf32>,
      %add3A_1586 = arith.addf %add3A_1576, %get3A_1585 : vector<16xf32>
      %get3A_1587 = arith.constant 41 : i32
      %get3A_1588 = arith.index_cast %get3A_1587 : i32 to index
      %get3A_1589 = arith.constant 0 : index
      %get3A_1590 = tpu.vector_load %arg7[%get3A_1588, %get3A_1589] {strides = array<i32>} : memref<104x32xf32, #tpu.memory_space<vmem>>, vector<16xf32>,
      %add3A_1591 = arith.addf %add3A_1581, %get3A_1590 : vector<16xf32>
      %get3A_1592 = arith.constant 41 : i32
      %get3A_1593 = arith.index_cast %get3A_1592 : i32 to index
      %get3A_1594 = arith.constant 16 : index
      %get3A_1595 = tpu.vector_load %arg7[%get3A_1593, %get3A_1594] {strides = array<i32>} : memref<104x32xf32, #tpu.memory_space<vmem>>, vector<16xf32>,
      %add3A_1596 = arith.addf %add3A_1586, %get3A_1595 : vector<16xf32>
      %get3A_1597 = arith.constant 42 : i32
      %get3A_1598 = arith.index_cast %get3A_1597 : i32 to index
      %get3A_1599 = arith.constant 0 : index
      %get3A_1600 = tpu.vector_load %arg7[%get3A_1598, %get3A_1599] {strides = array<i32>} : memref<104x32xf32, #tpu.memory_space<vmem>>, vector<16xf32>,
      %add3A_1601 = arith.addf %add3A_1591, %get3A_1600 : vector<16xf32>
      %get3A_1602 = arith.constant 42 : i32
      %get3A_1603 = arith.index_cast %get3A_1602 : i32 to index
      %get3A_1604 = arith.constant 16 : index
      %get3A_1605 = tpu.vector_load %arg7[%get3A_1603, %get3A_1604] {strides = array<i32>} : memref<104x32xf32, #tpu.memory_space<vmem>>, vector<16xf32>,
      %add3A_1606 = arith.addf %add3A_1596, %get3A_1605 : vector<16xf32>
      %get3A_1607 = arith.constant 43 : i32
      %get3A_1608 = arith.index_cast %get3A_1607 : i32 to index
      %get3A_1609 = arith.constant 0 : index
      %get3A_1610 = tpu.vector_load %arg7[%get3A_1608, %get3A_1609] {strides = array<i32>} : memref<104x32xf32, #tpu.memory_space<vmem>>, vector<16xf32>,
      %add3A_1611 = arith.addf %add3A_1601, %get3A_1610 : vector<16xf32>
      %get3A_1612 = arith.constant 43 : i32
      %get3A_1613 = arith.index_cast %get3A_1612 : i32 to index
      %get3A_1614 = arith.constant 16 : index
      %get3A_1615 = tpu.vector_load %arg7[%get3A_1613, %get3A_1614] {strides = array<i32>} : memref<104x32xf32, #tpu.memory_space<vmem>>, vector<16xf32>,
      %add3A_1616 = arith.addf %add3A_1606, %get3A_1615 : vector<16xf32>
      %get3A_1617 = arith.constant 44 : i32
      %get3A_1618 = arith.index_cast %get3A_1617 : i32 to index
      %get3A_1619 = arith.constant 0 : index
      %get3A_1620 = tpu.vector_load %arg7[%get3A_1618, %get3A_1619] {strides = array<i32>} : memref<104x32xf32, #tpu.memory_space<vmem>>, vector<16xf32>,
      %add3A_1621 = arith.addf %add3A_1611, %get3A_1620 : vector<16xf32>
      %get3A_1622 = arith.constant 44 : i32
      %get3A_1623 = arith.index_cast %get3A_1622 : i32 to index
      %get3A_1624 = arith.constant 16 : index
      %get3A_1625 = tpu.vector_load %arg7[%get3A_1623, %get3A_1624] {strides = array<i32>} : memref<104x32xf32, #tpu.memory_space<vmem>>, vector<16xf32>,
      %add3A_1626 = arith.addf %add3A_1616, %get3A_1625 : vector<16xf32>
      %get3A_1627 = arith.constant 45 : i32
      %get3A_1628 = arith.index_cast %get3A_1627 : i32 to index
      %get3A_1629 = arith.constant 0 : index
      %get3A_1630 = tpu.vector_load %arg7[%get3A_1628, %get3A_1629] {strides = array<i32>} : memref<104x32xf32, #tpu.memory_space<vmem>>, vector<16xf32>,
      %add3A_1631 = arith.addf %add3A_1621, %get3A_1630 : vector<16xf32>
      %get3A_1632 = arith.constant 45 : i32
      %get3A_1633 = arith.index_cast %get3A_1632 : i32 to index
      %get3A_1634 = arith.constant 16 : index
      %get3A_1635 = tpu.vector_load %arg7[%get3A_1633, %get3A_1634] {strides = array<i32>} : memref<104x32xf32, #tpu.memory_space<vmem>>, vector<16xf32>,
      %add3A_1636 = arith.addf %add3A_1626, %get3A_1635 : vector<16xf32>
      %get3A_1637 = arith.constant 46 : i32
      %get3A_1638 = arith.index_cast %get3A_1637 : i32 to index
      %get3A_1639 = arith.constant 0 : index
      %get3A_1640 = tpu.vector_load %arg7[%get3A_1638, %get3A_1639] {strides = array<i32>} : memref<104x32xf32, #tpu.memory_space<vmem>>, vector<16xf32>,
      %add3A_1641 = arith.addf %add3A_1631, %get3A_1640 : vector<16xf32>
      %get3A_1642 = arith.constant 46 : i32
      %get3A_1643 = arith.index_cast %get3A_1642 : i32 to index
      %get3A_1644 = arith.constant 16 : index
      %get3A_1645 = tpu.vector_load %arg7[%get3A_1643, %get3A_1644] {strides = array<i32>} : memref<104x32xf32, #tpu.memory_space<vmem>>, vector<16xf32>,
      %add3A_1646 = arith.addf %add3A_1636, %get3A_1645 : vector<16xf32>
      %get3A_1647 = arith.constant 47 : i32
      %get3A_1648 = arith.index_cast %get3A_1647 : i32 to index
      %get3A_1649 = arith.constant 0 : index
      %get3A_1650 = tpu.vector_load %arg7[%get3A_1648, %get3A_1649] {strides = array<i32>} : memref<104x32xf32, #tpu.memory_space<vmem>>, vector<16xf32>,
      %add3A_1651 = arith.addf %add3A_1641, %get3A_1650 : vector<16xf32>
      %get3A_1652 = arith.constant 47 : i32
      %get3A_1653 = arith.index_cast %get3A_1652 : i32 to index
      %get3A_1654 = arith.constant 16 : index
      %get3A_1655 = tpu.vector_load %arg7[%get3A_1653, %get3A_1654] {strides = array<i32>} : memref<104x32xf32, #tpu.memory_space<vmem>>, vector<16xf32>,
      %add3A_1656 = arith.addf %add3A_1646, %get3A_1655 : vector<16xf32>
      %get3A_1657 = arith.constant 48 : i32
      %get3A_1658 = arith.index_cast %get3A_1657 : i32 to index
      %get3A_1659 = arith.constant 0 : index
      %get3A_1660 = tpu.vector_load %arg7[%get3A_1658, %get3A_1659] {strides = array<i32>} : memref<104x32xf32, #tpu.memory_space<vmem>>, vector<16xf32>,
      %add3A_1661 = arith.addf %add3A_1651, %get3A_1660 : vector<16xf32>
      %get3A_1662 = arith.constant 48 : i32
      %get3A_1663 = arith.index_cast %get3A_1662 : i32 to index
      %get3A_1664 = arith.constant 16 : index
      %get3A_1665 = tpu.vector_load %arg7[%get3A_1663, %get3A_1664] {strides = array<i32>} : memref<104x32xf32, #tpu.memory_space<vmem>>, vector<16xf32>,
      %add3A_1666 = arith.addf %add3A_1656, %get3A_1665 : vector<16xf32>
      %get3A_1667 = arith.constant 49 : i32
      %get3A_1668 = arith.index_cast %get3A_1667 : i32 to index
      %get3A_1669 = arith.constant 0 : index
      %get3A_1670 = tpu.vector_load %arg7[%get3A_1668, %get3A_1669] {strides = array<i32>} : memref<104x32xf32, #tpu.memory_space<vmem>>, vector<16xf32>,
      %add3A_1671 = arith.addf %add3A_1661, %get3A_1670 : vector<16xf32>
      %get3A_1672 = arith.constant 49 : i32
      %get3A_1673 = arith.index_cast %get3A_1672 : i32 to index
      %get3A_1674 = arith.constant 16 : index
      %get3A_1675 = tpu.vector_load %arg7[%get3A_1673, %get3A_1674] {strides = array<i32>} : memref<104x32xf32, #tpu.memory_space<vmem>>, vector<16xf32>,
      %add3A_1676 = arith.addf %add3A_1666, %get3A_1675 : vector<16xf32>
      %get3A_1677 = arith.constant 50 : i32
      %get3A_1678 = arith.index_cast %get3A_1677 : i32 to index
      %get3A_1679 = arith.constant 0 : index
      %get3A_1680 = tpu.vector_load %arg7[%get3A_1678, %get3A_1679] {strides = array<i32>} : memref<104x32xf32, #tpu.memory_space<vmem>>, vector<16xf32>,
      %add3A_1681 = arith.addf %add3A_1671, %get3A_1680 : vector<16xf32>
      %get3A_1682 = arith.constant 50 : i32
      %get3A_1683 = arith.index_cast %get3A_1682 : i32 to index
      %get3A_1684 = arith.constant 16 : index
      %get3A_1685 = tpu.vector_load %arg7[%get3A_1683, %get3A_1684] {strides = array<i32>} : memref<104x32xf32, #tpu.memory_space<vmem>>, vector<16xf32>,
      %add3A_1686 = arith.addf %add3A_1676, %get3A_1685 : vector<16xf32>
      %get3A_1687 = arith.constant 51 : i32
      %get3A_1688 = arith.index_cast %get3A_1687 : i32 to index
      %get3A_1689 = arith.constant 0 : index
      %get3A_1690 = tpu.vector_load %arg7[%get3A_1688, %get3A_1689] {strides = array<i32>} : memref<104x32xf32, #tpu.memory_space<vmem>>, vector<16xf32>,
      %add3A_1691 = arith.addf %add3A_1681, %get3A_1690 : vector<16xf32>
      %get3A_1692 = arith.constant 51 : i32
      %get3A_1693 = arith.index_cast %get3A_1692 : i32 to index
      %get3A_1694 = arith.constant 16 : index
      %get3A_1695 = tpu.vector_load %arg7[%get3A_1693, %get3A_1694] {strides = array<i32>} : memref<104x32xf32, #tpu.memory_space<vmem>>, vector<16xf32>,
      %add3A_1696 = arith.addf %add3A_1686, %get3A_1695 : vector<16xf32>
      %broadcast_in_dim3A_1697 = arith.constant 0 : i32
      %broadcast_in_dim3A_1698 = vector.broadcast %broadcast_in_dim3A_1697 : i32 to vector<16xi32>
      %add3A_1699 = arith.constant 128 : i32
      %add3A_1700 = arith.addi %add3A_1699, %add3A_1150 : i32
      %add3A_1701 = vector.broadcast %add3A_1700 : i32 to vector<16xi32>
      %add3A_1702 = arith.addi %broadcast_in_dim3A_1698, %add3A_1701 : vector<16xi32>
      %mul3A_1703 = arith.constant 0.0384615399 : f32
      %mul3A_1704 = vector.broadcast %mul3A_1703 : f32 to vector<16xf32>
      %mul3A_1705 = arith.mulf %add3A_1691, %mul3A_1704 : vector<16xf32>
      tpu.vector_store_idx %arg10[%iota3A_1165, %add3A_1702], %mul3A_1705 : memref<32x512xf32, #tpu.memory_space<vmem>>[vector<16xi32>, vector<16xi32>], vector<16xf32>,
      %add3A_1706 = arith.constant 16 : i32
      %add3A_1707 = vector.broadcast %add3A_1706 : i32 to vector<16xi32>
      %add3A_1708 = arith.addi %iota3A_1165, %add3A_1707 : vector<16xi32>
      %mul3A_1709 = arith.constant 0.0384615399 : f32
      %mul3A_1710 = vector.broadcast %mul3A_1709 : f32 to vector<16xf32>
      %mul3A_1711 = arith.mulf %add3A_1696, %mul3A_1710 : vector<16xf32>
      tpu.vector_store_idx %arg10[%add3A_1708, %add3A_1702], %mul3A_1711 : memref<32x512xf32, #tpu.memory_space<vmem>>[vector<16xi32>, vector<16xi32>], vector<16xf32>,
      %get3A_1712 = arith.constant 52 : i32
      %get3A_1713 = arith.index_cast %get3A_1712 : i32 to index
      %get3A_1714 = arith.constant 0 : index
      %get3A_1715 = tpu.vector_load %arg7[%get3A_1713, %get3A_1714] {strides = array<i32>} : memref<104x32xf32, #tpu.memory_space<vmem>>, vector<16xf32>,
      %get3A_1716 = arith.constant 52 : i32
      %get3A_1717 = arith.index_cast %get3A_1716 : i32 to index
      %get3A_1718 = arith.constant 16 : index
      %get3A_1719 = tpu.vector_load %arg7[%get3A_1717, %get3A_1718] {strides = array<i32>} : memref<104x32xf32, #tpu.memory_space<vmem>>, vector<16xf32>,
      %get3A_1720 = arith.constant 53 : i32
      %get3A_1721 = arith.index_cast %get3A_1720 : i32 to index
      %get3A_1722 = arith.constant 0 : index
      %get3A_1723 = tpu.vector_load %arg7[%get3A_1721, %get3A_1722] {strides = array<i32>} : memref<104x32xf32, #tpu.memory_space<vmem>>, vector<16xf32>,
      %add3A_1724 = arith.addf %get3A_1715, %get3A_1723 : vector<16xf32>
      %get3A_1725 = arith.constant 53 : i32
      %get3A_1726 = arith.index_cast %get3A_1725 : i32 to index
      %get3A_1727 = arith.constant 16 : index
      %get3A_1728 = tpu.vector_load %arg7[%get3A_1726, %get3A_1727] {strides = array<i32>} : memref<104x32xf32, #tpu.memory_space<vmem>>, vector<16xf32>,
      %add3A_1729 = arith.addf %get3A_1719, %get3A_1728 : vector<16xf32>
      %get3A_1730 = arith.constant 54 : i32
      %get3A_1731 = arith.index_cast %get3A_1730 : i32 to index
      %get3A_1732 = arith.constant 0 : index
      %get3A_1733 = tpu.vector_load %arg7[%get3A_1731, %get3A_1732] {strides = array<i32>} : memref<104x32xf32, #tpu.memory_space<vmem>>, vector<16xf32>,
      %add3A_1734 = arith.addf %add3A_1724, %get3A_1733 : vector<16xf32>
      %get3A_1735 = arith.constant 54 : i32
      %get3A_1736 = arith.index_cast %get3A_1735 : i32 to index
      %get3A_1737 = arith.constant 16 : index
      %get3A_1738 = tpu.vector_load %arg7[%get3A_1736, %get3A_1737] {strides = array<i32>} : memref<104x32xf32, #tpu.memory_space<vmem>>, vector<16xf32>,
      %add3A_1739 = arith.addf %add3A_1729, %get3A_1738 : vector<16xf32>
      %get3A_1740 = arith.constant 55 : i32
      %get3A_1741 = arith.index_cast %get3A_1740 : i32 to index
      %get3A_1742 = arith.constant 0 : index
      %get3A_1743 = tpu.vector_load %arg7[%get3A_1741, %get3A_1742] {strides = array<i32>} : memref<104x32xf32, #tpu.memory_space<vmem>>, vector<16xf32>,
      %add3A_1744 = arith.addf %add3A_1734, %get3A_1743 : vector<16xf32>
      %get3A_1745 = arith.constant 55 : i32
      %get3A_1746 = arith.index_cast %get3A_1745 : i32 to index
      %get3A_1747 = arith.constant 16 : index
      %get3A_1748 = tpu.vector_load %arg7[%get3A_1746, %get3A_1747] {strides = array<i32>} : memref<104x32xf32, #tpu.memory_space<vmem>>, vector<16xf32>,
      %add3A_1749 = arith.addf %add3A_1739, %get3A_1748 : vector<16xf32>
      %get3A_1750 = arith.constant 56 : i32
      %get3A_1751 = arith.index_cast %get3A_1750 : i32 to index
      %get3A_1752 = arith.constant 0 : index
      %get3A_1753 = tpu.vector_load %arg7[%get3A_1751, %get3A_1752] {strides = array<i32>} : memref<104x32xf32, #tpu.memory_space<vmem>>, vector<16xf32>,
      %add3A_1754 = arith.addf %add3A_1744, %get3A_1753 : vector<16xf32>
      %get3A_1755 = arith.constant 56 : i32
      %get3A_1756 = arith.index_cast %get3A_1755 : i32 to index
      %get3A_1757 = arith.constant 16 : index
      %get3A_1758 = tpu.vector_load %arg7[%get3A_1756, %get3A_1757] {strides = array<i32>} : memref<104x32xf32, #tpu.memory_space<vmem>>, vector<16xf32>,
      %add3A_1759 = arith.addf %add3A_1749, %get3A_1758 : vector<16xf32>
      %get3A_1760 = arith.constant 57 : i32
      %get3A_1761 = arith.index_cast %get3A_1760 : i32 to index
      %get3A_1762 = arith.constant 0 : index
      %get3A_1763 = tpu.vector_load %arg7[%get3A_1761, %get3A_1762] {strides = array<i32>} : memref<104x32xf32, #tpu.memory_space<vmem>>, vector<16xf32>,
      %add3A_1764 = arith.addf %add3A_1754, %get3A_1763 : vector<16xf32>
      %get3A_1765 = arith.constant 57 : i32
      %get3A_1766 = arith.index_cast %get3A_1765 : i32 to index
      %get3A_1767 = arith.constant 16 : index
      %get3A_1768 = tpu.vector_load %arg7[%get3A_1766, %get3A_1767] {strides = array<i32>} : memref<104x32xf32, #tpu.memory_space<vmem>>, vector<16xf32>,
      %add3A_1769 = arith.addf %add3A_1759, %get3A_1768 : vector<16xf32>
      %get3A_1770 = arith.constant 58 : i32
      %get3A_1771 = arith.index_cast %get3A_1770 : i32 to index
      %get3A_1772 = arith.constant 0 : index
      %get3A_1773 = tpu.vector_load %arg7[%get3A_1771, %get3A_1772] {strides = array<i32>} : memref<104x32xf32, #tpu.memory_space<vmem>>, vector<16xf32>,
      %add3A_1774 = arith.addf %add3A_1764, %get3A_1773 : vector<16xf32>
      %get3A_1775 = arith.constant 58 : i32
      %get3A_1776 = arith.index_cast %get3A_1775 : i32 to index
      %get3A_1777 = arith.constant 16 : index
      %get3A_1778 = tpu.vector_load %arg7[%get3A_1776, %get3A_1777] {strides = array<i32>} : memref<104x32xf32, #tpu.memory_space<vmem>>, vector<16xf32>,
      %add3A_1779 = arith.addf %add3A_1769, %get3A_1778 : vector<16xf32>
      %get3A_1780 = arith.constant 59 : i32
      %get3A_1781 = arith.index_cast %get3A_1780 : i32 to index
      %get3A_1782 = arith.constant 0 : index
      %get3A_1783 = tpu.vector_load %arg7[%get3A_1781, %get3A_1782] {strides = array<i32>} : memref<104x32xf32, #tpu.memory_space<vmem>>, vector<16xf32>,
      %add3A_1784 = arith.addf %add3A_1774, %get3A_1783 : vector<16xf32>
      %get3A_1785 = arith.constant 59 : i32
      %get3A_1786 = arith.index_cast %get3A_1785 : i32 to index
      %get3A_1787 = arith.constant 16 : index
      %get3A_1788 = tpu.vector_load %arg7[%get3A_1786, %get3A_1787] {strides = array<i32>} : memref<104x32xf32, #tpu.memory_space<vmem>>, vector<16xf32>,
      %add3A_1789 = arith.addf %add3A_1779, %get3A_1788 : vector<16xf32>
      %get3A_1790 = arith.constant 60 : i32
      %get3A_1791 = arith.index_cast %get3A_1790 : i32 to index
      %get3A_1792 = arith.constant 0 : index
      %get3A_1793 = tpu.vector_load %arg7[%get3A_1791, %get3A_1792] {strides = array<i32>} : memref<104x32xf32, #tpu.memory_space<vmem>>, vector<16xf32>,
      %add3A_1794 = arith.addf %add3A_1784, %get3A_1793 : vector<16xf32>
      %get3A_1795 = arith.constant 60 : i32
      %get3A_1796 = arith.index_cast %get3A_1795 : i32 to index
      %get3A_1797 = arith.constant 16 : index
      %get3A_1798 = tpu.vector_load %arg7[%get3A_1796, %get3A_1797] {strides = array<i32>} : memref<104x32xf32, #tpu.memory_space<vmem>>, vector<16xf32>,
      %add3A_1799 = arith.addf %add3A_1789, %get3A_1798 : vector<16xf32>
      %get3A_1800 = arith.constant 61 : i32
      %get3A_1801 = arith.index_cast %get3A_1800 : i32 to index
      %get3A_1802 = arith.constant 0 : index
      %get3A_1803 = tpu.vector_load %arg7[%get3A_1801, %get3A_1802] {strides = array<i32>} : memref<104x32xf32, #tpu.memory_space<vmem>>, vector<16xf32>,
      %add3A_1804 = arith.addf %add3A_1794, %get3A_1803 : vector<16xf32>
      %get3A_1805 = arith.constant 61 : i32
      %get3A_1806 = arith.index_cast %get3A_1805 : i32 to index
      %get3A_1807 = arith.constant 16 : index
      %get3A_1808 = tpu.vector_load %arg7[%get3A_1806, %get3A_1807] {strides = array<i32>} : memref<104x32xf32, #tpu.memory_space<vmem>>, vector<16xf32>,
      %add3A_1809 = arith.addf %add3A_1799, %get3A_1808 : vector<16xf32>
      %get3A_1810 = arith.constant 62 : i32
      %get3A_1811 = arith.index_cast %get3A_1810 : i32 to index
      %get3A_1812 = arith.constant 0 : index
      %get3A_1813 = tpu.vector_load %arg7[%get3A_1811, %get3A_1812] {strides = array<i32>} : memref<104x32xf32, #tpu.memory_space<vmem>>, vector<16xf32>,
      %add3A_1814 = arith.addf %add3A_1804, %get3A_1813 : vector<16xf32>
      %get3A_1815 = arith.constant 62 : i32
      %get3A_1816 = arith.index_cast %get3A_1815 : i32 to index
      %get3A_1817 = arith.constant 16 : index
      %get3A_1818 = tpu.vector_load %arg7[%get3A_1816, %get3A_1817] {strides = array<i32>} : memref<104x32xf32, #tpu.memory_space<vmem>>, vector<16xf32>,
      %add3A_1819 = arith.addf %add3A_1809, %get3A_1818 : vector<16xf32>
      %get3A_1820 = arith.constant 63 : i32
      %get3A_1821 = arith.index_cast %get3A_1820 : i32 to index
      %get3A_1822 = arith.constant 0 : index
      %get3A_1823 = tpu.vector_load %arg7[%get3A_1821, %get3A_1822] {strides = array<i32>} : memref<104x32xf32, #tpu.memory_space<vmem>>, vector<16xf32>,
      %add3A_1824 = arith.addf %add3A_1814, %get3A_1823 : vector<16xf32>
      %get3A_1825 = arith.constant 63 : i32
      %get3A_1826 = arith.index_cast %get3A_1825 : i32 to index
      %get3A_1827 = arith.constant 16 : index
      %get3A_1828 = tpu.vector_load %arg7[%get3A_1826, %get3A_1827] {strides = array<i32>} : memref<104x32xf32, #tpu.memory_space<vmem>>, vector<16xf32>,
      %add3A_1829 = arith.addf %add3A_1819, %get3A_1828 : vector<16xf32>
      %get3A_1830 = arith.constant 64 : i32
      %get3A_1831 = arith.index_cast %get3A_1830 : i32 to index
      %get3A_1832 = arith.constant 0 : index
      %get3A_1833 = tpu.vector_load %arg7[%get3A_1831, %get3A_1832] {strides = array<i32>} : memref<104x32xf32, #tpu.memory_space<vmem>>, vector<16xf32>,
      %add3A_1834 = arith.addf %add3A_1824, %get3A_1833 : vector<16xf32>
      %get3A_1835 = arith.constant 64 : i32
      %get3A_1836 = arith.index_cast %get3A_1835 : i32 to index
      %get3A_1837 = arith.constant 16 : index
      %get3A_1838 = tpu.vector_load %arg7[%get3A_1836, %get3A_1837] {strides = array<i32>} : memref<104x32xf32, #tpu.memory_space<vmem>>, vector<16xf32>,
      %add3A_1839 = arith.addf %add3A_1829, %get3A_1838 : vector<16xf32>
      %get3A_1840 = arith.constant 65 : i32
      %get3A_1841 = arith.index_cast %get3A_1840 : i32 to index
      %get3A_1842 = arith.constant 0 : index
      %get3A_1843 = tpu.vector_load %arg7[%get3A_1841, %get3A_1842] {strides = array<i32>} : memref<104x32xf32, #tpu.memory_space<vmem>>, vector<16xf32>,
      %add3A_1844 = arith.addf %add3A_1834, %get3A_1843 : vector<16xf32>
      %get3A_1845 = arith.constant 65 : i32
      %get3A_1846 = arith.index_cast %get3A_1845 : i32 to index
      %get3A_1847 = arith.constant 16 : index
      %get3A_1848 = tpu.vector_load %arg7[%get3A_1846, %get3A_1847] {strides = array<i32>} : memref<104x32xf32, #tpu.memory_space<vmem>>, vector<16xf32>,
      %add3A_1849 = arith.addf %add3A_1839, %get3A_1848 : vector<16xf32>
      %get3A_1850 = arith.constant 66 : i32
      %get3A_1851 = arith.index_cast %get3A_1850 : i32 to index
      %get3A_1852 = arith.constant 0 : index
      %get3A_1853 = tpu.vector_load %arg7[%get3A_1851, %get3A_1852] {strides = array<i32>} : memref<104x32xf32, #tpu.memory_space<vmem>>, vector<16xf32>,
      %add3A_1854 = arith.addf %add3A_1844, %get3A_1853 : vector<16xf32>
      %get3A_1855 = arith.constant 66 : i32
      %get3A_1856 = arith.index_cast %get3A_1855 : i32 to index
      %get3A_1857 = arith.constant 16 : index
      %get3A_1858 = tpu.vector_load %arg7[%get3A_1856, %get3A_1857] {strides = array<i32>} : memref<104x32xf32, #tpu.memory_space<vmem>>, vector<16xf32>,
      %add3A_1859 = arith.addf %add3A_1849, %get3A_1858 : vector<16xf32>
      %get3A_1860 = arith.constant 67 : i32
      %get3A_1861 = arith.index_cast %get3A_1860 : i32 to index
      %get3A_1862 = arith.constant 0 : index
      %get3A_1863 = tpu.vector_load %arg7[%get3A_1861, %get3A_1862] {strides = array<i32>} : memref<104x32xf32, #tpu.memory_space<vmem>>, vector<16xf32>,
      %add3A_1864 = arith.addf %add3A_1854, %get3A_1863 : vector<16xf32>
      %get3A_1865 = arith.constant 67 : i32
      %get3A_1866 = arith.index_cast %get3A_1865 : i32 to index
      %get3A_1867 = arith.constant 16 : index
      %get3A_1868 = tpu.vector_load %arg7[%get3A_1866, %get3A_1867] {strides = array<i32>} : memref<104x32xf32, #tpu.memory_space<vmem>>, vector<16xf32>,
      %add3A_1869 = arith.addf %add3A_1859, %get3A_1868 : vector<16xf32>
      %get3A_1870 = arith.constant 68 : i32
      %get3A_1871 = arith.index_cast %get3A_1870 : i32 to index
      %get3A_1872 = arith.constant 0 : index
      %get3A_1873 = tpu.vector_load %arg7[%get3A_1871, %get3A_1872] {strides = array<i32>} : memref<104x32xf32, #tpu.memory_space<vmem>>, vector<16xf32>,
      %add3A_1874 = arith.addf %add3A_1864, %get3A_1873 : vector<16xf32>
      %get3A_1875 = arith.constant 68 : i32
      %get3A_1876 = arith.index_cast %get3A_1875 : i32 to index
      %get3A_1877 = arith.constant 16 : index
      %get3A_1878 = tpu.vector_load %arg7[%get3A_1876, %get3A_1877] {strides = array<i32>} : memref<104x32xf32, #tpu.memory_space<vmem>>, vector<16xf32>,
      %add3A_1879 = arith.addf %add3A_1869, %get3A_1878 : vector<16xf32>
      %get3A_1880 = arith.constant 69 : i32
      %get3A_1881 = arith.index_cast %get3A_1880 : i32 to index
      %get3A_1882 = arith.constant 0 : index
      %get3A_1883 = tpu.vector_load %arg7[%get3A_1881, %get3A_1882] {strides = array<i32>} : memref<104x32xf32, #tpu.memory_space<vmem>>, vector<16xf32>,
      %add3A_1884 = arith.addf %add3A_1874, %get3A_1883 : vector<16xf32>
      %get3A_1885 = arith.constant 69 : i32
      %get3A_1886 = arith.index_cast %get3A_1885 : i32 to index
      %get3A_1887 = arith.constant 16 : index
      %get3A_1888 = tpu.vector_load %arg7[%get3A_1886, %get3A_1887] {strides = array<i32>} : memref<104x32xf32, #tpu.memory_space<vmem>>, vector<16xf32>,
      %add3A_1889 = arith.addf %add3A_1879, %get3A_1888 : vector<16xf32>
      %get3A_1890 = arith.constant 70 : i32
      %get3A_1891 = arith.index_cast %get3A_1890 : i32 to index
      %get3A_1892 = arith.constant 0 : index
      %get3A_1893 = tpu.vector_load %arg7[%get3A_1891, %get3A_1892] {strides = array<i32>} : memref<104x32xf32, #tpu.memory_space<vmem>>, vector<16xf32>,
      %add3A_1894 = arith.addf %add3A_1884, %get3A_1893 : vector<16xf32>
      %get3A_1895 = arith.constant 70 : i32
      %get3A_1896 = arith.index_cast %get3A_1895 : i32 to index
      %get3A_1897 = arith.constant 16 : index
      %get3A_1898 = tpu.vector_load %arg7[%get3A_1896, %get3A_1897] {strides = array<i32>} : memref<104x32xf32, #tpu.memory_space<vmem>>, vector<16xf32>,
      %add3A_1899 = arith.addf %add3A_1889, %get3A_1898 : vector<16xf32>
      %get3A_1900 = arith.constant 71 : i32
      %get3A_1901 = arith.index_cast %get3A_1900 : i32 to index
      %get3A_1902 = arith.constant 0 : index
      %get3A_1903 = tpu.vector_load %arg7[%get3A_1901, %get3A_1902] {strides = array<i32>} : memref<104x32xf32, #tpu.memory_space<vmem>>, vector<16xf32>,
      %add3A_1904 = arith.addf %add3A_1894, %get3A_1903 : vector<16xf32>
      %get3A_1905 = arith.constant 71 : i32
      %get3A_1906 = arith.index_cast %get3A_1905 : i32 to index
      %get3A_1907 = arith.constant 16 : index
      %get3A_1908 = tpu.vector_load %arg7[%get3A_1906, %get3A_1907] {strides = array<i32>} : memref<104x32xf32, #tpu.memory_space<vmem>>, vector<16xf32>,
      %add3A_1909 = arith.addf %add3A_1899, %get3A_1908 : vector<16xf32>
      %get3A_1910 = arith.constant 72 : i32
      %get3A_1911 = arith.index_cast %get3A_1910 : i32 to index
      %get3A_1912 = arith.constant 0 : index
      %get3A_1913 = tpu.vector_load %arg7[%get3A_1911, %get3A_1912] {strides = array<i32>} : memref<104x32xf32, #tpu.memory_space<vmem>>, vector<16xf32>,
      %add3A_1914 = arith.addf %add3A_1904, %get3A_1913 : vector<16xf32>
      %get3A_1915 = arith.constant 72 : i32
      %get3A_1916 = arith.index_cast %get3A_1915 : i32 to index
      %get3A_1917 = arith.constant 16 : index
      %get3A_1918 = tpu.vector_load %arg7[%get3A_1916, %get3A_1917] {strides = array<i32>} : memref<104x32xf32, #tpu.memory_space<vmem>>, vector<16xf32>,
      %add3A_1919 = arith.addf %add3A_1909, %get3A_1918 : vector<16xf32>
      %get3A_1920 = arith.constant 73 : i32
      %get3A_1921 = arith.index_cast %get3A_1920 : i32 to index
      %get3A_1922 = arith.constant 0 : index
      %get3A_1923 = tpu.vector_load %arg7[%get3A_1921, %get3A_1922] {strides = array<i32>} : memref<104x32xf32, #tpu.memory_space<vmem>>, vector<16xf32>,
      %add3A_1924 = arith.addf %add3A_1914, %get3A_1923 : vector<16xf32>
      %get3A_1925 = arith.constant 73 : i32
      %get3A_1926 = arith.index_cast %get3A_1925 : i32 to index
      %get3A_1927 = arith.constant 16 : index
      %get3A_1928 = tpu.vector_load %arg7[%get3A_1926, %get3A_1927] {strides = array<i32>} : memref<104x32xf32, #tpu.memory_space<vmem>>, vector<16xf32>,
      %add3A_1929 = arith.addf %add3A_1919, %get3A_1928 : vector<16xf32>
      %get3A_1930 = arith.constant 74 : i32
      %get3A_1931 = arith.index_cast %get3A_1930 : i32 to index
      %get3A_1932 = arith.constant 0 : index
      %get3A_1933 = tpu.vector_load %arg7[%get3A_1931, %get3A_1932] {strides = array<i32>} : memref<104x32xf32, #tpu.memory_space<vmem>>, vector<16xf32>,
      %add3A_1934 = arith.addf %add3A_1924, %get3A_1933 : vector<16xf32>
      %get3A_1935 = arith.constant 74 : i32
      %get3A_1936 = arith.index_cast %get3A_1935 : i32 to index
      %get3A_1937 = arith.constant 16 : index
      %get3A_1938 = tpu.vector_load %arg7[%get3A_1936, %get3A_1937] {strides = array<i32>} : memref<104x32xf32, #tpu.memory_space<vmem>>, vector<16xf32>,
      %add3A_1939 = arith.addf %add3A_1929, %get3A_1938 : vector<16xf32>
      %get3A_1940 = arith.constant 75 : i32
      %get3A_1941 = arith.index_cast %get3A_1940 : i32 to index
      %get3A_1942 = arith.constant 0 : index
      %get3A_1943 = tpu.vector_load %arg7[%get3A_1941, %get3A_1942] {strides = array<i32>} : memref<104x32xf32, #tpu.memory_space<vmem>>, vector<16xf32>,
      %add3A_1944 = arith.addf %add3A_1934, %get3A_1943 : vector<16xf32>
      %get3A_1945 = arith.constant 75 : i32
      %get3A_1946 = arith.index_cast %get3A_1945 : i32 to index
      %get3A_1947 = arith.constant 16 : index
      %get3A_1948 = tpu.vector_load %arg7[%get3A_1946, %get3A_1947] {strides = array<i32>} : memref<104x32xf32, #tpu.memory_space<vmem>>, vector<16xf32>,
      %add3A_1949 = arith.addf %add3A_1939, %get3A_1948 : vector<16xf32>
      %get3A_1950 = arith.constant 76 : i32
      %get3A_1951 = arith.index_cast %get3A_1950 : i32 to index
      %get3A_1952 = arith.constant 0 : index
      %get3A_1953 = tpu.vector_load %arg7[%get3A_1951, %get3A_1952] {strides = array<i32>} : memref<104x32xf32, #tpu.memory_space<vmem>>, vector<16xf32>,
      %add3A_1954 = arith.addf %add3A_1944, %get3A_1953 : vector<16xf32>
      %get3A_1955 = arith.constant 76 : i32
      %get3A_1956 = arith.index_cast %get3A_1955 : i32 to index
      %get3A_1957 = arith.constant 16 : index
      %get3A_1958 = tpu.vector_load %arg7[%get3A_1956, %get3A_1957] {strides = array<i32>} : memref<104x32xf32, #tpu.memory_space<vmem>>, vector<16xf32>,
      %add3A_1959 = arith.addf %add3A_1949, %get3A_1958 : vector<16xf32>
      %get3A_1960 = arith.constant 77 : i32
      %get3A_1961 = arith.index_cast %get3A_1960 : i32 to index
      %get3A_1962 = arith.constant 0 : index
      %get3A_1963 = tpu.vector_load %arg7[%get3A_1961, %get3A_1962] {strides = array<i32>} : memref<104x32xf32, #tpu.memory_space<vmem>>, vector<16xf32>,
      %add3A_1964 = arith.addf %add3A_1954, %get3A_1963 : vector<16xf32>
      %get3A_1965 = arith.constant 77 : i32
      %get3A_1966 = arith.index_cast %get3A_1965 : i32 to index
      %get3A_1967 = arith.constant 16 : index
      %get3A_1968 = tpu.vector_load %arg7[%get3A_1966, %get3A_1967] {strides = array<i32>} : memref<104x32xf32, #tpu.memory_space<vmem>>, vector<16xf32>,
      %add3A_1969 = arith.addf %add3A_1959, %get3A_1968 : vector<16xf32>
      %broadcast_in_dim3A_1970 = arith.constant 0 : i32
      %broadcast_in_dim3A_1971 = vector.broadcast %broadcast_in_dim3A_1970 : i32 to vector<16xi32>
      %add3A_1972 = arith.constant 256 : i32
      %add3A_1973 = arith.addi %add3A_1972, %add3A_1150 : i32
      %add3A_1974 = vector.broadcast %add3A_1973 : i32 to vector<16xi32>
      %add3A_1975 = arith.addi %broadcast_in_dim3A_1971, %add3A_1974 : vector<16xi32>
      %mul3A_1976 = arith.constant 0.0384615399 : f32
      %mul3A_1977 = vector.broadcast %mul3A_1976 : f32 to vector<16xf32>
      %mul3A_1978 = arith.mulf %add3A_1964, %mul3A_1977 : vector<16xf32>
      tpu.vector_store_idx %arg10[%iota3A_1165, %add3A_1975], %mul3A_1978 : memref<32x512xf32, #tpu.memory_space<vmem>>[vector<16xi32>, vector<16xi32>], vector<16xf32>,
      %add3A_1979 = arith.constant 16 : i32
      %add3A_1980 = vector.broadcast %add3A_1979 : i32 to vector<16xi32>
      %add3A_1981 = arith.addi %iota3A_1165, %add3A_1980 : vector<16xi32>
      %mul3A_1982 = arith.constant 0.0384615399 : f32
      %mul3A_1983 = vector.broadcast %mul3A_1982 : f32 to vector<16xf32>
      %mul3A_1984 = arith.mulf %add3A_1969, %mul3A_1983 : vector<16xf32>
      tpu.vector_store_idx %arg10[%add3A_1981, %add3A_1975], %mul3A_1984 : memref<32x512xf32, #tpu.memory_space<vmem>>[vector<16xi32>, vector<16xi32>], vector<16xf32>,
      %get3A_1985 = arith.constant 78 : i32
      %get3A_1986 = arith.index_cast %get3A_1985 : i32 to index
      %get3A_1987 = arith.constant 0 : index
      %get3A_1988 = tpu.vector_load %arg7[%get3A_1986, %get3A_1987] {strides = array<i32>} : memref<104x32xf32, #tpu.memory_space<vmem>>, vector<16xf32>,
      %get3A_1989 = arith.constant 78 : i32
      %get3A_1990 = arith.index_cast %get3A_1989 : i32 to index
      %get3A_1991 = arith.constant 16 : index
      %get3A_1992 = tpu.vector_load %arg7[%get3A_1990, %get3A_1991] {strides = array<i32>} : memref<104x32xf32, #tpu.memory_space<vmem>>, vector<16xf32>,
      %get3A_1993 = arith.constant 79 : i32
      %get3A_1994 = arith.index_cast %get3A_1993 : i32 to index
      %get3A_1995 = arith.constant 0 : index
      %get3A_1996 = tpu.vector_load %arg7[%get3A_1994, %get3A_1995] {strides = array<i32>} : memref<104x32xf32, #tpu.memory_space<vmem>>, vector<16xf32>,
      %add3A_1997 = arith.addf %get3A_1988, %get3A_1996 : vector<16xf32>
      %get3A_1998 = arith.constant 79 : i32
      %get3A_1999 = arith.index_cast %get3A_1998 : i32 to index
      %get3A_2000 = arith.constant 16 : index
      %get3A_2001 = tpu.vector_load %arg7[%get3A_1999, %get3A_2000] {strides = array<i32>} : memref<104x32xf32, #tpu.memory_space<vmem>>, vector<16xf32>,
      %add3A_2002 = arith.addf %get3A_1992, %get3A_2001 : vector<16xf32>
      %get3A_2003 = arith.constant 80 : i32
      %get3A_2004 = arith.index_cast %get3A_2003 : i32 to index
      %get3A_2005 = arith.constant 0 : index
      %get3A_2006 = tpu.vector_load %arg7[%get3A_2004, %get3A_2005] {strides = array<i32>} : memref<104x32xf32, #tpu.memory_space<vmem>>, vector<16xf32>,
      %add3A_2007 = arith.addf %add3A_1997, %get3A_2006 : vector<16xf32>
      %get3A_2008 = arith.constant 80 : i32
      %get3A_2009 = arith.index_cast %get3A_2008 : i32 to index
      %get3A_2010 = arith.constant 16 : index
      %get3A_2011 = tpu.vector_load %arg7[%get3A_2009, %get3A_2010] {strides = array<i32>} : memref<104x32xf32, #tpu.memory_space<vmem>>, vector<16xf32>,
      %add3A_2012 = arith.addf %add3A_2002, %get3A_2011 : vector<16xf32>
      %get3A_2013 = arith.constant 81 : i32
      %get3A_2014 = arith.index_cast %get3A_2013 : i32 to index
      %get3A_2015 = arith.constant 0 : index
      %get3A_2016 = tpu.vector_load %arg7[%get3A_2014, %get3A_2015] {strides = array<i32>} : memref<104x32xf32, #tpu.memory_space<vmem>>, vector<16xf32>,
      %add3A_2017 = arith.addf %add3A_2007, %get3A_2016 : vector<16xf32>
      %get3A_2018 = arith.constant 81 : i32
      %get3A_2019 = arith.index_cast %get3A_2018 : i32 to index
      %get3A_2020 = arith.constant 16 : index
      %get3A_2021 = tpu.vector_load %arg7[%get3A_2019, %get3A_2020] {strides = array<i32>} : memref<104x32xf32, #tpu.memory_space<vmem>>, vector<16xf32>,
      %add3A_2022 = arith.addf %add3A_2012, %get3A_2021 : vector<16xf32>
      %get3A_2023 = arith.constant 82 : i32
      %get3A_2024 = arith.index_cast %get3A_2023 : i32 to index
      %get3A_2025 = arith.constant 0 : index
      %get3A_2026 = tpu.vector_load %arg7[%get3A_2024, %get3A_2025] {strides = array<i32>} : memref<104x32xf32, #tpu.memory_space<vmem>>, vector<16xf32>,
      %add3A_2027 = arith.addf %add3A_2017, %get3A_2026 : vector<16xf32>
      %get3A_2028 = arith.constant 82 : i32
      %get3A_2029 = arith.index_cast %get3A_2028 : i32 to index
      %get3A_2030 = arith.constant 16 : index
      %get3A_2031 = tpu.vector_load %arg7[%get3A_2029, %get3A_2030] {strides = array<i32>} : memref<104x32xf32, #tpu.memory_space<vmem>>, vector<16xf32>,
      %add3A_2032 = arith.addf %add3A_2022, %get3A_2031 : vector<16xf32>
      %get3A_2033 = arith.constant 83 : i32
      %get3A_2034 = arith.index_cast %get3A_2033 : i32 to index
      %get3A_2035 = arith.constant 0 : index
      %get3A_2036 = tpu.vector_load %arg7[%get3A_2034, %get3A_2035] {strides = array<i32>} : memref<104x32xf32, #tpu.memory_space<vmem>>, vector<16xf32>,
      %add3A_2037 = arith.addf %add3A_2027, %get3A_2036 : vector<16xf32>
      %get3A_2038 = arith.constant 83 : i32
      %get3A_2039 = arith.index_cast %get3A_2038 : i32 to index
      %get3A_2040 = arith.constant 16 : index
      %get3A_2041 = tpu.vector_load %arg7[%get3A_2039, %get3A_2040] {strides = array<i32>} : memref<104x32xf32, #tpu.memory_space<vmem>>, vector<16xf32>,
      %add3A_2042 = arith.addf %add3A_2032, %get3A_2041 : vector<16xf32>
      %get3A_2043 = arith.constant 84 : i32
      %get3A_2044 = arith.index_cast %get3A_2043 : i32 to index
      %get3A_2045 = arith.constant 0 : index
      %get3A_2046 = tpu.vector_load %arg7[%get3A_2044, %get3A_2045] {strides = array<i32>} : memref<104x32xf32, #tpu.memory_space<vmem>>, vector<16xf32>,
      %add3A_2047 = arith.addf %add3A_2037, %get3A_2046 : vector<16xf32>
      %get3A_2048 = arith.constant 84 : i32
      %get3A_2049 = arith.index_cast %get3A_2048 : i32 to index
      %get3A_2050 = arith.constant 16 : index
      %get3A_2051 = tpu.vector_load %arg7[%get3A_2049, %get3A_2050] {strides = array<i32>} : memref<104x32xf32, #tpu.memory_space<vmem>>, vector<16xf32>,
      %add3A_2052 = arith.addf %add3A_2042, %get3A_2051 : vector<16xf32>
      %get3A_2053 = arith.constant 85 : i32
      %get3A_2054 = arith.index_cast %get3A_2053 : i32 to index
      %get3A_2055 = arith.constant 0 : index
      %get3A_2056 = tpu.vector_load %arg7[%get3A_2054, %get3A_2055] {strides = array<i32>} : memref<104x32xf32, #tpu.memory_space<vmem>>, vector<16xf32>,
      %add3A_2057 = arith.addf %add3A_2047, %get3A_2056 : vector<16xf32>
      %get3A_2058 = arith.constant 85 : i32
      %get3A_2059 = arith.index_cast %get3A_2058 : i32 to index
      %get3A_2060 = arith.constant 16 : index
      %get3A_2061 = tpu.vector_load %arg7[%get3A_2059, %get3A_2060] {strides = array<i32>} : memref<104x32xf32, #tpu.memory_space<vmem>>, vector<16xf32>,
      %add3A_2062 = arith.addf %add3A_2052, %get3A_2061 : vector<16xf32>
      %get3A_2063 = arith.constant 86 : i32
      %get3A_2064 = arith.index_cast %get3A_2063 : i32 to index
      %get3A_2065 = arith.constant 0 : index
      %get3A_2066 = tpu.vector_load %arg7[%get3A_2064, %get3A_2065] {strides = array<i32>} : memref<104x32xf32, #tpu.memory_space<vmem>>, vector<16xf32>,
      %add3A_2067 = arith.addf %add3A_2057, %get3A_2066 : vector<16xf32>
      %get3A_2068 = arith.constant 86 : i32
      %get3A_2069 = arith.index_cast %get3A_2068 : i32 to index
      %get3A_2070 = arith.constant 16 : index
      %get3A_2071 = tpu.vector_load %arg7[%get3A_2069, %get3A_2070] {strides = array<i32>} : memref<104x32xf32, #tpu.memory_space<vmem>>, vector<16xf32>,
      %add3A_2072 = arith.addf %add3A_2062, %get3A_2071 : vector<16xf32>
      %get3A_2073 = arith.constant 87 : i32
      %get3A_2074 = arith.index_cast %get3A_2073 : i32 to index
      %get3A_2075 = arith.constant 0 : index
      %get3A_2076 = tpu.vector_load %arg7[%get3A_2074, %get3A_2075] {strides = array<i32>} : memref<104x32xf32, #tpu.memory_space<vmem>>, vector<16xf32>,
      %add3A_2077 = arith.addf %add3A_2067, %get3A_2076 : vector<16xf32>
      %get3A_2078 = arith.constant 87 : i32
      %get3A_2079 = arith.index_cast %get3A_2078 : i32 to index
      %get3A_2080 = arith.constant 16 : index
      %get3A_2081 = tpu.vector_load %arg7[%get3A_2079, %get3A_2080] {strides = array<i32>} : memref<104x32xf32, #tpu.memory_space<vmem>>, vector<16xf32>,
      %add3A_2082 = arith.addf %add3A_2072, %get3A_2081 : vector<16xf32>
      %get3A_2083 = arith.constant 88 : i32
      %get3A_2084 = arith.index_cast %get3A_2083 : i32 to index
      %get3A_2085 = arith.constant 0 : index
      %get3A_2086 = tpu.vector_load %arg7[%get3A_2084, %get3A_2085] {strides = array<i32>} : memref<104x32xf32, #tpu.memory_space<vmem>>, vector<16xf32>,
      %add3A_2087 = arith.addf %add3A_2077, %get3A_2086 : vector<16xf32>
      %get3A_2088 = arith.constant 88 : i32
      %get3A_2089 = arith.index_cast %get3A_2088 : i32 to index
      %get3A_2090 = arith.constant 16 : index
      %get3A_2091 = tpu.vector_load %arg7[%get3A_2089, %get3A_2090] {strides = array<i32>} : memref<104x32xf32, #tpu.memory_space<vmem>>, vector<16xf32>,
      %add3A_2092 = arith.addf %add3A_2082, %get3A_2091 : vector<16xf32>
      %get3A_2093 = arith.constant 89 : i32
      %get3A_2094 = arith.index_cast %get3A_2093 : i32 to index
      %get3A_2095 = arith.constant 0 : index
      %get3A_2096 = tpu.vector_load %arg7[%get3A_2094, %get3A_2095] {strides = array<i32>} : memref<104x32xf32, #tpu.memory_space<vmem>>, vector<16xf32>,
      %add3A_2097 = arith.addf %add3A_2087, %get3A_2096 : vector<16xf32>
      %get3A_2098 = arith.constant 89 : i32
      %get3A_2099 = arith.index_cast %get3A_2098 : i32 to index
      %get3A_2100 = arith.constant 16 : index
      %get3A_2101 = tpu.vector_load %arg7[%get3A_2099, %get3A_2100] {strides = array<i32>} : memref<104x32xf32, #tpu.memory_space<vmem>>, vector<16xf32>,
      %add3A_2102 = arith.addf %add3A_2092, %get3A_2101 : vector<16xf32>
      %get3A_2103 = arith.constant 90 : i32
      %get3A_2104 = arith.index_cast %get3A_2103 : i32 to index
      %get3A_2105 = arith.constant 0 : index
      %get3A_2106 = tpu.vector_load %arg7[%get3A_2104, %get3A_2105] {strides = array<i32>} : memref<104x32xf32, #tpu.memory_space<vmem>>, vector<16xf32>,
      %add3A_2107 = arith.addf %add3A_2097, %get3A_2106 : vector<16xf32>
      %get3A_2108 = arith.constant 90 : i32
      %get3A_2109 = arith.index_cast %get3A_2108 : i32 to index
      %get3A_2110 = arith.constant 16 : index
      %get3A_2111 = tpu.vector_load %arg7[%get3A_2109, %get3A_2110] {strides = array<i32>} : memref<104x32xf32, #tpu.memory_space<vmem>>, vector<16xf32>,
      %add3A_2112 = arith.addf %add3A_2102, %get3A_2111 : vector<16xf32>
      %get3A_2113 = arith.constant 91 : i32
      %get3A_2114 = arith.index_cast %get3A_2113 : i32 to index
      %get3A_2115 = arith.constant 0 : index
      %get3A_2116 = tpu.vector_load %arg7[%get3A_2114, %get3A_2115] {strides = array<i32>} : memref<104x32xf32, #tpu.memory_space<vmem>>, vector<16xf32>,
      %add3A_2117 = arith.addf %add3A_2107, %get3A_2116 : vector<16xf32>
      %get3A_2118 = arith.constant 91 : i32
      %get3A_2119 = arith.index_cast %get3A_2118 : i32 to index
      %get3A_2120 = arith.constant 16 : index
      %get3A_2121 = tpu.vector_load %arg7[%get3A_2119, %get3A_2120] {strides = array<i32>} : memref<104x32xf32, #tpu.memory_space<vmem>>, vector<16xf32>,
      %add3A_2122 = arith.addf %add3A_2112, %get3A_2121 : vector<16xf32>
      %get3A_2123 = arith.constant 92 : i32
      %get3A_2124 = arith.index_cast %get3A_2123 : i32 to index
      %get3A_2125 = arith.constant 0 : index
      %get3A_2126 = tpu.vector_load %arg7[%get3A_2124, %get3A_2125] {strides = array<i32>} : memref<104x32xf32, #tpu.memory_space<vmem>>, vector<16xf32>,
      %add3A_2127 = arith.addf %add3A_2117, %get3A_2126 : vector<16xf32>
      %get3A_2128 = arith.constant 92 : i32
      %get3A_2129 = arith.index_cast %get3A_2128 : i32 to index
      %get3A_2130 = arith.constant 16 : index
      %get3A_2131 = tpu.vector_load %arg7[%get3A_2129, %get3A_2130] {strides = array<i32>} : memref<104x32xf32, #tpu.memory_space<vmem>>, vector<16xf32>,
      %add3A_2132 = arith.addf %add3A_2122, %get3A_2131 : vector<16xf32>
      %get3A_2133 = arith.constant 93 : i32
      %get3A_2134 = arith.index_cast %get3A_2133 : i32 to index
      %get3A_2135 = arith.constant 0 : index
      %get3A_2136 = tpu.vector_load %arg7[%get3A_2134, %get3A_2135] {strides = array<i32>} : memref<104x32xf32, #tpu.memory_space<vmem>>, vector<16xf32>,
      %add3A_2137 = arith.addf %add3A_2127, %get3A_2136 : vector<16xf32>
      %get3A_2138 = arith.constant 93 : i32
      %get3A_2139 = arith.index_cast %get3A_2138 : i32 to index
      %get3A_2140 = arith.constant 16 : index
      %get3A_2141 = tpu.vector_load %arg7[%get3A_2139, %get3A_2140] {strides = array<i32>} : memref<104x32xf32, #tpu.memory_space<vmem>>, vector<16xf32>,
      %add3A_2142 = arith.addf %add3A_2132, %get3A_2141 : vector<16xf32>
      %get3A_2143 = arith.constant 94 : i32
      %get3A_2144 = arith.index_cast %get3A_2143 : i32 to index
      %get3A_2145 = arith.constant 0 : index
      %get3A_2146 = tpu.vector_load %arg7[%get3A_2144, %get3A_2145] {strides = array<i32>} : memref<104x32xf32, #tpu.memory_space<vmem>>, vector<16xf32>,
      %add3A_2147 = arith.addf %add3A_2137, %get3A_2146 : vector<16xf32>
      %get3A_2148 = arith.constant 94 : i32
      %get3A_2149 = arith.index_cast %get3A_2148 : i32 to index
      %get3A_2150 = arith.constant 16 : index
      %get3A_2151 = tpu.vector_load %arg7[%get3A_2149, %get3A_2150] {strides = array<i32>} : memref<104x32xf32, #tpu.memory_space<vmem>>, vector<16xf32>,
      %add3A_2152 = arith.addf %add3A_2142, %get3A_2151 : vector<16xf32>
      %get3A_2153 = arith.constant 95 : i32
      %get3A_2154 = arith.index_cast %get3A_2153 : i32 to index
      %get3A_2155 = arith.constant 0 : index
      %get3A_2156 = tpu.vector_load %arg7[%get3A_2154, %get3A_2155] {strides = array<i32>} : memref<104x32xf32, #tpu.memory_space<vmem>>, vector<16xf32>,
      %add3A_2157 = arith.addf %add3A_2147, %get3A_2156 : vector<16xf32>
      %get3A_2158 = arith.constant 95 : i32
      %get3A_2159 = arith.index_cast %get3A_2158 : i32 to index
      %get3A_2160 = arith.constant 16 : index
      %get3A_2161 = tpu.vector_load %arg7[%get3A_2159, %get3A_2160] {strides = array<i32>} : memref<104x32xf32, #tpu.memory_space<vmem>>, vector<16xf32>,
      %add3A_2162 = arith.addf %add3A_2152, %get3A_2161 : vector<16xf32>
      %get3A_2163 = arith.constant 96 : i32
      %get3A_2164 = arith.index_cast %get3A_2163 : i32 to index
      %get3A_2165 = arith.constant 0 : index
      %get3A_2166 = tpu.vector_load %arg7[%get3A_2164, %get3A_2165] {strides = array<i32>} : memref<104x32xf32, #tpu.memory_space<vmem>>, vector<16xf32>,
      %add3A_2167 = arith.addf %add3A_2157, %get3A_2166 : vector<16xf32>
      %get3A_2168 = arith.constant 96 : i32
      %get3A_2169 = arith.index_cast %get3A_2168 : i32 to index
      %get3A_2170 = arith.constant 16 : index
      %get3A_2171 = tpu.vector_load %arg7[%get3A_2169, %get3A_2170] {strides = array<i32>} : memref<104x32xf32, #tpu.memory_space<vmem>>, vector<16xf32>,
      %add3A_2172 = arith.addf %add3A_2162, %get3A_2171 : vector<16xf32>
      %get3A_2173 = arith.constant 97 : i32
      %get3A_2174 = arith.index_cast %get3A_2173 : i32 to index
      %get3A_2175 = arith.constant 0 : index
      %get3A_2176 = tpu.vector_load %arg7[%get3A_2174, %get3A_2175] {strides = array<i32>} : memref<104x32xf32, #tpu.memory_space<vmem>>, vector<16xf32>,
      %add3A_2177 = arith.addf %add3A_2167, %get3A_2176 : vector<16xf32>
      %get3A_2178 = arith.constant 97 : i32
      %get3A_2179 = arith.index_cast %get3A_2178 : i32 to index
      %get3A_2180 = arith.constant 16 : index
      %get3A_2181 = tpu.vector_load %arg7[%get3A_2179, %get3A_2180] {strides = array<i32>} : memref<104x32xf32, #tpu.memory_space<vmem>>, vector<16xf32>,
      %add3A_2182 = arith.addf %add3A_2172, %get3A_2181 : vector<16xf32>
      %get3A_2183 = arith.constant 98 : i32
      %get3A_2184 = arith.index_cast %get3A_2183 : i32 to index
      %get3A_2185 = arith.constant 0 : index
      %get3A_2186 = tpu.vector_load %arg7[%get3A_2184, %get3A_2185] {strides = array<i32>} : memref<104x32xf32, #tpu.memory_space<vmem>>, vector<16xf32>,
      %add3A_2187 = arith.addf %add3A_2177, %get3A_2186 : vector<16xf32>
      %get3A_2188 = arith.constant 98 : i32
      %get3A_2189 = arith.index_cast %get3A_2188 : i32 to index
      %get3A_2190 = arith.constant 16 : index
      %get3A_2191 = tpu.vector_load %arg7[%get3A_2189, %get3A_2190] {strides = array<i32>} : memref<104x32xf32, #tpu.memory_space<vmem>>, vector<16xf32>,
      %add3A_2192 = arith.addf %add3A_2182, %get3A_2191 : vector<16xf32>
      %get3A_2193 = arith.constant 99 : i32
      %get3A_2194 = arith.index_cast %get3A_2193 : i32 to index
      %get3A_2195 = arith.constant 0 : index
      %get3A_2196 = tpu.vector_load %arg7[%get3A_2194, %get3A_2195] {strides = array<i32>} : memref<104x32xf32, #tpu.memory_space<vmem>>, vector<16xf32>,
      %add3A_2197 = arith.addf %add3A_2187, %get3A_2196 : vector<16xf32>
      %get3A_2198 = arith.constant 99 : i32
      %get3A_2199 = arith.index_cast %get3A_2198 : i32 to index
      %get3A_2200 = arith.constant 16 : index
      %get3A_2201 = tpu.vector_load %arg7[%get3A_2199, %get3A_2200] {strides = array<i32>} : memref<104x32xf32, #tpu.memory_space<vmem>>, vector<16xf32>,
      %add3A_2202 = arith.addf %add3A_2192, %get3A_2201 : vector<16xf32>
      %get3A_2203 = arith.constant 100 : i32
      %get3A_2204 = arith.index_cast %get3A_2203 : i32 to index
      %get3A_2205 = arith.constant 0 : index
      %get3A_2206 = tpu.vector_load %arg7[%get3A_2204, %get3A_2205] {strides = array<i32>} : memref<104x32xf32, #tpu.memory_space<vmem>>, vector<16xf32>,
      %add3A_2207 = arith.addf %add3A_2197, %get3A_2206 : vector<16xf32>
      %get3A_2208 = arith.constant 100 : i32
      %get3A_2209 = arith.index_cast %get3A_2208 : i32 to index
      %get3A_2210 = arith.constant 16 : index
      %get3A_2211 = tpu.vector_load %arg7[%get3A_2209, %get3A_2210] {strides = array<i32>} : memref<104x32xf32, #tpu.memory_space<vmem>>, vector<16xf32>,
      %add3A_2212 = arith.addf %add3A_2202, %get3A_2211 : vector<16xf32>
      %get3A_2213 = arith.constant 101 : i32
      %get3A_2214 = arith.index_cast %get3A_2213 : i32 to index
      %get3A_2215 = arith.constant 0 : index
      %get3A_2216 = tpu.vector_load %arg7[%get3A_2214, %get3A_2215] {strides = array<i32>} : memref<104x32xf32, #tpu.memory_space<vmem>>, vector<16xf32>,
      %add3A_2217 = arith.addf %add3A_2207, %get3A_2216 : vector<16xf32>
      %get3A_2218 = arith.constant 101 : i32
      %get3A_2219 = arith.index_cast %get3A_2218 : i32 to index
      %get3A_2220 = arith.constant 16 : index
      %get3A_2221 = tpu.vector_load %arg7[%get3A_2219, %get3A_2220] {strides = array<i32>} : memref<104x32xf32, #tpu.memory_space<vmem>>, vector<16xf32>,
      %add3A_2222 = arith.addf %add3A_2212, %get3A_2221 : vector<16xf32>
      %get3A_2223 = arith.constant 102 : i32
      %get3A_2224 = arith.index_cast %get3A_2223 : i32 to index
      %get3A_2225 = arith.constant 0 : index
      %get3A_2226 = tpu.vector_load %arg7[%get3A_2224, %get3A_2225] {strides = array<i32>} : memref<104x32xf32, #tpu.memory_space<vmem>>, vector<16xf32>,
      %add3A_2227 = arith.addf %add3A_2217, %get3A_2226 : vector<16xf32>
      %get3A_2228 = arith.constant 102 : i32
      %get3A_2229 = arith.index_cast %get3A_2228 : i32 to index
      %get3A_2230 = arith.constant 16 : index
      %get3A_2231 = tpu.vector_load %arg7[%get3A_2229, %get3A_2230] {strides = array<i32>} : memref<104x32xf32, #tpu.memory_space<vmem>>, vector<16xf32>,
      %add3A_2232 = arith.addf %add3A_2222, %get3A_2231 : vector<16xf32>
      %get3A_2233 = arith.constant 103 : i32
      %get3A_2234 = arith.index_cast %get3A_2233 : i32 to index
      %get3A_2235 = arith.constant 0 : index
      %get3A_2236 = tpu.vector_load %arg7[%get3A_2234, %get3A_2235] {strides = array<i32>} : memref<104x32xf32, #tpu.memory_space<vmem>>, vector<16xf32>,
      %add3A_2237 = arith.addf %add3A_2227, %get3A_2236 : vector<16xf32>
      %get3A_2238 = arith.constant 103 : i32
      %get3A_2239 = arith.index_cast %get3A_2238 : i32 to index
      %get3A_2240 = arith.constant 16 : index
      %get3A_2241 = tpu.vector_load %arg7[%get3A_2239, %get3A_2240] {strides = array<i32>} : memref<104x32xf32, #tpu.memory_space<vmem>>, vector<16xf32>,
      %add3A_2242 = arith.addf %add3A_2232, %get3A_2241 : vector<16xf32>
      %broadcast_in_dim3A_2243 = arith.constant 0 : i32
      %broadcast_in_dim3A_2244 = vector.broadcast %broadcast_in_dim3A_2243 : i32 to vector<16xi32>
      %add3A_2245 = arith.constant 384 : i32
      %add3A_2246 = arith.addi %add3A_2245, %add3A_1150 : i32
      %add3A_2247 = vector.broadcast %add3A_2246 : i32 to vector<16xi32>
      %add3A_2248 = arith.addi %broadcast_in_dim3A_2244, %add3A_2247 : vector<16xi32>
      %mul3A_2249 = arith.constant 0.0384615399 : f32
      %mul3A_2250 = vector.broadcast %mul3A_2249 : f32 to vector<16xf32>
      %mul3A_2251 = arith.mulf %add3A_2237, %mul3A_2250 : vector<16xf32>
      tpu.vector_store_idx %arg10[%iota3A_1165, %add3A_2248], %mul3A_2251 : memref<32x512xf32, #tpu.memory_space<vmem>>[vector<16xi32>, vector<16xi32>], vector<16xf32>,
      %add3A_2252 = arith.constant 16 : i32
      %add3A_2253 = vector.broadcast %add3A_2252 : i32 to vector<16xi32>
      %add3A_2254 = arith.addi %iota3A_1165, %add3A_2253 : vector<16xi32>
      %mul3A_2255 = arith.constant 0.0384615399 : f32
      %mul3A_2256 = vector.broadcast %mul3A_2255 : f32 to vector<16xf32>
      %mul3A_2257 = arith.mulf %add3A_2242, %mul3A_2256 : vector<16xf32>
      tpu.vector_store_idx %arg10[%add3A_2254, %add3A_2248], %mul3A_2257 : memref<32x512xf32, #tpu.memory_space<vmem>>[vector<16xi32>, vector<16xi32>], vector<16xf32>,
      %add3A_2258 = arith.constant 2 : i32
      %add3A_2259 = arith.addi %mul3A_46, %add3A_2258 : i32
      %add3A_2260 = arith.constant 3 : i32
      %add3A_2261 = arith.addi %add3A_2259, %add3A_2260 : i32
      %lt3A_2262 = arith.constant 128 : i32
      %lt3A_2263 = arith.cmpi slt, %add3A_2261, %lt3A_2262 : i32
      %convert_element_type3A_2264 = arith.extui %lt3A_2263 : i1 to i32
      %cond3A_2265 = arith.constant 0 : i32
      %cond3A_2266 = arith.cmpi ne, %convert_element_type3A_2264, %cond3A_2265 : i32
      scf.if %cond3A_2266 {
        %add3A_4476 = arith.constant 3 : i32
        %add3A_4477 = arith.addi %add3A_2259, %add3A_4476 : i32
        %dma_start3A_4478 = arith.constant 0 : i32
        %dma_start3A_4479 = tpu.memref_slice %arg5[%add3A_4477, %dma_start3A_4478] : memref<128x128xi32, #tpu.memory_space<vmem>> -> memref<1x104xi32, #tpu.memory_space<vmem>>
        %dma_start3A_4480 = tpu.memref_squeeze %dma_start3A_4479 : memref<1x104xi32, #tpu.memory_space<vmem>> -> memref<104xi32, #tpu.memory_space<vmem>>
        %dma_start3A_4481 = arith.constant 0 : i32
        %dma_start3A_4482 = arith.constant 0 : i32
        %dma_start3A_4483 = tpu.memref_slice %arg3[%dma_start3A_4481, %dma_start3A_4482] : memref<1015808x32xf32, #tpu.memory_space<hbm>> -> memref<1015808x32xf32, #tpu.memory_space<hbm>>
        tpu.enqueue_indirect_dma source(%dma_start3A_4483 : memref<1015808x32xf32, #tpu.memory_space<hbm>>) target(%arg7 : memref<104x32xf32, #tpu.memory_space<vmem>>) offsets(%dma_start3A_4480 : memref<104xi32, #tpu.memory_space<vmem>>) semaphore(%arg12 : memref<!tpu.dma_semaphore, #tpu.memory_space<semaphore_mem>>)
      } else {
      }
      %dma_wait3A_2267 = arith.constant 0 : i32
      %dma_wait3A_2268 = arith.constant 0 : i32
      %dma_wait3A_2269 = tpu.memref_slice %arg5[%dma_wait3A_2267, %dma_wait3A_2268] : memref<128x128xi32, #tpu.memory_space<vmem>> -> memref<1x104xi32, #tpu.memory_space<vmem>>
      %dma_wait3A_2270 = tpu.memref_squeeze %dma_wait3A_2269 : memref<1x104xi32, #tpu.memory_space<vmem>> -> memref<104xi32, #tpu.memory_space<vmem>>
      %dma_wait3A_2271 = arith.constant 0 : i32
      %dma_wait3A_2272 = arith.constant 0 : i32
      %dma_wait3A_2273 = tpu.memref_slice %arg3[%dma_wait3A_2271, %dma_wait3A_2272] : memref<1015808x32xf32, #tpu.memory_space<hbm>> -> memref<1015808x32xf32, #tpu.memory_space<hbm>>
      tpu.wait_indirect_dma semaphore(%arg13 : memref<!tpu.dma_semaphore, #tpu.memory_space<semaphore_mem>>) src(%dma_wait3A_2273 : memref<1015808x32xf32, #tpu.memory_space<hbm>>) dst(%arg8 : memref<104x32xf32, #tpu.memory_space<vmem>>)
      %iota3A_2274 = tpu.iota {dimensions = array<i32: 0>} : vector<16xi32>
      %get3A_2275 = arith.constant 0 : i32
      %get3A_2276 = arith.index_cast %get3A_2275 : i32 to index
      %get3A_2277 = arith.constant 0 : index
      %get3A_2278 = tpu.vector_load %arg8[%get3A_2276, %get3A_2277] {strides = array<i32>} : memref<104x32xf32, #tpu.memory_space<vmem>>, vector<16xf32>,
      %get3A_2279 = arith.constant 0 : i32
      %get3A_2280 = arith.index_cast %get3A_2279 : i32 to index
      %get3A_2281 = arith.constant 16 : index
      %get3A_2282 = tpu.vector_load %arg8[%get3A_2280, %get3A_2281] {strides = array<i32>} : memref<104x32xf32, #tpu.memory_space<vmem>>, vector<16xf32>,
      %get3A_2283 = arith.constant 1 : i32
      %get3A_2284 = arith.index_cast %get3A_2283 : i32 to index
      %get3A_2285 = arith.constant 0 : index
      %get3A_2286 = tpu.vector_load %arg8[%get3A_2284, %get3A_2285] {strides = array<i32>} : memref<104x32xf32, #tpu.memory_space<vmem>>, vector<16xf32>,
      %add3A_2287 = arith.addf %get3A_2278, %get3A_2286 : vector<16xf32>
      %get3A_2288 = arith.constant 1 : i32
      %get3A_2289 = arith.index_cast %get3A_2288 : i32 to index
      %get3A_2290 = arith.constant 16 : index
      %get3A_2291 = tpu.vector_load %arg8[%get3A_2289, %get3A_2290] {strides = array<i32>} : memref<104x32xf32, #tpu.memory_space<vmem>>, vector<16xf32>,
      %add3A_2292 = arith.addf %get3A_2282, %get3A_2291 : vector<16xf32>
      %get3A_2293 = arith.constant 2 : i32
      %get3A_2294 = arith.index_cast %get3A_2293 : i32 to index
      %get3A_2295 = arith.constant 0 : index
      %get3A_2296 = tpu.vector_load %arg8[%get3A_2294, %get3A_2295] {strides = array<i32>} : memref<104x32xf32, #tpu.memory_space<vmem>>, vector<16xf32>,
      %add3A_2297 = arith.addf %add3A_2287, %get3A_2296 : vector<16xf32>
      %get3A_2298 = arith.constant 2 : i32
      %get3A_2299 = arith.index_cast %get3A_2298 : i32 to index
      %get3A_2300 = arith.constant 16 : index
      %get3A_2301 = tpu.vector_load %arg8[%get3A_2299, %get3A_2300] {strides = array<i32>} : memref<104x32xf32, #tpu.memory_space<vmem>>, vector<16xf32>,
      %add3A_2302 = arith.addf %add3A_2292, %get3A_2301 : vector<16xf32>
      %get3A_2303 = arith.constant 3 : i32
      %get3A_2304 = arith.index_cast %get3A_2303 : i32 to index
      %get3A_2305 = arith.constant 0 : index
      %get3A_2306 = tpu.vector_load %arg8[%get3A_2304, %get3A_2305] {strides = array<i32>} : memref<104x32xf32, #tpu.memory_space<vmem>>, vector<16xf32>,
      %add3A_2307 = arith.addf %add3A_2297, %get3A_2306 : vector<16xf32>
      %get3A_2308 = arith.constant 3 : i32
      %get3A_2309 = arith.index_cast %get3A_2308 : i32 to index
      %get3A_2310 = arith.constant 16 : index
      %get3A_2311 = tpu.vector_load %arg8[%get3A_2309, %get3A_2310] {strides = array<i32>} : memref<104x32xf32, #tpu.memory_space<vmem>>, vector<16xf32>,
      %add3A_2312 = arith.addf %add3A_2302, %get3A_2311 : vector<16xf32>
      %get3A_2313 = arith.constant 4 : i32
      %get3A_2314 = arith.index_cast %get3A_2313 : i32 to index
      %get3A_2315 = arith.constant 0 : index
      %get3A_2316 = tpu.vector_load %arg8[%get3A_2314, %get3A_2315] {strides = array<i32>} : memref<104x32xf32, #tpu.memory_space<vmem>>, vector<16xf32>,
      %add3A_2317 = arith.addf %add3A_2307, %get3A_2316 : vector<16xf32>
      %get3A_2318 = arith.constant 4 : i32
      %get3A_2319 = arith.index_cast %get3A_2318 : i32 to index
      %get3A_2320 = arith.constant 16 : index
      %get3A_2321 = tpu.vector_load %arg8[%get3A_2319, %get3A_2320] {strides = array<i32>} : memref<104x32xf32, #tpu.memory_space<vmem>>, vector<16xf32>,
      %add3A_2322 = arith.addf %add3A_2312, %get3A_2321 : vector<16xf32>
      %get3A_2323 = arith.constant 5 : i32
      %get3A_2324 = arith.index_cast %get3A_2323 : i32 to index
      %get3A_2325 = arith.constant 0 : index
      %get3A_2326 = tpu.vector_load %arg8[%get3A_2324, %get3A_2325] {strides = array<i32>} : memref<104x32xf32, #tpu.memory_space<vmem>>, vector<16xf32>,
      %add3A_2327 = arith.addf %add3A_2317, %get3A_2326 : vector<16xf32>
      %get3A_2328 = arith.constant 5 : i32
      %get3A_2329 = arith.index_cast %get3A_2328 : i32 to index
      %get3A_2330 = arith.constant 16 : index
      %get3A_2331 = tpu.vector_load %arg8[%get3A_2329, %get3A_2330] {strides = array<i32>} : memref<104x32xf32, #tpu.memory_space<vmem>>, vector<16xf32>,
      %add3A_2332 = arith.addf %add3A_2322, %get3A_2331 : vector<16xf32>
      %get3A_2333 = arith.constant 6 : i32
      %get3A_2334 = arith.index_cast %get3A_2333 : i32 to index
      %get3A_2335 = arith.constant 0 : index
      %get3A_2336 = tpu.vector_load %arg8[%get3A_2334, %get3A_2335] {strides = array<i32>} : memref<104x32xf32, #tpu.memory_space<vmem>>, vector<16xf32>,
      %add3A_2337 = arith.addf %add3A_2327, %get3A_2336 : vector<16xf32>
      %get3A_2338 = arith.constant 6 : i32
      %get3A_2339 = arith.index_cast %get3A_2338 : i32 to index
      %get3A_2340 = arith.constant 16 : index
      %get3A_2341 = tpu.vector_load %arg8[%get3A_2339, %get3A_2340] {strides = array<i32>} : memref<104x32xf32, #tpu.memory_space<vmem>>, vector<16xf32>,
      %add3A_2342 = arith.addf %add3A_2332, %get3A_2341 : vector<16xf32>
      %get3A_2343 = arith.constant 7 : i32
      %get3A_2344 = arith.index_cast %get3A_2343 : i32 to index
      %get3A_2345 = arith.constant 0 : index
      %get3A_2346 = tpu.vector_load %arg8[%get3A_2344, %get3A_2345] {strides = array<i32>} : memref<104x32xf32, #tpu.memory_space<vmem>>, vector<16xf32>,
      %add3A_2347 = arith.addf %add3A_2337, %get3A_2346 : vector<16xf32>
      %get3A_2348 = arith.constant 7 : i32
      %get3A_2349 = arith.index_cast %get3A_2348 : i32 to index
      %get3A_2350 = arith.constant 16 : index
      %get3A_2351 = tpu.vector_load %arg8[%get3A_2349, %get3A_2350] {strides = array<i32>} : memref<104x32xf32, #tpu.memory_space<vmem>>, vector<16xf32>,
      %add3A_2352 = arith.addf %add3A_2342, %get3A_2351 : vector<16xf32>
      %get3A_2353 = arith.constant 8 : i32
      %get3A_2354 = arith.index_cast %get3A_2353 : i32 to index
      %get3A_2355 = arith.constant 0 : index
      %get3A_2356 = tpu.vector_load %arg8[%get3A_2354, %get3A_2355] {strides = array<i32>} : memref<104x32xf32, #tpu.memory_space<vmem>>, vector<16xf32>,
      %add3A_2357 = arith.addf %add3A_2347, %get3A_2356 : vector<16xf32>
      %get3A_2358 = arith.constant 8 : i32
      %get3A_2359 = arith.index_cast %get3A_2358 : i32 to index
      %get3A_2360 = arith.constant 16 : index
      %get3A_2361 = tpu.vector_load %arg8[%get3A_2359, %get3A_2360] {strides = array<i32>} : memref<104x32xf32, #tpu.memory_space<vmem>>, vector<16xf32>,
      %add3A_2362 = arith.addf %add3A_2352, %get3A_2361 : vector<16xf32>
      %get3A_2363 = arith.constant 9 : i32
      %get3A_2364 = arith.index_cast %get3A_2363 : i32 to index
      %get3A_2365 = arith.constant 0 : index
      %get3A_2366 = tpu.vector_load %arg8[%get3A_2364, %get3A_2365] {strides = array<i32>} : memref<104x32xf32, #tpu.memory_space<vmem>>, vector<16xf32>,
      %add3A_2367 = arith.addf %add3A_2357, %get3A_2366 : vector<16xf32>
      %get3A_2368 = arith.constant 9 : i32
      %get3A_2369 = arith.index_cast %get3A_2368 : i32 to index
      %get3A_2370 = arith.constant 16 : index
      %get3A_2371 = tpu.vector_load %arg8[%get3A_2369, %get3A_2370] {strides = array<i32>} : memref<104x32xf32, #tpu.memory_space<vmem>>, vector<16xf32>,
      %add3A_2372 = arith.addf %add3A_2362, %get3A_2371 : vector<16xf32>
      %get3A_2373 = arith.constant 10 : i32
      %get3A_2374 = arith.index_cast %get3A_2373 : i32 to index
      %get3A_2375 = arith.constant 0 : index
      %get3A_2376 = tpu.vector_load %arg8[%get3A_2374, %get3A_2375] {strides = array<i32>} : memref<104x32xf32, #tpu.memory_space<vmem>>, vector<16xf32>,
      %add3A_2377 = arith.addf %add3A_2367, %get3A_2376 : vector<16xf32>
      %get3A_2378 = arith.constant 10 : i32
      %get3A_2379 = arith.index_cast %get3A_2378 : i32 to index
      %get3A_2380 = arith.constant 16 : index
      %get3A_2381 = tpu.vector_load %arg8[%get3A_2379, %get3A_2380] {strides = array<i32>} : memref<104x32xf32, #tpu.memory_space<vmem>>, vector<16xf32>,
      %add3A_2382 = arith.addf %add3A_2372, %get3A_2381 : vector<16xf32>
      %get3A_2383 = arith.constant 11 : i32
      %get3A_2384 = arith.index_cast %get3A_2383 : i32 to index
      %get3A_2385 = arith.constant 0 : index
      %get3A_2386 = tpu.vector_load %arg8[%get3A_2384, %get3A_2385] {strides = array<i32>} : memref<104x32xf32, #tpu.memory_space<vmem>>, vector<16xf32>,
      %add3A_2387 = arith.addf %add3A_2377, %get3A_2386 : vector<16xf32>
      %get3A_2388 = arith.constant 11 : i32
      %get3A_2389 = arith.index_cast %get3A_2388 : i32 to index
      %get3A_2390 = arith.constant 16 : index
      %get3A_2391 = tpu.vector_load %arg8[%get3A_2389, %get3A_2390] {strides = array<i32>} : memref<104x32xf32, #tpu.memory_space<vmem>>, vector<16xf32>,
      %add3A_2392 = arith.addf %add3A_2382, %get3A_2391 : vector<16xf32>
      %get3A_2393 = arith.constant 12 : i32
      %get3A_2394 = arith.index_cast %get3A_2393 : i32 to index
      %get3A_2395 = arith.constant 0 : index
      %get3A_2396 = tpu.vector_load %arg8[%get3A_2394, %get3A_2395] {strides = array<i32>} : memref<104x32xf32, #tpu.memory_space<vmem>>, vector<16xf32>,
      %add3A_2397 = arith.addf %add3A_2387, %get3A_2396 : vector<16xf32>
      %get3A_2398 = arith.constant 12 : i32
      %get3A_2399 = arith.index_cast %get3A_2398 : i32 to index
      %get3A_2400 = arith.constant 16 : index
      %get3A_2401 = tpu.vector_load %arg8[%get3A_2399, %get3A_2400] {strides = array<i32>} : memref<104x32xf32, #tpu.memory_space<vmem>>, vector<16xf32>,
      %add3A_2402 = arith.addf %add3A_2392, %get3A_2401 : vector<16xf32>
      %get3A_2403 = arith.constant 13 : i32
      %get3A_2404 = arith.index_cast %get3A_2403 : i32 to index
      %get3A_2405 = arith.constant 0 : index
      %get3A_2406 = tpu.vector_load %arg8[%get3A_2404, %get3A_2405] {strides = array<i32>} : memref<104x32xf32, #tpu.memory_space<vmem>>, vector<16xf32>,
      %add3A_2407 = arith.addf %add3A_2397, %get3A_2406 : vector<16xf32>
      %get3A_2408 = arith.constant 13 : i32
      %get3A_2409 = arith.index_cast %get3A_2408 : i32 to index
      %get3A_2410 = arith.constant 16 : index
      %get3A_2411 = tpu.vector_load %arg8[%get3A_2409, %get3A_2410] {strides = array<i32>} : memref<104x32xf32, #tpu.memory_space<vmem>>, vector<16xf32>,
      %add3A_2412 = arith.addf %add3A_2402, %get3A_2411 : vector<16xf32>
      %get3A_2413 = arith.constant 14 : i32
      %get3A_2414 = arith.index_cast %get3A_2413 : i32 to index
      %get3A_2415 = arith.constant 0 : index
      %get3A_2416 = tpu.vector_load %arg8[%get3A_2414, %get3A_2415] {strides = array<i32>} : memref<104x32xf32, #tpu.memory_space<vmem>>, vector<16xf32>,
      %add3A_2417 = arith.addf %add3A_2407, %get3A_2416 : vector<16xf32>
      %get3A_2418 = arith.constant 14 : i32
      %get3A_2419 = arith.index_cast %get3A_2418 : i32 to index
      %get3A_2420 = arith.constant 16 : index
      %get3A_2421 = tpu.vector_load %arg8[%get3A_2419, %get3A_2420] {strides = array<i32>} : memref<104x32xf32, #tpu.memory_space<vmem>>, vector<16xf32>,
      %add3A_2422 = arith.addf %add3A_2412, %get3A_2421 : vector<16xf32>
      %get3A_2423 = arith.constant 15 : i32
      %get3A_2424 = arith.index_cast %get3A_2423 : i32 to index
      %get3A_2425 = arith.constant 0 : index
      %get3A_2426 = tpu.vector_load %arg8[%get3A_2424, %get3A_2425] {strides = array<i32>} : memref<104x32xf32, #tpu.memory_space<vmem>>, vector<16xf32>,
      %add3A_2427 = arith.addf %add3A_2417, %get3A_2426 : vector<16xf32>
      %get3A_2428 = arith.constant 15 : i32
      %get3A_2429 = arith.index_cast %get3A_2428 : i32 to index
      %get3A_2430 = arith.constant 16 : index
      %get3A_2431 = tpu.vector_load %arg8[%get3A_2429, %get3A_2430] {strides = array<i32>} : memref<104x32xf32, #tpu.memory_space<vmem>>, vector<16xf32>,
      %add3A_2432 = arith.addf %add3A_2422, %get3A_2431 : vector<16xf32>
      %get3A_2433 = arith.constant 16 : i32
      %get3A_2434 = arith.index_cast %get3A_2433 : i32 to index
      %get3A_2435 = arith.constant 0 : index
      %get3A_2436 = tpu.vector_load %arg8[%get3A_2434, %get3A_2435] {strides = array<i32>} : memref<104x32xf32, #tpu.memory_space<vmem>>, vector<16xf32>,
      %add3A_2437 = arith.addf %add3A_2427, %get3A_2436 : vector<16xf32>
      %get3A_2438 = arith.constant 16 : i32
      %get3A_2439 = arith.index_cast %get3A_2438 : i32 to index
      %get3A_2440 = arith.constant 16 : index
      %get3A_2441 = tpu.vector_load %arg8[%get3A_2439, %get3A_2440] {strides = array<i32>} : memref<104x32xf32, #tpu.memory_space<vmem>>, vector<16xf32>,
      %add3A_2442 = arith.addf %add3A_2432, %get3A_2441 : vector<16xf32>
      %get3A_2443 = arith.constant 17 : i32
      %get3A_2444 = arith.index_cast %get3A_2443 : i32 to index
      %get3A_2445 = arith.constant 0 : index
      %get3A_2446 = tpu.vector_load %arg8[%get3A_2444, %get3A_2445] {strides = array<i32>} : memref<104x32xf32, #tpu.memory_space<vmem>>, vector<16xf32>,
      %add3A_2447 = arith.addf %add3A_2437, %get3A_2446 : vector<16xf32>
      %get3A_2448 = arith.constant 17 : i32
      %get3A_2449 = arith.index_cast %get3A_2448 : i32 to index
      %get3A_2450 = arith.constant 16 : index
      %get3A_2451 = tpu.vector_load %arg8[%get3A_2449, %get3A_2450] {strides = array<i32>} : memref<104x32xf32, #tpu.memory_space<vmem>>, vector<16xf32>,
      %add3A_2452 = arith.addf %add3A_2442, %get3A_2451 : vector<16xf32>
      %get3A_2453 = arith.constant 18 : i32
      %get3A_2454 = arith.index_cast %get3A_2453 : i32 to index
      %get3A_2455 = arith.constant 0 : index
      %get3A_2456 = tpu.vector_load %arg8[%get3A_2454, %get3A_2455] {strides = array<i32>} : memref<104x32xf32, #tpu.memory_space<vmem>>, vector<16xf32>,
      %add3A_2457 = arith.addf %add3A_2447, %get3A_2456 : vector<16xf32>
      %get3A_2458 = arith.constant 18 : i32
      %get3A_2459 = arith.index_cast %get3A_2458 : i32 to index
      %get3A_2460 = arith.constant 16 : index
      %get3A_2461 = tpu.vector_load %arg8[%get3A_2459, %get3A_2460] {strides = array<i32>} : memref<104x32xf32, #tpu.memory_space<vmem>>, vector<16xf32>,
      %add3A_2462 = arith.addf %add3A_2452, %get3A_2461 : vector<16xf32>
      %get3A_2463 = arith.constant 19 : i32
      %get3A_2464 = arith.index_cast %get3A_2463 : i32 to index
      %get3A_2465 = arith.constant 0 : index
      %get3A_2466 = tpu.vector_load %arg8[%get3A_2464, %get3A_2465] {strides = array<i32>} : memref<104x32xf32, #tpu.memory_space<vmem>>, vector<16xf32>,
      %add3A_2467 = arith.addf %add3A_2457, %get3A_2466 : vector<16xf32>
      %get3A_2468 = arith.constant 19 : i32
      %get3A_2469 = arith.index_cast %get3A_2468 : i32 to index
      %get3A_2470 = arith.constant 16 : index
      %get3A_2471 = tpu.vector_load %arg8[%get3A_2469, %get3A_2470] {strides = array<i32>} : memref<104x32xf32, #tpu.memory_space<vmem>>, vector<16xf32>,
      %add3A_2472 = arith.addf %add3A_2462, %get3A_2471 : vector<16xf32>
      %get3A_2473 = arith.constant 20 : i32
      %get3A_2474 = arith.index_cast %get3A_2473 : i32 to index
      %get3A_2475 = arith.constant 0 : index
      %get3A_2476 = tpu.vector_load %arg8[%get3A_2474, %get3A_2475] {strides = array<i32>} : memref<104x32xf32, #tpu.memory_space<vmem>>, vector<16xf32>,
      %add3A_2477 = arith.addf %add3A_2467, %get3A_2476 : vector<16xf32>
      %get3A_2478 = arith.constant 20 : i32
      %get3A_2479 = arith.index_cast %get3A_2478 : i32 to index
      %get3A_2480 = arith.constant 16 : index
      %get3A_2481 = tpu.vector_load %arg8[%get3A_2479, %get3A_2480] {strides = array<i32>} : memref<104x32xf32, #tpu.memory_space<vmem>>, vector<16xf32>,
      %add3A_2482 = arith.addf %add3A_2472, %get3A_2481 : vector<16xf32>
      %get3A_2483 = arith.constant 21 : i32
      %get3A_2484 = arith.index_cast %get3A_2483 : i32 to index
      %get3A_2485 = arith.constant 0 : index
      %get3A_2486 = tpu.vector_load %arg8[%get3A_2484, %get3A_2485] {strides = array<i32>} : memref<104x32xf32, #tpu.memory_space<vmem>>, vector<16xf32>,
      %add3A_2487 = arith.addf %add3A_2477, %get3A_2486 : vector<16xf32>
      %get3A_2488 = arith.constant 21 : i32
      %get3A_2489 = arith.index_cast %get3A_2488 : i32 to index
      %get3A_2490 = arith.constant 16 : index
      %get3A_2491 = tpu.vector_load %arg8[%get3A_2489, %get3A_2490] {strides = array<i32>} : memref<104x32xf32, #tpu.memory_space<vmem>>, vector<16xf32>,
      %add3A_2492 = arith.addf %add3A_2482, %get3A_2491 : vector<16xf32>
      %get3A_2493 = arith.constant 22 : i32
      %get3A_2494 = arith.index_cast %get3A_2493 : i32 to index
      %get3A_2495 = arith.constant 0 : index
      %get3A_2496 = tpu.vector_load %arg8[%get3A_2494, %get3A_2495] {strides = array<i32>} : memref<104x32xf32, #tpu.memory_space<vmem>>, vector<16xf32>,
      %add3A_2497 = arith.addf %add3A_2487, %get3A_2496 : vector<16xf32>
      %get3A_2498 = arith.constant 22 : i32
      %get3A_2499 = arith.index_cast %get3A_2498 : i32 to index
      %get3A_2500 = arith.constant 16 : index
      %get3A_2501 = tpu.vector_load %arg8[%get3A_2499, %get3A_2500] {strides = array<i32>} : memref<104x32xf32, #tpu.memory_space<vmem>>, vector<16xf32>,
      %add3A_2502 = arith.addf %add3A_2492, %get3A_2501 : vector<16xf32>
      %get3A_2503 = arith.constant 23 : i32
      %get3A_2504 = arith.index_cast %get3A_2503 : i32 to index
      %get3A_2505 = arith.constant 0 : index
      %get3A_2506 = tpu.vector_load %arg8[%get3A_2504, %get3A_2505] {strides = array<i32>} : memref<104x32xf32, #tpu.memory_space<vmem>>, vector<16xf32>,
      %add3A_2507 = arith.addf %add3A_2497, %get3A_2506 : vector<16xf32>
      %get3A_2508 = arith.constant 23 : i32
      %get3A_2509 = arith.index_cast %get3A_2508 : i32 to index
      %get3A_2510 = arith.constant 16 : index
      %get3A_2511 = tpu.vector_load %arg8[%get3A_2509, %get3A_2510] {strides = array<i32>} : memref<104x32xf32, #tpu.memory_space<vmem>>, vector<16xf32>,
      %add3A_2512 = arith.addf %add3A_2502, %get3A_2511 : vector<16xf32>
      %get3A_2513 = arith.constant 24 : i32
      %get3A_2514 = arith.index_cast %get3A_2513 : i32 to index
      %get3A_2515 = arith.constant 0 : index
      %get3A_2516 = tpu.vector_load %arg8[%get3A_2514, %get3A_2515] {strides = array<i32>} : memref<104x32xf32, #tpu.memory_space<vmem>>, vector<16xf32>,
      %add3A_2517 = arith.addf %add3A_2507, %get3A_2516 : vector<16xf32>
      %get3A_2518 = arith.constant 24 : i32
      %get3A_2519 = arith.index_cast %get3A_2518 : i32 to index
      %get3A_2520 = arith.constant 16 : index
      %get3A_2521 = tpu.vector_load %arg8[%get3A_2519, %get3A_2520] {strides = array<i32>} : memref<104x32xf32, #tpu.memory_space<vmem>>, vector<16xf32>,
      %add3A_2522 = arith.addf %add3A_2512, %get3A_2521 : vector<16xf32>
      %get3A_2523 = arith.constant 25 : i32
      %get3A_2524 = arith.index_cast %get3A_2523 : i32 to index
      %get3A_2525 = arith.constant 0 : index
      %get3A_2526 = tpu.vector_load %arg8[%get3A_2524, %get3A_2525] {strides = array<i32>} : memref<104x32xf32, #tpu.memory_space<vmem>>, vector<16xf32>,
      %add3A_2527 = arith.addf %add3A_2517, %get3A_2526 : vector<16xf32>
      %get3A_2528 = arith.constant 25 : i32
      %get3A_2529 = arith.index_cast %get3A_2528 : i32 to index
      %get3A_2530 = arith.constant 16 : index
      %get3A_2531 = tpu.vector_load %arg8[%get3A_2529, %get3A_2530] {strides = array<i32>} : memref<104x32xf32, #tpu.memory_space<vmem>>, vector<16xf32>,
      %add3A_2532 = arith.addf %add3A_2522, %get3A_2531 : vector<16xf32>
      %broadcast_in_dim3A_2533 = arith.constant 0 : i32
      %broadcast_in_dim3A_2534 = vector.broadcast %broadcast_in_dim3A_2533 : i32 to vector<16xi32>
      %add3A_2535 = arith.constant 0 : i32
      %add3A_2536 = arith.addi %add3A_2535, %add3A_2259 : i32
      %add3A_2537 = vector.broadcast %add3A_2536 : i32 to vector<16xi32>
      %add3A_2538 = arith.addi %broadcast_in_dim3A_2534, %add3A_2537 : vector<16xi32>
      %mul3A_2539 = arith.constant 0.0384615399 : f32
      %mul3A_2540 = vector.broadcast %mul3A_2539 : f32 to vector<16xf32>
      %mul3A_2541 = arith.mulf %add3A_2527, %mul3A_2540 : vector<16xf32>
      tpu.vector_store_idx %arg10[%iota3A_2274, %add3A_2538], %mul3A_2541 : memref<32x512xf32, #tpu.memory_space<vmem>>[vector<16xi32>, vector<16xi32>], vector<16xf32>,
      %add3A_2542 = arith.constant 16 : i32
      %add3A_2543 = vector.broadcast %add3A_2542 : i32 to vector<16xi32>
      %add3A_2544 = arith.addi %iota3A_2274, %add3A_2543 : vector<16xi32>
      %mul3A_2545 = arith.constant 0.0384615399 : f32
      %mul3A_2546 = vector.broadcast %mul3A_2545 : f32 to vector<16xf32>
      %mul3A_2547 = arith.mulf %add3A_2532, %mul3A_2546 : vector<16xf32>
      tpu.vector_store_idx %arg10[%add3A_2544, %add3A_2538], %mul3A_2547 : memref<32x512xf32, #tpu.memory_space<vmem>>[vector<16xi32>, vector<16xi32>], vector<16xf32>,
      %get3A_2548 = arith.constant 26 : i32
      %get3A_2549 = arith.index_cast %get3A_2548 : i32 to index
      %get3A_2550 = arith.constant 0 : index
      %get3A_2551 = tpu.vector_load %arg8[%get3A_2549, %get3A_2550] {strides = array<i32>} : memref<104x32xf32, #tpu.memory_space<vmem>>, vector<16xf32>,
      %get3A_2552 = arith.constant 26 : i32
      %get3A_2553 = arith.index_cast %get3A_2552 : i32 to index
      %get3A_2554 = arith.constant 16 : index
      %get3A_2555 = tpu.vector_load %arg8[%get3A_2553, %get3A_2554] {strides = array<i32>} : memref<104x32xf32, #tpu.memory_space<vmem>>, vector<16xf32>,
      %get3A_2556 = arith.constant 27 : i32
      %get3A_2557 = arith.index_cast %get3A_2556 : i32 to index
      %get3A_2558 = arith.constant 0 : index
      %get3A_2559 = tpu.vector_load %arg8[%get3A_2557, %get3A_2558] {strides = array<i32>} : memref<104x32xf32, #tpu.memory_space<vmem>>, vector<16xf32>,
      %add3A_2560 = arith.addf %get3A_2551, %get3A_2559 : vector<16xf32>
      %get3A_2561 = arith.constant 27 : i32
      %get3A_2562 = arith.index_cast %get3A_2561 : i32 to index
      %get3A_2563 = arith.constant 16 : index
      %get3A_2564 = tpu.vector_load %arg8[%get3A_2562, %get3A_2563] {strides = array<i32>} : memref<104x32xf32, #tpu.memory_space<vmem>>, vector<16xf32>,
      %add3A_2565 = arith.addf %get3A_2555, %get3A_2564 : vector<16xf32>
      %get3A_2566 = arith.constant 28 : i32
      %get3A_2567 = arith.index_cast %get3A_2566 : i32 to index
      %get3A_2568 = arith.constant 0 : index
      %get3A_2569 = tpu.vector_load %arg8[%get3A_2567, %get3A_2568] {strides = array<i32>} : memref<104x32xf32, #tpu.memory_space<vmem>>, vector<16xf32>,
      %add3A_2570 = arith.addf %add3A_2560, %get3A_2569 : vector<16xf32>
      %get3A_2571 = arith.constant 28 : i32
      %get3A_2572 = arith.index_cast %get3A_2571 : i32 to index
      %get3A_2573 = arith.constant 16 : index
      %get3A_2574 = tpu.vector_load %arg8[%get3A_2572, %get3A_2573] {strides = array<i32>} : memref<104x32xf32, #tpu.memory_space<vmem>>, vector<16xf32>,
      %add3A_2575 = arith.addf %add3A_2565, %get3A_2574 : vector<16xf32>
      %get3A_2576 = arith.constant 29 : i32
      %get3A_2577 = arith.index_cast %get3A_2576 : i32 to index
      %get3A_2578 = arith.constant 0 : index
      %get3A_2579 = tpu.vector_load %arg8[%get3A_2577, %get3A_2578] {strides = array<i32>} : memref<104x32xf32, #tpu.memory_space<vmem>>, vector<16xf32>,
      %add3A_2580 = arith.addf %add3A_2570, %get3A_2579 : vector<16xf32>
      %get3A_2581 = arith.constant 29 : i32
      %get3A_2582 = arith.index_cast %get3A_2581 : i32 to index
      %get3A_2583 = arith.constant 16 : index
      %get3A_2584 = tpu.vector_load %arg8[%get3A_2582, %get3A_2583] {strides = array<i32>} : memref<104x32xf32, #tpu.memory_space<vmem>>, vector<16xf32>,
      %add3A_2585 = arith.addf %add3A_2575, %get3A_2584 : vector<16xf32>
      %get3A_2586 = arith.constant 30 : i32
      %get3A_2587 = arith.index_cast %get3A_2586 : i32 to index
      %get3A_2588 = arith.constant 0 : index
      %get3A_2589 = tpu.vector_load %arg8[%get3A_2587, %get3A_2588] {strides = array<i32>} : memref<104x32xf32, #tpu.memory_space<vmem>>, vector<16xf32>,
      %add3A_2590 = arith.addf %add3A_2580, %get3A_2589 : vector<16xf32>
      %get3A_2591 = arith.constant 30 : i32
      %get3A_2592 = arith.index_cast %get3A_2591 : i32 to index
      %get3A_2593 = arith.constant 16 : index
      %get3A_2594 = tpu.vector_load %arg8[%get3A_2592, %get3A_2593] {strides = array<i32>} : memref<104x32xf32, #tpu.memory_space<vmem>>, vector<16xf32>,
      %add3A_2595 = arith.addf %add3A_2585, %get3A_2594 : vector<16xf32>
      %get3A_2596 = arith.constant 31 : i32
      %get3A_2597 = arith.index_cast %get3A_2596 : i32 to index
      %get3A_2598 = arith.constant 0 : index
      %get3A_2599 = tpu.vector_load %arg8[%get3A_2597, %get3A_2598] {strides = array<i32>} : memref<104x32xf32, #tpu.memory_space<vmem>>, vector<16xf32>,
      %add3A_2600 = arith.addf %add3A_2590, %get3A_2599 : vector<16xf32>
      %get3A_2601 = arith.constant 31 : i32
      %get3A_2602 = arith.index_cast %get3A_2601 : i32 to index
      %get3A_2603 = arith.constant 16 : index
      %get3A_2604 = tpu.vector_load %arg8[%get3A_2602, %get3A_2603] {strides = array<i32>} : memref<104x32xf32, #tpu.memory_space<vmem>>, vector<16xf32>,
      %add3A_2605 = arith.addf %add3A_2595, %get3A_2604 : vector<16xf32>
      %get3A_2606 = arith.constant 32 : i32
      %get3A_2607 = arith.index_cast %get3A_2606 : i32 to index
      %get3A_2608 = arith.constant 0 : index
      %get3A_2609 = tpu.vector_load %arg8[%get3A_2607, %get3A_2608] {strides = array<i32>} : memref<104x32xf32, #tpu.memory_space<vmem>>, vector<16xf32>,
      %add3A_2610 = arith.addf %add3A_2600, %get3A_2609 : vector<16xf32>
      %get3A_2611 = arith.constant 32 : i32
      %get3A_2612 = arith.index_cast %get3A_2611 : i32 to index
      %get3A_2613 = arith.constant 16 : index
      %get3A_2614 = tpu.vector_load %arg8[%get3A_2612, %get3A_2613] {strides = array<i32>} : memref<104x32xf32, #tpu.memory_space<vmem>>, vector<16xf32>,
      %add3A_2615 = arith.addf %add3A_2605, %get3A_2614 : vector<16xf32>
      %get3A_2616 = arith.constant 33 : i32
      %get3A_2617 = arith.index_cast %get3A_2616 : i32 to index
      %get3A_2618 = arith.constant 0 : index
      %get3A_2619 = tpu.vector_load %arg8[%get3A_2617, %get3A_2618] {strides = array<i32>} : memref<104x32xf32, #tpu.memory_space<vmem>>, vector<16xf32>,
      %add3A_2620 = arith.addf %add3A_2610, %get3A_2619 : vector<16xf32>
      %get3A_2621 = arith.constant 33 : i32
      %get3A_2622 = arith.index_cast %get3A_2621 : i32 to index
      %get3A_2623 = arith.constant 16 : index
      %get3A_2624 = tpu.vector_load %arg8[%get3A_2622, %get3A_2623] {strides = array<i32>} : memref<104x32xf32, #tpu.memory_space<vmem>>, vector<16xf32>,
      %add3A_2625 = arith.addf %add3A_2615, %get3A_2624 : vector<16xf32>
      %get3A_2626 = arith.constant 34 : i32
      %get3A_2627 = arith.index_cast %get3A_2626 : i32 to index
      %get3A_2628 = arith.constant 0 : index
      %get3A_2629 = tpu.vector_load %arg8[%get3A_2627, %get3A_2628] {strides = array<i32>} : memref<104x32xf32, #tpu.memory_space<vmem>>, vector<16xf32>,
      %add3A_2630 = arith.addf %add3A_2620, %get3A_2629 : vector<16xf32>
      %get3A_2631 = arith.constant 34 : i32
      %get3A_2632 = arith.index_cast %get3A_2631 : i32 to index
      %get3A_2633 = arith.constant 16 : index
      %get3A_2634 = tpu.vector_load %arg8[%get3A_2632, %get3A_2633] {strides = array<i32>} : memref<104x32xf32, #tpu.memory_space<vmem>>, vector<16xf32>,
      %add3A_2635 = arith.addf %add3A_2625, %get3A_2634 : vector<16xf32>
      %get3A_2636 = arith.constant 35 : i32
      %get3A_2637 = arith.index_cast %get3A_2636 : i32 to index
      %get3A_2638 = arith.constant 0 : index
      %get3A_2639 = tpu.vector_load %arg8[%get3A_2637, %get3A_2638] {strides = array<i32>} : memref<104x32xf32, #tpu.memory_space<vmem>>, vector<16xf32>,
      %add3A_2640 = arith.addf %add3A_2630, %get3A_2639 : vector<16xf32>
      %get3A_2641 = arith.constant 35 : i32
      %get3A_2642 = arith.index_cast %get3A_2641 : i32 to index
      %get3A_2643 = arith.constant 16 : index
      %get3A_2644 = tpu.vector_load %arg8[%get3A_2642, %get3A_2643] {strides = array<i32>} : memref<104x32xf32, #tpu.memory_space<vmem>>, vector<16xf32>,
      %add3A_2645 = arith.addf %add3A_2635, %get3A_2644 : vector<16xf32>
      %get3A_2646 = arith.constant 36 : i32
      %get3A_2647 = arith.index_cast %get3A_2646 : i32 to index
      %get3A_2648 = arith.constant 0 : index
      %get3A_2649 = tpu.vector_load %arg8[%get3A_2647, %get3A_2648] {strides = array<i32>} : memref<104x32xf32, #tpu.memory_space<vmem>>, vector<16xf32>,
      %add3A_2650 = arith.addf %add3A_2640, %get3A_2649 : vector<16xf32>
      %get3A_2651 = arith.constant 36 : i32
      %get3A_2652 = arith.index_cast %get3A_2651 : i32 to index
      %get3A_2653 = arith.constant 16 : index
      %get3A_2654 = tpu.vector_load %arg8[%get3A_2652, %get3A_2653] {strides = array<i32>} : memref<104x32xf32, #tpu.memory_space<vmem>>, vector<16xf32>,
      %add3A_2655 = arith.addf %add3A_2645, %get3A_2654 : vector<16xf32>
      %get3A_2656 = arith.constant 37 : i32
      %get3A_2657 = arith.index_cast %get3A_2656 : i32 to index
      %get3A_2658 = arith.constant 0 : index
      %get3A_2659 = tpu.vector_load %arg8[%get3A_2657, %get3A_2658] {strides = array<i32>} : memref<104x32xf32, #tpu.memory_space<vmem>>, vector<16xf32>,
      %add3A_2660 = arith.addf %add3A_2650, %get3A_2659 : vector<16xf32>
      %get3A_2661 = arith.constant 37 : i32
      %get3A_2662 = arith.index_cast %get3A_2661 : i32 to index
      %get3A_2663 = arith.constant 16 : index
      %get3A_2664 = tpu.vector_load %arg8[%get3A_2662, %get3A_2663] {strides = array<i32>} : memref<104x32xf32, #tpu.memory_space<vmem>>, vector<16xf32>,
      %add3A_2665 = arith.addf %add3A_2655, %get3A_2664 : vector<16xf32>
      %get3A_2666 = arith.constant 38 : i32
      %get3A_2667 = arith.index_cast %get3A_2666 : i32 to index
      %get3A_2668 = arith.constant 0 : index
      %get3A_2669 = tpu.vector_load %arg8[%get3A_2667, %get3A_2668] {strides = array<i32>} : memref<104x32xf32, #tpu.memory_space<vmem>>, vector<16xf32>,
      %add3A_2670 = arith.addf %add3A_2660, %get3A_2669 : vector<16xf32>
      %get3A_2671 = arith.constant 38 : i32
      %get3A_2672 = arith.index_cast %get3A_2671 : i32 to index
      %get3A_2673 = arith.constant 16 : index
      %get3A_2674 = tpu.vector_load %arg8[%get3A_2672, %get3A_2673] {strides = array<i32>} : memref<104x32xf32, #tpu.memory_space<vmem>>, vector<16xf32>,
      %add3A_2675 = arith.addf %add3A_2665, %get3A_2674 : vector<16xf32>
      %get3A_2676 = arith.constant 39 : i32
      %get3A_2677 = arith.index_cast %get3A_2676 : i32 to index
      %get3A_2678 = arith.constant 0 : index
      %get3A_2679 = tpu.vector_load %arg8[%get3A_2677, %get3A_2678] {strides = array<i32>} : memref<104x32xf32, #tpu.memory_space<vmem>>, vector<16xf32>,
      %add3A_2680 = arith.addf %add3A_2670, %get3A_2679 : vector<16xf32>
      %get3A_2681 = arith.constant 39 : i32
      %get3A_2682 = arith.index_cast %get3A_2681 : i32 to index
      %get3A_2683 = arith.constant 16 : index
      %get3A_2684 = tpu.vector_load %arg8[%get3A_2682, %get3A_2683] {strides = array<i32>} : memref<104x32xf32, #tpu.memory_space<vmem>>, vector<16xf32>,
      %add3A_2685 = arith.addf %add3A_2675, %get3A_2684 : vector<16xf32>
      %get3A_2686 = arith.constant 40 : i32
      %get3A_2687 = arith.index_cast %get3A_2686 : i32 to index
      %get3A_2688 = arith.constant 0 : index
      %get3A_2689 = tpu.vector_load %arg8[%get3A_2687, %get3A_2688] {strides = array<i32>} : memref<104x32xf32, #tpu.memory_space<vmem>>, vector<16xf32>,
      %add3A_2690 = arith.addf %add3A_2680, %get3A_2689 : vector<16xf32>
      %get3A_2691 = arith.constant 40 : i32
      %get3A_2692 = arith.index_cast %get3A_2691 : i32 to index
      %get3A_2693 = arith.constant 16 : index
      %get3A_2694 = tpu.vector_load %arg8[%get3A_2692, %get3A_2693] {strides = array<i32>} : memref<104x32xf32, #tpu.memory_space<vmem>>, vector<16xf32>,
      %add3A_2695 = arith.addf %add3A_2685, %get3A_2694 : vector<16xf32>
      %get3A_2696 = arith.constant 41 : i32
      %get3A_2697 = arith.index_cast %get3A_2696 : i32 to index
      %get3A_2698 = arith.constant 0 : index
      %get3A_2699 = tpu.vector_load %arg8[%get3A_2697, %get3A_2698] {strides = array<i32>} : memref<104x32xf32, #tpu.memory_space<vmem>>, vector<16xf32>,
      %add3A_2700 = arith.addf %add3A_2690, %get3A_2699 : vector<16xf32>
      %get3A_2701 = arith.constant 41 : i32
      %get3A_2702 = arith.index_cast %get3A_2701 : i32 to index
      %get3A_2703 = arith.constant 16 : index
      %get3A_2704 = tpu.vector_load %arg8[%get3A_2702, %get3A_2703] {strides = array<i32>} : memref<104x32xf32, #tpu.memory_space<vmem>>, vector<16xf32>,
      %add3A_2705 = arith.addf %add3A_2695, %get3A_2704 : vector<16xf32>
      %get3A_2706 = arith.constant 42 : i32
      %get3A_2707 = arith.index_cast %get3A_2706 : i32 to index
      %get3A_2708 = arith.constant 0 : index
      %get3A_2709 = tpu.vector_load %arg8[%get3A_2707, %get3A_2708] {strides = array<i32>} : memref<104x32xf32, #tpu.memory_space<vmem>>, vector<16xf32>,
      %add3A_2710 = arith.addf %add3A_2700, %get3A_2709 : vector<16xf32>
      %get3A_2711 = arith.constant 42 : i32
      %get3A_2712 = arith.index_cast %get3A_2711 : i32 to index
      %get3A_2713 = arith.constant 16 : index
      %get3A_2714 = tpu.vector_load %arg8[%get3A_2712, %get3A_2713] {strides = array<i32>} : memref<104x32xf32, #tpu.memory_space<vmem>>, vector<16xf32>,
      %add3A_2715 = arith.addf %add3A_2705, %get3A_2714 : vector<16xf32>
      %get3A_2716 = arith.constant 43 : i32
      %get3A_2717 = arith.index_cast %get3A_2716 : i32 to index
      %get3A_2718 = arith.constant 0 : index
      %get3A_2719 = tpu.vector_load %arg8[%get3A_2717, %get3A_2718] {strides = array<i32>} : memref<104x32xf32, #tpu.memory_space<vmem>>, vector<16xf32>,
      %add3A_2720 = arith.addf %add3A_2710, %get3A_2719 : vector<16xf32>
      %get3A_2721 = arith.constant 43 : i32
      %get3A_2722 = arith.index_cast %get3A_2721 : i32 to index
      %get3A_2723 = arith.constant 16 : index
      %get3A_2724 = tpu.vector_load %arg8[%get3A_2722, %get3A_2723] {strides = array<i32>} : memref<104x32xf32, #tpu.memory_space<vmem>>, vector<16xf32>,
      %add3A_2725 = arith.addf %add3A_2715, %get3A_2724 : vector<16xf32>
      %get3A_2726 = arith.constant 44 : i32
      %get3A_2727 = arith.index_cast %get3A_2726 : i32 to index
      %get3A_2728 = arith.constant 0 : index
      %get3A_2729 = tpu.vector_load %arg8[%get3A_2727, %get3A_2728] {strides = array<i32>} : memref<104x32xf32, #tpu.memory_space<vmem>>, vector<16xf32>,
      %add3A_2730 = arith.addf %add3A_2720, %get3A_2729 : vector<16xf32>
      %get3A_2731 = arith.constant 44 : i32
      %get3A_2732 = arith.index_cast %get3A_2731 : i32 to index
      %get3A_2733 = arith.constant 16 : index
      %get3A_2734 = tpu.vector_load %arg8[%get3A_2732, %get3A_2733] {strides = array<i32>} : memref<104x32xf32, #tpu.memory_space<vmem>>, vector<16xf32>,
      %add3A_2735 = arith.addf %add3A_2725, %get3A_2734 : vector<16xf32>
      %get3A_2736 = arith.constant 45 : i32
      %get3A_2737 = arith.index_cast %get3A_2736 : i32 to index
      %get3A_2738 = arith.constant 0 : index
      %get3A_2739 = tpu.vector_load %arg8[%get3A_2737, %get3A_2738] {strides = array<i32>} : memref<104x32xf32, #tpu.memory_space<vmem>>, vector<16xf32>,
      %add3A_2740 = arith.addf %add3A_2730, %get3A_2739 : vector<16xf32>
      %get3A_2741 = arith.constant 45 : i32
      %get3A_2742 = arith.index_cast %get3A_2741 : i32 to index
      %get3A_2743 = arith.constant 16 : index
      %get3A_2744 = tpu.vector_load %arg8[%get3A_2742, %get3A_2743] {strides = array<i32>} : memref<104x32xf32, #tpu.memory_space<vmem>>, vector<16xf32>,
      %add3A_2745 = arith.addf %add3A_2735, %get3A_2744 : vector<16xf32>
      %get3A_2746 = arith.constant 46 : i32
      %get3A_2747 = arith.index_cast %get3A_2746 : i32 to index
      %get3A_2748 = arith.constant 0 : index
      %get3A_2749 = tpu.vector_load %arg8[%get3A_2747, %get3A_2748] {strides = array<i32>} : memref<104x32xf32, #tpu.memory_space<vmem>>, vector<16xf32>,
      %add3A_2750 = arith.addf %add3A_2740, %get3A_2749 : vector<16xf32>
      %get3A_2751 = arith.constant 46 : i32
      %get3A_2752 = arith.index_cast %get3A_2751 : i32 to index
      %get3A_2753 = arith.constant 16 : index
      %get3A_2754 = tpu.vector_load %arg8[%get3A_2752, %get3A_2753] {strides = array<i32>} : memref<104x32xf32, #tpu.memory_space<vmem>>, vector<16xf32>,
      %add3A_2755 = arith.addf %add3A_2745, %get3A_2754 : vector<16xf32>
      %get3A_2756 = arith.constant 47 : i32
      %get3A_2757 = arith.index_cast %get3A_2756 : i32 to index
      %get3A_2758 = arith.constant 0 : index
      %get3A_2759 = tpu.vector_load %arg8[%get3A_2757, %get3A_2758] {strides = array<i32>} : memref<104x32xf32, #tpu.memory_space<vmem>>, vector<16xf32>,
      %add3A_2760 = arith.addf %add3A_2750, %get3A_2759 : vector<16xf32>
      %get3A_2761 = arith.constant 47 : i32
      %get3A_2762 = arith.index_cast %get3A_2761 : i32 to index
      %get3A_2763 = arith.constant 16 : index
      %get3A_2764 = tpu.vector_load %arg8[%get3A_2762, %get3A_2763] {strides = array<i32>} : memref<104x32xf32, #tpu.memory_space<vmem>>, vector<16xf32>,
      %add3A_2765 = arith.addf %add3A_2755, %get3A_2764 : vector<16xf32>
      %get3A_2766 = arith.constant 48 : i32
      %get3A_2767 = arith.index_cast %get3A_2766 : i32 to index
      %get3A_2768 = arith.constant 0 : index
      %get3A_2769 = tpu.vector_load %arg8[%get3A_2767, %get3A_2768] {strides = array<i32>} : memref<104x32xf32, #tpu.memory_space<vmem>>, vector<16xf32>,
      %add3A_2770 = arith.addf %add3A_2760, %get3A_2769 : vector<16xf32>
      %get3A_2771 = arith.constant 48 : i32
      %get3A_2772 = arith.index_cast %get3A_2771 : i32 to index
      %get3A_2773 = arith.constant 16 : index
      %get3A_2774 = tpu.vector_load %arg8[%get3A_2772, %get3A_2773] {strides = array<i32>} : memref<104x32xf32, #tpu.memory_space<vmem>>, vector<16xf32>,
      %add3A_2775 = arith.addf %add3A_2765, %get3A_2774 : vector<16xf32>
      %get3A_2776 = arith.constant 49 : i32
      %get3A_2777 = arith.index_cast %get3A_2776 : i32 to index
      %get3A_2778 = arith.constant 0 : index
      %get3A_2779 = tpu.vector_load %arg8[%get3A_2777, %get3A_2778] {strides = array<i32>} : memref<104x32xf32, #tpu.memory_space<vmem>>, vector<16xf32>,
      %add3A_2780 = arith.addf %add3A_2770, %get3A_2779 : vector<16xf32>
      %get3A_2781 = arith.constant 49 : i32
      %get3A_2782 = arith.index_cast %get3A_2781 : i32 to index
      %get3A_2783 = arith.constant 16 : index
      %get3A_2784 = tpu.vector_load %arg8[%get3A_2782, %get3A_2783] {strides = array<i32>} : memref<104x32xf32, #tpu.memory_space<vmem>>, vector<16xf32>,
      %add3A_2785 = arith.addf %add3A_2775, %get3A_2784 : vector<16xf32>
      %get3A_2786 = arith.constant 50 : i32
      %get3A_2787 = arith.index_cast %get3A_2786 : i32 to index
      %get3A_2788 = arith.constant 0 : index
      %get3A_2789 = tpu.vector_load %arg8[%get3A_2787, %get3A_2788] {strides = array<i32>} : memref<104x32xf32, #tpu.memory_space<vmem>>, vector<16xf32>,
      %add3A_2790 = arith.addf %add3A_2780, %get3A_2789 : vector<16xf32>
      %get3A_2791 = arith.constant 50 : i32
      %get3A_2792 = arith.index_cast %get3A_2791 : i32 to index
      %get3A_2793 = arith.constant 16 : index
      %get3A_2794 = tpu.vector_load %arg8[%get3A_2792, %get3A_2793] {strides = array<i32>} : memref<104x32xf32, #tpu.memory_space<vmem>>, vector<16xf32>,
      %add3A_2795 = arith.addf %add3A_2785, %get3A_2794 : vector<16xf32>
      %get3A_2796 = arith.constant 51 : i32
      %get3A_2797 = arith.index_cast %get3A_2796 : i32 to index
      %get3A_2798 = arith.constant 0 : index
      %get3A_2799 = tpu.vector_load %arg8[%get3A_2797, %get3A_2798] {strides = array<i32>} : memref<104x32xf32, #tpu.memory_space<vmem>>, vector<16xf32>,
      %add3A_2800 = arith.addf %add3A_2790, %get3A_2799 : vector<16xf32>
      %get3A_2801 = arith.constant 51 : i32
      %get3A_2802 = arith.index_cast %get3A_2801 : i32 to index
      %get3A_2803 = arith.constant 16 : index
      %get3A_2804 = tpu.vector_load %arg8[%get3A_2802, %get3A_2803] {strides = array<i32>} : memref<104x32xf32, #tpu.memory_space<vmem>>, vector<16xf32>,
      %add3A_2805 = arith.addf %add3A_2795, %get3A_2804 : vector<16xf32>
      %broadcast_in_dim3A_2806 = arith.constant 0 : i32
      %broadcast_in_dim3A_2807 = vector.broadcast %broadcast_in_dim3A_2806 : i32 to vector<16xi32>
      %add3A_2808 = arith.constant 128 : i32
      %add3A_2809 = arith.addi %add3A_2808, %add3A_2259 : i32
      %add3A_2810 = vector.broadcast %add3A_2809 : i32 to vector<16xi32>
      %add3A_2811 = arith.addi %broadcast_in_dim3A_2807, %add3A_2810 : vector<16xi32>
      %mul3A_2812 = arith.constant 0.0384615399 : f32
      %mul3A_2813 = vector.broadcast %mul3A_2812 : f32 to vector<16xf32>
      %mul3A_2814 = arith.mulf %add3A_2800, %mul3A_2813 : vector<16xf32>
      tpu.vector_store_idx %arg10[%iota3A_2274, %add3A_2811], %mul3A_2814 : memref<32x512xf32, #tpu.memory_space<vmem>>[vector<16xi32>, vector<16xi32>], vector<16xf32>,
      %add3A_2815 = arith.constant 16 : i32
      %add3A_2816 = vector.broadcast %add3A_2815 : i32 to vector<16xi32>
      %add3A_2817 = arith.addi %iota3A_2274, %add3A_2816 : vector<16xi32>
      %mul3A_2818 = arith.constant 0.0384615399 : f32
      %mul3A_2819 = vector.broadcast %mul3A_2818 : f32 to vector<16xf32>
      %mul3A_2820 = arith.mulf %add3A_2805, %mul3A_2819 : vector<16xf32>
      tpu.vector_store_idx %arg10[%add3A_2817, %add3A_2811], %mul3A_2820 : memref<32x512xf32, #tpu.memory_space<vmem>>[vector<16xi32>, vector<16xi32>], vector<16xf32>,
      %get3A_2821 = arith.constant 52 : i32
      %get3A_2822 = arith.index_cast %get3A_2821 : i32 to index
      %get3A_2823 = arith.constant 0 : index
      %get3A_2824 = tpu.vector_load %arg8[%get3A_2822, %get3A_2823] {strides = array<i32>} : memref<104x32xf32, #tpu.memory_space<vmem>>, vector<16xf32>,
      %get3A_2825 = arith.constant 52 : i32
      %get3A_2826 = arith.index_cast %get3A_2825 : i32 to index
      %get3A_2827 = arith.constant 16 : index
      %get3A_2828 = tpu.vector_load %arg8[%get3A_2826, %get3A_2827] {strides = array<i32>} : memref<104x32xf32, #tpu.memory_space<vmem>>, vector<16xf32>,
      %get3A_2829 = arith.constant 53 : i32
      %get3A_2830 = arith.index_cast %get3A_2829 : i32 to index
      %get3A_2831 = arith.constant 0 : index
      %get3A_2832 = tpu.vector_load %arg8[%get3A_2830, %get3A_2831] {strides = array<i32>} : memref<104x32xf32, #tpu.memory_space<vmem>>, vector<16xf32>,
      %add3A_2833 = arith.addf %get3A_2824, %get3A_2832 : vector<16xf32>
      %get3A_2834 = arith.constant 53 : i32
      %get3A_2835 = arith.index_cast %get3A_2834 : i32 to index
      %get3A_2836 = arith.constant 16 : index
      %get3A_2837 = tpu.vector_load %arg8[%get3A_2835, %get3A_2836] {strides = array<i32>} : memref<104x32xf32, #tpu.memory_space<vmem>>, vector<16xf32>,
      %add3A_2838 = arith.addf %get3A_2828, %get3A_2837 : vector<16xf32>
      %get3A_2839 = arith.constant 54 : i32
      %get3A_2840 = arith.index_cast %get3A_2839 : i32 to index
      %get3A_2841 = arith.constant 0 : index
      %get3A_2842 = tpu.vector_load %arg8[%get3A_2840, %get3A_2841] {strides = array<i32>} : memref<104x32xf32, #tpu.memory_space<vmem>>, vector<16xf32>,
      %add3A_2843 = arith.addf %add3A_2833, %get3A_2842 : vector<16xf32>
      %get3A_2844 = arith.constant 54 : i32
      %get3A_2845 = arith.index_cast %get3A_2844 : i32 to index
      %get3A_2846 = arith.constant 16 : index
      %get3A_2847 = tpu.vector_load %arg8[%get3A_2845, %get3A_2846] {strides = array<i32>} : memref<104x32xf32, #tpu.memory_space<vmem>>, vector<16xf32>,
      %add3A_2848 = arith.addf %add3A_2838, %get3A_2847 : vector<16xf32>
      %get3A_2849 = arith.constant 55 : i32
      %get3A_2850 = arith.index_cast %get3A_2849 : i32 to index
      %get3A_2851 = arith.constant 0 : index
      %get3A_2852 = tpu.vector_load %arg8[%get3A_2850, %get3A_2851] {strides = array<i32>} : memref<104x32xf32, #tpu.memory_space<vmem>>, vector<16xf32>,
      %add3A_2853 = arith.addf %add3A_2843, %get3A_2852 : vector<16xf32>
      %get3A_2854 = arith.constant 55 : i32
      %get3A_2855 = arith.index_cast %get3A_2854 : i32 to index
      %get3A_2856 = arith.constant 16 : index
      %get3A_2857 = tpu.vector_load %arg8[%get3A_2855, %get3A_2856] {strides = array<i32>} : memref<104x32xf32, #tpu.memory_space<vmem>>, vector<16xf32>,
      %add3A_2858 = arith.addf %add3A_2848, %get3A_2857 : vector<16xf32>
      %get3A_2859 = arith.constant 56 : i32
      %get3A_2860 = arith.index_cast %get3A_2859 : i32 to index
      %get3A_2861 = arith.constant 0 : index
      %get3A_2862 = tpu.vector_load %arg8[%get3A_2860, %get3A_2861] {strides = array<i32>} : memref<104x32xf32, #tpu.memory_space<vmem>>, vector<16xf32>,
      %add3A_2863 = arith.addf %add3A_2853, %get3A_2862 : vector<16xf32>
      %get3A_2864 = arith.constant 56 : i32
      %get3A_2865 = arith.index_cast %get3A_2864 : i32 to index
      %get3A_2866 = arith.constant 16 : index
      %get3A_2867 = tpu.vector_load %arg8[%get3A_2865, %get3A_2866] {strides = array<i32>} : memref<104x32xf32, #tpu.memory_space<vmem>>, vector<16xf32>,
      %add3A_2868 = arith.addf %add3A_2858, %get3A_2867 : vector<16xf32>
      %get3A_2869 = arith.constant 57 : i32
      %get3A_2870 = arith.index_cast %get3A_2869 : i32 to index
      %get3A_2871 = arith.constant 0 : index
      %get3A_2872 = tpu.vector_load %arg8[%get3A_2870, %get3A_2871] {strides = array<i32>} : memref<104x32xf32, #tpu.memory_space<vmem>>, vector<16xf32>,
      %add3A_2873 = arith.addf %add3A_2863, %get3A_2872 : vector<16xf32>
      %get3A_2874 = arith.constant 57 : i32
      %get3A_2875 = arith.index_cast %get3A_2874 : i32 to index
      %get3A_2876 = arith.constant 16 : index
      %get3A_2877 = tpu.vector_load %arg8[%get3A_2875, %get3A_2876] {strides = array<i32>} : memref<104x32xf32, #tpu.memory_space<vmem>>, vector<16xf32>,
      %add3A_2878 = arith.addf %add3A_2868, %get3A_2877 : vector<16xf32>
      %get3A_2879 = arith.constant 58 : i32
      %get3A_2880 = arith.index_cast %get3A_2879 : i32 to index
      %get3A_2881 = arith.constant 0 : index
      %get3A_2882 = tpu.vector_load %arg8[%get3A_2880, %get3A_2881] {strides = array<i32>} : memref<104x32xf32, #tpu.memory_space<vmem>>, vector<16xf32>,
      %add3A_2883 = arith.addf %add3A_2873, %get3A_2882 : vector<16xf32>
      %get3A_2884 = arith.constant 58 : i32
      %get3A_2885 = arith.index_cast %get3A_2884 : i32 to index
      %get3A_2886 = arith.constant 16 : index
      %get3A_2887 = tpu.vector_load %arg8[%get3A_2885, %get3A_2886] {strides = array<i32>} : memref<104x32xf32, #tpu.memory_space<vmem>>, vector<16xf32>,
      %add3A_2888 = arith.addf %add3A_2878, %get3A_2887 : vector<16xf32>
      %get3A_2889 = arith.constant 59 : i32
      %get3A_2890 = arith.index_cast %get3A_2889 : i32 to index
      %get3A_2891 = arith.constant 0 : index
      %get3A_2892 = tpu.vector_load %arg8[%get3A_2890, %get3A_2891] {strides = array<i32>} : memref<104x32xf32, #tpu.memory_space<vmem>>, vector<16xf32>,
      %add3A_2893 = arith.addf %add3A_2883, %get3A_2892 : vector<16xf32>
      %get3A_2894 = arith.constant 59 : i32
      %get3A_2895 = arith.index_cast %get3A_2894 : i32 to index
      %get3A_2896 = arith.constant 16 : index
      %get3A_2897 = tpu.vector_load %arg8[%get3A_2895, %get3A_2896] {strides = array<i32>} : memref<104x32xf32, #tpu.memory_space<vmem>>, vector<16xf32>,
      %add3A_2898 = arith.addf %add3A_2888, %get3A_2897 : vector<16xf32>
      %get3A_2899 = arith.constant 60 : i32
      %get3A_2900 = arith.index_cast %get3A_2899 : i32 to index
      %get3A_2901 = arith.constant 0 : index
      %get3A_2902 = tpu.vector_load %arg8[%get3A_2900, %get3A_2901] {strides = array<i32>} : memref<104x32xf32, #tpu.memory_space<vmem>>, vector<16xf32>,
      %add3A_2903 = arith.addf %add3A_2893, %get3A_2902 : vector<16xf32>
      %get3A_2904 = arith.constant 60 : i32
      %get3A_2905 = arith.index_cast %get3A_2904 : i32 to index
      %get3A_2906 = arith.constant 16 : index
      %get3A_2907 = tpu.vector_load %arg8[%get3A_2905, %get3A_2906] {strides = array<i32>} : memref<104x32xf32, #tpu.memory_space<vmem>>, vector<16xf32>,
      %add3A_2908 = arith.addf %add3A_2898, %get3A_2907 : vector<16xf32>
      %get3A_2909 = arith.constant 61 : i32
      %get3A_2910 = arith.index_cast %get3A_2909 : i32 to index
      %get3A_2911 = arith.constant 0 : index
      %get3A_2912 = tpu.vector_load %arg8[%get3A_2910, %get3A_2911] {strides = array<i32>} : memref<104x32xf32, #tpu.memory_space<vmem>>, vector<16xf32>,
      %add3A_2913 = arith.addf %add3A_2903, %get3A_2912 : vector<16xf32>
      %get3A_2914 = arith.constant 61 : i32
      %get3A_2915 = arith.index_cast %get3A_2914 : i32 to index
      %get3A_2916 = arith.constant 16 : index
      %get3A_2917 = tpu.vector_load %arg8[%get3A_2915, %get3A_2916] {strides = array<i32>} : memref<104x32xf32, #tpu.memory_space<vmem>>, vector<16xf32>,
      %add3A_2918 = arith.addf %add3A_2908, %get3A_2917 : vector<16xf32>
      %get3A_2919 = arith.constant 62 : i32
      %get3A_2920 = arith.index_cast %get3A_2919 : i32 to index
      %get3A_2921 = arith.constant 0 : index
      %get3A_2922 = tpu.vector_load %arg8[%get3A_2920, %get3A_2921] {strides = array<i32>} : memref<104x32xf32, #tpu.memory_space<vmem>>, vector<16xf32>,
      %add3A_2923 = arith.addf %add3A_2913, %get3A_2922 : vector<16xf32>
      %get3A_2924 = arith.constant 62 : i32
      %get3A_2925 = arith.index_cast %get3A_2924 : i32 to index
      %get3A_2926 = arith.constant 16 : index
      %get3A_2927 = tpu.vector_load %arg8[%get3A_2925, %get3A_2926] {strides = array<i32>} : memref<104x32xf32, #tpu.memory_space<vmem>>, vector<16xf32>,
      %add3A_2928 = arith.addf %add3A_2918, %get3A_2927 : vector<16xf32>
      %get3A_2929 = arith.constant 63 : i32
      %get3A_2930 = arith.index_cast %get3A_2929 : i32 to index
      %get3A_2931 = arith.constant 0 : index
      %get3A_2932 = tpu.vector_load %arg8[%get3A_2930, %get3A_2931] {strides = array<i32>} : memref<104x32xf32, #tpu.memory_space<vmem>>, vector<16xf32>,
      %add3A_2933 = arith.addf %add3A_2923, %get3A_2932 : vector<16xf32>
      %get3A_2934 = arith.constant 63 : i32
      %get3A_2935 = arith.index_cast %get3A_2934 : i32 to index
      %get3A_2936 = arith.constant 16 : index
      %get3A_2937 = tpu.vector_load %arg8[%get3A_2935, %get3A_2936] {strides = array<i32>} : memref<104x32xf32, #tpu.memory_space<vmem>>, vector<16xf32>,
      %add3A_2938 = arith.addf %add3A_2928, %get3A_2937 : vector<16xf32>
      %get3A_2939 = arith.constant 64 : i32
      %get3A_2940 = arith.index_cast %get3A_2939 : i32 to index
      %get3A_2941 = arith.constant 0 : index
      %get3A_2942 = tpu.vector_load %arg8[%get3A_2940, %get3A_2941] {strides = array<i32>} : memref<104x32xf32, #tpu.memory_space<vmem>>, vector<16xf32>,
      %add3A_2943 = arith.addf %add3A_2933, %get3A_2942 : vector<16xf32>
      %get3A_2944 = arith.constant 64 : i32
      %get3A_2945 = arith.index_cast %get3A_2944 : i32 to index
      %get3A_2946 = arith.constant 16 : index
      %get3A_2947 = tpu.vector_load %arg8[%get3A_2945, %get3A_2946] {strides = array<i32>} : memref<104x32xf32, #tpu.memory_space<vmem>>, vector<16xf32>,
      %add3A_2948 = arith.addf %add3A_2938, %get3A_2947 : vector<16xf32>
      %get3A_2949 = arith.constant 65 : i32
      %get3A_2950 = arith.index_cast %get3A_2949 : i32 to index
      %get3A_2951 = arith.constant 0 : index
      %get3A_2952 = tpu.vector_load %arg8[%get3A_2950, %get3A_2951] {strides = array<i32>} : memref<104x32xf32, #tpu.memory_space<vmem>>, vector<16xf32>,
      %add3A_2953 = arith.addf %add3A_2943, %get3A_2952 : vector<16xf32>
      %get3A_2954 = arith.constant 65 : i32
      %get3A_2955 = arith.index_cast %get3A_2954 : i32 to index
      %get3A_2956 = arith.constant 16 : index
      %get3A_2957 = tpu.vector_load %arg8[%get3A_2955, %get3A_2956] {strides = array<i32>} : memref<104x32xf32, #tpu.memory_space<vmem>>, vector<16xf32>,
      %add3A_2958 = arith.addf %add3A_2948, %get3A_2957 : vector<16xf32>
      %get3A_2959 = arith.constant 66 : i32
      %get3A_2960 = arith.index_cast %get3A_2959 : i32 to index
      %get3A_2961 = arith.constant 0 : index
      %get3A_2962 = tpu.vector_load %arg8[%get3A_2960, %get3A_2961] {strides = array<i32>} : memref<104x32xf32, #tpu.memory_space<vmem>>, vector<16xf32>,
      %add3A_2963 = arith.addf %add3A_2953, %get3A_2962 : vector<16xf32>
      %get3A_2964 = arith.constant 66 : i32
      %get3A_2965 = arith.index_cast %get3A_2964 : i32 to index
      %get3A_2966 = arith.constant 16 : index
      %get3A_2967 = tpu.vector_load %arg8[%get3A_2965, %get3A_2966] {strides = array<i32>} : memref<104x32xf32, #tpu.memory_space<vmem>>, vector<16xf32>,
      %add3A_2968 = arith.addf %add3A_2958, %get3A_2967 : vector<16xf32>
      %get3A_2969 = arith.constant 67 : i32
      %get3A_2970 = arith.index_cast %get3A_2969 : i32 to index
      %get3A_2971 = arith.constant 0 : index
      %get3A_2972 = tpu.vector_load %arg8[%get3A_2970, %get3A_2971] {strides = array<i32>} : memref<104x32xf32, #tpu.memory_space<vmem>>, vector<16xf32>,
      %add3A_2973 = arith.addf %add3A_2963, %get3A_2972 : vector<16xf32>
      %get3A_2974 = arith.constant 67 : i32
      %get3A_2975 = arith.index_cast %get3A_2974 : i32 to index
      %get3A_2976 = arith.constant 16 : index
      %get3A_2977 = tpu.vector_load %arg8[%get3A_2975, %get3A_2976] {strides = array<i32>} : memref<104x32xf32, #tpu.memory_space<vmem>>, vector<16xf32>,
      %add3A_2978 = arith.addf %add3A_2968, %get3A_2977 : vector<16xf32>
      %get3A_2979 = arith.constant 68 : i32
      %get3A_2980 = arith.index_cast %get3A_2979 : i32 to index
      %get3A_2981 = arith.constant 0 : index
      %get3A_2982 = tpu.vector_load %arg8[%get3A_2980, %get3A_2981] {strides = array<i32>} : memref<104x32xf32, #tpu.memory_space<vmem>>, vector<16xf32>,
      %add3A_2983 = arith.addf %add3A_2973, %get3A_2982 : vector<16xf32>
      %get3A_2984 = arith.constant 68 : i32
      %get3A_2985 = arith.index_cast %get3A_2984 : i32 to index
      %get3A_2986 = arith.constant 16 : index
      %get3A_2987 = tpu.vector_load %arg8[%get3A_2985, %get3A_2986] {strides = array<i32>} : memref<104x32xf32, #tpu.memory_space<vmem>>, vector<16xf32>,
      %add3A_2988 = arith.addf %add3A_2978, %get3A_2987 : vector<16xf32>
      %get3A_2989 = arith.constant 69 : i32
      %get3A_2990 = arith.index_cast %get3A_2989 : i32 to index
      %get3A_2991 = arith.constant 0 : index
      %get3A_2992 = tpu.vector_load %arg8[%get3A_2990, %get3A_2991] {strides = array<i32>} : memref<104x32xf32, #tpu.memory_space<vmem>>, vector<16xf32>,
      %add3A_2993 = arith.addf %add3A_2983, %get3A_2992 : vector<16xf32>
      %get3A_2994 = arith.constant 69 : i32
      %get3A_2995 = arith.index_cast %get3A_2994 : i32 to index
      %get3A_2996 = arith.constant 16 : index
      %get3A_2997 = tpu.vector_load %arg8[%get3A_2995, %get3A_2996] {strides = array<i32>} : memref<104x32xf32, #tpu.memory_space<vmem>>, vector<16xf32>,
      %add3A_2998 = arith.addf %add3A_2988, %get3A_2997 : vector<16xf32>
      %get3A_2999 = arith.constant 70 : i32
      %get3A_3000 = arith.index_cast %get3A_2999 : i32 to index
      %get3A_3001 = arith.constant 0 : index
      %get3A_3002 = tpu.vector_load %arg8[%get3A_3000, %get3A_3001] {strides = array<i32>} : memref<104x32xf32, #tpu.memory_space<vmem>>, vector<16xf32>,
      %add3A_3003 = arith.addf %add3A_2993, %get3A_3002 : vector<16xf32>
      %get3A_3004 = arith.constant 70 : i32
      %get3A_3005 = arith.index_cast %get3A_3004 : i32 to index
      %get3A_3006 = arith.constant 16 : index
      %get3A_3007 = tpu.vector_load %arg8[%get3A_3005, %get3A_3006] {strides = array<i32>} : memref<104x32xf32, #tpu.memory_space<vmem>>, vector<16xf32>,
      %add3A_3008 = arith.addf %add3A_2998, %get3A_3007 : vector<16xf32>
      %get3A_3009 = arith.constant 71 : i32
      %get3A_3010 = arith.index_cast %get3A_3009 : i32 to index
      %get3A_3011 = arith.constant 0 : index
      %get3A_3012 = tpu.vector_load %arg8[%get3A_3010, %get3A_3011] {strides = array<i32>} : memref<104x32xf32, #tpu.memory_space<vmem>>, vector<16xf32>,
      %add3A_3013 = arith.addf %add3A_3003, %get3A_3012 : vector<16xf32>
      %get3A_3014 = arith.constant 71 : i32
      %get3A_3015 = arith.index_cast %get3A_3014 : i32 to index
      %get3A_3016 = arith.constant 16 : index
      %get3A_3017 = tpu.vector_load %arg8[%get3A_3015, %get3A_3016] {strides = array<i32>} : memref<104x32xf32, #tpu.memory_space<vmem>>, vector<16xf32>,
      %add3A_3018 = arith.addf %add3A_3008, %get3A_3017 : vector<16xf32>
      %get3A_3019 = arith.constant 72 : i32
      %get3A_3020 = arith.index_cast %get3A_3019 : i32 to index
      %get3A_3021 = arith.constant 0 : index
      %get3A_3022 = tpu.vector_load %arg8[%get3A_3020, %get3A_3021] {strides = array<i32>} : memref<104x32xf32, #tpu.memory_space<vmem>>, vector<16xf32>,
      %add3A_3023 = arith.addf %add3A_3013, %get3A_3022 : vector<16xf32>
      %get3A_3024 = arith.constant 72 : i32
      %get3A_3025 = arith.index_cast %get3A_3024 : i32 to index
      %get3A_3026 = arith.constant 16 : index
      %get3A_3027 = tpu.vector_load %arg8[%get3A_3025, %get3A_3026] {strides = array<i32>} : memref<104x32xf32, #tpu.memory_space<vmem>>, vector<16xf32>,
      %add3A_3028 = arith.addf %add3A_3018, %get3A_3027 : vector<16xf32>
      %get3A_3029 = arith.constant 73 : i32
      %get3A_3030 = arith.index_cast %get3A_3029 : i32 to index
      %get3A_3031 = arith.constant 0 : index
      %get3A_3032 = tpu.vector_load %arg8[%get3A_3030, %get3A_3031] {strides = array<i32>} : memref<104x32xf32, #tpu.memory_space<vmem>>, vector<16xf32>,
      %add3A_3033 = arith.addf %add3A_3023, %get3A_3032 : vector<16xf32>
      %get3A_3034 = arith.constant 73 : i32
      %get3A_3035 = arith.index_cast %get3A_3034 : i32 to index
      %get3A_3036 = arith.constant 16 : index
      %get3A_3037 = tpu.vector_load %arg8[%get3A_3035, %get3A_3036] {strides = array<i32>} : memref<104x32xf32, #tpu.memory_space<vmem>>, vector<16xf32>,
      %add3A_3038 = arith.addf %add3A_3028, %get3A_3037 : vector<16xf32>
      %get3A_3039 = arith.constant 74 : i32
      %get3A_3040 = arith.index_cast %get3A_3039 : i32 to index
      %get3A_3041 = arith.constant 0 : index
      %get3A_3042 = tpu.vector_load %arg8[%get3A_3040, %get3A_3041] {strides = array<i32>} : memref<104x32xf32, #tpu.memory_space<vmem>>, vector<16xf32>,
      %add3A_3043 = arith.addf %add3A_3033, %get3A_3042 : vector<16xf32>
      %get3A_3044 = arith.constant 74 : i32
      %get3A_3045 = arith.index_cast %get3A_3044 : i32 to index
      %get3A_3046 = arith.constant 16 : index
      %get3A_3047 = tpu.vector_load %arg8[%get3A_3045, %get3A_3046] {strides = array<i32>} : memref<104x32xf32, #tpu.memory_space<vmem>>, vector<16xf32>,
      %add3A_3048 = arith.addf %add3A_3038, %get3A_3047 : vector<16xf32>
      %get3A_3049 = arith.constant 75 : i32
      %get3A_3050 = arith.index_cast %get3A_3049 : i32 to index
      %get3A_3051 = arith.constant 0 : index
      %get3A_3052 = tpu.vector_load %arg8[%get3A_3050, %get3A_3051] {strides = array<i32>} : memref<104x32xf32, #tpu.memory_space<vmem>>, vector<16xf32>,
      %add3A_3053 = arith.addf %add3A_3043, %get3A_3052 : vector<16xf32>
      %get3A_3054 = arith.constant 75 : i32
      %get3A_3055 = arith.index_cast %get3A_3054 : i32 to index
      %get3A_3056 = arith.constant 16 : index
      %get3A_3057 = tpu.vector_load %arg8[%get3A_3055, %get3A_3056] {strides = array<i32>} : memref<104x32xf32, #tpu.memory_space<vmem>>, vector<16xf32>,
      %add3A_3058 = arith.addf %add3A_3048, %get3A_3057 : vector<16xf32>
      %get3A_3059 = arith.constant 76 : i32
      %get3A_3060 = arith.index_cast %get3A_3059 : i32 to index
      %get3A_3061 = arith.constant 0 : index
      %get3A_3062 = tpu.vector_load %arg8[%get3A_3060, %get3A_3061] {strides = array<i32>} : memref<104x32xf32, #tpu.memory_space<vmem>>, vector<16xf32>,
      %add3A_3063 = arith.addf %add3A_3053, %get3A_3062 : vector<16xf32>
      %get3A_3064 = arith.constant 76 : i32
      %get3A_3065 = arith.index_cast %get3A_3064 : i32 to index
      %get3A_3066 = arith.constant 16 : index
      %get3A_3067 = tpu.vector_load %arg8[%get3A_3065, %get3A_3066] {strides = array<i32>} : memref<104x32xf32, #tpu.memory_space<vmem>>, vector<16xf32>,
      %add3A_3068 = arith.addf %add3A_3058, %get3A_3067 : vector<16xf32>
      %get3A_3069 = arith.constant 77 : i32
      %get3A_3070 = arith.index_cast %get3A_3069 : i32 to index
      %get3A_3071 = arith.constant 0 : index
      %get3A_3072 = tpu.vector_load %arg8[%get3A_3070, %get3A_3071] {strides = array<i32>} : memref<104x32xf32, #tpu.memory_space<vmem>>, vector<16xf32>,
      %add3A_3073 = arith.addf %add3A_3063, %get3A_3072 : vector<16xf32>
      %get3A_3074 = arith.constant 77 : i32
      %get3A_3075 = arith.index_cast %get3A_3074 : i32 to index
      %get3A_3076 = arith.constant 16 : index
      %get3A_3077 = tpu.vector_load %arg8[%get3A_3075, %get3A_3076] {strides = array<i32>} : memref<104x32xf32, #tpu.memory_space<vmem>>, vector<16xf32>,
      %add3A_3078 = arith.addf %add3A_3068, %get3A_3077 : vector<16xf32>
      %broadcast_in_dim3A_3079 = arith.constant 0 : i32
      %broadcast_in_dim3A_3080 = vector.broadcast %broadcast_in_dim3A_3079 : i32 to vector<16xi32>
      %add3A_3081 = arith.constant 256 : i32
      %add3A_3082 = arith.addi %add3A_3081, %add3A_2259 : i32
      %add3A_3083 = vector.broadcast %add3A_3082 : i32 to vector<16xi32>
      %add3A_3084 = arith.addi %broadcast_in_dim3A_3080, %add3A_3083 : vector<16xi32>
      %mul3A_3085 = arith.constant 0.0384615399 : f32
      %mul3A_3086 = vector.broadcast %mul3A_3085 : f32 to vector<16xf32>
      %mul3A_3087 = arith.mulf %add3A_3073, %mul3A_3086 : vector<16xf32>
      tpu.vector_store_idx %arg10[%iota3A_2274, %add3A_3084], %mul3A_3087 : memref<32x512xf32, #tpu.memory_space<vmem>>[vector<16xi32>, vector<16xi32>], vector<16xf32>,
      %add3A_3088 = arith.constant 16 : i32
      %add3A_3089 = vector.broadcast %add3A_3088 : i32 to vector<16xi32>
      %add3A_3090 = arith.addi %iota3A_2274, %add3A_3089 : vector<16xi32>
      %mul3A_3091 = arith.constant 0.0384615399 : f32
      %mul3A_3092 = vector.broadcast %mul3A_3091 : f32 to vector<16xf32>
      %mul3A_3093 = arith.mulf %add3A_3078, %mul3A_3092 : vector<16xf32>
      tpu.vector_store_idx %arg10[%add3A_3090, %add3A_3084], %mul3A_3093 : memref<32x512xf32, #tpu.memory_space<vmem>>[vector<16xi32>, vector<16xi32>], vector<16xf32>,
      %get3A_3094 = arith.constant 78 : i32
      %get3A_3095 = arith.index_cast %get3A_3094 : i32 to index
      %get3A_3096 = arith.constant 0 : index
      %get3A_3097 = tpu.vector_load %arg8[%get3A_3095, %get3A_3096] {strides = array<i32>} : memref<104x32xf32, #tpu.memory_space<vmem>>, vector<16xf32>,
      %get3A_3098 = arith.constant 78 : i32
      %get3A_3099 = arith.index_cast %get3A_3098 : i32 to index
      %get3A_3100 = arith.constant 16 : index
      %get3A_3101 = tpu.vector_load %arg8[%get3A_3099, %get3A_3100] {strides = array<i32>} : memref<104x32xf32, #tpu.memory_space<vmem>>, vector<16xf32>,
      %get3A_3102 = arith.constant 79 : i32
      %get3A_3103 = arith.index_cast %get3A_3102 : i32 to index
      %get3A_3104 = arith.constant 0 : index
      %get3A_3105 = tpu.vector_load %arg8[%get3A_3103, %get3A_3104] {strides = array<i32>} : memref<104x32xf32, #tpu.memory_space<vmem>>, vector<16xf32>,
      %add3A_3106 = arith.addf %get3A_3097, %get3A_3105 : vector<16xf32>
      %get3A_3107 = arith.constant 79 : i32
      %get3A_3108 = arith.index_cast %get3A_3107 : i32 to index
      %get3A_3109 = arith.constant 16 : index
      %get3A_3110 = tpu.vector_load %arg8[%get3A_3108, %get3A_3109] {strides = array<i32>} : memref<104x32xf32, #tpu.memory_space<vmem>>, vector<16xf32>,
      %add3A_3111 = arith.addf %get3A_3101, %get3A_3110 : vector<16xf32>
      %get3A_3112 = arith.constant 80 : i32
      %get3A_3113 = arith.index_cast %get3A_3112 : i32 to index
      %get3A_3114 = arith.constant 0 : index
      %get3A_3115 = tpu.vector_load %arg8[%get3A_3113, %get3A_3114] {strides = array<i32>} : memref<104x32xf32, #tpu.memory_space<vmem>>, vector<16xf32>,
      %add3A_3116 = arith.addf %add3A_3106, %get3A_3115 : vector<16xf32>
      %get3A_3117 = arith.constant 80 : i32
      %get3A_3118 = arith.index_cast %get3A_3117 : i32 to index
      %get3A_3119 = arith.constant 16 : index
      %get3A_3120 = tpu.vector_load %arg8[%get3A_3118, %get3A_3119] {strides = array<i32>} : memref<104x32xf32, #tpu.memory_space<vmem>>, vector<16xf32>,
      %add3A_3121 = arith.addf %add3A_3111, %get3A_3120 : vector<16xf32>
      %get3A_3122 = arith.constant 81 : i32
      %get3A_3123 = arith.index_cast %get3A_3122 : i32 to index
      %get3A_3124 = arith.constant 0 : index
      %get3A_3125 = tpu.vector_load %arg8[%get3A_3123, %get3A_3124] {strides = array<i32>} : memref<104x32xf32, #tpu.memory_space<vmem>>, vector<16xf32>,
      %add3A_3126 = arith.addf %add3A_3116, %get3A_3125 : vector<16xf32>
      %get3A_3127 = arith.constant 81 : i32
      %get3A_3128 = arith.index_cast %get3A_3127 : i32 to index
      %get3A_3129 = arith.constant 16 : index
      %get3A_3130 = tpu.vector_load %arg8[%get3A_3128, %get3A_3129] {strides = array<i32>} : memref<104x32xf32, #tpu.memory_space<vmem>>, vector<16xf32>,
      %add3A_3131 = arith.addf %add3A_3121, %get3A_3130 : vector<16xf32>
      %get3A_3132 = arith.constant 82 : i32
      %get3A_3133 = arith.index_cast %get3A_3132 : i32 to index
      %get3A_3134 = arith.constant 0 : index
      %get3A_3135 = tpu.vector_load %arg8[%get3A_3133, %get3A_3134] {strides = array<i32>} : memref<104x32xf32, #tpu.memory_space<vmem>>, vector<16xf32>,
      %add3A_3136 = arith.addf %add3A_3126, %get3A_3135 : vector<16xf32>
      %get3A_3137 = arith.constant 82 : i32
      %get3A_3138 = arith.index_cast %get3A_3137 : i32 to index
      %get3A_3139 = arith.constant 16 : index
      %get3A_3140 = tpu.vector_load %arg8[%get3A_3138, %get3A_3139] {strides = array<i32>} : memref<104x32xf32, #tpu.memory_space<vmem>>, vector<16xf32>,
      %add3A_3141 = arith.addf %add3A_3131, %get3A_3140 : vector<16xf32>
      %get3A_3142 = arith.constant 83 : i32
      %get3A_3143 = arith.index_cast %get3A_3142 : i32 to index
      %get3A_3144 = arith.constant 0 : index
      %get3A_3145 = tpu.vector_load %arg8[%get3A_3143, %get3A_3144] {strides = array<i32>} : memref<104x32xf32, #tpu.memory_space<vmem>>, vector<16xf32>,
      %add3A_3146 = arith.addf %add3A_3136, %get3A_3145 : vector<16xf32>
      %get3A_3147 = arith.constant 83 : i32
      %get3A_3148 = arith.index_cast %get3A_3147 : i32 to index
      %get3A_3149 = arith.constant 16 : index
      %get3A_3150 = tpu.vector_load %arg8[%get3A_3148, %get3A_3149] {strides = array<i32>} : memref<104x32xf32, #tpu.memory_space<vmem>>, vector<16xf32>,
      %add3A_3151 = arith.addf %add3A_3141, %get3A_3150 : vector<16xf32>
      %get3A_3152 = arith.constant 84 : i32
      %get3A_3153 = arith.index_cast %get3A_3152 : i32 to index
      %get3A_3154 = arith.constant 0 : index
      %get3A_3155 = tpu.vector_load %arg8[%get3A_3153, %get3A_3154] {strides = array<i32>} : memref<104x32xf32, #tpu.memory_space<vmem>>, vector<16xf32>,
      %add3A_3156 = arith.addf %add3A_3146, %get3A_3155 : vector<16xf32>
      %get3A_3157 = arith.constant 84 : i32
      %get3A_3158 = arith.index_cast %get3A_3157 : i32 to index
      %get3A_3159 = arith.constant 16 : index
      %get3A_3160 = tpu.vector_load %arg8[%get3A_3158, %get3A_3159] {strides = array<i32>} : memref<104x32xf32, #tpu.memory_space<vmem>>, vector<16xf32>,
      %add3A_3161 = arith.addf %add3A_3151, %get3A_3160 : vector<16xf32>
      %get3A_3162 = arith.constant 85 : i32
      %get3A_3163 = arith.index_cast %get3A_3162 : i32 to index
      %get3A_3164 = arith.constant 0 : index
      %get3A_3165 = tpu.vector_load %arg8[%get3A_3163, %get3A_3164] {strides = array<i32>} : memref<104x32xf32, #tpu.memory_space<vmem>>, vector<16xf32>,
      %add3A_3166 = arith.addf %add3A_3156, %get3A_3165 : vector<16xf32>
      %get3A_3167 = arith.constant 85 : i32
      %get3A_3168 = arith.index_cast %get3A_3167 : i32 to index
      %get3A_3169 = arith.constant 16 : index
      %get3A_3170 = tpu.vector_load %arg8[%get3A_3168, %get3A_3169] {strides = array<i32>} : memref<104x32xf32, #tpu.memory_space<vmem>>, vector<16xf32>,
      %add3A_3171 = arith.addf %add3A_3161, %get3A_3170 : vector<16xf32>
      %get3A_3172 = arith.constant 86 : i32
      %get3A_3173 = arith.index_cast %get3A_3172 : i32 to index
      %get3A_3174 = arith.constant 0 : index
      %get3A_3175 = tpu.vector_load %arg8[%get3A_3173, %get3A_3174] {strides = array<i32>} : memref<104x32xf32, #tpu.memory_space<vmem>>, vector<16xf32>,
      %add3A_3176 = arith.addf %add3A_3166, %get3A_3175 : vector<16xf32>
      %get3A_3177 = arith.constant 86 : i32
      %get3A_3178 = arith.index_cast %get3A_3177 : i32 to index
      %get3A_3179 = arith.constant 16 : index
      %get3A_3180 = tpu.vector_load %arg8[%get3A_3178, %get3A_3179] {strides = array<i32>} : memref<104x32xf32, #tpu.memory_space<vmem>>, vector<16xf32>,
      %add3A_3181 = arith.addf %add3A_3171, %get3A_3180 : vector<16xf32>
      %get3A_3182 = arith.constant 87 : i32
      %get3A_3183 = arith.index_cast %get3A_3182 : i32 to index
      %get3A_3184 = arith.constant 0 : index
      %get3A_3185 = tpu.vector_load %arg8[%get3A_3183, %get3A_3184] {strides = array<i32>} : memref<104x32xf32, #tpu.memory_space<vmem>>, vector<16xf32>,
      %add3A_3186 = arith.addf %add3A_3176, %get3A_3185 : vector<16xf32>
      %get3A_3187 = arith.constant 87 : i32
      %get3A_3188 = arith.index_cast %get3A_3187 : i32 to index
      %get3A_3189 = arith.constant 16 : index
      %get3A_3190 = tpu.vector_load %arg8[%get3A_3188, %get3A_3189] {strides = array<i32>} : memref<104x32xf32, #tpu.memory_space<vmem>>, vector<16xf32>,
      %add3A_3191 = arith.addf %add3A_3181, %get3A_3190 : vector<16xf32>
      %get3A_3192 = arith.constant 88 : i32
      %get3A_3193 = arith.index_cast %get3A_3192 : i32 to index
      %get3A_3194 = arith.constant 0 : index
      %get3A_3195 = tpu.vector_load %arg8[%get3A_3193, %get3A_3194] {strides = array<i32>} : memref<104x32xf32, #tpu.memory_space<vmem>>, vector<16xf32>,
      %add3A_3196 = arith.addf %add3A_3186, %get3A_3195 : vector<16xf32>
      %get3A_3197 = arith.constant 88 : i32
      %get3A_3198 = arith.index_cast %get3A_3197 : i32 to index
      %get3A_3199 = arith.constant 16 : index
      %get3A_3200 = tpu.vector_load %arg8[%get3A_3198, %get3A_3199] {strides = array<i32>} : memref<104x32xf32, #tpu.memory_space<vmem>>, vector<16xf32>,
      %add3A_3201 = arith.addf %add3A_3191, %get3A_3200 : vector<16xf32>
      %get3A_3202 = arith.constant 89 : i32
      %get3A_3203 = arith.index_cast %get3A_3202 : i32 to index
      %get3A_3204 = arith.constant 0 : index
      %get3A_3205 = tpu.vector_load %arg8[%get3A_3203, %get3A_3204] {strides = array<i32>} : memref<104x32xf32, #tpu.memory_space<vmem>>, vector<16xf32>,
      %add3A_3206 = arith.addf %add3A_3196, %get3A_3205 : vector<16xf32>
      %get3A_3207 = arith.constant 89 : i32
      %get3A_3208 = arith.index_cast %get3A_3207 : i32 to index
      %get3A_3209 = arith.constant 16 : index
      %get3A_3210 = tpu.vector_load %arg8[%get3A_3208, %get3A_3209] {strides = array<i32>} : memref<104x32xf32, #tpu.memory_space<vmem>>, vector<16xf32>,
      %add3A_3211 = arith.addf %add3A_3201, %get3A_3210 : vector<16xf32>
      %get3A_3212 = arith.constant 90 : i32
      %get3A_3213 = arith.index_cast %get3A_3212 : i32 to index
      %get3A_3214 = arith.constant 0 : index
      %get3A_3215 = tpu.vector_load %arg8[%get3A_3213, %get3A_3214] {strides = array<i32>} : memref<104x32xf32, #tpu.memory_space<vmem>>, vector<16xf32>,
      %add3A_3216 = arith.addf %add3A_3206, %get3A_3215 : vector<16xf32>
      %get3A_3217 = arith.constant 90 : i32
      %get3A_3218 = arith.index_cast %get3A_3217 : i32 to index
      %get3A_3219 = arith.constant 16 : index
      %get3A_3220 = tpu.vector_load %arg8[%get3A_3218, %get3A_3219] {strides = array<i32>} : memref<104x32xf32, #tpu.memory_space<vmem>>, vector<16xf32>,
      %add3A_3221 = arith.addf %add3A_3211, %get3A_3220 : vector<16xf32>
      %get3A_3222 = arith.constant 91 : i32
      %get3A_3223 = arith.index_cast %get3A_3222 : i32 to index
      %get3A_3224 = arith.constant 0 : index
      %get3A_3225 = tpu.vector_load %arg8[%get3A_3223, %get3A_3224] {strides = array<i32>} : memref<104x32xf32, #tpu.memory_space<vmem>>, vector<16xf32>,
      %add3A_3226 = arith.addf %add3A_3216, %get3A_3225 : vector<16xf32>
      %get3A_3227 = arith.constant 91 : i32
      %get3A_3228 = arith.index_cast %get3A_3227 : i32 to index
      %get3A_3229 = arith.constant 16 : index
      %get3A_3230 = tpu.vector_load %arg8[%get3A_3228, %get3A_3229] {strides = array<i32>} : memref<104x32xf32, #tpu.memory_space<vmem>>, vector<16xf32>,
      %add3A_3231 = arith.addf %add3A_3221, %get3A_3230 : vector<16xf32>
      %get3A_3232 = arith.constant 92 : i32
      %get3A_3233 = arith.index_cast %get3A_3232 : i32 to index
      %get3A_3234 = arith.constant 0 : index
      %get3A_3235 = tpu.vector_load %arg8[%get3A_3233, %get3A_3234] {strides = array<i32>} : memref<104x32xf32, #tpu.memory_space<vmem>>, vector<16xf32>,
      %add3A_3236 = arith.addf %add3A_3226, %get3A_3235 : vector<16xf32>
      %get3A_3237 = arith.constant 92 : i32
      %get3A_3238 = arith.index_cast %get3A_3237 : i32 to index
      %get3A_3239 = arith.constant 16 : index
      %get3A_3240 = tpu.vector_load %arg8[%get3A_3238, %get3A_3239] {strides = array<i32>} : memref<104x32xf32, #tpu.memory_space<vmem>>, vector<16xf32>,
      %add3A_3241 = arith.addf %add3A_3231, %get3A_3240 : vector<16xf32>
      %get3A_3242 = arith.constant 93 : i32
      %get3A_3243 = arith.index_cast %get3A_3242 : i32 to index
      %get3A_3244 = arith.constant 0 : index
      %get3A_3245 = tpu.vector_load %arg8[%get3A_3243, %get3A_3244] {strides = array<i32>} : memref<104x32xf32, #tpu.memory_space<vmem>>, vector<16xf32>,
      %add3A_3246 = arith.addf %add3A_3236, %get3A_3245 : vector<16xf32>
      %get3A_3247 = arith.constant 93 : i32
      %get3A_3248 = arith.index_cast %get3A_3247 : i32 to index
      %get3A_3249 = arith.constant 16 : index
      %get3A_3250 = tpu.vector_load %arg8[%get3A_3248, %get3A_3249] {strides = array<i32>} : memref<104x32xf32, #tpu.memory_space<vmem>>, vector<16xf32>,
      %add3A_3251 = arith.addf %add3A_3241, %get3A_3250 : vector<16xf32>
      %get3A_3252 = arith.constant 94 : i32
      %get3A_3253 = arith.index_cast %get3A_3252 : i32 to index
      %get3A_3254 = arith.constant 0 : index
      %get3A_3255 = tpu.vector_load %arg8[%get3A_3253, %get3A_3254] {strides = array<i32>} : memref<104x32xf32, #tpu.memory_space<vmem>>, vector<16xf32>,
      %add3A_3256 = arith.addf %add3A_3246, %get3A_3255 : vector<16xf32>
      %get3A_3257 = arith.constant 94 : i32
      %get3A_3258 = arith.index_cast %get3A_3257 : i32 to index
      %get3A_3259 = arith.constant 16 : index
      %get3A_3260 = tpu.vector_load %arg8[%get3A_3258, %get3A_3259] {strides = array<i32>} : memref<104x32xf32, #tpu.memory_space<vmem>>, vector<16xf32>,
      %add3A_3261 = arith.addf %add3A_3251, %get3A_3260 : vector<16xf32>
      %get3A_3262 = arith.constant 95 : i32
      %get3A_3263 = arith.index_cast %get3A_3262 : i32 to index
      %get3A_3264 = arith.constant 0 : index
      %get3A_3265 = tpu.vector_load %arg8[%get3A_3263, %get3A_3264] {strides = array<i32>} : memref<104x32xf32, #tpu.memory_space<vmem>>, vector<16xf32>,
      %add3A_3266 = arith.addf %add3A_3256, %get3A_3265 : vector<16xf32>
      %get3A_3267 = arith.constant 95 : i32
      %get3A_3268 = arith.index_cast %get3A_3267 : i32 to index
      %get3A_3269 = arith.constant 16 : index
      %get3A_3270 = tpu.vector_load %arg8[%get3A_3268, %get3A_3269] {strides = array<i32>} : memref<104x32xf32, #tpu.memory_space<vmem>>, vector<16xf32>,
      %add3A_3271 = arith.addf %add3A_3261, %get3A_3270 : vector<16xf32>
      %get3A_3272 = arith.constant 96 : i32
      %get3A_3273 = arith.index_cast %get3A_3272 : i32 to index
      %get3A_3274 = arith.constant 0 : index
      %get3A_3275 = tpu.vector_load %arg8[%get3A_3273, %get3A_3274] {strides = array<i32>} : memref<104x32xf32, #tpu.memory_space<vmem>>, vector<16xf32>,
      %add3A_3276 = arith.addf %add3A_3266, %get3A_3275 : vector<16xf32>
      %get3A_3277 = arith.constant 96 : i32
      %get3A_3278 = arith.index_cast %get3A_3277 : i32 to index
      %get3A_3279 = arith.constant 16 : index
      %get3A_3280 = tpu.vector_load %arg8[%get3A_3278, %get3A_3279] {strides = array<i32>} : memref<104x32xf32, #tpu.memory_space<vmem>>, vector<16xf32>,
      %add3A_3281 = arith.addf %add3A_3271, %get3A_3280 : vector<16xf32>
      %get3A_3282 = arith.constant 97 : i32
      %get3A_3283 = arith.index_cast %get3A_3282 : i32 to index
      %get3A_3284 = arith.constant 0 : index
      %get3A_3285 = tpu.vector_load %arg8[%get3A_3283, %get3A_3284] {strides = array<i32>} : memref<104x32xf32, #tpu.memory_space<vmem>>, vector<16xf32>,
      %add3A_3286 = arith.addf %add3A_3276, %get3A_3285 : vector<16xf32>
      %get3A_3287 = arith.constant 97 : i32
      %get3A_3288 = arith.index_cast %get3A_3287 : i32 to index
      %get3A_3289 = arith.constant 16 : index
      %get3A_3290 = tpu.vector_load %arg8[%get3A_3288, %get3A_3289] {strides = array<i32>} : memref<104x32xf32, #tpu.memory_space<vmem>>, vector<16xf32>,
      %add3A_3291 = arith.addf %add3A_3281, %get3A_3290 : vector<16xf32>
      %get3A_3292 = arith.constant 98 : i32
      %get3A_3293 = arith.index_cast %get3A_3292 : i32 to index
      %get3A_3294 = arith.constant 0 : index
      %get3A_3295 = tpu.vector_load %arg8[%get3A_3293, %get3A_3294] {strides = array<i32>} : memref<104x32xf32, #tpu.memory_space<vmem>>, vector<16xf32>,
      %add3A_3296 = arith.addf %add3A_3286, %get3A_3295 : vector<16xf32>
      %get3A_3297 = arith.constant 98 : i32
      %get3A_3298 = arith.index_cast %get3A_3297 : i32 to index
      %get3A_3299 = arith.constant 16 : index
      %get3A_3300 = tpu.vector_load %arg8[%get3A_3298, %get3A_3299] {strides = array<i32>} : memref<104x32xf32, #tpu.memory_space<vmem>>, vector<16xf32>,
      %add3A_3301 = arith.addf %add3A_3291, %get3A_3300 : vector<16xf32>
      %get3A_3302 = arith.constant 99 : i32
      %get3A_3303 = arith.index_cast %get3A_3302 : i32 to index
      %get3A_3304 = arith.constant 0 : index
      %get3A_3305 = tpu.vector_load %arg8[%get3A_3303, %get3A_3304] {strides = array<i32>} : memref<104x32xf32, #tpu.memory_space<vmem>>, vector<16xf32>,
      %add3A_3306 = arith.addf %add3A_3296, %get3A_3305 : vector<16xf32>
      %get3A_3307 = arith.constant 99 : i32
      %get3A_3308 = arith.index_cast %get3A_3307 : i32 to index
      %get3A_3309 = arith.constant 16 : index
      %get3A_3310 = tpu.vector_load %arg8[%get3A_3308, %get3A_3309] {strides = array<i32>} : memref<104x32xf32, #tpu.memory_space<vmem>>, vector<16xf32>,
      %add3A_3311 = arith.addf %add3A_3301, %get3A_3310 : vector<16xf32>
      %get3A_3312 = arith.constant 100 : i32
      %get3A_3313 = arith.index_cast %get3A_3312 : i32 to index
      %get3A_3314 = arith.constant 0 : index
      %get3A_3315 = tpu.vector_load %arg8[%get3A_3313, %get3A_3314] {strides = array<i32>} : memref<104x32xf32, #tpu.memory_space<vmem>>, vector<16xf32>,
      %add3A_3316 = arith.addf %add3A_3306, %get3A_3315 : vector<16xf32>
      %get3A_3317 = arith.constant 100 : i32
      %get3A_3318 = arith.index_cast %get3A_3317 : i32 to index
      %get3A_3319 = arith.constant 16 : index
      %get3A_3320 = tpu.vector_load %arg8[%get3A_3318, %get3A_3319] {strides = array<i32>} : memref<104x32xf32, #tpu.memory_space<vmem>>, vector<16xf32>,
      %add3A_3321 = arith.addf %add3A_3311, %get3A_3320 : vector<16xf32>
      %get3A_3322 = arith.constant 101 : i32
      %get3A_3323 = arith.index_cast %get3A_3322 : i32 to index
      %get3A_3324 = arith.constant 0 : index
      %get3A_3325 = tpu.vector_load %arg8[%get3A_3323, %get3A_3324] {strides = array<i32>} : memref<104x32xf32, #tpu.memory_space<vmem>>, vector<16xf32>,
      %add3A_3326 = arith.addf %add3A_3316, %get3A_3325 : vector<16xf32>
      %get3A_3327 = arith.constant 101 : i32
      %get3A_3328 = arith.index_cast %get3A_3327 : i32 to index
      %get3A_3329 = arith.constant 16 : index
      %get3A_3330 = tpu.vector_load %arg8[%get3A_3328, %get3A_3329] {strides = array<i32>} : memref<104x32xf32, #tpu.memory_space<vmem>>, vector<16xf32>,
      %add3A_3331 = arith.addf %add3A_3321, %get3A_3330 : vector<16xf32>
      %get3A_3332 = arith.constant 102 : i32
      %get3A_3333 = arith.index_cast %get3A_3332 : i32 to index
      %get3A_3334 = arith.constant 0 : index
      %get3A_3335 = tpu.vector_load %arg8[%get3A_3333, %get3A_3334] {strides = array<i32>} : memref<104x32xf32, #tpu.memory_space<vmem>>, vector<16xf32>,
      %add3A_3336 = arith.addf %add3A_3326, %get3A_3335 : vector<16xf32>
      %get3A_3337 = arith.constant 102 : i32
      %get3A_3338 = arith.index_cast %get3A_3337 : i32 to index
      %get3A_3339 = arith.constant 16 : index
      %get3A_3340 = tpu.vector_load %arg8[%get3A_3338, %get3A_3339] {strides = array<i32>} : memref<104x32xf32, #tpu.memory_space<vmem>>, vector<16xf32>,
      %add3A_3341 = arith.addf %add3A_3331, %get3A_3340 : vector<16xf32>
      %get3A_3342 = arith.constant 103 : i32
      %get3A_3343 = arith.index_cast %get3A_3342 : i32 to index
      %get3A_3344 = arith.constant 0 : index
      %get3A_3345 = tpu.vector_load %arg8[%get3A_3343, %get3A_3344] {strides = array<i32>} : memref<104x32xf32, #tpu.memory_space<vmem>>, vector<16xf32>,
      %add3A_3346 = arith.addf %add3A_3336, %get3A_3345 : vector<16xf32>
      %get3A_3347 = arith.constant 103 : i32
      %get3A_3348 = arith.index_cast %get3A_3347 : i32 to index
      %get3A_3349 = arith.constant 16 : index
      %get3A_3350 = tpu.vector_load %arg8[%get3A_3348, %get3A_3349] {strides = array<i32>} : memref<104x32xf32, #tpu.memory_space<vmem>>, vector<16xf32>,
      %add3A_3351 = arith.addf %add3A_3341, %get3A_3350 : vector<16xf32>
      %broadcast_in_dim3A_3352 = arith.constant 0 : i32
      %broadcast_in_dim3A_3353 = vector.broadcast %broadcast_in_dim3A_3352 : i32 to vector<16xi32>
      %add3A_3354 = arith.constant 384 : i32
      %add3A_3355 = arith.addi %add3A_3354, %add3A_2259 : i32
      %add3A_3356 = vector.broadcast %add3A_3355 : i32 to vector<16xi32>
      %add3A_3357 = arith.addi %broadcast_in_dim3A_3353, %add3A_3356 : vector<16xi32>
      %mul3A_3358 = arith.constant 0.0384615399 : f32
      %mul3A_3359 = vector.broadcast %mul3A_3358 : f32 to vector<16xf32>
      %mul3A_3360 = arith.mulf %add3A_3346, %mul3A_3359 : vector<16xf32>
      tpu.vector_store_idx %arg10[%iota3A_2274, %add3A_3357], %mul3A_3360 : memref<32x512xf32, #tpu.memory_space<vmem>>[vector<16xi32>, vector<16xi32>], vector<16xf32>,
      %add3A_3361 = arith.constant 16 : i32
      %add3A_3362 = vector.broadcast %add3A_3361 : i32 to vector<16xi32>
      %add3A_3363 = arith.addi %iota3A_2274, %add3A_3362 : vector<16xi32>
      %mul3A_3364 = arith.constant 0.0384615399 : f32
      %mul3A_3365 = vector.broadcast %mul3A_3364 : f32 to vector<16xf32>
      %mul3A_3366 = arith.mulf %add3A_3351, %mul3A_3365 : vector<16xf32>
      tpu.vector_store_idx %arg10[%add3A_3363, %add3A_3357], %mul3A_3366 : memref<32x512xf32, #tpu.memory_space<vmem>>[vector<16xi32>, vector<16xi32>], vector<16xf32>,
      %add3A_3367 = arith.constant 3 : i32
      %add3A_3368 = arith.addi %mul3A_46, %add3A_3367 : i32
      %add3A_3369 = arith.constant 3 : i32
      %add3A_3370 = arith.addi %add3A_3368, %add3A_3369 : i32
      %lt3A_3371 = arith.constant 128 : i32
      %lt3A_3372 = arith.cmpi slt, %add3A_3370, %lt3A_3371 : i32
      %convert_element_type3A_3373 = arith.extui %lt3A_3372 : i1 to i32
      %cond3A_3374 = arith.constant 0 : i32
      %cond3A_3375 = arith.cmpi ne, %convert_element_type3A_3373, %cond3A_3374 : i32
      scf.if %cond3A_3375 {
        %add3A_4476 = arith.constant 3 : i32
        %add3A_4477 = arith.addi %add3A_3368, %add3A_4476 : i32
        %dma_start3A_4478 = arith.constant 0 : i32
        %dma_start3A_4479 = tpu.memref_slice %arg5[%add3A_4477, %dma_start3A_4478] : memref<128x128xi32, #tpu.memory_space<vmem>> -> memref<1x104xi32, #tpu.memory_space<vmem>>
        %dma_start3A_4480 = tpu.memref_squeeze %dma_start3A_4479 : memref<1x104xi32, #tpu.memory_space<vmem>> -> memref<104xi32, #tpu.memory_space<vmem>>
        %dma_start3A_4481 = arith.constant 0 : i32
        %dma_start3A_4482 = arith.constant 0 : i32
        %dma_start3A_4483 = tpu.memref_slice %arg3[%dma_start3A_4481, %dma_start3A_4482] : memref<1015808x32xf32, #tpu.memory_space<hbm>> -> memref<1015808x32xf32, #tpu.memory_space<hbm>>
        tpu.enqueue_indirect_dma source(%dma_start3A_4483 : memref<1015808x32xf32, #tpu.memory_space<hbm>>) target(%arg8 : memref<104x32xf32, #tpu.memory_space<vmem>>) offsets(%dma_start3A_4480 : memref<104xi32, #tpu.memory_space<vmem>>) semaphore(%arg13 : memref<!tpu.dma_semaphore, #tpu.memory_space<semaphore_mem>>)
      } else {
      }
      %dma_wait3A_3376 = arith.constant 0 : i32
      %dma_wait3A_3377 = arith.constant 0 : i32
      %dma_wait3A_3378 = tpu.memref_slice %arg5[%dma_wait3A_3376, %dma_wait3A_3377] : memref<128x128xi32, #tpu.memory_space<vmem>> -> memref<1x104xi32, #tpu.memory_space<vmem>>
      %dma_wait3A_3379 = tpu.memref_squeeze %dma_wait3A_3378 : memref<1x104xi32, #tpu.memory_space<vmem>> -> memref<104xi32, #tpu.memory_space<vmem>>
      %dma_wait3A_3380 = arith.constant 0 : i32
      %dma_wait3A_3381 = arith.constant 0 : i32
      %dma_wait3A_3382 = tpu.memref_slice %arg3[%dma_wait3A_3380, %dma_wait3A_3381] : memref<1015808x32xf32, #tpu.memory_space<hbm>> -> memref<1015808x32xf32, #tpu.memory_space<hbm>>
      tpu.wait_indirect_dma semaphore(%arg14 : memref<!tpu.dma_semaphore, #tpu.memory_space<semaphore_mem>>) src(%dma_wait3A_3382 : memref<1015808x32xf32, #tpu.memory_space<hbm>>) dst(%arg9 : memref<104x32xf32, #tpu.memory_space<vmem>>)
      %iota3A_3383 = tpu.iota {dimensions = array<i32: 0>} : vector<16xi32>
      %get3A_3384 = arith.constant 0 : i32
      %get3A_3385 = arith.index_cast %get3A_3384 : i32 to index
      %get3A_3386 = arith.constant 0 : index
      %get3A_3387 = tpu.vector_load %arg9[%get3A_3385, %get3A_3386] {strides = array<i32>} : memref<104x32xf32, #tpu.memory_space<vmem>>, vector<16xf32>,
      %get3A_3388 = arith.constant 0 : i32
      %get3A_3389 = arith.index_cast %get3A_3388 : i32 to index
      %get3A_3390 = arith.constant 16 : index
      %get3A_3391 = tpu.vector_load %arg9[%get3A_3389, %get3A_3390] {strides = array<i32>} : memref<104x32xf32, #tpu.memory_space<vmem>>, vector<16xf32>,
      %get3A_3392 = arith.constant 1 : i32
      %get3A_3393 = arith.index_cast %get3A_3392 : i32 to index
      %get3A_3394 = arith.constant 0 : index
      %get3A_3395 = tpu.vector_load %arg9[%get3A_3393, %get3A_3394] {strides = array<i32>} : memref<104x32xf32, #tpu.memory_space<vmem>>, vector<16xf32>,
      %add3A_3396 = arith.addf %get3A_3387, %get3A_3395 : vector<16xf32>
      %get3A_3397 = arith.constant 1 : i32
      %get3A_3398 = arith.index_cast %get3A_3397 : i32 to index
      %get3A_3399 = arith.constant 16 : index
      %get3A_3400 = tpu.vector_load %arg9[%get3A_3398, %get3A_3399] {strides = array<i32>} : memref<104x32xf32, #tpu.memory_space<vmem>>, vector<16xf32>,
      %add3A_3401 = arith.addf %get3A_3391, %get3A_3400 : vector<16xf32>
      %get3A_3402 = arith.constant 2 : i32
      %get3A_3403 = arith.index_cast %get3A_3402 : i32 to index
      %get3A_3404 = arith.constant 0 : index
      %get3A_3405 = tpu.vector_load %arg9[%get3A_3403, %get3A_3404] {strides = array<i32>} : memref<104x32xf32, #tpu.memory_space<vmem>>, vector<16xf32>,
      %add3A_3406 = arith.addf %add3A_3396, %get3A_3405 : vector<16xf32>
      %get3A_3407 = arith.constant 2 : i32
      %get3A_3408 = arith.index_cast %get3A_3407 : i32 to index
      %get3A_3409 = arith.constant 16 : index
      %get3A_3410 = tpu.vector_load %arg9[%get3A_3408, %get3A_3409] {strides = array<i32>} : memref<104x32xf32, #tpu.memory_space<vmem>>, vector<16xf32>,
      %add3A_3411 = arith.addf %add3A_3401, %get3A_3410 : vector<16xf32>
      %get3A_3412 = arith.constant 3 : i32
      %get3A_3413 = arith.index_cast %get3A_3412 : i32 to index
      %get3A_3414 = arith.constant 0 : index
      %get3A_3415 = tpu.vector_load %arg9[%get3A_3413, %get3A_3414] {strides = array<i32>} : memref<104x32xf32, #tpu.memory_space<vmem>>, vector<16xf32>,
      %add3A_3416 = arith.addf %add3A_3406, %get3A_3415 : vector<16xf32>
      %get3A_3417 = arith.constant 3 : i32
      %get3A_3418 = arith.index_cast %get3A_3417 : i32 to index
      %get3A_3419 = arith.constant 16 : index
      %get3A_3420 = tpu.vector_load %arg9[%get3A_3418, %get3A_3419] {strides = array<i32>} : memref<104x32xf32, #tpu.memory_space<vmem>>, vector<16xf32>,
      %add3A_3421 = arith.addf %add3A_3411, %get3A_3420 : vector<16xf32>
      %get3A_3422 = arith.constant 4 : i32
      %get3A_3423 = arith.index_cast %get3A_3422 : i32 to index
      %get3A_3424 = arith.constant 0 : index
      %get3A_3425 = tpu.vector_load %arg9[%get3A_3423, %get3A_3424] {strides = array<i32>} : memref<104x32xf32, #tpu.memory_space<vmem>>, vector<16xf32>,
      %add3A_3426 = arith.addf %add3A_3416, %get3A_3425 : vector<16xf32>
      %get3A_3427 = arith.constant 4 : i32
      %get3A_3428 = arith.index_cast %get3A_3427 : i32 to index
      %get3A_3429 = arith.constant 16 : index
      %get3A_3430 = tpu.vector_load %arg9[%get3A_3428, %get3A_3429] {strides = array<i32>} : memref<104x32xf32, #tpu.memory_space<vmem>>, vector<16xf32>,
      %add3A_3431 = arith.addf %add3A_3421, %get3A_3430 : vector<16xf32>
      %get3A_3432 = arith.constant 5 : i32
      %get3A_3433 = arith.index_cast %get3A_3432 : i32 to index
      %get3A_3434 = arith.constant 0 : index
      %get3A_3435 = tpu.vector_load %arg9[%get3A_3433, %get3A_3434] {strides = array<i32>} : memref<104x32xf32, #tpu.memory_space<vmem>>, vector<16xf32>,
      %add3A_3436 = arith.addf %add3A_3426, %get3A_3435 : vector<16xf32>
      %get3A_3437 = arith.constant 5 : i32
      %get3A_3438 = arith.index_cast %get3A_3437 : i32 to index
      %get3A_3439 = arith.constant 16 : index
      %get3A_3440 = tpu.vector_load %arg9[%get3A_3438, %get3A_3439] {strides = array<i32>} : memref<104x32xf32, #tpu.memory_space<vmem>>, vector<16xf32>,
      %add3A_3441 = arith.addf %add3A_3431, %get3A_3440 : vector<16xf32>
      %get3A_3442 = arith.constant 6 : i32
      %get3A_3443 = arith.index_cast %get3A_3442 : i32 to index
      %get3A_3444 = arith.constant 0 : index
      %get3A_3445 = tpu.vector_load %arg9[%get3A_3443, %get3A_3444] {strides = array<i32>} : memref<104x32xf32, #tpu.memory_space<vmem>>, vector<16xf32>,
      %add3A_3446 = arith.addf %add3A_3436, %get3A_3445 : vector<16xf32>
      %get3A_3447 = arith.constant 6 : i32
      %get3A_3448 = arith.index_cast %get3A_3447 : i32 to index
      %get3A_3449 = arith.constant 16 : index
      %get3A_3450 = tpu.vector_load %arg9[%get3A_3448, %get3A_3449] {strides = array<i32>} : memref<104x32xf32, #tpu.memory_space<vmem>>, vector<16xf32>,
      %add3A_3451 = arith.addf %add3A_3441, %get3A_3450 : vector<16xf32>
      %get3A_3452 = arith.constant 7 : i32
      %get3A_3453 = arith.index_cast %get3A_3452 : i32 to index
      %get3A_3454 = arith.constant 0 : index
      %get3A_3455 = tpu.vector_load %arg9[%get3A_3453, %get3A_3454] {strides = array<i32>} : memref<104x32xf32, #tpu.memory_space<vmem>>, vector<16xf32>,
      %add3A_3456 = arith.addf %add3A_3446, %get3A_3455 : vector<16xf32>
      %get3A_3457 = arith.constant 7 : i32
      %get3A_3458 = arith.index_cast %get3A_3457 : i32 to index
      %get3A_3459 = arith.constant 16 : index
      %get3A_3460 = tpu.vector_load %arg9[%get3A_3458, %get3A_3459] {strides = array<i32>} : memref<104x32xf32, #tpu.memory_space<vmem>>, vector<16xf32>,
      %add3A_3461 = arith.addf %add3A_3451, %get3A_3460 : vector<16xf32>
      %get3A_3462 = arith.constant 8 : i32
      %get3A_3463 = arith.index_cast %get3A_3462 : i32 to index
      %get3A_3464 = arith.constant 0 : index
      %get3A_3465 = tpu.vector_load %arg9[%get3A_3463, %get3A_3464] {strides = array<i32>} : memref<104x32xf32, #tpu.memory_space<vmem>>, vector<16xf32>,
      %add3A_3466 = arith.addf %add3A_3456, %get3A_3465 : vector<16xf32>
      %get3A_3467 = arith.constant 8 : i32
      %get3A_3468 = arith.index_cast %get3A_3467 : i32 to index
      %get3A_3469 = arith.constant 16 : index
      %get3A_3470 = tpu.vector_load %arg9[%get3A_3468, %get3A_3469] {strides = array<i32>} : memref<104x32xf32, #tpu.memory_space<vmem>>, vector<16xf32>,
      %add3A_3471 = arith.addf %add3A_3461, %get3A_3470 : vector<16xf32>
      %get3A_3472 = arith.constant 9 : i32
      %get3A_3473 = arith.index_cast %get3A_3472 : i32 to index
      %get3A_3474 = arith.constant 0 : index
      %get3A_3475 = tpu.vector_load %arg9[%get3A_3473, %get3A_3474] {strides = array<i32>} : memref<104x32xf32, #tpu.memory_space<vmem>>, vector<16xf32>,
      %add3A_3476 = arith.addf %add3A_3466, %get3A_3475 : vector<16xf32>
      %get3A_3477 = arith.constant 9 : i32
      %get3A_3478 = arith.index_cast %get3A_3477 : i32 to index
      %get3A_3479 = arith.constant 16 : index
      %get3A_3480 = tpu.vector_load %arg9[%get3A_3478, %get3A_3479] {strides = array<i32>} : memref<104x32xf32, #tpu.memory_space<vmem>>, vector<16xf32>,
      %add3A_3481 = arith.addf %add3A_3471, %get3A_3480 : vector<16xf32>
      %get3A_3482 = arith.constant 10 : i32
      %get3A_3483 = arith.index_cast %get3A_3482 : i32 to index
      %get3A_3484 = arith.constant 0 : index
      %get3A_3485 = tpu.vector_load %arg9[%get3A_3483, %get3A_3484] {strides = array<i32>} : memref<104x32xf32, #tpu.memory_space<vmem>>, vector<16xf32>,
      %add3A_3486 = arith.addf %add3A_3476, %get3A_3485 : vector<16xf32>
      %get3A_3487 = arith.constant 10 : i32
      %get3A_3488 = arith.index_cast %get3A_3487 : i32 to index
      %get3A_3489 = arith.constant 16 : index
      %get3A_3490 = tpu.vector_load %arg9[%get3A_3488, %get3A_3489] {strides = array<i32>} : memref<104x32xf32, #tpu.memory_space<vmem>>, vector<16xf32>,
      %add3A_3491 = arith.addf %add3A_3481, %get3A_3490 : vector<16xf32>
      %get3A_3492 = arith.constant 11 : i32
      %get3A_3493 = arith.index_cast %get3A_3492 : i32 to index
      %get3A_3494 = arith.constant 0 : index
      %get3A_3495 = tpu.vector_load %arg9[%get3A_3493, %get3A_3494] {strides = array<i32>} : memref<104x32xf32, #tpu.memory_space<vmem>>, vector<16xf32>,
      %add3A_3496 = arith.addf %add3A_3486, %get3A_3495 : vector<16xf32>
      %get3A_3497 = arith.constant 11 : i32
      %get3A_3498 = arith.index_cast %get3A_3497 : i32 to index
      %get3A_3499 = arith.constant 16 : index
      %get3A_3500 = tpu.vector_load %arg9[%get3A_3498, %get3A_3499] {strides = array<i32>} : memref<104x32xf32, #tpu.memory_space<vmem>>, vector<16xf32>,
      %add3A_3501 = arith.addf %add3A_3491, %get3A_3500 : vector<16xf32>
      %get3A_3502 = arith.constant 12 : i32
      %get3A_3503 = arith.index_cast %get3A_3502 : i32 to index
      %get3A_3504 = arith.constant 0 : index
      %get3A_3505 = tpu.vector_load %arg9[%get3A_3503, %get3A_3504] {strides = array<i32>} : memref<104x32xf32, #tpu.memory_space<vmem>>, vector<16xf32>,
      %add3A_3506 = arith.addf %add3A_3496, %get3A_3505 : vector<16xf32>
      %get3A_3507 = arith.constant 12 : i32
      %get3A_3508 = arith.index_cast %get3A_3507 : i32 to index
      %get3A_3509 = arith.constant 16 : index
      %get3A_3510 = tpu.vector_load %arg9[%get3A_3508, %get3A_3509] {strides = array<i32>} : memref<104x32xf32, #tpu.memory_space<vmem>>, vector<16xf32>,
      %add3A_3511 = arith.addf %add3A_3501, %get3A_3510 : vector<16xf32>
      %get3A_3512 = arith.constant 13 : i32
      %get3A_3513 = arith.index_cast %get3A_3512 : i32 to index
      %get3A_3514 = arith.constant 0 : index
      %get3A_3515 = tpu.vector_load %arg9[%get3A_3513, %get3A_3514] {strides = array<i32>} : memref<104x32xf32, #tpu.memory_space<vmem>>, vector<16xf32>,
      %add3A_3516 = arith.addf %add3A_3506, %get3A_3515 : vector<16xf32>
      %get3A_3517 = arith.constant 13 : i32
      %get3A_3518 = arith.index_cast %get3A_3517 : i32 to index
      %get3A_3519 = arith.constant 16 : index
      %get3A_3520 = tpu.vector_load %arg9[%get3A_3518, %get3A_3519] {strides = array<i32>} : memref<104x32xf32, #tpu.memory_space<vmem>>, vector<16xf32>,
      %add3A_3521 = arith.addf %add3A_3511, %get3A_3520 : vector<16xf32>
      %get3A_3522 = arith.constant 14 : i32
      %get3A_3523 = arith.index_cast %get3A_3522 : i32 to index
      %get3A_3524 = arith.constant 0 : index
      %get3A_3525 = tpu.vector_load %arg9[%get3A_3523, %get3A_3524] {strides = array<i32>} : memref<104x32xf32, #tpu.memory_space<vmem>>, vector<16xf32>,
      %add3A_3526 = arith.addf %add3A_3516, %get3A_3525 : vector<16xf32>
      %get3A_3527 = arith.constant 14 : i32
      %get3A_3528 = arith.index_cast %get3A_3527 : i32 to index
      %get3A_3529 = arith.constant 16 : index
      %get3A_3530 = tpu.vector_load %arg9[%get3A_3528, %get3A_3529] {strides = array<i32>} : memref<104x32xf32, #tpu.memory_space<vmem>>, vector<16xf32>,
      %add3A_3531 = arith.addf %add3A_3521, %get3A_3530 : vector<16xf32>
      %get3A_3532 = arith.constant 15 : i32
      %get3A_3533 = arith.index_cast %get3A_3532 : i32 to index
      %get3A_3534 = arith.constant 0 : index
      %get3A_3535 = tpu.vector_load %arg9[%get3A_3533, %get3A_3534] {strides = array<i32>} : memref<104x32xf32, #tpu.memory_space<vmem>>, vector<16xf32>,
      %add3A_3536 = arith.addf %add3A_3526, %get3A_3535 : vector<16xf32>
      %get3A_3537 = arith.constant 15 : i32
      %get3A_3538 = arith.index_cast %get3A_3537 : i32 to index
      %get3A_3539 = arith.constant 16 : index
      %get3A_3540 = tpu.vector_load %arg9[%get3A_3538, %get3A_3539] {strides = array<i32>} : memref<104x32xf32, #tpu.memory_space<vmem>>, vector<16xf32>,
      %add3A_3541 = arith.addf %add3A_3531, %get3A_3540 : vector<16xf32>
      %get3A_3542 = arith.constant 16 : i32
      %get3A_3543 = arith.index_cast %get3A_3542 : i32 to index
      %get3A_3544 = arith.constant 0 : index
      %get3A_3545 = tpu.vector_load %arg9[%get3A_3543, %get3A_3544] {strides = array<i32>} : memref<104x32xf32, #tpu.memory_space<vmem>>, vector<16xf32>,
      %add3A_3546 = arith.addf %add3A_3536, %get3A_3545 : vector<16xf32>
      %get3A_3547 = arith.constant 16 : i32
      %get3A_3548 = arith.index_cast %get3A_3547 : i32 to index
      %get3A_3549 = arith.constant 16 : index
      %get3A_3550 = tpu.vector_load %arg9[%get3A_3548, %get3A_3549] {strides = array<i32>} : memref<104x32xf32, #tpu.memory_space<vmem>>, vector<16xf32>,
      %add3A_3551 = arith.addf %add3A_3541, %get3A_3550 : vector<16xf32>
      %get3A_3552 = arith.constant 17 : i32
      %get3A_3553 = arith.index_cast %get3A_3552 : i32 to index
      %get3A_3554 = arith.constant 0 : index
      %get3A_3555 = tpu.vector_load %arg9[%get3A_3553, %get3A_3554] {strides = array<i32>} : memref<104x32xf32, #tpu.memory_space<vmem>>, vector<16xf32>,
      %add3A_3556 = arith.addf %add3A_3546, %get3A_3555 : vector<16xf32>
      %get3A_3557 = arith.constant 17 : i32
      %get3A_3558 = arith.index_cast %get3A_3557 : i32 to index
      %get3A_3559 = arith.constant 16 : index
      %get3A_3560 = tpu.vector_load %arg9[%get3A_3558, %get3A_3559] {strides = array<i32>} : memref<104x32xf32, #tpu.memory_space<vmem>>, vector<16xf32>,
      %add3A_3561 = arith.addf %add3A_3551, %get3A_3560 : vector<16xf32>
      %get3A_3562 = arith.constant 18 : i32
      %get3A_3563 = arith.index_cast %get3A_3562 : i32 to index
      %get3A_3564 = arith.constant 0 : index
      %get3A_3565 = tpu.vector_load %arg9[%get3A_3563, %get3A_3564] {strides = array<i32>} : memref<104x32xf32, #tpu.memory_space<vmem>>, vector<16xf32>,
      %add3A_3566 = arith.addf %add3A_3556, %get3A_3565 : vector<16xf32>
      %get3A_3567 = arith.constant 18 : i32
      %get3A_3568 = arith.index_cast %get3A_3567 : i32 to index
      %get3A_3569 = arith.constant 16 : index
      %get3A_3570 = tpu.vector_load %arg9[%get3A_3568, %get3A_3569] {strides = array<i32>} : memref<104x32xf32, #tpu.memory_space<vmem>>, vector<16xf32>,
      %add3A_3571 = arith.addf %add3A_3561, %get3A_3570 : vector<16xf32>
      %get3A_3572 = arith.constant 19 : i32
      %get3A_3573 = arith.index_cast %get3A_3572 : i32 to index
      %get3A_3574 = arith.constant 0 : index
      %get3A_3575 = tpu.vector_load %arg9[%get3A_3573, %get3A_3574] {strides = array<i32>} : memref<104x32xf32, #tpu.memory_space<vmem>>, vector<16xf32>,
      %add3A_3576 = arith.addf %add3A_3566, %get3A_3575 : vector<16xf32>
      %get3A_3577 = arith.constant 19 : i32
      %get3A_3578 = arith.index_cast %get3A_3577 : i32 to index
      %get3A_3579 = arith.constant 16 : index
      %get3A_3580 = tpu.vector_load %arg9[%get3A_3578, %get3A_3579] {strides = array<i32>} : memref<104x32xf32, #tpu.memory_space<vmem>>, vector<16xf32>,
      %add3A_3581 = arith.addf %add3A_3571, %get3A_3580 : vector<16xf32>
      %get3A_3582 = arith.constant 20 : i32
      %get3A_3583 = arith.index_cast %get3A_3582 : i32 to index
      %get3A_3584 = arith.constant 0 : index
      %get3A_3585 = tpu.vector_load %arg9[%get3A_3583, %get3A_3584] {strides = array<i32>} : memref<104x32xf32, #tpu.memory_space<vmem>>, vector<16xf32>,
      %add3A_3586 = arith.addf %add3A_3576, %get3A_3585 : vector<16xf32>
      %get3A_3587 = arith.constant 20 : i32
      %get3A_3588 = arith.index_cast %get3A_3587 : i32 to index
      %get3A_3589 = arith.constant 16 : index
      %get3A_3590 = tpu.vector_load %arg9[%get3A_3588, %get3A_3589] {strides = array<i32>} : memref<104x32xf32, #tpu.memory_space<vmem>>, vector<16xf32>,
      %add3A_3591 = arith.addf %add3A_3581, %get3A_3590 : vector<16xf32>
      %get3A_3592 = arith.constant 21 : i32
      %get3A_3593 = arith.index_cast %get3A_3592 : i32 to index
      %get3A_3594 = arith.constant 0 : index
      %get3A_3595 = tpu.vector_load %arg9[%get3A_3593, %get3A_3594] {strides = array<i32>} : memref<104x32xf32, #tpu.memory_space<vmem>>, vector<16xf32>,
      %add3A_3596 = arith.addf %add3A_3586, %get3A_3595 : vector<16xf32>
      %get3A_3597 = arith.constant 21 : i32
      %get3A_3598 = arith.index_cast %get3A_3597 : i32 to index
      %get3A_3599 = arith.constant 16 : index
      %get3A_3600 = tpu.vector_load %arg9[%get3A_3598, %get3A_3599] {strides = array<i32>} : memref<104x32xf32, #tpu.memory_space<vmem>>, vector<16xf32>,
      %add3A_3601 = arith.addf %add3A_3591, %get3A_3600 : vector<16xf32>
      %get3A_3602 = arith.constant 22 : i32
      %get3A_3603 = arith.index_cast %get3A_3602 : i32 to index
      %get3A_3604 = arith.constant 0 : index
      %get3A_3605 = tpu.vector_load %arg9[%get3A_3603, %get3A_3604] {strides = array<i32>} : memref<104x32xf32, #tpu.memory_space<vmem>>, vector<16xf32>,
      %add3A_3606 = arith.addf %add3A_3596, %get3A_3605 : vector<16xf32>
      %get3A_3607 = arith.constant 22 : i32
      %get3A_3608 = arith.index_cast %get3A_3607 : i32 to index
      %get3A_3609 = arith.constant 16 : index
      %get3A_3610 = tpu.vector_load %arg9[%get3A_3608, %get3A_3609] {strides = array<i32>} : memref<104x32xf32, #tpu.memory_space<vmem>>, vector<16xf32>,
      %add3A_3611 = arith.addf %add3A_3601, %get3A_3610 : vector<16xf32>
      %get3A_3612 = arith.constant 23 : i32
      %get3A_3613 = arith.index_cast %get3A_3612 : i32 to index
      %get3A_3614 = arith.constant 0 : index
      %get3A_3615 = tpu.vector_load %arg9[%get3A_3613, %get3A_3614] {strides = array<i32>} : memref<104x32xf32, #tpu.memory_space<vmem>>, vector<16xf32>,
      %add3A_3616 = arith.addf %add3A_3606, %get3A_3615 : vector<16xf32>
      %get3A_3617 = arith.constant 23 : i32
      %get3A_3618 = arith.index_cast %get3A_3617 : i32 to index
      %get3A_3619 = arith.constant 16 : index
      %get3A_3620 = tpu.vector_load %arg9[%get3A_3618, %get3A_3619] {strides = array<i32>} : memref<104x32xf32, #tpu.memory_space<vmem>>, vector<16xf32>,
      %add3A_3621 = arith.addf %add3A_3611, %get3A_3620 : vector<16xf32>
      %get3A_3622 = arith.constant 24 : i32
      %get3A_3623 = arith.index_cast %get3A_3622 : i32 to index
      %get3A_3624 = arith.constant 0 : index
      %get3A_3625 = tpu.vector_load %arg9[%get3A_3623, %get3A_3624] {strides = array<i32>} : memref<104x32xf32, #tpu.memory_space<vmem>>, vector<16xf32>,
      %add3A_3626 = arith.addf %add3A_3616, %get3A_3625 : vector<16xf32>
      %get3A_3627 = arith.constant 24 : i32
      %get3A_3628 = arith.index_cast %get3A_3627 : i32 to index
      %get3A_3629 = arith.constant 16 : index
      %get3A_3630 = tpu.vector_load %arg9[%get3A_3628, %get3A_3629] {strides = array<i32>} : memref<104x32xf32, #tpu.memory_space<vmem>>, vector<16xf32>,
      %add3A_3631 = arith.addf %add3A_3621, %get3A_3630 : vector<16xf32>
      %get3A_3632 = arith.constant 25 : i32
      %get3A_3633 = arith.index_cast %get3A_3632 : i32 to index
      %get3A_3634 = arith.constant 0 : index
      %get3A_3635 = tpu.vector_load %arg9[%get3A_3633, %get3A_3634] {strides = array<i32>} : memref<104x32xf32, #tpu.memory_space<vmem>>, vector<16xf32>,
      %add3A_3636 = arith.addf %add3A_3626, %get3A_3635 : vector<16xf32>
      %get3A_3637 = arith.constant 25 : i32
      %get3A_3638 = arith.index_cast %get3A_3637 : i32 to index
      %get3A_3639 = arith.constant 16 : index
      %get3A_3640 = tpu.vector_load %arg9[%get3A_3638, %get3A_3639] {strides = array<i32>} : memref<104x32xf32, #tpu.memory_space<vmem>>, vector<16xf32>,
      %add3A_3641 = arith.addf %add3A_3631, %get3A_3640 : vector<16xf32>
      %broadcast_in_dim3A_3642 = arith.constant 0 : i32
      %broadcast_in_dim3A_3643 = vector.broadcast %broadcast_in_dim3A_3642 : i32 to vector<16xi32>
      %add3A_3644 = arith.constant 0 : i32
      %add3A_3645 = arith.addi %add3A_3644, %add3A_3368 : i32
      %add3A_3646 = vector.broadcast %add3A_3645 : i32 to vector<16xi32>
      %add3A_3647 = arith.addi %broadcast_in_dim3A_3643, %add3A_3646 : vector<16xi32>
      %mul3A_3648 = arith.constant 0.0384615399 : f32
      %mul3A_3649 = vector.broadcast %mul3A_3648 : f32 to vector<16xf32>
      %mul3A_3650 = arith.mulf %add3A_3636, %mul3A_3649 : vector<16xf32>
      tpu.vector_store_idx %arg10[%iota3A_3383, %add3A_3647], %mul3A_3650 : memref<32x512xf32, #tpu.memory_space<vmem>>[vector<16xi32>, vector<16xi32>], vector<16xf32>,
      %add3A_3651 = arith.constant 16 : i32
      %add3A_3652 = vector.broadcast %add3A_3651 : i32 to vector<16xi32>
      %add3A_3653 = arith.addi %iota3A_3383, %add3A_3652 : vector<16xi32>
      %mul3A_3654 = arith.constant 0.0384615399 : f32
      %mul3A_3655 = vector.broadcast %mul3A_3654 : f32 to vector<16xf32>
      %mul3A_3656 = arith.mulf %add3A_3641, %mul3A_3655 : vector<16xf32>
      tpu.vector_store_idx %arg10[%add3A_3653, %add3A_3647], %mul3A_3656 : memref<32x512xf32, #tpu.memory_space<vmem>>[vector<16xi32>, vector<16xi32>], vector<16xf32>,
      %get3A_3657 = arith.constant 26 : i32
      %get3A_3658 = arith.index_cast %get3A_3657 : i32 to index
      %get3A_3659 = arith.constant 0 : index
      %get3A_3660 = tpu.vector_load %arg9[%get3A_3658, %get3A_3659] {strides = array<i32>} : memref<104x32xf32, #tpu.memory_space<vmem>>, vector<16xf32>,
      %get3A_3661 = arith.constant 26 : i32
      %get3A_3662 = arith.index_cast %get3A_3661 : i32 to index
      %get3A_3663 = arith.constant 16 : index
      %get3A_3664 = tpu.vector_load %arg9[%get3A_3662, %get3A_3663] {strides = array<i32>} : memref<104x32xf32, #tpu.memory_space<vmem>>, vector<16xf32>,
      %get3A_3665 = arith.constant 27 : i32
      %get3A_3666 = arith.index_cast %get3A_3665 : i32 to index
      %get3A_3667 = arith.constant 0 : index
      %get3A_3668 = tpu.vector_load %arg9[%get3A_3666, %get3A_3667] {strides = array<i32>} : memref<104x32xf32, #tpu.memory_space<vmem>>, vector<16xf32>,
      %add3A_3669 = arith.addf %get3A_3660, %get3A_3668 : vector<16xf32>
      %get3A_3670 = arith.constant 27 : i32
      %get3A_3671 = arith.index_cast %get3A_3670 : i32 to index
      %get3A_3672 = arith.constant 16 : index
      %get3A_3673 = tpu.vector_load %arg9[%get3A_3671, %get3A_3672] {strides = array<i32>} : memref<104x32xf32, #tpu.memory_space<vmem>>, vector<16xf32>,
      %add3A_3674 = arith.addf %get3A_3664, %get3A_3673 : vector<16xf32>
      %get3A_3675 = arith.constant 28 : i32
      %get3A_3676 = arith.index_cast %get3A_3675 : i32 to index
      %get3A_3677 = arith.constant 0 : index
      %get3A_3678 = tpu.vector_load %arg9[%get3A_3676, %get3A_3677] {strides = array<i32>} : memref<104x32xf32, #tpu.memory_space<vmem>>, vector<16xf32>,
      %add3A_3679 = arith.addf %add3A_3669, %get3A_3678 : vector<16xf32>
      %get3A_3680 = arith.constant 28 : i32
      %get3A_3681 = arith.index_cast %get3A_3680 : i32 to index
      %get3A_3682 = arith.constant 16 : index
      %get3A_3683 = tpu.vector_load %arg9[%get3A_3681, %get3A_3682] {strides = array<i32>} : memref<104x32xf32, #tpu.memory_space<vmem>>, vector<16xf32>,
      %add3A_3684 = arith.addf %add3A_3674, %get3A_3683 : vector<16xf32>
      %get3A_3685 = arith.constant 29 : i32
      %get3A_3686 = arith.index_cast %get3A_3685 : i32 to index
      %get3A_3687 = arith.constant 0 : index
      %get3A_3688 = tpu.vector_load %arg9[%get3A_3686, %get3A_3687] {strides = array<i32>} : memref<104x32xf32, #tpu.memory_space<vmem>>, vector<16xf32>,
      %add3A_3689 = arith.addf %add3A_3679, %get3A_3688 : vector<16xf32>
      %get3A_3690 = arith.constant 29 : i32
      %get3A_3691 = arith.index_cast %get3A_3690 : i32 to index
      %get3A_3692 = arith.constant 16 : index
      %get3A_3693 = tpu.vector_load %arg9[%get3A_3691, %get3A_3692] {strides = array<i32>} : memref<104x32xf32, #tpu.memory_space<vmem>>, vector<16xf32>,
      %add3A_3694 = arith.addf %add3A_3684, %get3A_3693 : vector<16xf32>
      %get3A_3695 = arith.constant 30 : i32
      %get3A_3696 = arith.index_cast %get3A_3695 : i32 to index
      %get3A_3697 = arith.constant 0 : index
      %get3A_3698 = tpu.vector_load %arg9[%get3A_3696, %get3A_3697] {strides = array<i32>} : memref<104x32xf32, #tpu.memory_space<vmem>>, vector<16xf32>,
      %add3A_3699 = arith.addf %add3A_3689, %get3A_3698 : vector<16xf32>
      %get3A_3700 = arith.constant 30 : i32
      %get3A_3701 = arith.index_cast %get3A_3700 : i32 to index
      %get3A_3702 = arith.constant 16 : index
      %get3A_3703 = tpu.vector_load %arg9[%get3A_3701, %get3A_3702] {strides = array<i32>} : memref<104x32xf32, #tpu.memory_space<vmem>>, vector<16xf32>,
      %add3A_3704 = arith.addf %add3A_3694, %get3A_3703 : vector<16xf32>
      %get3A_3705 = arith.constant 31 : i32
      %get3A_3706 = arith.index_cast %get3A_3705 : i32 to index
      %get3A_3707 = arith.constant 0 : index
      %get3A_3708 = tpu.vector_load %arg9[%get3A_3706, %get3A_3707] {strides = array<i32>} : memref<104x32xf32, #tpu.memory_space<vmem>>, vector<16xf32>,
      %add3A_3709 = arith.addf %add3A_3699, %get3A_3708 : vector<16xf32>
      %get3A_3710 = arith.constant 31 : i32
      %get3A_3711 = arith.index_cast %get3A_3710 : i32 to index
      %get3A_3712 = arith.constant 16 : index
      %get3A_3713 = tpu.vector_load %arg9[%get3A_3711, %get3A_3712] {strides = array<i32>} : memref<104x32xf32, #tpu.memory_space<vmem>>, vector<16xf32>,
      %add3A_3714 = arith.addf %add3A_3704, %get3A_3713 : vector<16xf32>
      %get3A_3715 = arith.constant 32 : i32
      %get3A_3716 = arith.index_cast %get3A_3715 : i32 to index
      %get3A_3717 = arith.constant 0 : index
      %get3A_3718 = tpu.vector_load %arg9[%get3A_3716, %get3A_3717] {strides = array<i32>} : memref<104x32xf32, #tpu.memory_space<vmem>>, vector<16xf32>,
      %add3A_3719 = arith.addf %add3A_3709, %get3A_3718 : vector<16xf32>
      %get3A_3720 = arith.constant 32 : i32
      %get3A_3721 = arith.index_cast %get3A_3720 : i32 to index
      %get3A_3722 = arith.constant 16 : index
      %get3A_3723 = tpu.vector_load %arg9[%get3A_3721, %get3A_3722] {strides = array<i32>} : memref<104x32xf32, #tpu.memory_space<vmem>>, vector<16xf32>,
      %add3A_3724 = arith.addf %add3A_3714, %get3A_3723 : vector<16xf32>
      %get3A_3725 = arith.constant 33 : i32
      %get3A_3726 = arith.index_cast %get3A_3725 : i32 to index
      %get3A_3727 = arith.constant 0 : index
      %get3A_3728 = tpu.vector_load %arg9[%get3A_3726, %get3A_3727] {strides = array<i32>} : memref<104x32xf32, #tpu.memory_space<vmem>>, vector<16xf32>,
      %add3A_3729 = arith.addf %add3A_3719, %get3A_3728 : vector<16xf32>
      %get3A_3730 = arith.constant 33 : i32
      %get3A_3731 = arith.index_cast %get3A_3730 : i32 to index
      %get3A_3732 = arith.constant 16 : index
      %get3A_3733 = tpu.vector_load %arg9[%get3A_3731, %get3A_3732] {strides = array<i32>} : memref<104x32xf32, #tpu.memory_space<vmem>>, vector<16xf32>,
      %add3A_3734 = arith.addf %add3A_3724, %get3A_3733 : vector<16xf32>
      %get3A_3735 = arith.constant 34 : i32
      %get3A_3736 = arith.index_cast %get3A_3735 : i32 to index
      %get3A_3737 = arith.constant 0 : index
      %get3A_3738 = tpu.vector_load %arg9[%get3A_3736, %get3A_3737] {strides = array<i32>} : memref<104x32xf32, #tpu.memory_space<vmem>>, vector<16xf32>,
      %add3A_3739 = arith.addf %add3A_3729, %get3A_3738 : vector<16xf32>
      %get3A_3740 = arith.constant 34 : i32
      %get3A_3741 = arith.index_cast %get3A_3740 : i32 to index
      %get3A_3742 = arith.constant 16 : index
      %get3A_3743 = tpu.vector_load %arg9[%get3A_3741, %get3A_3742] {strides = array<i32>} : memref<104x32xf32, #tpu.memory_space<vmem>>, vector<16xf32>,
      %add3A_3744 = arith.addf %add3A_3734, %get3A_3743 : vector<16xf32>
      %get3A_3745 = arith.constant 35 : i32
      %get3A_3746 = arith.index_cast %get3A_3745 : i32 to index
      %get3A_3747 = arith.constant 0 : index
      %get3A_3748 = tpu.vector_load %arg9[%get3A_3746, %get3A_3747] {strides = array<i32>} : memref<104x32xf32, #tpu.memory_space<vmem>>, vector<16xf32>,
      %add3A_3749 = arith.addf %add3A_3739, %get3A_3748 : vector<16xf32>
      %get3A_3750 = arith.constant 35 : i32
      %get3A_3751 = arith.index_cast %get3A_3750 : i32 to index
      %get3A_3752 = arith.constant 16 : index
      %get3A_3753 = tpu.vector_load %arg9[%get3A_3751, %get3A_3752] {strides = array<i32>} : memref<104x32xf32, #tpu.memory_space<vmem>>, vector<16xf32>,
      %add3A_3754 = arith.addf %add3A_3744, %get3A_3753 : vector<16xf32>
      %get3A_3755 = arith.constant 36 : i32
      %get3A_3756 = arith.index_cast %get3A_3755 : i32 to index
      %get3A_3757 = arith.constant 0 : index
      %get3A_3758 = tpu.vector_load %arg9[%get3A_3756, %get3A_3757] {strides = array<i32>} : memref<104x32xf32, #tpu.memory_space<vmem>>, vector<16xf32>,
      %add3A_3759 = arith.addf %add3A_3749, %get3A_3758 : vector<16xf32>
      %get3A_3760 = arith.constant 36 : i32
      %get3A_3761 = arith.index_cast %get3A_3760 : i32 to index
      %get3A_3762 = arith.constant 16 : index
      %get3A_3763 = tpu.vector_load %arg9[%get3A_3761, %get3A_3762] {strides = array<i32>} : memref<104x32xf32, #tpu.memory_space<vmem>>, vector<16xf32>,
      %add3A_3764 = arith.addf %add3A_3754, %get3A_3763 : vector<16xf32>
      %get3A_3765 = arith.constant 37 : i32
      %get3A_3766 = arith.index_cast %get3A_3765 : i32 to index
      %get3A_3767 = arith.constant 0 : index
      %get3A_3768 = tpu.vector_load %arg9[%get3A_3766, %get3A_3767] {strides = array<i32>} : memref<104x32xf32, #tpu.memory_space<vmem>>, vector<16xf32>,
      %add3A_3769 = arith.addf %add3A_3759, %get3A_3768 : vector<16xf32>
      %get3A_3770 = arith.constant 37 : i32
      %get3A_3771 = arith.index_cast %get3A_3770 : i32 to index
      %get3A_3772 = arith.constant 16 : index
      %get3A_3773 = tpu.vector_load %arg9[%get3A_3771, %get3A_3772] {strides = array<i32>} : memref<104x32xf32, #tpu.memory_space<vmem>>, vector<16xf32>,
      %add3A_3774 = arith.addf %add3A_3764, %get3A_3773 : vector<16xf32>
      %get3A_3775 = arith.constant 38 : i32
      %get3A_3776 = arith.index_cast %get3A_3775 : i32 to index
      %get3A_3777 = arith.constant 0 : index
      %get3A_3778 = tpu.vector_load %arg9[%get3A_3776, %get3A_3777] {strides = array<i32>} : memref<104x32xf32, #tpu.memory_space<vmem>>, vector<16xf32>,
      %add3A_3779 = arith.addf %add3A_3769, %get3A_3778 : vector<16xf32>
      %get3A_3780 = arith.constant 38 : i32
      %get3A_3781 = arith.index_cast %get3A_3780 : i32 to index
      %get3A_3782 = arith.constant 16 : index
      %get3A_3783 = tpu.vector_load %arg9[%get3A_3781, %get3A_3782] {strides = array<i32>} : memref<104x32xf32, #tpu.memory_space<vmem>>, vector<16xf32>,
      %add3A_3784 = arith.addf %add3A_3774, %get3A_3783 : vector<16xf32>
      %get3A_3785 = arith.constant 39 : i32
      %get3A_3786 = arith.index_cast %get3A_3785 : i32 to index
      %get3A_3787 = arith.constant 0 : index
      %get3A_3788 = tpu.vector_load %arg9[%get3A_3786, %get3A_3787] {strides = array<i32>} : memref<104x32xf32, #tpu.memory_space<vmem>>, vector<16xf32>,
      %add3A_3789 = arith.addf %add3A_3779, %get3A_3788 : vector<16xf32>
      %get3A_3790 = arith.constant 39 : i32
      %get3A_3791 = arith.index_cast %get3A_3790 : i32 to index
      %get3A_3792 = arith.constant 16 : index
      %get3A_3793 = tpu.vector_load %arg9[%get3A_3791, %get3A_3792] {strides = array<i32>} : memref<104x32xf32, #tpu.memory_space<vmem>>, vector<16xf32>,
      %add3A_3794 = arith.addf %add3A_3784, %get3A_3793 : vector<16xf32>
      %get3A_3795 = arith.constant 40 : i32
      %get3A_3796 = arith.index_cast %get3A_3795 : i32 to index
      %get3A_3797 = arith.constant 0 : index
      %get3A_3798 = tpu.vector_load %arg9[%get3A_3796, %get3A_3797] {strides = array<i32>} : memref<104x32xf32, #tpu.memory_space<vmem>>, vector<16xf32>,
      %add3A_3799 = arith.addf %add3A_3789, %get3A_3798 : vector<16xf32>
      %get3A_3800 = arith.constant 40 : i32
      %get3A_3801 = arith.index_cast %get3A_3800 : i32 to index
      %get3A_3802 = arith.constant 16 : index
      %get3A_3803 = tpu.vector_load %arg9[%get3A_3801, %get3A_3802] {strides = array<i32>} : memref<104x32xf32, #tpu.memory_space<vmem>>, vector<16xf32>,
      %add3A_3804 = arith.addf %add3A_3794, %get3A_3803 : vector<16xf32>
      %get3A_3805 = arith.constant 41 : i32
      %get3A_3806 = arith.index_cast %get3A_3805 : i32 to index
      %get3A_3807 = arith.constant 0 : index
      %get3A_3808 = tpu.vector_load %arg9[%get3A_3806, %get3A_3807] {strides = array<i32>} : memref<104x32xf32, #tpu.memory_space<vmem>>, vector<16xf32>,
      %add3A_3809 = arith.addf %add3A_3799, %get3A_3808 : vector<16xf32>
      %get3A_3810 = arith.constant 41 : i32
      %get3A_3811 = arith.index_cast %get3A_3810 : i32 to index
      %get3A_3812 = arith.constant 16 : index
      %get3A_3813 = tpu.vector_load %arg9[%get3A_3811, %get3A_3812] {strides = array<i32>} : memref<104x32xf32, #tpu.memory_space<vmem>>, vector<16xf32>,
      %add3A_3814 = arith.addf %add3A_3804, %get3A_3813 : vector<16xf32>
      %get3A_3815 = arith.constant 42 : i32
      %get3A_3816 = arith.index_cast %get3A_3815 : i32 to index
      %get3A_3817 = arith.constant 0 : index
      %get3A_3818 = tpu.vector_load %arg9[%get3A_3816, %get3A_3817] {strides = array<i32>} : memref<104x32xf32, #tpu.memory_space<vmem>>, vector<16xf32>,
      %add3A_3819 = arith.addf %add3A_3809, %get3A_3818 : vector<16xf32>
      %get3A_3820 = arith.constant 42 : i32
      %get3A_3821 = arith.index_cast %get3A_3820 : i32 to index
      %get3A_3822 = arith.constant 16 : index
      %get3A_3823 = tpu.vector_load %arg9[%get3A_3821, %get3A_3822] {strides = array<i32>} : memref<104x32xf32, #tpu.memory_space<vmem>>, vector<16xf32>,
      %add3A_3824 = arith.addf %add3A_3814, %get3A_3823 : vector<16xf32>
      %get3A_3825 = arith.constant 43 : i32
      %get3A_3826 = arith.index_cast %get3A_3825 : i32 to index
      %get3A_3827 = arith.constant 0 : index
      %get3A_3828 = tpu.vector_load %arg9[%get3A_3826, %get3A_3827] {strides = array<i32>} : memref<104x32xf32, #tpu.memory_space<vmem>>, vector<16xf32>,
      %add3A_3829 = arith.addf %add3A_3819, %get3A_3828 : vector<16xf32>
      %get3A_3830 = arith.constant 43 : i32
      %get3A_3831 = arith.index_cast %get3A_3830 : i32 to index
      %get3A_3832 = arith.constant 16 : index
      %get3A_3833 = tpu.vector_load %arg9[%get3A_3831, %get3A_3832] {strides = array<i32>} : memref<104x32xf32, #tpu.memory_space<vmem>>, vector<16xf32>,
      %add3A_3834 = arith.addf %add3A_3824, %get3A_3833 : vector<16xf32>
      %get3A_3835 = arith.constant 44 : i32
      %get3A_3836 = arith.index_cast %get3A_3835 : i32 to index
      %get3A_3837 = arith.constant 0 : index
      %get3A_3838 = tpu.vector_load %arg9[%get3A_3836, %get3A_3837] {strides = array<i32>} : memref<104x32xf32, #tpu.memory_space<vmem>>, vector<16xf32>,
      %add3A_3839 = arith.addf %add3A_3829, %get3A_3838 : vector<16xf32>
      %get3A_3840 = arith.constant 44 : i32
      %get3A_3841 = arith.index_cast %get3A_3840 : i32 to index
      %get3A_3842 = arith.constant 16 : index
      %get3A_3843 = tpu.vector_load %arg9[%get3A_3841, %get3A_3842] {strides = array<i32>} : memref<104x32xf32, #tpu.memory_space<vmem>>, vector<16xf32>,
      %add3A_3844 = arith.addf %add3A_3834, %get3A_3843 : vector<16xf32>
      %get3A_3845 = arith.constant 45 : i32
      %get3A_3846 = arith.index_cast %get3A_3845 : i32 to index
      %get3A_3847 = arith.constant 0 : index
      %get3A_3848 = tpu.vector_load %arg9[%get3A_3846, %get3A_3847] {strides = array<i32>} : memref<104x32xf32, #tpu.memory_space<vmem>>, vector<16xf32>,
      %add3A_3849 = arith.addf %add3A_3839, %get3A_3848 : vector<16xf32>
      %get3A_3850 = arith.constant 45 : i32
      %get3A_3851 = arith.index_cast %get3A_3850 : i32 to index
      %get3A_3852 = arith.constant 16 : index
      %get3A_3853 = tpu.vector_load %arg9[%get3A_3851, %get3A_3852] {strides = array<i32>} : memref<104x32xf32, #tpu.memory_space<vmem>>, vector<16xf32>,
      %add3A_3854 = arith.addf %add3A_3844, %get3A_3853 : vector<16xf32>
      %get3A_3855 = arith.constant 46 : i32
      %get3A_3856 = arith.index_cast %get3A_3855 : i32 to index
      %get3A_3857 = arith.constant 0 : index
      %get3A_3858 = tpu.vector_load %arg9[%get3A_3856, %get3A_3857] {strides = array<i32>} : memref<104x32xf32, #tpu.memory_space<vmem>>, vector<16xf32>,
      %add3A_3859 = arith.addf %add3A_3849, %get3A_3858 : vector<16xf32>
      %get3A_3860 = arith.constant 46 : i32
      %get3A_3861 = arith.index_cast %get3A_3860 : i32 to index
      %get3A_3862 = arith.constant 16 : index
      %get3A_3863 = tpu.vector_load %arg9[%get3A_3861, %get3A_3862] {strides = array<i32>} : memref<104x32xf32, #tpu.memory_space<vmem>>, vector<16xf32>,
      %add3A_3864 = arith.addf %add3A_3854, %get3A_3863 : vector<16xf32>
      %get3A_3865 = arith.constant 47 : i32
      %get3A_3866 = arith.index_cast %get3A_3865 : i32 to index
      %get3A_3867 = arith.constant 0 : index
      %get3A_3868 = tpu.vector_load %arg9[%get3A_3866, %get3A_3867] {strides = array<i32>} : memref<104x32xf32, #tpu.memory_space<vmem>>, vector<16xf32>,
      %add3A_3869 = arith.addf %add3A_3859, %get3A_3868 : vector<16xf32>
      %get3A_3870 = arith.constant 47 : i32
      %get3A_3871 = arith.index_cast %get3A_3870 : i32 to index
      %get3A_3872 = arith.constant 16 : index
      %get3A_3873 = tpu.vector_load %arg9[%get3A_3871, %get3A_3872] {strides = array<i32>} : memref<104x32xf32, #tpu.memory_space<vmem>>, vector<16xf32>,
      %add3A_3874 = arith.addf %add3A_3864, %get3A_3873 : vector<16xf32>
      %get3A_3875 = arith.constant 48 : i32
      %get3A_3876 = arith.index_cast %get3A_3875 : i32 to index
      %get3A_3877 = arith.constant 0 : index
      %get3A_3878 = tpu.vector_load %arg9[%get3A_3876, %get3A_3877] {strides = array<i32>} : memref<104x32xf32, #tpu.memory_space<vmem>>, vector<16xf32>,
      %add3A_3879 = arith.addf %add3A_3869, %get3A_3878 : vector<16xf32>
      %get3A_3880 = arith.constant 48 : i32
      %get3A_3881 = arith.index_cast %get3A_3880 : i32 to index
      %get3A_3882 = arith.constant 16 : index
      %get3A_3883 = tpu.vector_load %arg9[%get3A_3881, %get3A_3882] {strides = array<i32>} : memref<104x32xf32, #tpu.memory_space<vmem>>, vector<16xf32>,
      %add3A_3884 = arith.addf %add3A_3874, %get3A_3883 : vector<16xf32>
      %get3A_3885 = arith.constant 49 : i32
      %get3A_3886 = arith.index_cast %get3A_3885 : i32 to index
      %get3A_3887 = arith.constant 0 : index
      %get3A_3888 = tpu.vector_load %arg9[%get3A_3886, %get3A_3887] {strides = array<i32>} : memref<104x32xf32, #tpu.memory_space<vmem>>, vector<16xf32>,
      %add3A_3889 = arith.addf %add3A_3879, %get3A_3888 : vector<16xf32>
      %get3A_3890 = arith.constant 49 : i32
      %get3A_3891 = arith.index_cast %get3A_3890 : i32 to index
      %get3A_3892 = arith.constant 16 : index
      %get3A_3893 = tpu.vector_load %arg9[%get3A_3891, %get3A_3892] {strides = array<i32>} : memref<104x32xf32, #tpu.memory_space<vmem>>, vector<16xf32>,
      %add3A_3894 = arith.addf %add3A_3884, %get3A_3893 : vector<16xf32>
      %get3A_3895 = arith.constant 50 : i32
      %get3A_3896 = arith.index_cast %get3A_3895 : i32 to index
      %get3A_3897 = arith.constant 0 : index
      %get3A_3898 = tpu.vector_load %arg9[%get3A_3896, %get3A_3897] {strides = array<i32>} : memref<104x32xf32, #tpu.memory_space<vmem>>, vector<16xf32>,
      %add3A_3899 = arith.addf %add3A_3889, %get3A_3898 : vector<16xf32>
      %get3A_3900 = arith.constant 50 : i32
      %get3A_3901 = arith.index_cast %get3A_3900 : i32 to index
      %get3A_3902 = arith.constant 16 : index
      %get3A_3903 = tpu.vector_load %arg9[%get3A_3901, %get3A_3902] {strides = array<i32>} : memref<104x32xf32, #tpu.memory_space<vmem>>, vector<16xf32>,
      %add3A_3904 = arith.addf %add3A_3894, %get3A_3903 : vector<16xf32>
      %get3A_3905 = arith.constant 51 : i32
      %get3A_3906 = arith.index_cast %get3A_3905 : i32 to index
      %get3A_3907 = arith.constant 0 : index
      %get3A_3908 = tpu.vector_load %arg9[%get3A_3906, %get3A_3907] {strides = array<i32>} : memref<104x32xf32, #tpu.memory_space<vmem>>, vector<16xf32>,
      %add3A_3909 = arith.addf %add3A_3899, %get3A_3908 : vector<16xf32>
      %get3A_3910 = arith.constant 51 : i32
      %get3A_3911 = arith.index_cast %get3A_3910 : i32 to index
      %get3A_3912 = arith.constant 16 : index
      %get3A_3913 = tpu.vector_load %arg9[%get3A_3911, %get3A_3912] {strides = array<i32>} : memref<104x32xf32, #tpu.memory_space<vmem>>, vector<16xf32>,
      %add3A_3914 = arith.addf %add3A_3904, %get3A_3913 : vector<16xf32>
      %broadcast_in_dim3A_3915 = arith.constant 0 : i32
      %broadcast_in_dim3A_3916 = vector.broadcast %broadcast_in_dim3A_3915 : i32 to vector<16xi32>
      %add3A_3917 = arith.constant 128 : i32
      %add3A_3918 = arith.addi %add3A_3917, %add3A_3368 : i32
      %add3A_3919 = vector.broadcast %add3A_3918 : i32 to vector<16xi32>
      %add3A_3920 = arith.addi %broadcast_in_dim3A_3916, %add3A_3919 : vector<16xi32>
      %mul3A_3921 = arith.constant 0.0384615399 : f32
      %mul3A_3922 = vector.broadcast %mul3A_3921 : f32 to vector<16xf32>
      %mul3A_3923 = arith.mulf %add3A_3909, %mul3A_3922 : vector<16xf32>
      tpu.vector_store_idx %arg10[%iota3A_3383, %add3A_3920], %mul3A_3923 : memref<32x512xf32, #tpu.memory_space<vmem>>[vector<16xi32>, vector<16xi32>], vector<16xf32>,
      %add3A_3924 = arith.constant 16 : i32
      %add3A_3925 = vector.broadcast %add3A_3924 : i32 to vector<16xi32>
      %add3A_3926 = arith.addi %iota3A_3383, %add3A_3925 : vector<16xi32>
      %mul3A_3927 = arith.constant 0.0384615399 : f32
      %mul3A_3928 = vector.broadcast %mul3A_3927 : f32 to vector<16xf32>
      %mul3A_3929 = arith.mulf %add3A_3914, %mul3A_3928 : vector<16xf32>
      tpu.vector_store_idx %arg10[%add3A_3926, %add3A_3920], %mul3A_3929 : memref<32x512xf32, #tpu.memory_space<vmem>>[vector<16xi32>, vector<16xi32>], vector<16xf32>,
      %get3A_3930 = arith.constant 52 : i32
      %get3A_3931 = arith.index_cast %get3A_3930 : i32 to index
      %get3A_3932 = arith.constant 0 : index
      %get3A_3933 = tpu.vector_load %arg9[%get3A_3931, %get3A_3932] {strides = array<i32>} : memref<104x32xf32, #tpu.memory_space<vmem>>, vector<16xf32>,
      %get3A_3934 = arith.constant 52 : i32
      %get3A_3935 = arith.index_cast %get3A_3934 : i32 to index
      %get3A_3936 = arith.constant 16 : index
      %get3A_3937 = tpu.vector_load %arg9[%get3A_3935, %get3A_3936] {strides = array<i32>} : memref<104x32xf32, #tpu.memory_space<vmem>>, vector<16xf32>,
      %get3A_3938 = arith.constant 53 : i32
      %get3A_3939 = arith.index_cast %get3A_3938 : i32 to index
      %get3A_3940 = arith.constant 0 : index
      %get3A_3941 = tpu.vector_load %arg9[%get3A_3939, %get3A_3940] {strides = array<i32>} : memref<104x32xf32, #tpu.memory_space<vmem>>, vector<16xf32>,
      %add3A_3942 = arith.addf %get3A_3933, %get3A_3941 : vector<16xf32>
      %get3A_3943 = arith.constant 53 : i32
      %get3A_3944 = arith.index_cast %get3A_3943 : i32 to index
      %get3A_3945 = arith.constant 16 : index
      %get3A_3946 = tpu.vector_load %arg9[%get3A_3944, %get3A_3945] {strides = array<i32>} : memref<104x32xf32, #tpu.memory_space<vmem>>, vector<16xf32>,
      %add3A_3947 = arith.addf %get3A_3937, %get3A_3946 : vector<16xf32>
      %get3A_3948 = arith.constant 54 : i32
      %get3A_3949 = arith.index_cast %get3A_3948 : i32 to index
      %get3A_3950 = arith.constant 0 : index
      %get3A_3951 = tpu.vector_load %arg9[%get3A_3949, %get3A_3950] {strides = array<i32>} : memref<104x32xf32, #tpu.memory_space<vmem>>, vector<16xf32>,
      %add3A_3952 = arith.addf %add3A_3942, %get3A_3951 : vector<16xf32>
      %get3A_3953 = arith.constant 54 : i32
      %get3A_3954 = arith.index_cast %get3A_3953 : i32 to index
      %get3A_3955 = arith.constant 16 : index
      %get3A_3956 = tpu.vector_load %arg9[%get3A_3954, %get3A_3955] {strides = array<i32>} : memref<104x32xf32, #tpu.memory_space<vmem>>, vector<16xf32>,
      %add3A_3957 = arith.addf %add3A_3947, %get3A_3956 : vector<16xf32>
      %get3A_3958 = arith.constant 55 : i32
      %get3A_3959 = arith.index_cast %get3A_3958 : i32 to index
      %get3A_3960 = arith.constant 0 : index
      %get3A_3961 = tpu.vector_load %arg9[%get3A_3959, %get3A_3960] {strides = array<i32>} : memref<104x32xf32, #tpu.memory_space<vmem>>, vector<16xf32>,
      %add3A_3962 = arith.addf %add3A_3952, %get3A_3961 : vector<16xf32>
      %get3A_3963 = arith.constant 55 : i32
      %get3A_3964 = arith.index_cast %get3A_3963 : i32 to index
      %get3A_3965 = arith.constant 16 : index
      %get3A_3966 = tpu.vector_load %arg9[%get3A_3964, %get3A_3965] {strides = array<i32>} : memref<104x32xf32, #tpu.memory_space<vmem>>, vector<16xf32>,
      %add3A_3967 = arith.addf %add3A_3957, %get3A_3966 : vector<16xf32>
      %get3A_3968 = arith.constant 56 : i32
      %get3A_3969 = arith.index_cast %get3A_3968 : i32 to index
      %get3A_3970 = arith.constant 0 : index
      %get3A_3971 = tpu.vector_load %arg9[%get3A_3969, %get3A_3970] {strides = array<i32>} : memref<104x32xf32, #tpu.memory_space<vmem>>, vector<16xf32>,
      %add3A_3972 = arith.addf %add3A_3962, %get3A_3971 : vector<16xf32>
      %get3A_3973 = arith.constant 56 : i32
      %get3A_3974 = arith.index_cast %get3A_3973 : i32 to index
      %get3A_3975 = arith.constant 16 : index
      %get3A_3976 = tpu.vector_load %arg9[%get3A_3974, %get3A_3975] {strides = array<i32>} : memref<104x32xf32, #tpu.memory_space<vmem>>, vector<16xf32>,
      %add3A_3977 = arith.addf %add3A_3967, %get3A_3976 : vector<16xf32>
      %get3A_3978 = arith.constant 57 : i32
      %get3A_3979 = arith.index_cast %get3A_3978 : i32 to index
      %get3A_3980 = arith.constant 0 : index
      %get3A_3981 = tpu.vector_load %arg9[%get3A_3979, %get3A_3980] {strides = array<i32>} : memref<104x32xf32, #tpu.memory_space<vmem>>, vector<16xf32>,
      %add3A_3982 = arith.addf %add3A_3972, %get3A_3981 : vector<16xf32>
      %get3A_3983 = arith.constant 57 : i32
      %get3A_3984 = arith.index_cast %get3A_3983 : i32 to index
      %get3A_3985 = arith.constant 16 : index
      %get3A_3986 = tpu.vector_load %arg9[%get3A_3984, %get3A_3985] {strides = array<i32>} : memref<104x32xf32, #tpu.memory_space<vmem>>, vector<16xf32>,
      %add3A_3987 = arith.addf %add3A_3977, %get3A_3986 : vector<16xf32>
      %get3A_3988 = arith.constant 58 : i32
      %get3A_3989 = arith.index_cast %get3A_3988 : i32 to index
      %get3A_3990 = arith.constant 0 : index
      %get3A_3991 = tpu.vector_load %arg9[%get3A_3989, %get3A_3990] {strides = array<i32>} : memref<104x32xf32, #tpu.memory_space<vmem>>, vector<16xf32>,
      %add3A_3992 = arith.addf %add3A_3982, %get3A_3991 : vector<16xf32>
      %get3A_3993 = arith.constant 58 : i32
      %get3A_3994 = arith.index_cast %get3A_3993 : i32 to index
      %get3A_3995 = arith.constant 16 : index
      %get3A_3996 = tpu.vector_load %arg9[%get3A_3994, %get3A_3995] {strides = array<i32>} : memref<104x32xf32, #tpu.memory_space<vmem>>, vector<16xf32>,
      %add3A_3997 = arith.addf %add3A_3987, %get3A_3996 : vector<16xf32>
      %get3A_3998 = arith.constant 59 : i32
      %get3A_3999 = arith.index_cast %get3A_3998 : i32 to index
      %get3A_4000 = arith.constant 0 : index
      %get3A_4001 = tpu.vector_load %arg9[%get3A_3999, %get3A_4000] {strides = array<i32>} : memref<104x32xf32, #tpu.memory_space<vmem>>, vector<16xf32>,
      %add3A_4002 = arith.addf %add3A_3992, %get3A_4001 : vector<16xf32>
      %get3A_4003 = arith.constant 59 : i32
      %get3A_4004 = arith.index_cast %get3A_4003 : i32 to index
      %get3A_4005 = arith.constant 16 : index
      %get3A_4006 = tpu.vector_load %arg9[%get3A_4004, %get3A_4005] {strides = array<i32>} : memref<104x32xf32, #tpu.memory_space<vmem>>, vector<16xf32>,
      %add3A_4007 = arith.addf %add3A_3997, %get3A_4006 : vector<16xf32>
      %get3A_4008 = arith.constant 60 : i32
      %get3A_4009 = arith.index_cast %get3A_4008 : i32 to index
      %get3A_4010 = arith.constant 0 : index
      %get3A_4011 = tpu.vector_load %arg9[%get3A_4009, %get3A_4010] {strides = array<i32>} : memref<104x32xf32, #tpu.memory_space<vmem>>, vector<16xf32>,
      %add3A_4012 = arith.addf %add3A_4002, %get3A_4011 : vector<16xf32>
      %get3A_4013 = arith.constant 60 : i32
      %get3A_4014 = arith.index_cast %get3A_4013 : i32 to index
      %get3A_4015 = arith.constant 16 : index
      %get3A_4016 = tpu.vector_load %arg9[%get3A_4014, %get3A_4015] {strides = array<i32>} : memref<104x32xf32, #tpu.memory_space<vmem>>, vector<16xf32>,
      %add3A_4017 = arith.addf %add3A_4007, %get3A_4016 : vector<16xf32>
      %get3A_4018 = arith.constant 61 : i32
      %get3A_4019 = arith.index_cast %get3A_4018 : i32 to index
      %get3A_4020 = arith.constant 0 : index
      %get3A_4021 = tpu.vector_load %arg9[%get3A_4019, %get3A_4020] {strides = array<i32>} : memref<104x32xf32, #tpu.memory_space<vmem>>, vector<16xf32>,
      %add3A_4022 = arith.addf %add3A_4012, %get3A_4021 : vector<16xf32>
      %get3A_4023 = arith.constant 61 : i32
      %get3A_4024 = arith.index_cast %get3A_4023 : i32 to index
      %get3A_4025 = arith.constant 16 : index
      %get3A_4026 = tpu.vector_load %arg9[%get3A_4024, %get3A_4025] {strides = array<i32>} : memref<104x32xf32, #tpu.memory_space<vmem>>, vector<16xf32>,
      %add3A_4027 = arith.addf %add3A_4017, %get3A_4026 : vector<16xf32>
      %get3A_4028 = arith.constant 62 : i32
      %get3A_4029 = arith.index_cast %get3A_4028 : i32 to index
      %get3A_4030 = arith.constant 0 : index
      %get3A_4031 = tpu.vector_load %arg9[%get3A_4029, %get3A_4030] {strides = array<i32>} : memref<104x32xf32, #tpu.memory_space<vmem>>, vector<16xf32>,
      %add3A_4032 = arith.addf %add3A_4022, %get3A_4031 : vector<16xf32>
      %get3A_4033 = arith.constant 62 : i32
      %get3A_4034 = arith.index_cast %get3A_4033 : i32 to index
      %get3A_4035 = arith.constant 16 : index
      %get3A_4036 = tpu.vector_load %arg9[%get3A_4034, %get3A_4035] {strides = array<i32>} : memref<104x32xf32, #tpu.memory_space<vmem>>, vector<16xf32>,
      %add3A_4037 = arith.addf %add3A_4027, %get3A_4036 : vector<16xf32>
      %get3A_4038 = arith.constant 63 : i32
      %get3A_4039 = arith.index_cast %get3A_4038 : i32 to index
      %get3A_4040 = arith.constant 0 : index
      %get3A_4041 = tpu.vector_load %arg9[%get3A_4039, %get3A_4040] {strides = array<i32>} : memref<104x32xf32, #tpu.memory_space<vmem>>, vector<16xf32>,
      %add3A_4042 = arith.addf %add3A_4032, %get3A_4041 : vector<16xf32>
      %get3A_4043 = arith.constant 63 : i32
      %get3A_4044 = arith.index_cast %get3A_4043 : i32 to index
      %get3A_4045 = arith.constant 16 : index
      %get3A_4046 = tpu.vector_load %arg9[%get3A_4044, %get3A_4045] {strides = array<i32>} : memref<104x32xf32, #tpu.memory_space<vmem>>, vector<16xf32>,
      %add3A_4047 = arith.addf %add3A_4037, %get3A_4046 : vector<16xf32>
      %get3A_4048 = arith.constant 64 : i32
      %get3A_4049 = arith.index_cast %get3A_4048 : i32 to index
      %get3A_4050 = arith.constant 0 : index
      %get3A_4051 = tpu.vector_load %arg9[%get3A_4049, %get3A_4050] {strides = array<i32>} : memref<104x32xf32, #tpu.memory_space<vmem>>, vector<16xf32>,
      %add3A_4052 = arith.addf %add3A_4042, %get3A_4051 : vector<16xf32>
      %get3A_4053 = arith.constant 64 : i32
      %get3A_4054 = arith.index_cast %get3A_4053 : i32 to index
      %get3A_4055 = arith.constant 16 : index
      %get3A_4056 = tpu.vector_load %arg9[%get3A_4054, %get3A_4055] {strides = array<i32>} : memref<104x32xf32, #tpu.memory_space<vmem>>, vector<16xf32>,
      %add3A_4057 = arith.addf %add3A_4047, %get3A_4056 : vector<16xf32>
      %get3A_4058 = arith.constant 65 : i32
      %get3A_4059 = arith.index_cast %get3A_4058 : i32 to index
      %get3A_4060 = arith.constant 0 : index
      %get3A_4061 = tpu.vector_load %arg9[%get3A_4059, %get3A_4060] {strides = array<i32>} : memref<104x32xf32, #tpu.memory_space<vmem>>, vector<16xf32>,
      %add3A_4062 = arith.addf %add3A_4052, %get3A_4061 : vector<16xf32>
      %get3A_4063 = arith.constant 65 : i32
      %get3A_4064 = arith.index_cast %get3A_4063 : i32 to index
      %get3A_4065 = arith.constant 16 : index
      %get3A_4066 = tpu.vector_load %arg9[%get3A_4064, %get3A_4065] {strides = array<i32>} : memref<104x32xf32, #tpu.memory_space<vmem>>, vector<16xf32>,
      %add3A_4067 = arith.addf %add3A_4057, %get3A_4066 : vector<16xf32>
      %get3A_4068 = arith.constant 66 : i32
      %get3A_4069 = arith.index_cast %get3A_4068 : i32 to index
      %get3A_4070 = arith.constant 0 : index
      %get3A_4071 = tpu.vector_load %arg9[%get3A_4069, %get3A_4070] {strides = array<i32>} : memref<104x32xf32, #tpu.memory_space<vmem>>, vector<16xf32>,
      %add3A_4072 = arith.addf %add3A_4062, %get3A_4071 : vector<16xf32>
      %get3A_4073 = arith.constant 66 : i32
      %get3A_4074 = arith.index_cast %get3A_4073 : i32 to index
      %get3A_4075 = arith.constant 16 : index
      %get3A_4076 = tpu.vector_load %arg9[%get3A_4074, %get3A_4075] {strides = array<i32>} : memref<104x32xf32, #tpu.memory_space<vmem>>, vector<16xf32>,
      %add3A_4077 = arith.addf %add3A_4067, %get3A_4076 : vector<16xf32>
      %get3A_4078 = arith.constant 67 : i32
      %get3A_4079 = arith.index_cast %get3A_4078 : i32 to index
      %get3A_4080 = arith.constant 0 : index
      %get3A_4081 = tpu.vector_load %arg9[%get3A_4079, %get3A_4080] {strides = array<i32>} : memref<104x32xf32, #tpu.memory_space<vmem>>, vector<16xf32>,
      %add3A_4082 = arith.addf %add3A_4072, %get3A_4081 : vector<16xf32>
      %get3A_4083 = arith.constant 67 : i32
      %get3A_4084 = arith.index_cast %get3A_4083 : i32 to index
      %get3A_4085 = arith.constant 16 : index
      %get3A_4086 = tpu.vector_load %arg9[%get3A_4084, %get3A_4085] {strides = array<i32>} : memref<104x32xf32, #tpu.memory_space<vmem>>, vector<16xf32>,
      %add3A_4087 = arith.addf %add3A_4077, %get3A_4086 : vector<16xf32>
      %get3A_4088 = arith.constant 68 : i32
      %get3A_4089 = arith.index_cast %get3A_4088 : i32 to index
      %get3A_4090 = arith.constant 0 : index
      %get3A_4091 = tpu.vector_load %arg9[%get3A_4089, %get3A_4090] {strides = array<i32>} : memref<104x32xf32, #tpu.memory_space<vmem>>, vector<16xf32>,
      %add3A_4092 = arith.addf %add3A_4082, %get3A_4091 : vector<16xf32>
      %get3A_4093 = arith.constant 68 : i32
      %get3A_4094 = arith.index_cast %get3A_4093 : i32 to index
      %get3A_4095 = arith.constant 16 : index
      %get3A_4096 = tpu.vector_load %arg9[%get3A_4094, %get3A_4095] {strides = array<i32>} : memref<104x32xf32, #tpu.memory_space<vmem>>, vector<16xf32>,
      %add3A_4097 = arith.addf %add3A_4087, %get3A_4096 : vector<16xf32>
      %get3A_4098 = arith.constant 69 : i32
      %get3A_4099 = arith.index_cast %get3A_4098 : i32 to index
      %get3A_4100 = arith.constant 0 : index
      %get3A_4101 = tpu.vector_load %arg9[%get3A_4099, %get3A_4100] {strides = array<i32>} : memref<104x32xf32, #tpu.memory_space<vmem>>, vector<16xf32>,
      %add3A_4102 = arith.addf %add3A_4092, %get3A_4101 : vector<16xf32>
      %get3A_4103 = arith.constant 69 : i32
      %get3A_4104 = arith.index_cast %get3A_4103 : i32 to index
      %get3A_4105 = arith.constant 16 : index
      %get3A_4106 = tpu.vector_load %arg9[%get3A_4104, %get3A_4105] {strides = array<i32>} : memref<104x32xf32, #tpu.memory_space<vmem>>, vector<16xf32>,
      %add3A_4107 = arith.addf %add3A_4097, %get3A_4106 : vector<16xf32>
      %get3A_4108 = arith.constant 70 : i32
      %get3A_4109 = arith.index_cast %get3A_4108 : i32 to index
      %get3A_4110 = arith.constant 0 : index
      %get3A_4111 = tpu.vector_load %arg9[%get3A_4109, %get3A_4110] {strides = array<i32>} : memref<104x32xf32, #tpu.memory_space<vmem>>, vector<16xf32>,
      %add3A_4112 = arith.addf %add3A_4102, %get3A_4111 : vector<16xf32>
      %get3A_4113 = arith.constant 70 : i32
      %get3A_4114 = arith.index_cast %get3A_4113 : i32 to index
      %get3A_4115 = arith.constant 16 : index
      %get3A_4116 = tpu.vector_load %arg9[%get3A_4114, %get3A_4115] {strides = array<i32>} : memref<104x32xf32, #tpu.memory_space<vmem>>, vector<16xf32>,
      %add3A_4117 = arith.addf %add3A_4107, %get3A_4116 : vector<16xf32>
      %get3A_4118 = arith.constant 71 : i32
      %get3A_4119 = arith.index_cast %get3A_4118 : i32 to index
      %get3A_4120 = arith.constant 0 : index
      %get3A_4121 = tpu.vector_load %arg9[%get3A_4119, %get3A_4120] {strides = array<i32>} : memref<104x32xf32, #tpu.memory_space<vmem>>, vector<16xf32>,
      %add3A_4122 = arith.addf %add3A_4112, %get3A_4121 : vector<16xf32>
      %get3A_4123 = arith.constant 71 : i32
      %get3A_4124 = arith.index_cast %get3A_4123 : i32 to index
      %get3A_4125 = arith.constant 16 : index
      %get3A_4126 = tpu.vector_load %arg9[%get3A_4124, %get3A_4125] {strides = array<i32>} : memref<104x32xf32, #tpu.memory_space<vmem>>, vector<16xf32>,
      %add3A_4127 = arith.addf %add3A_4117, %get3A_4126 : vector<16xf32>
      %get3A_4128 = arith.constant 72 : i32
      %get3A_4129 = arith.index_cast %get3A_4128 : i32 to index
      %get3A_4130 = arith.constant 0 : index
      %get3A_4131 = tpu.vector_load %arg9[%get3A_4129, %get3A_4130] {strides = array<i32>} : memref<104x32xf32, #tpu.memory_space<vmem>>, vector<16xf32>,
      %add3A_4132 = arith.addf %add3A_4122, %get3A_4131 : vector<16xf32>
      %get3A_4133 = arith.constant 72 : i32
      %get3A_4134 = arith.index_cast %get3A_4133 : i32 to index
      %get3A_4135 = arith.constant 16 : index
      %get3A_4136 = tpu.vector_load %arg9[%get3A_4134, %get3A_4135] {strides = array<i32>} : memref<104x32xf32, #tpu.memory_space<vmem>>, vector<16xf32>,
      %add3A_4137 = arith.addf %add3A_4127, %get3A_4136 : vector<16xf32>
      %get3A_4138 = arith.constant 73 : i32
      %get3A_4139 = arith.index_cast %get3A_4138 : i32 to index
      %get3A_4140 = arith.constant 0 : index
      %get3A_4141 = tpu.vector_load %arg9[%get3A_4139, %get3A_4140] {strides = array<i32>} : memref<104x32xf32, #tpu.memory_space<vmem>>, vector<16xf32>,
      %add3A_4142 = arith.addf %add3A_4132, %get3A_4141 : vector<16xf32>
      %get3A_4143 = arith.constant 73 : i32
      %get3A_4144 = arith.index_cast %get3A_4143 : i32 to index
      %get3A_4145 = arith.constant 16 : index
      %get3A_4146 = tpu.vector_load %arg9[%get3A_4144, %get3A_4145] {strides = array<i32>} : memref<104x32xf32, #tpu.memory_space<vmem>>, vector<16xf32>,
      %add3A_4147 = arith.addf %add3A_4137, %get3A_4146 : vector<16xf32>
      %get3A_4148 = arith.constant 74 : i32
      %get3A_4149 = arith.index_cast %get3A_4148 : i32 to index
      %get3A_4150 = arith.constant 0 : index
      %get3A_4151 = tpu.vector_load %arg9[%get3A_4149, %get3A_4150] {strides = array<i32>} : memref<104x32xf32, #tpu.memory_space<vmem>>, vector<16xf32>,
      %add3A_4152 = arith.addf %add3A_4142, %get3A_4151 : vector<16xf32>
      %get3A_4153 = arith.constant 74 : i32
      %get3A_4154 = arith.index_cast %get3A_4153 : i32 to index
      %get3A_4155 = arith.constant 16 : index
      %get3A_4156 = tpu.vector_load %arg9[%get3A_4154, %get3A_4155] {strides = array<i32>} : memref<104x32xf32, #tpu.memory_space<vmem>>, vector<16xf32>,
      %add3A_4157 = arith.addf %add3A_4147, %get3A_4156 : vector<16xf32>
      %get3A_4158 = arith.constant 75 : i32
      %get3A_4159 = arith.index_cast %get3A_4158 : i32 to index
      %get3A_4160 = arith.constant 0 : index
      %get3A_4161 = tpu.vector_load %arg9[%get3A_4159, %get3A_4160] {strides = array<i32>} : memref<104x32xf32, #tpu.memory_space<vmem>>, vector<16xf32>,
      %add3A_4162 = arith.addf %add3A_4152, %get3A_4161 : vector<16xf32>
      %get3A_4163 = arith.constant 75 : i32
      %get3A_4164 = arith.index_cast %get3A_4163 : i32 to index
      %get3A_4165 = arith.constant 16 : index
      %get3A_4166 = tpu.vector_load %arg9[%get3A_4164, %get3A_4165] {strides = array<i32>} : memref<104x32xf32, #tpu.memory_space<vmem>>, vector<16xf32>,
      %add3A_4167 = arith.addf %add3A_4157, %get3A_4166 : vector<16xf32>
      %get3A_4168 = arith.constant 76 : i32
      %get3A_4169 = arith.index_cast %get3A_4168 : i32 to index
      %get3A_4170 = arith.constant 0 : index
      %get3A_4171 = tpu.vector_load %arg9[%get3A_4169, %get3A_4170] {strides = array<i32>} : memref<104x32xf32, #tpu.memory_space<vmem>>, vector<16xf32>,
      %add3A_4172 = arith.addf %add3A_4162, %get3A_4171 : vector<16xf32>
      %get3A_4173 = arith.constant 76 : i32
      %get3A_4174 = arith.index_cast %get3A_4173 : i32 to index
      %get3A_4175 = arith.constant 16 : index
      %get3A_4176 = tpu.vector_load %arg9[%get3A_4174, %get3A_4175] {strides = array<i32>} : memref<104x32xf32, #tpu.memory_space<vmem>>, vector<16xf32>,
      %add3A_4177 = arith.addf %add3A_4167, %get3A_4176 : vector<16xf32>
      %get3A_4178 = arith.constant 77 : i32
      %get3A_4179 = arith.index_cast %get3A_4178 : i32 to index
      %get3A_4180 = arith.constant 0 : index
      %get3A_4181 = tpu.vector_load %arg9[%get3A_4179, %get3A_4180] {strides = array<i32>} : memref<104x32xf32, #tpu.memory_space<vmem>>, vector<16xf32>,
      %add3A_4182 = arith.addf %add3A_4172, %get3A_4181 : vector<16xf32>
      %get3A_4183 = arith.constant 77 : i32
      %get3A_4184 = arith.index_cast %get3A_4183 : i32 to index
      %get3A_4185 = arith.constant 16 : index
      %get3A_4186 = tpu.vector_load %arg9[%get3A_4184, %get3A_4185] {strides = array<i32>} : memref<104x32xf32, #tpu.memory_space<vmem>>, vector<16xf32>,
      %add3A_4187 = arith.addf %add3A_4177, %get3A_4186 : vector<16xf32>
      %broadcast_in_dim3A_4188 = arith.constant 0 : i32
      %broadcast_in_dim3A_4189 = vector.broadcast %broadcast_in_dim3A_4188 : i32 to vector<16xi32>
      %add3A_4190 = arith.constant 256 : i32
      %add3A_4191 = arith.addi %add3A_4190, %add3A_3368 : i32
      %add3A_4192 = vector.broadcast %add3A_4191 : i32 to vector<16xi32>
      %add3A_4193 = arith.addi %broadcast_in_dim3A_4189, %add3A_4192 : vector<16xi32>
      %mul3A_4194 = arith.constant 0.0384615399 : f32
      %mul3A_4195 = vector.broadcast %mul3A_4194 : f32 to vector<16xf32>
      %mul3A_4196 = arith.mulf %add3A_4182, %mul3A_4195 : vector<16xf32>
      tpu.vector_store_idx %arg10[%iota3A_3383, %add3A_4193], %mul3A_4196 : memref<32x512xf32, #tpu.memory_space<vmem>>[vector<16xi32>, vector<16xi32>], vector<16xf32>,
      %add3A_4197 = arith.constant 16 : i32
      %add3A_4198 = vector.broadcast %add3A_4197 : i32 to vector<16xi32>
      %add3A_4199 = arith.addi %iota3A_3383, %add3A_4198 : vector<16xi32>
      %mul3A_4200 = arith.constant 0.0384615399 : f32
      %mul3A_4201 = vector.broadcast %mul3A_4200 : f32 to vector<16xf32>
      %mul3A_4202 = arith.mulf %add3A_4187, %mul3A_4201 : vector<16xf32>
      tpu.vector_store_idx %arg10[%add3A_4199, %add3A_4193], %mul3A_4202 : memref<32x512xf32, #tpu.memory_space<vmem>>[vector<16xi32>, vector<16xi32>], vector<16xf32>,
      %get3A_4203 = arith.constant 78 : i32
      %get3A_4204 = arith.index_cast %get3A_4203 : i32 to index
      %get3A_4205 = arith.constant 0 : index
      %get3A_4206 = tpu.vector_load %arg9[%get3A_4204, %get3A_4205] {strides = array<i32>} : memref<104x32xf32, #tpu.memory_space<vmem>>, vector<16xf32>,
      %get3A_4207 = arith.constant 78 : i32
      %get3A_4208 = arith.index_cast %get3A_4207 : i32 to index
      %get3A_4209 = arith.constant 16 : index
      %get3A_4210 = tpu.vector_load %arg9[%get3A_4208, %get3A_4209] {strides = array<i32>} : memref<104x32xf32, #tpu.memory_space<vmem>>, vector<16xf32>,
      %get3A_4211 = arith.constant 79 : i32
      %get3A_4212 = arith.index_cast %get3A_4211 : i32 to index
      %get3A_4213 = arith.constant 0 : index
      %get3A_4214 = tpu.vector_load %arg9[%get3A_4212, %get3A_4213] {strides = array<i32>} : memref<104x32xf32, #tpu.memory_space<vmem>>, vector<16xf32>,
      %add3A_4215 = arith.addf %get3A_4206, %get3A_4214 : vector<16xf32>
      %get3A_4216 = arith.constant 79 : i32
      %get3A_4217 = arith.index_cast %get3A_4216 : i32 to index
      %get3A_4218 = arith.constant 16 : index
      %get3A_4219 = tpu.vector_load %arg9[%get3A_4217, %get3A_4218] {strides = array<i32>} : memref<104x32xf32, #tpu.memory_space<vmem>>, vector<16xf32>,
      %add3A_4220 = arith.addf %get3A_4210, %get3A_4219 : vector<16xf32>
      %get3A_4221 = arith.constant 80 : i32
      %get3A_4222 = arith.index_cast %get3A_4221 : i32 to index
      %get3A_4223 = arith.constant 0 : index
      %get3A_4224 = tpu.vector_load %arg9[%get3A_4222, %get3A_4223] {strides = array<i32>} : memref<104x32xf32, #tpu.memory_space<vmem>>, vector<16xf32>,
      %add3A_4225 = arith.addf %add3A_4215, %get3A_4224 : vector<16xf32>
      %get3A_4226 = arith.constant 80 : i32
      %get3A_4227 = arith.index_cast %get3A_4226 : i32 to index
      %get3A_4228 = arith.constant 16 : index
      %get3A_4229 = tpu.vector_load %arg9[%get3A_4227, %get3A_4228] {strides = array<i32>} : memref<104x32xf32, #tpu.memory_space<vmem>>, vector<16xf32>,
      %add3A_4230 = arith.addf %add3A_4220, %get3A_4229 : vector<16xf32>
      %get3A_4231 = arith.constant 81 : i32
      %get3A_4232 = arith.index_cast %get3A_4231 : i32 to index
      %get3A_4233 = arith.constant 0 : index
      %get3A_4234 = tpu.vector_load %arg9[%get3A_4232, %get3A_4233] {strides = array<i32>} : memref<104x32xf32, #tpu.memory_space<vmem>>, vector<16xf32>,
      %add3A_4235 = arith.addf %add3A_4225, %get3A_4234 : vector<16xf32>
      %get3A_4236 = arith.constant 81 : i32
      %get3A_4237 = arith.index_cast %get3A_4236 : i32 to index
      %get3A_4238 = arith.constant 16 : index
      %get3A_4239 = tpu.vector_load %arg9[%get3A_4237, %get3A_4238] {strides = array<i32>} : memref<104x32xf32, #tpu.memory_space<vmem>>, vector<16xf32>,
      %add3A_4240 = arith.addf %add3A_4230, %get3A_4239 : vector<16xf32>
      %get3A_4241 = arith.constant 82 : i32
      %get3A_4242 = arith.index_cast %get3A_4241 : i32 to index
      %get3A_4243 = arith.constant 0 : index
      %get3A_4244 = tpu.vector_load %arg9[%get3A_4242, %get3A_4243] {strides = array<i32>} : memref<104x32xf32, #tpu.memory_space<vmem>>, vector<16xf32>,
      %add3A_4245 = arith.addf %add3A_4235, %get3A_4244 : vector<16xf32>
      %get3A_4246 = arith.constant 82 : i32
      %get3A_4247 = arith.index_cast %get3A_4246 : i32 to index
      %get3A_4248 = arith.constant 16 : index
      %get3A_4249 = tpu.vector_load %arg9[%get3A_4247, %get3A_4248] {strides = array<i32>} : memref<104x32xf32, #tpu.memory_space<vmem>>, vector<16xf32>,
      %add3A_4250 = arith.addf %add3A_4240, %get3A_4249 : vector<16xf32>
      %get3A_4251 = arith.constant 83 : i32
      %get3A_4252 = arith.index_cast %get3A_4251 : i32 to index
      %get3A_4253 = arith.constant 0 : index
      %get3A_4254 = tpu.vector_load %arg9[%get3A_4252, %get3A_4253] {strides = array<i32>} : memref<104x32xf32, #tpu.memory_space<vmem>>, vector<16xf32>,
      %add3A_4255 = arith.addf %add3A_4245, %get3A_4254 : vector<16xf32>
      %get3A_4256 = arith.constant 83 : i32
      %get3A_4257 = arith.index_cast %get3A_4256 : i32 to index
      %get3A_4258 = arith.constant 16 : index
      %get3A_4259 = tpu.vector_load %arg9[%get3A_4257, %get3A_4258] {strides = array<i32>} : memref<104x32xf32, #tpu.memory_space<vmem>>, vector<16xf32>,
      %add3A_4260 = arith.addf %add3A_4250, %get3A_4259 : vector<16xf32>
      %get3A_4261 = arith.constant 84 : i32
      %get3A_4262 = arith.index_cast %get3A_4261 : i32 to index
      %get3A_4263 = arith.constant 0 : index
      %get3A_4264 = tpu.vector_load %arg9[%get3A_4262, %get3A_4263] {strides = array<i32>} : memref<104x32xf32, #tpu.memory_space<vmem>>, vector<16xf32>,
      %add3A_4265 = arith.addf %add3A_4255, %get3A_4264 : vector<16xf32>
      %get3A_4266 = arith.constant 84 : i32
      %get3A_4267 = arith.index_cast %get3A_4266 : i32 to index
      %get3A_4268 = arith.constant 16 : index
      %get3A_4269 = tpu.vector_load %arg9[%get3A_4267, %get3A_4268] {strides = array<i32>} : memref<104x32xf32, #tpu.memory_space<vmem>>, vector<16xf32>,
      %add3A_4270 = arith.addf %add3A_4260, %get3A_4269 : vector<16xf32>
      %get3A_4271 = arith.constant 85 : i32
      %get3A_4272 = arith.index_cast %get3A_4271 : i32 to index
      %get3A_4273 = arith.constant 0 : index
      %get3A_4274 = tpu.vector_load %arg9[%get3A_4272, %get3A_4273] {strides = array<i32>} : memref<104x32xf32, #tpu.memory_space<vmem>>, vector<16xf32>,
      %add3A_4275 = arith.addf %add3A_4265, %get3A_4274 : vector<16xf32>
      %get3A_4276 = arith.constant 85 : i32
      %get3A_4277 = arith.index_cast %get3A_4276 : i32 to index
      %get3A_4278 = arith.constant 16 : index
      %get3A_4279 = tpu.vector_load %arg9[%get3A_4277, %get3A_4278] {strides = array<i32>} : memref<104x32xf32, #tpu.memory_space<vmem>>, vector<16xf32>,
      %add3A_4280 = arith.addf %add3A_4270, %get3A_4279 : vector<16xf32>
      %get3A_4281 = arith.constant 86 : i32
      %get3A_4282 = arith.index_cast %get3A_4281 : i32 to index
      %get3A_4283 = arith.constant 0 : index
      %get3A_4284 = tpu.vector_load %arg9[%get3A_4282, %get3A_4283] {strides = array<i32>} : memref<104x32xf32, #tpu.memory_space<vmem>>, vector<16xf32>,
      %add3A_4285 = arith.addf %add3A_4275, %get3A_4284 : vector<16xf32>
      %get3A_4286 = arith.constant 86 : i32
      %get3A_4287 = arith.index_cast %get3A_4286 : i32 to index
      %get3A_4288 = arith.constant 16 : index
      %get3A_4289 = tpu.vector_load %arg9[%get3A_4287, %get3A_4288] {strides = array<i32>} : memref<104x32xf32, #tpu.memory_space<vmem>>, vector<16xf32>,
      %add3A_4290 = arith.addf %add3A_4280, %get3A_4289 : vector<16xf32>
      %get3A_4291 = arith.constant 87 : i32
      %get3A_4292 = arith.index_cast %get3A_4291 : i32 to index
      %get3A_4293 = arith.constant 0 : index
      %get3A_4294 = tpu.vector_load %arg9[%get3A_4292, %get3A_4293] {strides = array<i32>} : memref<104x32xf32, #tpu.memory_space<vmem>>, vector<16xf32>,
      %add3A_4295 = arith.addf %add3A_4285, %get3A_4294 : vector<16xf32>
      %get3A_4296 = arith.constant 87 : i32
      %get3A_4297 = arith.index_cast %get3A_4296 : i32 to index
      %get3A_4298 = arith.constant 16 : index
      %get3A_4299 = tpu.vector_load %arg9[%get3A_4297, %get3A_4298] {strides = array<i32>} : memref<104x32xf32, #tpu.memory_space<vmem>>, vector<16xf32>,
      %add3A_4300 = arith.addf %add3A_4290, %get3A_4299 : vector<16xf32>
      %get3A_4301 = arith.constant 88 : i32
      %get3A_4302 = arith.index_cast %get3A_4301 : i32 to index
      %get3A_4303 = arith.constant 0 : index
      %get3A_4304 = tpu.vector_load %arg9[%get3A_4302, %get3A_4303] {strides = array<i32>} : memref<104x32xf32, #tpu.memory_space<vmem>>, vector<16xf32>,
      %add3A_4305 = arith.addf %add3A_4295, %get3A_4304 : vector<16xf32>
      %get3A_4306 = arith.constant 88 : i32
      %get3A_4307 = arith.index_cast %get3A_4306 : i32 to index
      %get3A_4308 = arith.constant 16 : index
      %get3A_4309 = tpu.vector_load %arg9[%get3A_4307, %get3A_4308] {strides = array<i32>} : memref<104x32xf32, #tpu.memory_space<vmem>>, vector<16xf32>,
      %add3A_4310 = arith.addf %add3A_4300, %get3A_4309 : vector<16xf32>
      %get3A_4311 = arith.constant 89 : i32
      %get3A_4312 = arith.index_cast %get3A_4311 : i32 to index
      %get3A_4313 = arith.constant 0 : index
      %get3A_4314 = tpu.vector_load %arg9[%get3A_4312, %get3A_4313] {strides = array<i32>} : memref<104x32xf32, #tpu.memory_space<vmem>>, vector<16xf32>,
      %add3A_4315 = arith.addf %add3A_4305, %get3A_4314 : vector<16xf32>
      %get3A_4316 = arith.constant 89 : i32
      %get3A_4317 = arith.index_cast %get3A_4316 : i32 to index
      %get3A_4318 = arith.constant 16 : index
      %get3A_4319 = tpu.vector_load %arg9[%get3A_4317, %get3A_4318] {strides = array<i32>} : memref<104x32xf32, #tpu.memory_space<vmem>>, vector<16xf32>,
      %add3A_4320 = arith.addf %add3A_4310, %get3A_4319 : vector<16xf32>
      %get3A_4321 = arith.constant 90 : i32
      %get3A_4322 = arith.index_cast %get3A_4321 : i32 to index
      %get3A_4323 = arith.constant 0 : index
      %get3A_4324 = tpu.vector_load %arg9[%get3A_4322, %get3A_4323] {strides = array<i32>} : memref<104x32xf32, #tpu.memory_space<vmem>>, vector<16xf32>,
      %add3A_4325 = arith.addf %add3A_4315, %get3A_4324 : vector<16xf32>
      %get3A_4326 = arith.constant 90 : i32
      %get3A_4327 = arith.index_cast %get3A_4326 : i32 to index
      %get3A_4328 = arith.constant 16 : index
      %get3A_4329 = tpu.vector_load %arg9[%get3A_4327, %get3A_4328] {strides = array<i32>} : memref<104x32xf32, #tpu.memory_space<vmem>>, vector<16xf32>,
      %add3A_4330 = arith.addf %add3A_4320, %get3A_4329 : vector<16xf32>
      %get3A_4331 = arith.constant 91 : i32
      %get3A_4332 = arith.index_cast %get3A_4331 : i32 to index
      %get3A_4333 = arith.constant 0 : index
      %get3A_4334 = tpu.vector_load %arg9[%get3A_4332, %get3A_4333] {strides = array<i32>} : memref<104x32xf32, #tpu.memory_space<vmem>>, vector<16xf32>,
      %add3A_4335 = arith.addf %add3A_4325, %get3A_4334 : vector<16xf32>
      %get3A_4336 = arith.constant 91 : i32
      %get3A_4337 = arith.index_cast %get3A_4336 : i32 to index
      %get3A_4338 = arith.constant 16 : index
      %get3A_4339 = tpu.vector_load %arg9[%get3A_4337, %get3A_4338] {strides = array<i32>} : memref<104x32xf32, #tpu.memory_space<vmem>>, vector<16xf32>,
      %add3A_4340 = arith.addf %add3A_4330, %get3A_4339 : vector<16xf32>
      %get3A_4341 = arith.constant 92 : i32
      %get3A_4342 = arith.index_cast %get3A_4341 : i32 to index
      %get3A_4343 = arith.constant 0 : index
      %get3A_4344 = tpu.vector_load %arg9[%get3A_4342, %get3A_4343] {strides = array<i32>} : memref<104x32xf32, #tpu.memory_space<vmem>>, vector<16xf32>,
      %add3A_4345 = arith.addf %add3A_4335, %get3A_4344 : vector<16xf32>
      %get3A_4346 = arith.constant 92 : i32
      %get3A_4347 = arith.index_cast %get3A_4346 : i32 to index
      %get3A_4348 = arith.constant 16 : index
      %get3A_4349 = tpu.vector_load %arg9[%get3A_4347, %get3A_4348] {strides = array<i32>} : memref<104x32xf32, #tpu.memory_space<vmem>>, vector<16xf32>,
      %add3A_4350 = arith.addf %add3A_4340, %get3A_4349 : vector<16xf32>
      %get3A_4351 = arith.constant 93 : i32
      %get3A_4352 = arith.index_cast %get3A_4351 : i32 to index
      %get3A_4353 = arith.constant 0 : index
      %get3A_4354 = tpu.vector_load %arg9[%get3A_4352, %get3A_4353] {strides = array<i32>} : memref<104x32xf32, #tpu.memory_space<vmem>>, vector<16xf32>,
      %add3A_4355 = arith.addf %add3A_4345, %get3A_4354 : vector<16xf32>
      %get3A_4356 = arith.constant 93 : i32
      %get3A_4357 = arith.index_cast %get3A_4356 : i32 to index
      %get3A_4358 = arith.constant 16 : index
      %get3A_4359 = tpu.vector_load %arg9[%get3A_4357, %get3A_4358] {strides = array<i32>} : memref<104x32xf32, #tpu.memory_space<vmem>>, vector<16xf32>,
      %add3A_4360 = arith.addf %add3A_4350, %get3A_4359 : vector<16xf32>
      %get3A_4361 = arith.constant 94 : i32
      %get3A_4362 = arith.index_cast %get3A_4361 : i32 to index
      %get3A_4363 = arith.constant 0 : index
      %get3A_4364 = tpu.vector_load %arg9[%get3A_4362, %get3A_4363] {strides = array<i32>} : memref<104x32xf32, #tpu.memory_space<vmem>>, vector<16xf32>,
      %add3A_4365 = arith.addf %add3A_4355, %get3A_4364 : vector<16xf32>
      %get3A_4366 = arith.constant 94 : i32
      %get3A_4367 = arith.index_cast %get3A_4366 : i32 to index
      %get3A_4368 = arith.constant 16 : index
      %get3A_4369 = tpu.vector_load %arg9[%get3A_4367, %get3A_4368] {strides = array<i32>} : memref<104x32xf32, #tpu.memory_space<vmem>>, vector<16xf32>,
      %add3A_4370 = arith.addf %add3A_4360, %get3A_4369 : vector<16xf32>
      %get3A_4371 = arith.constant 95 : i32
      %get3A_4372 = arith.index_cast %get3A_4371 : i32 to index
      %get3A_4373 = arith.constant 0 : index
      %get3A_4374 = tpu.vector_load %arg9[%get3A_4372, %get3A_4373] {strides = array<i32>} : memref<104x32xf32, #tpu.memory_space<vmem>>, vector<16xf32>,
      %add3A_4375 = arith.addf %add3A_4365, %get3A_4374 : vector<16xf32>
      %get3A_4376 = arith.constant 95 : i32
      %get3A_4377 = arith.index_cast %get3A_4376 : i32 to index
      %get3A_4378 = arith.constant 16 : index
      %get3A_4379 = tpu.vector_load %arg9[%get3A_4377, %get3A_4378] {strides = array<i32>} : memref<104x32xf32, #tpu.memory_space<vmem>>, vector<16xf32>,
      %add3A_4380 = arith.addf %add3A_4370, %get3A_4379 : vector<16xf32>
      %get3A_4381 = arith.constant 96 : i32
      %get3A_4382 = arith.index_cast %get3A_4381 : i32 to index
      %get3A_4383 = arith.constant 0 : index
      %get3A_4384 = tpu.vector_load %arg9[%get3A_4382, %get3A_4383] {strides = array<i32>} : memref<104x32xf32, #tpu.memory_space<vmem>>, vector<16xf32>,
      %add3A_4385 = arith.addf %add3A_4375, %get3A_4384 : vector<16xf32>
      %get3A_4386 = arith.constant 96 : i32
      %get3A_4387 = arith.index_cast %get3A_4386 : i32 to index
      %get3A_4388 = arith.constant 16 : index
      %get3A_4389 = tpu.vector_load %arg9[%get3A_4387, %get3A_4388] {strides = array<i32>} : memref<104x32xf32, #tpu.memory_space<vmem>>, vector<16xf32>,
      %add3A_4390 = arith.addf %add3A_4380, %get3A_4389 : vector<16xf32>
      %get3A_4391 = arith.constant 97 : i32
      %get3A_4392 = arith.index_cast %get3A_4391 : i32 to index
      %get3A_4393 = arith.constant 0 : index
      %get3A_4394 = tpu.vector_load %arg9[%get3A_4392, %get3A_4393] {strides = array<i32>} : memref<104x32xf32, #tpu.memory_space<vmem>>, vector<16xf32>,
      %add3A_4395 = arith.addf %add3A_4385, %get3A_4394 : vector<16xf32>
      %get3A_4396 = arith.constant 97 : i32
      %get3A_4397 = arith.index_cast %get3A_4396 : i32 to index
      %get3A_4398 = arith.constant 16 : index
      %get3A_4399 = tpu.vector_load %arg9[%get3A_4397, %get3A_4398] {strides = array<i32>} : memref<104x32xf32, #tpu.memory_space<vmem>>, vector<16xf32>,
      %add3A_4400 = arith.addf %add3A_4390, %get3A_4399 : vector<16xf32>
      %get3A_4401 = arith.constant 98 : i32
      %get3A_4402 = arith.index_cast %get3A_4401 : i32 to index
      %get3A_4403 = arith.constant 0 : index
      %get3A_4404 = tpu.vector_load %arg9[%get3A_4402, %get3A_4403] {strides = array<i32>} : memref<104x32xf32, #tpu.memory_space<vmem>>, vector<16xf32>,
      %add3A_4405 = arith.addf %add3A_4395, %get3A_4404 : vector<16xf32>
      %get3A_4406 = arith.constant 98 : i32
      %get3A_4407 = arith.index_cast %get3A_4406 : i32 to index
      %get3A_4408 = arith.constant 16 : index
      %get3A_4409 = tpu.vector_load %arg9[%get3A_4407, %get3A_4408] {strides = array<i32>} : memref<104x32xf32, #tpu.memory_space<vmem>>, vector<16xf32>,
      %add3A_4410 = arith.addf %add3A_4400, %get3A_4409 : vector<16xf32>
      %get3A_4411 = arith.constant 99 : i32
      %get3A_4412 = arith.index_cast %get3A_4411 : i32 to index
      %get3A_4413 = arith.constant 0 : index
      %get3A_4414 = tpu.vector_load %arg9[%get3A_4412, %get3A_4413] {strides = array<i32>} : memref<104x32xf32, #tpu.memory_space<vmem>>, vector<16xf32>,
      %add3A_4415 = arith.addf %add3A_4405, %get3A_4414 : vector<16xf32>
      %get3A_4416 = arith.constant 99 : i32
      %get3A_4417 = arith.index_cast %get3A_4416 : i32 to index
      %get3A_4418 = arith.constant 16 : index
      %get3A_4419 = tpu.vector_load %arg9[%get3A_4417, %get3A_4418] {strides = array<i32>} : memref<104x32xf32, #tpu.memory_space<vmem>>, vector<16xf32>,
      %add3A_4420 = arith.addf %add3A_4410, %get3A_4419 : vector<16xf32>
      %get3A_4421 = arith.constant 100 : i32
      %get3A_4422 = arith.index_cast %get3A_4421 : i32 to index
      %get3A_4423 = arith.constant 0 : index
      %get3A_4424 = tpu.vector_load %arg9[%get3A_4422, %get3A_4423] {strides = array<i32>} : memref<104x32xf32, #tpu.memory_space<vmem>>, vector<16xf32>,
      %add3A_4425 = arith.addf %add3A_4415, %get3A_4424 : vector<16xf32>
      %get3A_4426 = arith.constant 100 : i32
      %get3A_4427 = arith.index_cast %get3A_4426 : i32 to index
      %get3A_4428 = arith.constant 16 : index
      %get3A_4429 = tpu.vector_load %arg9[%get3A_4427, %get3A_4428] {strides = array<i32>} : memref<104x32xf32, #tpu.memory_space<vmem>>, vector<16xf32>,
      %add3A_4430 = arith.addf %add3A_4420, %get3A_4429 : vector<16xf32>
      %get3A_4431 = arith.constant 101 : i32
      %get3A_4432 = arith.index_cast %get3A_4431 : i32 to index
      %get3A_4433 = arith.constant 0 : index
      %get3A_4434 = tpu.vector_load %arg9[%get3A_4432, %get3A_4433] {strides = array<i32>} : memref<104x32xf32, #tpu.memory_space<vmem>>, vector<16xf32>,
      %add3A_4435 = arith.addf %add3A_4425, %get3A_4434 : vector<16xf32>
      %get3A_4436 = arith.constant 101 : i32
      %get3A_4437 = arith.index_cast %get3A_4436 : i32 to index
      %get3A_4438 = arith.constant 16 : index
      %get3A_4439 = tpu.vector_load %arg9[%get3A_4437, %get3A_4438] {strides = array<i32>} : memref<104x32xf32, #tpu.memory_space<vmem>>, vector<16xf32>,
      %add3A_4440 = arith.addf %add3A_4430, %get3A_4439 : vector<16xf32>
      %get3A_4441 = arith.constant 102 : i32
      %get3A_4442 = arith.index_cast %get3A_4441 : i32 to index
      %get3A_4443 = arith.constant 0 : index
      %get3A_4444 = tpu.vector_load %arg9[%get3A_4442, %get3A_4443] {strides = array<i32>} : memref<104x32xf32, #tpu.memory_space<vmem>>, vector<16xf32>,
      %add3A_4445 = arith.addf %add3A_4435, %get3A_4444 : vector<16xf32>
      %get3A_4446 = arith.constant 102 : i32
      %get3A_4447 = arith.index_cast %get3A_4446 : i32 to index
      %get3A_4448 = arith.constant 16 : index
      %get3A_4449 = tpu.vector_load %arg9[%get3A_4447, %get3A_4448] {strides = array<i32>} : memref<104x32xf32, #tpu.memory_space<vmem>>, vector<16xf32>,
      %add3A_4450 = arith.addf %add3A_4440, %get3A_4449 : vector<16xf32>
      %get3A_4451 = arith.constant 103 : i32
      %get3A_4452 = arith.index_cast %get3A_4451 : i32 to index
      %get3A_4453 = arith.constant 0 : index
      %get3A_4454 = tpu.vector_load %arg9[%get3A_4452, %get3A_4453] {strides = array<i32>} : memref<104x32xf32, #tpu.memory_space<vmem>>, vector<16xf32>,
      %add3A_4455 = arith.addf %add3A_4445, %get3A_4454 : vector<16xf32>
      %get3A_4456 = arith.constant 103 : i32
      %get3A_4457 = arith.index_cast %get3A_4456 : i32 to index
      %get3A_4458 = arith.constant 16 : index
      %get3A_4459 = tpu.vector_load %arg9[%get3A_4457, %get3A_4458] {strides = array<i32>} : memref<104x32xf32, #tpu.memory_space<vmem>>, vector<16xf32>,
      %add3A_4460 = arith.addf %add3A_4450, %get3A_4459 : vector<16xf32>
      %broadcast_in_dim3A_4461 = arith.constant 0 : i32
      %broadcast_in_dim3A_4462 = vector.broadcast %broadcast_in_dim3A_4461 : i32 to vector<16xi32>
      %add3A_4463 = arith.constant 384 : i32
      %add3A_4464 = arith.addi %add3A_4463, %add3A_3368 : i32
      %add3A_4465 = vector.broadcast %add3A_4464 : i32 to vector<16xi32>
      %add3A_4466 = arith.addi %broadcast_in_dim3A_4462, %add3A_4465 : vector<16xi32>
      %mul3A_4467 = arith.constant 0.0384615399 : f32
      %mul3A_4468 = vector.broadcast %mul3A_4467 : f32 to vector<16xf32>
      %mul3A_4469 = arith.mulf %add3A_4455, %mul3A_4468 : vector<16xf32>
      tpu.vector_store_idx %arg10[%iota3A_3383, %add3A_4466], %mul3A_4469 : memref<32x512xf32, #tpu.memory_space<vmem>>[vector<16xi32>, vector<16xi32>], vector<16xf32>,
      %add3A_4470 = arith.constant 16 : i32
      %add3A_4471 = vector.broadcast %add3A_4470 : i32 to vector<16xi32>
      %add3A_4472 = arith.addi %iota3A_3383, %add3A_4471 : vector<16xi32>
      %mul3A_4473 = arith.constant 0.0384615399 : f32
      %mul3A_4474 = vector.broadcast %mul3A_4473 : f32 to vector<16xf32>
      %mul3A_4475 = arith.mulf %add3A_4460, %mul3A_4474 : vector<16xf32>
      tpu.vector_store_idx %arg10[%add3A_4472, %add3A_4466], %mul3A_4475 : memref<32x512xf32, #tpu.memory_space<vmem>>[vector<16xi32>, vector<16xi32>], vector<16xf32>,
    }
    %scan3A_27 = arith.constant 32 : i32
    %mul3A_28 = arith.constant 128 : i32
    %mul3A_29 = arith.muli %add3A, %mul3A_28 : i32
    %add3A_30 = arith.constant 0 : i32
    %add3A_31 = arith.addi %add3A_30, %mul3A_29 : i32
    "tpu.region"() ({
      %run_scoped3A = tpu.sem_alloc : memref<!tpu.dma_semaphore, #tpu.memory_space<semaphore_mem>>
      %dma_start3A_44 = arith.constant 0 : i32
      %dma_start3A_45 = arith.constant 0 : i32
      %dma_start3A_46 = tpu.memref_slice %arg10[%dma_start3A_44, %dma_start3A_45] : memref<32x512xf32, #tpu.memory_space<vmem>> -> memref<32x128xf32, #tpu.memory_space<vmem>>
      %dma_start3A_47 = arith.constant 0 : i32
      %dma_start3A_48 = tpu.memref_slice %arg4[%dma_start3A_47, %add3A_31] : memref<32x16384xf32, #tpu.memory_space<hbm>> -> memref<32x128xf32, #tpu.memory_space<hbm>>
      %dma_start3A_49 = arith.constant 0 : i32
      %dma_start3A_50 = tpu.memref_slice %arg4[%dma_start3A_49, %add3A_31] : memref<32x16384xf32, #tpu.memory_space<hbm>> -> memref<32x128xf32, #tpu.memory_space<hbm>>
      %dma_start3A_51 = arith.constant 0 : i32
      %dma_start3A_52 = arith.constant 0 : i32
      %dma_start3A_53 = tpu.memref_slice %arg10[%dma_start3A_51, %dma_start3A_52] : memref<32x512xf32, #tpu.memory_space<vmem>> -> memref<32x128xf32, #tpu.memory_space<vmem>>
      tpu.enqueue_dma source(%dma_start3A_53 : memref<32x128xf32, #tpu.memory_space<vmem>>) target(%dma_start3A_50 : memref<32x128xf32, #tpu.memory_space<hbm>>) target_semaphore(%run_scoped3A : memref<!tpu.dma_semaphore, #tpu.memory_space<semaphore_mem>>)
      %dma_wait3A = arith.constant 0 : i32
      %dma_wait3A_54 = arith.constant 0 : i32
      %dma_wait3A_55 = tpu.memref_slice %arg10[%dma_wait3A, %dma_wait3A_54] : memref<32x512xf32, #tpu.memory_space<vmem>> -> memref<32x128xf32, #tpu.memory_space<vmem>>
      %dma_wait3A_56 = arith.constant 0 : i32
      %dma_wait3A_57 = tpu.memref_slice %arg4[%dma_wait3A_56, %add3A_31] : memref<32x16384xf32, #tpu.memory_space<hbm>> -> memref<32x128xf32, #tpu.memory_space<hbm>>
      %dma_wait3A_58 = arith.constant 0 : i32
      %dma_wait3A_59 = tpu.memref_slice %arg4[%dma_wait3A_58, %add3A_31] : memref<32x16384xf32, #tpu.memory_space<hbm>> -> memref<32x128xf32, #tpu.memory_space<hbm>>
      %dma_wait3A_60 = arith.constant 0 : i32
      %dma_wait3A_61 = arith.constant 0 : i32
      %dma_wait3A_62 = tpu.memref_slice %arg10[%dma_wait3A_60, %dma_wait3A_61] : memref<32x512xf32, #tpu.memory_space<vmem>> -> memref<32x128xf32, #tpu.memory_space<vmem>>
      tpu.wait_dma2 semaphore(%run_scoped3A : memref<!tpu.dma_semaphore, #tpu.memory_space<semaphore_mem>>) src(%dma_wait3A_62 : memref<32x128xf32, #tpu.memory_space<vmem>>) dst(%dma_wait3A_59 : memref<32x128xf32, #tpu.memory_space<hbm>>)
      tpu.yield
    }) : () -> ()
    %mul3A_32 = arith.constant 128 : i32
    %mul3A_33 = arith.muli %add3A, %mul3A_32 : i32
    %add3A_34 = arith.constant 4096 : i32
    %add3A_35 = arith.addi %add3A_34, %mul3A_33 : i32
    "tpu.region"() ({
      %run_scoped3A = tpu.sem_alloc : memref<!tpu.dma_semaphore, #tpu.memory_space<semaphore_mem>>
      %dma_start3A_44 = arith.constant 0 : i32
      %dma_start3A_45 = arith.constant 128 : i32
      %dma_start3A_46 = tpu.memref_slice %arg10[%dma_start3A_44, %dma_start3A_45] : memref<32x512xf32, #tpu.memory_space<vmem>> -> memref<32x128xf32, #tpu.memory_space<vmem>>
      %dma_start3A_47 = arith.constant 0 : i32
      %dma_start3A_48 = tpu.memref_slice %arg4[%dma_start3A_47, %add3A_35] : memref<32x16384xf32, #tpu.memory_space<hbm>> -> memref<32x128xf32, #tpu.memory_space<hbm>>
      %dma_start3A_49 = arith.constant 0 : i32
      %dma_start3A_50 = tpu.memref_slice %arg4[%dma_start3A_49, %add3A_35] : memref<32x16384xf32, #tpu.memory_space<hbm>> -> memref<32x128xf32, #tpu.memory_space<hbm>>
      %dma_start3A_51 = arith.constant 0 : i32
      %dma_start3A_52 = arith.constant 128 : i32
      %dma_start3A_53 = tpu.memref_slice %arg10[%dma_start3A_51, %dma_start3A_52] : memref<32x512xf32, #tpu.memory_space<vmem>> -> memref<32x128xf32, #tpu.memory_space<vmem>>
      tpu.enqueue_dma source(%dma_start3A_53 : memref<32x128xf32, #tpu.memory_space<vmem>>) target(%dma_start3A_50 : memref<32x128xf32, #tpu.memory_space<hbm>>) target_semaphore(%run_scoped3A : memref<!tpu.dma_semaphore, #tpu.memory_space<semaphore_mem>>)
      %dma_wait3A = arith.constant 0 : i32
      %dma_wait3A_54 = arith.constant 128 : i32
      %dma_wait3A_55 = tpu.memref_slice %arg10[%dma_wait3A, %dma_wait3A_54] : memref<32x512xf32, #tpu.memory_space<vmem>> -> memref<32x128xf32, #tpu.memory_space<vmem>>
      %dma_wait3A_56 = arith.constant 0 : i32
      %dma_wait3A_57 = tpu.memref_slice %arg4[%dma_wait3A_56, %add3A_35] : memref<32x16384xf32, #tpu.memory_space<hbm>> -> memref<32x128xf32, #tpu.memory_space<hbm>>
      %dma_wait3A_58 = arith.constant 0 : i32
      %dma_wait3A_59 = tpu.memref_slice %arg4[%dma_wait3A_58, %add3A_35] : memref<32x16384xf32, #tpu.memory_space<hbm>> -> memref<32x128xf32, #tpu.memory_space<hbm>>
      %dma_wait3A_60 = arith.constant 0 : i32
      %dma_wait3A_61 = arith.constant 128 : i32
      %dma_wait3A_62 = tpu.memref_slice %arg10[%dma_wait3A_60, %dma_wait3A_61] : memref<32x512xf32, #tpu.memory_space<vmem>> -> memref<32x128xf32, #tpu.memory_space<vmem>>
      tpu.wait_dma2 semaphore(%run_scoped3A : memref<!tpu.dma_semaphore, #tpu.memory_space<semaphore_mem>>) src(%dma_wait3A_62 : memref<32x128xf32, #tpu.memory_space<vmem>>) dst(%dma_wait3A_59 : memref<32x128xf32, #tpu.memory_space<hbm>>)
      tpu.yield
    }) : () -> ()
    %mul3A_36 = arith.constant 128 : i32
    %mul3A_37 = arith.muli %add3A, %mul3A_36 : i32
    %add3A_38 = arith.constant 8192 : i32
    %add3A_39 = arith.addi %add3A_38, %mul3A_37 : i32
    "tpu.region"() ({
      %run_scoped3A = tpu.sem_alloc : memref<!tpu.dma_semaphore, #tpu.memory_space<semaphore_mem>>
      %dma_start3A_44 = arith.constant 0 : i32
      %dma_start3A_45 = arith.constant 256 : i32
      %dma_start3A_46 = tpu.memref_slice %arg10[%dma_start3A_44, %dma_start3A_45] : memref<32x512xf32, #tpu.memory_space<vmem>> -> memref<32x128xf32, #tpu.memory_space<vmem>>
      %dma_start3A_47 = arith.constant 0 : i32
      %dma_start3A_48 = tpu.memref_slice %arg4[%dma_start3A_47, %add3A_39] : memref<32x16384xf32, #tpu.memory_space<hbm>> -> memref<32x128xf32, #tpu.memory_space<hbm>>
      %dma_start3A_49 = arith.constant 0 : i32
      %dma_start3A_50 = tpu.memref_slice %arg4[%dma_start3A_49, %add3A_39] : memref<32x16384xf32, #tpu.memory_space<hbm>> -> memref<32x128xf32, #tpu.memory_space<hbm>>
      %dma_start3A_51 = arith.constant 0 : i32
      %dma_start3A_52 = arith.constant 256 : i32
      %dma_start3A_53 = tpu.memref_slice %arg10[%dma_start3A_51, %dma_start3A_52] : memref<32x512xf32, #tpu.memory_space<vmem>> -> memref<32x128xf32, #tpu.memory_space<vmem>>
      tpu.enqueue_dma source(%dma_start3A_53 : memref<32x128xf32, #tpu.memory_space<vmem>>) target(%dma_start3A_50 : memref<32x128xf32, #tpu.memory_space<hbm>>) target_semaphore(%run_scoped3A : memref<!tpu.dma_semaphore, #tpu.memory_space<semaphore_mem>>)
      %dma_wait3A = arith.constant 0 : i32
      %dma_wait3A_54 = arith.constant 256 : i32
      %dma_wait3A_55 = tpu.memref_slice %arg10[%dma_wait3A, %dma_wait3A_54] : memref<32x512xf32, #tpu.memory_space<vmem>> -> memref<32x128xf32, #tpu.memory_space<vmem>>
      %dma_wait3A_56 = arith.constant 0 : i32
      %dma_wait3A_57 = tpu.memref_slice %arg4[%dma_wait3A_56, %add3A_39] : memref<32x16384xf32, #tpu.memory_space<hbm>> -> memref<32x128xf32, #tpu.memory_space<hbm>>
      %dma_wait3A_58 = arith.constant 0 : i32
      %dma_wait3A_59 = tpu.memref_slice %arg4[%dma_wait3A_58, %add3A_39] : memref<32x16384xf32, #tpu.memory_space<hbm>> -> memref<32x128xf32, #tpu.memory_space<hbm>>
      %dma_wait3A_60 = arith.constant 0 : i32
      %dma_wait3A_61 = arith.constant 256 : i32
      %dma_wait3A_62 = tpu.memref_slice %arg10[%dma_wait3A_60, %dma_wait3A_61] : memref<32x512xf32, #tpu.memory_space<vmem>> -> memref<32x128xf32, #tpu.memory_space<vmem>>
      tpu.wait_dma2 semaphore(%run_scoped3A : memref<!tpu.dma_semaphore, #tpu.memory_space<semaphore_mem>>) src(%dma_wait3A_62 : memref<32x128xf32, #tpu.memory_space<vmem>>) dst(%dma_wait3A_59 : memref<32x128xf32, #tpu.memory_space<hbm>>)
      tpu.yield
    }) : () -> ()
    %mul3A_40 = arith.constant 128 : i32
    %mul3A_41 = arith.muli %add3A, %mul3A_40 : i32
    %add3A_42 = arith.constant 12288 : i32
    %add3A_43 = arith.addi %add3A_42, %mul3A_41 : i32
    "tpu.region"() ({
      %run_scoped3A = tpu.sem_alloc : memref<!tpu.dma_semaphore, #tpu.memory_space<semaphore_mem>>
      %dma_start3A_44 = arith.constant 0 : i32
      %dma_start3A_45 = arith.constant 384 : i32
      %dma_start3A_46 = tpu.memref_slice %arg10[%dma_start3A_44, %dma_start3A_45] : memref<32x512xf32, #tpu.memory_space<vmem>> -> memref<32x128xf32, #tpu.memory_space<vmem>>
      %dma_start3A_47 = arith.constant 0 : i32
      %dma_start3A_48 = tpu.memref_slice %arg4[%dma_start3A_47, %add3A_43] : memref<32x16384xf32, #tpu.memory_space<hbm>> -> memref<32x128xf32, #tpu.memory_space<hbm>>
      %dma_start3A_49 = arith.constant 0 : i32
      %dma_start3A_50 = tpu.memref_slice %arg4[%dma_start3A_49, %add3A_43] : memref<32x16384xf32, #tpu.memory_space<hbm>> -> memref<32x128xf32, #tpu.memory_space<hbm>>
      %dma_start3A_51 = arith.constant 0 : i32
      %dma_start3A_52 = arith.constant 384 : i32
      %dma_start3A_53 = tpu.memref_slice %arg10[%dma_start3A_51, %dma_start3A_52] : memref<32x512xf32, #tpu.memory_space<vmem>> -> memref<32x128xf32, #tpu.memory_space<vmem>>
      tpu.enqueue_dma source(%dma_start3A_53 : memref<32x128xf32, #tpu.memory_space<vmem>>) target(%dma_start3A_50 : memref<32x128xf32, #tpu.memory_space<hbm>>) target_semaphore(%run_scoped3A : memref<!tpu.dma_semaphore, #tpu.memory_space<semaphore_mem>>)
      %dma_wait3A = arith.constant 0 : i32
      %dma_wait3A_54 = arith.constant 384 : i32
      %dma_wait3A_55 = tpu.memref_slice %arg10[%dma_wait3A, %dma_wait3A_54] : memref<32x512xf32, #tpu.memory_space<vmem>> -> memref<32x128xf32, #tpu.memory_space<vmem>>
      %dma_wait3A_56 = arith.constant 0 : i32
      %dma_wait3A_57 = tpu.memref_slice %arg4[%dma_wait3A_56, %add3A_43] : memref<32x16384xf32, #tpu.memory_space<hbm>> -> memref<32x128xf32, #tpu.memory_space<hbm>>
      %dma_wait3A_58 = arith.constant 0 : i32
      %dma_wait3A_59 = tpu.memref_slice %arg4[%dma_wait3A_58, %add3A_43] : memref<32x16384xf32, #tpu.memory_space<hbm>> -> memref<32x128xf32, #tpu.memory_space<hbm>>
      %dma_wait3A_60 = arith.constant 0 : i32
      %dma_wait3A_61 = arith.constant 384 : i32
      %dma_wait3A_62 = tpu.memref_slice %arg10[%dma_wait3A_60, %dma_wait3A_61] : memref<32x512xf32, #tpu.memory_space<vmem>> -> memref<32x128xf32, #tpu.memory_space<vmem>>
      tpu.wait_dma2 semaphore(%run_scoped3A : memref<!tpu.dma_semaphore, #tpu.memory_space<semaphore_mem>>) src(%dma_wait3A_62 : memref<32x128xf32, #tpu.memory_space<vmem>>) dst(%dma_wait3A_59 : memref<32x128xf32, #tpu.memory_space<hbm>>)
      tpu.yield
    }) : () -> ()
    return
  }
}

module attributes {stable_mosaic.version = 14 : i64} {
  func.func @_tpose_kernel(%arg0: i32, %arg1: memref<32x32768xf32, #tpu.memory_space<vmem>>, %arg2: memref<26x16384xi32, #tpu.memory_space<vmem>>, %arg3: memref<8192x128xf32, #tpu.memory_space<vmem>>, %arg4: memref<4096x128xi32, #tpu.memory_space<vmem>>) attributes {dimension_semantics = [#tpu.dimension_semantics<arbitrary>], iteration_bounds = array<i64: 31>, scalar_prefetch = 0 : i64, scratch_operands = 0 : i64, tpu.core_type = #tpu.core_type<tc>, window_params = [{transform_indices = @transform_0, window_bounds = array<i64: 32, 32768>}, {pipeline_mode = #tpu.pipeline_mode<synchronous>, transform_indices = @transform_1, window_bounds = array<i64: 26, 16384>}, {transform_indices = @transform_2, window_bounds = array<i64: 8192, 128>}, {pipeline_mode = #tpu.pipeline_mode<synchronous>, transform_indices = @transform_3, window_bounds = array<i64: 4096, 128>}]} {
    %get3A = arith.constant 0 : index
    %get3A_0 = arith.constant 0 : index
    %get3A_1 = vector.load %arg1[%get3A, %get3A_0] : memref<32x32768xf32, #tpu.memory_space<vmem>>, vector<32x32768xf32>
    %slice3A = vector.extract_strided_slice %get3A_1 {offsets = [0, 0], sizes = [32, 8192], strides = [1, 1]} : vector<32x32768xf32> to vector<32x8192xf32>
    %slice3A_2 = vector.extract_strided_slice %get3A_1 {offsets = [0, 8192], sizes = [32, 8192], strides = [1, 1]} : vector<32x32768xf32> to vector<32x8192xf32>
    %slice3A_3 = vector.extract_strided_slice %get3A_1 {offsets = [0, 16384], sizes = [32, 8192], strides = [1, 1]} : vector<32x32768xf32> to vector<32x8192xf32>
    %slice3A_4 = vector.extract_strided_slice %get3A_1 {offsets = [0, 24576], sizes = [32, 8192], strides = [1, 1]} : vector<32x32768xf32> to vector<32x8192xf32>
    %concatenate3A = tpu.concatenate %slice3A, %slice3A_2, %slice3A_3, %slice3A_4 in 0 : vector<32x8192xf32>, vector<32x8192xf32>, vector<32x8192xf32>, vector<32x8192xf32> -> vector<128x8192xf32>
    %iota3A = tpu.iota {dimensions = array<i32: 0>} : vector<128x128xi32>
    %iota3A_5 = tpu.iota {dimensions = array<i32: 1>} : vector<128x128xi32>
    %eq3A = arith.cmpi eq, %iota3A, %iota3A_5 : vector<128x128xi32>
    %convert_element_type3A = arith.extui %eq3A : vector<128x128xi1> to vector<128x128xi32>
    %convert_element_type3A_6 = arith.sitofp %convert_element_type3A : vector<128x128xi32> to vector<128x128xf32>
    %convert_element_type3A_7 = arith.truncf %convert_element_type3A_6 : vector<128x128xf32> to vector<128x128xbf16>
    %convert_element_type3A_8 = arith.truncf %concatenate3A : vector<128x8192xf32> to vector<128x8192xbf16>
    %dot_general3A = arith.constant dense<0.000000e+00> : vector<8192x128xf32>
    %dot_general3A_9 = tpu.matmul %convert_element_type3A_8, %convert_element_type3A_7, %dot_general3A {dimension_numbers = #tpu.dot_dimension_numbers<[0], [0], [1], [1], [0, 1, 1, 1], [], []>, transpose_lhs_hint = false} : vector<128x8192xbf16>, vector<128x128xbf16>, vector<8192x128xf32> -> vector<8192x128xf32>
    %swap3A = arith.constant 0 : index
    %swap3A_10 = arith.constant 0 : index
    %swap3A_11 = vector.load %arg3[%swap3A, %swap3A_10] : memref<8192x128xf32, #tpu.memory_space<vmem>>, vector<8192x128xf32>
    tpu.vector_store %arg3[%swap3A, %swap3A_10], %dot_general3A_9 {strides = array<i32>} : memref<8192x128xf32, #tpu.memory_space<vmem>>, vector<8192x128xf32>,
    %eq3A_12 = arith.constant 0 : i32
    %eq3A_13 = arith.cmpi eq, %arg0, %eq3A_12 : i32
    %convert_element_type3A_14 = arith.extui %eq3A_13 : i1 to i32
    %cond3A = arith.constant 0 : i32
    %cond3A_15 = arith.cmpi ne, %convert_element_type3A_14, %cond3A : i32
    scf.if %cond3A_15 {
      %get3A_16 = arith.constant 0 : index
      %get3A_17 = arith.constant 0 : index
      %get3A_18 = vector.load %arg2[%get3A_16, %get3A_17] : memref<26x16384xi32, #tpu.memory_space<vmem>>, vector<26x16384xi32>
      %slice3A_19 = vector.extract_strided_slice %get3A_18 {offsets = [0, 0], sizes = [26, 4096], strides = [1, 1]} : vector<26x16384xi32> to vector<26x4096xi32>
      %slice3A_20 = vector.extract_strided_slice %get3A_18 {offsets = [0, 4096], sizes = [26, 4096], strides = [1, 1]} : vector<26x16384xi32> to vector<26x4096xi32>
      %slice3A_21 = vector.extract_strided_slice %get3A_18 {offsets = [0, 8192], sizes = [26, 4096], strides = [1, 1]} : vector<26x16384xi32> to vector<26x4096xi32>
      %slice3A_22 = vector.extract_strided_slice %get3A_18 {offsets = [0, 12288], sizes = [26, 4096], strides = [1, 1]} : vector<26x16384xi32> to vector<26x4096xi32>
      %concatenate3A_23 = tpu.concatenate %slice3A_19, %slice3A_20, %slice3A_21, %slice3A_22 in 0 : vector<26x4096xi32>, vector<26x4096xi32>, vector<26x4096xi32>, vector<26x4096xi32> -> vector<104x4096xi32>
      %convert_element_type3A_24 = arith.sitofp %concatenate3A_23 : vector<104x4096xi32> to vector<104x4096xf32>
      %iota3A_25 = tpu.iota {dimensions = array<i32: 0>} : vector<104x104xi32>
      %iota3A_26 = tpu.iota {dimensions = array<i32: 1>} : vector<104x104xi32>
      %eq3A_27 = arith.cmpi eq, %iota3A_25, %iota3A_26 : vector<104x104xi32>
      %convert_element_type3A_28 = arith.extui %eq3A_27 : vector<104x104xi1> to vector<104x104xi32>
      %convert_element_type3A_29 = arith.sitofp %convert_element_type3A_28 : vector<104x104xi32> to vector<104x104xf32>
      %dot_general3A_30 = arith.constant dense<0.000000e+00> : vector<4096x104xf32>
      %dot_general3A_31 = tpu.matmul %convert_element_type3A_24, %convert_element_type3A_29, %dot_general3A_30 {dimension_numbers = #tpu.dot_dimension_numbers<[0], [0], [1], [1], [0, 1, 1, 1], [], []>, precision = #tpu.contract_precision<fp32>, transpose_lhs_hint = false} : vector<104x4096xf32>, vector<104x104xf32>, vector<4096x104xf32> -> vector<4096x104xf32>
      %convert_element_type3A_32 = arith.fptosi %dot_general3A_31 : vector<4096x104xf32> to vector<4096x104xi32>
      %and3A = arith.constant -32768 : i32
      %and3A_33 = vector.broadcast %and3A : i32 to vector<4096x104xi32>
      %and3A_34 = arith.andi %convert_element_type3A_32, %and3A_33 : vector<4096x104xi32>
      %and3A_35 = arith.constant 8191 : i32
      %and3A_36 = vector.broadcast %and3A_35 : i32 to vector<4096x104xi32>
      %and3A_37 = arith.andi %convert_element_type3A_32, %and3A_36 : vector<4096x104xi32>
      %shift_left3A = arith.constant 2 : i32
      %shift_left3A_38 = vector.broadcast %shift_left3A : i32 to vector<4096x104xi32>
      %shift_left3A_39 = arith.shli %and3A_37, %shift_left3A_38 : vector<4096x104xi32>
      %or3A = arith.ori %and3A_34, %shift_left3A_39 : vector<4096x104xi32>
      %and3A_40 = arith.constant 32767 : i32
      %and3A_41 = vector.broadcast %and3A_40 : i32 to vector<4096x104xi32>
      %and3A_42 = arith.andi %convert_element_type3A_32, %and3A_41 : vector<4096x104xi32>
      %shift_right_arithmetic3A = arith.constant 13 : i32
      %shift_right_arithmetic3A_43 = vector.broadcast %shift_right_arithmetic3A : i32 to vector<4096x104xi32>
      %shift_right_arithmetic3A_44 = arith.shrsi %and3A_42, %shift_right_arithmetic3A_43 : vector<4096x104xi32>
      %or3A_45 = arith.ori %or3A, %shift_right_arithmetic3A_44 : vector<4096x104xi32>
      %swap3A_46 = arith.constant 0 : index
      %swap3A_47 = arith.constant 0 : index
      %swap3A_48 = vector.load %arg4[%swap3A_46, %swap3A_47] : memref<4096x128xi32, #tpu.memory_space<vmem>>, vector<4096x104xi32>
      tpu.vector_store %arg4[%swap3A_46, %swap3A_47], %or3A_45 {strides = array<i32>} : memref<4096x128xi32, #tpu.memory_space<vmem>>, vector<4096x104xi32>,
    } else {
    }
    return
  }
  func.func @transform_0(%arg0: i32) -> (i32, i32) {
    %c0_i32 = arith.constant 0 : i32
    %c0_i32_0 = arith.constant 0 : i32
    return %c0_i32, %arg0 : i32, i32
  }
  func.func @transform_1(%arg0: i32) -> (i32, i32) {
    %c0_i32 = arith.constant 0 : i32
    %c0_i32_0 = arith.constant 0 : i32
    %c0_i32_1 = arith.constant 0 : i32
    return %c0_i32, %c0_i32_0 : i32, i32
  }
  func.func @transform_2(%arg0: i32) -> (i32, i32) {
    %c0_i32 = arith.constant 0 : i32
    %c0_i32_0 = arith.constant 0 : i32
    return %arg0, %c0_i32 : i32, i32
  }
  func.func @transform_3(%arg0: i32) -> (i32, i32) {
    %c0_i32 = arith.constant 0 : i32
    %c0_i32_0 = arith.constant 0 : i32
    %c0_i32_1 = arith.constant 0 : i32
    return %c0_i32, %c0_i32_0 : i32, i32
  }
}

</mosaic_0001>

<sc_bundles>
// kernel: kernel.4.cloned.1.call-start
scs
__scs_entry_jumppad:
0x0: {  	(pc) =	sbr.rel $0x88, $3  }
0x1: {  	(tag) =	ssettag $0x0;
	lr =	simm.s32 $0x1  }
0x2: {  	[smem:$0x3F9F] =	sst lr;
	_ =	strace $0xD0000000  }
0x3: {  	_ = 	snop  }
0x4: {  	_ = 	snop  }
0x5: {  	_ = 	snop  }
0x6: {  	_ = 	snop  }
0x7: {  	_ = 	snop  }
__scs_overlays_trampoline_lowered:
0x8: {  	[smem:$0x3FAE] =	sst s0  }
0x9: {  	[smem:$0x3FAF] =	sst s1  }
0xa: {  	[smem:$0x3FB0] =	sst s2  }
0xb: {  	[smem:$0x3FB1] =	sst s3  }
0xc: {  	[smem:$0x3FB2] =	sst s4  }
0xd: {  	[smem:$0x3FB3] =	sst s5  }
0xe: {  	[smem:$0x3FB4] =	sst s6  }
0xf: {  	[smem:$0x3FB5] =	sst s7  }
0x10: {  	[smem:$0x3FB6] =	sst s8  }
0x11: {  	[smem:$0x3FB7] =	sst s9;
	s0 =	simm.s32 @!p0 $0x0  }
0x12: {  	s1 =	sld [smem:$0x3F9D];
	s0 =	simm.s32 @p0 $0x1  }
0x13: {  	[smem:$0x3FB8] =	sst s0;
	s0 =	simm.s32 @!p1 $0x0  }
0x14: {  	s2 =	sld [smem:$0x3F9C];
	s0 =	simm.s32 @p1 $0x1  }
0x15: {  	[smem:$0x3FB9] =	sst s0;
	s0 =	simm.s32 @!p2 $0x0  }
0x16: {  	s3 =	sld [smem:$0x3FDB];
	s0 =	simm.s32 @p2 $0x1  }
0x17: {  	s4 =	simm.s32 $0x1BF5;
	[smem:$0x3FBB] =	sst s0  }
0x18: {  	s0 =	sld [smem:$0x3F9E];
	_ =	swait.ge [sflag:s4], $0x0  }
0x19: {  	s7 =	sld [smem:$0x3F9F]  }
0x1a: {  	s8 =	sadd.s32 $0xFFFFE003, lr  }
0x1b: {  	s9 =	sadd.s32 $0xFFFFFEF7, lr;
	s5 =	simm.s32 $0xFFFFFFFF;
	p2 =	slt.u32 s8, $0xFFFFF086  }
0x1c: {  	p1 =	slt.u32 s9, $0xF7A;
	s5 =	simm.s32 @!p2 $0x0  }
0x1d: {  	s5 =	simm.s32 @p1 $0x1;
	p0 =	seq.s32 s7, s2  }
0x1e: {  	s7 =	smul.u32 @!p0 $0xF7A, s2;
	p2 =	seq.s32 @!p0 s5, $0x0  }
0x1f: {  	s9 =	smul.u32 $0xF7A, s1;
	s8 =	simm.s32 @!p0 $0x1BF5;
	p2 =	por !p2, p0  }
0x20: {  	[sflag:s8] =	ssyncset.s32 @!p0 $0xFFFFF086;
	s6 =	sadd.s32 @!p0 s3, s7;
	s7 =	simm.s32 @!p0 $0x108  }
0x21: {  	s3 =	sadd.s32 s3, s9;
	s6 =	sadd.s32 @!p0 $0x88, s6;
	s7 =	simm.s32 @p2 $0x1082  }
0x22: {  	[simem:s7], [sflag:s8] =	dma.local @!p0 [hbm:s6], $0xF7A  }
0x23: {  	s9 =	sor.u32 $0xD0000000, s2;
	s6 =	simm.s32 $0x108;
	_ =	swait.ge @!p0 [sflag:s8], $0x0  }
0x24: {  	s3 =	sadd.s32 $0x88, s3;
	s6 =	simm.s32 @!p1 $0x1082;
	[sflag:s4] =	ssyncset.s32 $0xFFFFF086  }
0x25: {  	[simem:s6], [sflag:s4] =	dma.local [hbm:s3], $0xF7A  }
0x26: {  	[smem:$0x3F9F] =	sst s1;
	(tag) =	ssettag s2;
	_ =	strace s9  }
0x27: {  	s1 =	sld [smem:$0x3FAF]  }
0x28: {  	s2 =	sld [smem:$0x3FB0]  }
0x29: {  	s4 =	sld [smem:$0x3FB2]  }
0x2a: {  	p0 =	seq.s32 s5, $0x0;
	s5 =	sld [smem:$0x3FB3]  }
0x2b: {  	s6 =	sld [smem:$0x3FB4]  }
0x2c: {  	s7 =	sld [smem:$0x3FB5]  }
0x2d: {  	s3 =	simm.s32 $0x108;
	s8 =	sld [smem:$0x3FB6]  }
0x2e: {  	s3 =	simm.s32 @!p0 $0x1082;
	s9 =	sld [smem:$0x3FB7]  }
0x2f: {  	lr =	sadd.s32 s0, s3;
	s0 =	sld [smem:$0x3FAE]  }
0x30: {  	s3 =	sld [smem:$0x3FB1]  }
0x31: {  	[smem:$0x3FBA] =	sst s10  }
0x32: {  	s10 =	sld [smem:$0x3FB8];
	_ =	sdelay $0x3  }
0x33: {  	p0 =	seq.s32 s10, $0x1;
	s10 =	sld [smem:$0x3FBA];
	_ =	sdelay $0x3  }
0x34: {  	[smem:$0x3FBA] =	sst s10  }
0x35: {  	s10 =	sld [smem:$0x3FB9];
	_ =	sdelay $0x3  }
0x36: {  	p1 =	seq.s32 s10, $0x1;
	s10 =	sld [smem:$0x3FBA];
	_ =	sdelay $0x3  }
0x37: {  	[smem:$0x3FBA] =	sst s10  }
0x38: {  	s10 =	sld [smem:$0x3FBB]  }
0x39: {  	_ = 	snop;
	(pc) =	sbr.ind lr, $3  }
0x3a: {  	_ = 	snop  }
0x3b: {  	_ = 	snop  }
0x3c: {  	p2 =	seq.s32 s10, $0x1;
	s10 =	sld [smem:$0x3FBA]  }
0x3d: {  	_ =	shalt  }
0x3e: {  	_ =	shalt  }
0x3f: {  	_ =	shalt  }
0x40: {  	_ =	shalt  }
0x41: {  	_ =	shalt  }
0x42: {  	_ =	shalt  }
0x43: {  	_ =	shalt  }
0x44: {  	_ =	shalt  }
0x45: {  	_ =	shalt  }
0x46: {  	_ =	shalt  }
0x47: {  	_ =	shalt  }
0x48: {  	_ =	shalt  }
0x49: {  	_ =	shalt  }
0x4a: {  	_ =	shalt  }
0x4b: {  	_ =	shalt  }
0x4c: {  	_ =	shalt  }
0x4d: {  	_ =	shalt  }
0x4e: {  	_ =	shalt  }
0x4f: {  	_ =	shalt  }
0x50: {  	_ =	shalt  }
0x51: {  	_ =	shalt  }
0x52: {  	_ =	shalt  }
0x53: {  	_ =	shalt  }
0x54: {  	_ =	shalt  }
0x55: {  	_ =	shalt  }
0x56: {  	_ =	shalt  }
0x57: {  	_ =	shalt  }
0x58: {  	_ =	shalt  }
0x59: {  	_ =	shalt  }
0x5a: {  	_ =	shalt  }
0x5b: {  	_ =	shalt  }
0x5c: {  	_ =	shalt  }
0x5d: {  	_ =	shalt  }
0x5e: {  	_ =	shalt  }
0x5f: {  	_ =	shalt  }
0x60: {  	_ =	shalt  }
0x61: {  	_ =	shalt  }
0x62: {  	_ =	shalt  }
0x63: {  	_ =	shalt  }
0x64: {  	_ =	shalt  }
0x65: {  	_ =	shalt  }
0x66: {  	_ =	shalt  }
0x67: {  	_ =	shalt  }
0x68: {  	_ =	shalt  }
0x69: {  	_ =	shalt  }
0x6a: {  	_ =	shalt  }
0x6b: {  	_ =	shalt  }
0x6c: {  	_ =	shalt  }
0x6d: {  	_ =	shalt  }
0x6e: {  	_ =	shalt  }
0x6f: {  	_ =	shalt  }
0x70: {  	_ =	shalt  }
0x71: {  	_ =	shalt  }
0x72: {  	_ =	shalt  }
0x73: {  	_ =	shalt  }
0x74: {  	_ =	shalt  }
0x75: {  	_ =	shalt  }
0x76: {  	_ =	shalt  }
0x77: {  	_ =	shalt  }
0x78: {  	_ =	shalt  }
0x79: {  	_ =	shalt  }
0x7a: {  	_ =	shalt  }
0x7b: {  	_ =	shalt  }
0x7c: {  	_ =	shalt  }
0x7d: {  	_ =	shalt  }
0x7e: {  	_ =	shalt  }
0x7f: {  	_ =	shalt  }
0x80: {  	_ =	shalt  }
0x81: {  	_ =	shalt  }
0x82: {  	_ =	shalt  }
0x83: {  	_ =	shalt  }
0x84: {  	_ =	shalt  }
0x85: {  	_ =	shalt  }
0x86: {  	_ =	shalt  }
0x87: {  	_ =	shalt  }
.Lfunc_end0:
.L_simem_size_0:
called_computation_lowered:
.L_overlay_start_0:
0x88: {  	s2 =	sld [smem:$0x3FD9]  }
0x89: {  	s3 =	sld [smem:$0x3FFE];
	_ =	sdelay $0x1  }
0x8a: {  	s1 =	srdreg.scid  }
0x8b: {  	s0 =	sand.u32 $0x1, s1  }
0x8c: {  	s17 =	sshll.u32 s0, $0xA;
	s2 =	sadd.s32 s3, s2  }
0x8d: {  	s2 =	sadd.s32 s2, s17  }
0x8e: {  	[smem:$0x3FC6] =	sst s2  }
0x8f: {  	_ = 	snop  }
0x90: {  	s2 =	sld [smem:$0x3FD0];
	(tm) =	ssettm $0x1  }
0x91: {  	s18 =	sld [smem:$0x3FFB];
	_ =	sdelay $0x3  }
0x92: {  	_ =	strace s18  }
0x93: {  	s3 =	sld [smem:$0x3FFC];
	_ =	sdelay $0x3  }
0x94: {  	_ =	strace s3  }
0x95: {  	s3 =	sld [smem:$0x3FFD];
	_ =	sdelay $0x3  }
0x96: {  	_ =	strace s3  }
0x97: {  	_ =	strace $0x8FFFFFFF  }
0x98: {  	s19 =	sld [smem:$0x3FDB];
	_ =	sdelay $0x1  }
0x99: {  	s4 =	simm.s32 $_scs_section_size  }
0x9a: {  	s5 =	simm.s32 $_size__tile_overlayer_lowered;
	s6 =	simm.s32 $_tile_overlayer_lowered  }
0x9b: {  	s22 =	simm.s32 $0x1BFF;
	s21 =	sshll.u32 s6, $0x1;
	s3 =	sadd.s32 s4, s19  }
0x9c: {  	s7 =	simm.s32 $0x0;
	s20 =	sshll.u32 s5, $0x1;
	s5 =	sadd.s32 s21, s3  }
0x9d: {  	[timem:s7], [sflag:s22] =	dma.local [hbm:s5], s20  }
0x9e: {  	_ =	swait.ge [sflag:s22], s20  }
0x9f: {  	s4 =	ssub.s32 $0x0, s20;
	[sflag:s22] =	ssyncset.done $0x0  }
0xa0: {  	[sflag:s22] =	ssyncadd.s32 s4;
	_ =	sdelay $0x1  }
0xa1: {  	s23 =	simm.s32 $0x1B8B  }
0xa2: {  	_ =	swait.ge [sflag:s23], $0x1  }
0xa3: {  	[sflag:s23] =	ssyncset.done $0x0  }
0xa4: {  	s25 =	simm.s32 $0x1B8E;
	s24 =	sld [smem:$0x3FFE];
	[sflag:s23] =	ssyncadd.s32 $0xFFFFFFFF  }
0xa5: {  	s26 =	simm.s32 $execute0_lowered;
	[smem:$0x3FD2] =	sst s25  }
0xa6: {  	s5 =	sshll.u32 s26, $0x1;
	_ =	strace $0x80000046;
	[dreg:$0x1] =	wrdreg $0xFFFFFFFF  }
0xa7: {  	s28 =	simm.s32 $_size_execute0_lowered;
	s3 =	sadd.s32 s3, s5;
	[dreg:$0x0] =	wrdreg $0x0  }
0xa8: {  	s5 =	sshll.u32 s28, $0x1;
	[dreg:$0x2] =	wrdreg s3  }
0xa9: {  	[dreg:$0x3] =	wrdreg s5  }
0xaa: {  	[dreg:$0x4] =	wrdreg $0xC0  }
0xab: {  	_ =	task [dreg:s7], $0x5FFFF  }
0xac: {  	[dreg:$0x1] =	wrdreg $0xFFFFFFFF  }
0xad: {  	[dreg:$0x0] =	wrdreg $0x60  }
0xae: {  	[dreg:$0x2] =	wrdreg s2  }
0xaf: {  	[dreg:$0x3] =	wrdreg s24  }
0xb0: {  	[dreg:$0x4] =	wrdreg $0x9  }
0xb1: {  	_ =	task.clear_ibuf [dreg:s7], $0x5FFFF;
	_ =	strace $0x90000046  }
0xb2: {  	s29 =	simm.s32 $0x9;
	_ =	strace $0x80000048  }
0xb3: {  	_ =	swait.ge [sflag:s29], $0x1  }
0xb4: {  	[sflag:s29] =	ssyncadd.s32 $0xFFFFFFFF  }
0xb5: {  	_ =	strace $0x90000048  }
0xb6: {  	_ =	sfence  }
0xb7: {  	s30 =	sld [smem:$0x0];
	_ =	sdelay $0x2  }
0xb8: {  	s31 =	sshll.u32 s1, $0xD;
	s1 =	sshrl.u32 s1, $0x2  }
0xb9: {  	s3 =	sand.u32 $0x4000, s31;
	s1 =	sadd.s32 s1, s30  }
0xba: {  	s0 =	sor.u32 s3, s0;
	s1 =	sshll.u32 s1, $0x11  }
0xbb: {  	s0 =	sor.u32 s1, s0  }
0xbc: {  	s0 =	sadd.s32 $0x8F2B, s0  }
0xbd: {  	[sflag:s0] =	ssyncadd.remote.s32 $0x1  }
0xbe: {  	_ =	sfence.sel $0xFFFF  }
0xbf: {  	[dreg:$0x0] =	wrdreg $0xFFFFFFFF;
	(pc) =	sbr.abs _section_cstart, $3  }
0xc0: {  	[dreg:$0x1] =	wrdreg $0xFFFFFFFF  }
0xc1: {  	_ =	task.clear_ibuf [dreg:s7], $0x2FFFF;
	_ =	strace $0x9FFFFFFF  }
0xc2: {  	(tm) =	ssettm $0x7FFFFFFF  }
0xc3: {  	_ =	shalt  }
tec
execute0_lowered:
.L_overlay_start_1:
0x0: {  	(tag) =	ssettag $0x1  }
0x1: {  	s6 =	rddreg [dreg:$0x0]  }
0x2: {  	s4 =	rddreg [dreg:$0x1];
	s2 =	srdreg.scid  }
0x3: {  	s0 =	rddreg [dreg:$0x2];
	s1 =	stileid.u32;
	s10 =	simm.s32 $0x5  }
0x4: {  	s11 =	simm.s32 $0x68;
	s12 =	simm.s32 $0x4000;
	s13 =	simm.s32 $0x80  }
0x5: {  	s14 =	simm.s32 $0x4D00;
	s15 =	simm.s32 $0x100;
	s16 =	simm.s32 $0x5A00  }
0x6: {  	s17 =	simm.s32 $0x6700;
	s18 =	simm.s32 $0x1;
	s19 =	simm.s32 $0x7400  }
0x7: {  	s20 =	simm.s32 $0x2;
	s21 =	simm.s32 $0x3;
	s22 =	simm.s32 $0x4  }
0x8: {  	s23 =	simm.s32 $0x0;
	s3 =	sand.u32 $0x1, s2;
	s2 =	simm.s32 $0x0  }
0x9: {  	s5 =	sshll.u32 s1, $0x8;
	s7 =	sshll.u32 s3, $0x7;
	[smem:$0x7FF] =	sst s2  }
0xa: {  	s30 =	ssub.s32 $0x2, s3;
	s3 =	sadd.s32 $0xA00, s4;
	s5 =	sor.u32 s7, s5  }
0xb: {  	v0 =	vlaneseq.u32;
	_ =	strace $0x80000047;
	s9 =	sshrl.u32 s30, $0x1;
	s8 =	sshrl.u32 s5, $0x3  }
0xc: {  	v0 =	vmul.u32 $0x200, v0;
	s9 =	ssub.s32 s30, s9;
	s31 =	sshll.u32 s5, $0x4;
	s8 =	sadd.s32 s8, s4  }
0xd: {  	s6 =	sadd.s32 s6, s31;
	s4 =	sadd.s32 $0x3E0A00, s8;
	s5 =	sadd.s32 $0x3E0C00, s8  }
0xe: {  	v1 =	vor.u32 $0x2000, v0;
	s9 =	smax.u32 s9, $0x1;
	s7 =	sadd.s32 $0x3E0E00, s8;
	s8 =	sadd.s32 $0x3E1000, s8  }
.LBB2_1:
0xf: {  	[tilespmem:s2], [sflag:$0x5] =	stream.linear.gather [hbm4b:s6+s2], $0x4000, $0x38;
	[tilespmem:$0xB400] =	vst v63  }
0x10: {  	_ =	swait.ge [sflag:s10], $0x4000  }
0x11: {  	[sflag:s10] =	ssyncset.done $0x0  }
0x12: {  	[sflag:s10] =	ssyncadd.s32 $0xFFFFC000  }
0x13: {  	[tilespmem:s12], [sflag:$0x1] =	stream.indirect.gather [hbm4b:s3+s11], $0x20, s2, s11, $0xb8;
	[tilespmem:$0xB400] =	vst v63  }
0x14: {  	_ = 	snop  }
0x15: {  	[tilespmem:s14], [sflag:$0x2] =	stream.indirect.gather [hbm4b:s3+s11], $0x20, s13, s11, $0xb8;
	[tilespmem:$0xB400] =	vst v63  }
0x16: {  	s24 =	simm.s32 $0x300;
	s25 =	simm.s32 $0x183  }
0x17: {  	[tilespmem:s16], [sflag:$0x3] =	stream.indirect.gather [hbm4b:s3+s11], $0x20, s15, s11, $0xb8;
	[tilespmem:$0xB400] =	vst v63  }
.LBB2_2:
0x18: {  	s26 =	sadd.s32 $0xFFFFFE80, s24  }
0x19: {  	[tilespmem:s17], [sflag:$0x4] =	stream.indirect.gather [hbm4b:s3+s11], $0x20, s26, s11, $0xb8;
	[tilespmem:$0xB400] =	vst v63  }
0x1a: {  	_ =	swait.ge [sflag:s18], $0xD00  }
0x1b: {  	[sflag:s18] =	ssyncset.done $0x0  }
0x1c: {  	[sflag:s18] =	ssyncadd.s32 $0xFFFFF300  }
0x1d: {  	v2 =	vld [tilespmem:$0x4000]  }
0x1e: {  	v3 =	vld [tilespmem:$0x4010]  }
0x1f: {  	v4 =	vld [tilespmem:$0x4020]  }
0x20: {  	v5 =	vld [tilespmem:$0x4030]  }
0x21: {  	v6 =	vld [tilespmem:$0x4040]  }
0x22: {  	v7 =	vld [tilespmem:$0x4050]  }
0x23: {  	v8 =	vld [tilespmem:$0x4060]  }
0x24: {  	v30 =	vld [tilespmem:$0x4070];
	v2 =	vadd.f32 v4, v2  }
0x25: {  	v31 =	vld [tilespmem:$0x4080];
	v3 =	vadd.f32 v5, v3  }
0x26: {  	v32 =	vld [tilespmem:$0x4090];
	v2 =	vadd.f32 v6, v2  }
0x27: {  	v33 =	vld [tilespmem:$0x40A0];
	v3 =	vadd.f32 v7, v3  }
0x28: {  	v34 =	vld [tilespmem:$0x40B0];
	v2 =	vadd.f32 v8, v2  }
0x29: {  	v35 =	vld [tilespmem:$0x40C0];
	v3 =	vadd.f32 v30, v3  }
0x2a: {  	v36 =	vld [tilespmem:$0x40D0];
	v2 =	vadd.f32 v31, v2  }
0x2b: {  	v37 =	vld [tilespmem:$0x40E0];
	v3 =	vadd.f32 v32, v3  }
0x2c: {  	v38 =	vld [tilespmem:$0x40F0];
	v2 =	vadd.f32 v33, v2  }
0x2d: {  	v39 =	vld [tilespmem:$0x4100];
	v3 =	vadd.f32 v34, v3  }
0x2e: {  	v40 =	vld [tilespmem:$0x4110];
	v2 =	vadd.f32 v35, v2  }
0x2f: {  	v41 =	vld [tilespmem:$0x4120];
	v3 =	vadd.f32 v36, v3  }
0x30: {  	v42 =	vld [tilespmem:$0x4130];
	v2 =	vadd.f32 v37, v2  }
0x31: {  	v43 =	vld [tilespmem:$0x4140];
	v3 =	vadd.f32 v38, v3  }
0x32: {  	v44 =	vld [tilespmem:$0x4150];
	v2 =	vadd.f32 v39, v2  }
0x33: {  	v45 =	vld [tilespmem:$0x4160];
	v3 =	vadd.f32 v40, v3  }
0x34: {  	v46 =	vld [tilespmem:$0x4170];
	v2 =	vadd.f32 v41, v2  }
0x35: {  	v47 =	vld [tilespmem:$0x4180];
	v3 =	vadd.f32 v42, v3  }
0x36: {  	v48 =	vld [tilespmem:$0x4190];
	v2 =	vadd.f32 v43, v2  }
0x37: {  	v49 =	vld [tilespmem:$0x41A0];
	v3 =	vadd.f32 v44, v3  }
0x38: {  	v50 =	vld [tilespmem:$0x41B0];
	v2 =	vadd.f32 v45, v2  }
0x39: {  	v51 =	vld [tilespmem:$0x41C0];
	v3 =	vadd.f32 v46, v3  }
0x3a: {  	v52 =	vld [tilespmem:$0x41D0];
	v2 =	vadd.f32 v47, v2  }
0x3b: {  	v53 =	vld [tilespmem:$0x41E0];
	v3 =	vadd.f32 v48, v3  }
0x3c: {  	v54 =	vld [tilespmem:$0x41F0];
	v2 =	vadd.f32 v49, v2  }
0x3d: {  	v55 =	vld [tilespmem:$0x4200];
	v3 =	vadd.f32 v50, v3  }
0x3e: {  	v56 =	vld [tilespmem:$0x4210];
	v2 =	vadd.f32 v51, v2  }
0x3f: {  	v57 =	vld [tilespmem:$0x4220];
	v3 =	vadd.f32 v52, v3  }
0x40: {  	v58 =	vld [tilespmem:$0x4230];
	v2 =	vadd.f32 v53, v2  }
0x41: {  	v59 =	vld [tilespmem:$0x4240];
	v3 =	vadd.f32 v54, v3  }
0x42: {  	v60 =	vld [tilespmem:$0x4250];
	v2 =	vadd.f32 v55, v2  }
0x43: {  	v61 =	vld [tilespmem:$0x4260];
	v3 =	vadd.f32 v56, v3  }
0x44: {  	v62 =	vld [tilespmem:$0x4270];
	v2 =	vadd.f32 v57, v2  }
0x45: {  	v63 =	vld [tilespmem:$0x4280];
	v3 =	vadd.f32 v58, v3  }
0x46: {  	v12 =	vld [tilespmem:$0x4290];
	v2 =	vadd.f32 v59, v2  }
0x47: {  	v13 =	vld [tilespmem:$0x42A0];
	v3 =	vadd.f32 v60, v3  }
0x48: {  	v14 =	vld [tilespmem:$0x42B0];
	v2 =	vadd.f32 v61, v2  }
0x49: {  	v15 =	vld [tilespmem:$0x42C0];
	v3 =	vadd.f32 v62, v3  }
0x4a: {  	v16 =	vld [tilespmem:$0x42D0];
	v2 =	vadd.f32 v63, v2  }
0x4b: {  	v17 =	vld [tilespmem:$0x42E0];
	v3 =	vadd.f32 v12, v3  }
0x4c: {  	v18 =	vld [tilespmem:$0x42F0];
	v2 =	vadd.f32 v13, v2  }
0x4d: {  	v19 =	vld [tilespmem:$0x4300];
	v3 =	vadd.f32 v14, v3  }
0x4e: {  	s31 =	sadd.s32 $0xFFFFFE7D, s25;
	v20 =	vld [tilespmem:$0x4310];
	v2 =	vadd.f32 v15, v2  }
0x4f: {  	v9 =	vmov s31;
	v21 =	vld [tilespmem:$0x4320];
	v3 =	vadd.f32 v16, v3  }
0x50: {  	v9 =	vand.u32 $0x7C, v9;
	v22 =	vld [tilespmem:$0x4330];
	v2 =	vadd.f32 v17, v2  }
0x51: {  	v23 =	vbroadcast v9, $0x0;
	v3 =	vadd.f32 v18, v3  }
0x52: {  	v2 =	vadd.f32 v19, v2  }
0x53: {  	v24 =	vor.u32 v0, v23;
	v3 =	vadd.f32 v20, v3  }
0x54: {  	v4 =	vor.u32 v1, v23;
	v2 =	vadd.f32 v21, v2  }
0x55: {  	v3 =	vadd.f32 v22, v3  }
0x56: {  	v2 =	vmul.f32 $3.846153990e-02, v2  }
0x57: {  	v3 =	vmul.f32 $3.846153990e-02, v3  }
0x58: {  	[tilespmem:v24+s19+$0x0] =	vst.idx.msk $0xffff, v2  }
0x59: {  	[tilespmem:v4+s19+$0x0] =	vst.idx.msk $0xffff, v3  }
0x5a: {  	v2 =	vld [tilespmem:$0x4340]  }
0x5b: {  	v3 =	vld [tilespmem:$0x4350]  }
0x5c: {  	v4 =	vld [tilespmem:$0x4360]  }
0x5d: {  	v5 =	vld [tilespmem:$0x4370]  }
0x5e: {  	v25 =	vld [tilespmem:$0x4380]  }
0x5f: {  	v26 =	vld [tilespmem:$0x4390]  }
0x60: {  	v27 =	vld [tilespmem:$0x43A0]  }
0x61: {  	v28 =	vld [tilespmem:$0x43B0];
	v2 =	vadd.f32 v4, v2  }
0x62: {  	v29 =	vld [tilespmem:$0x43C0];
	v3 =	vadd.f32 v5, v3  }
0x63: {  	v30 =	vld [tilespmem:$0x43D0];
	v2 =	vadd.f32 v25, v2  }
0x64: {  	v31 =	vld [tilespmem:$0x43E0];
	v3 =	vadd.f32 v26, v3  }
0x65: {  	v32 =	vld [tilespmem:$0x43F0];
	v2 =	vadd.f32 v27, v2  }
0x66: {  	v33 =	vld [tilespmem:$0x4400];
	v3 =	vadd.f32 v28, v3  }
0x67: {  	v34 =	vld [tilespmem:$0x4410];
	v2 =	vadd.f32 v29, v2  }
0x68: {  	v35 =	vld [tilespmem:$0x4420];
	v3 =	vadd.f32 v30, v3  }
0x69: {  	v36 =	vld [tilespmem:$0x4430];
	v2 =	vadd.f32 v31, v2  }
0x6a: {  	v37 =	vld [tilespmem:$0x4440];
	v3 =	vadd.f32 v32, v3  }
0x6b: {  	v38 =	vld [tilespmem:$0x4450];
	v2 =	vadd.f32 v33, v2  }
0x6c: {  	v39 =	vld [tilespmem:$0x4460];
	v3 =	vadd.f32 v34, v3  }
0x6d: {  	v40 =	vld [tilespmem:$0x4470];
	v2 =	vadd.f32 v35, v2  }
0x6e: {  	v41 =	vld [tilespmem:$0x4480];
	v3 =	vadd.f32 v36, v3  }
0x6f: {  	v42 =	vld [tilespmem:$0x4490];
	v2 =	vadd.f32 v37, v2  }
0x70: {  	v43 =	vld [tilespmem:$0x44A0];
	v3 =	vadd.f32 v38, v3  }
0x71: {  	v44 =	vld [tilespmem:$0x44B0];
	v2 =	vadd.f32 v39, v2  }
0x72: {  	v45 =	vld [tilespmem:$0x44C0];
	v3 =	vadd.f32 v40, v3  }
0x73: {  	v46 =	vld [tilespmem:$0x44D0];
	v2 =	vadd.f32 v41, v2  }
0x74: {  	v47 =	vld [tilespmem:$0x44E0];
	v3 =	vadd.f32 v42, v3  }
0x75: {  	v48 =	vld [tilespmem:$0x44F0];
	v2 =	vadd.f32 v43, v2  }
0x76: {  	v49 =	vld [tilespmem:$0x4500];
	v3 =	vadd.f32 v44, v3  }
0x77: {  	v50 =	vld [tilespmem:$0x4510];
	v2 =	vadd.f32 v45, v2  }
0x78: {  	v51 =	vld [tilespmem:$0x4520];
	v3 =	vadd.f32 v46, v3  }
0x79: {  	v52 =	vld [tilespmem:$0x4530];
	v2 =	vadd.f32 v47, v2  }
0x7a: {  	v53 =	vld [tilespmem:$0x4540];
	v3 =	vadd.f32 v48, v3  }
0x7b: {  	v54 =	vld [tilespmem:$0x4550];
	v2 =	vadd.f32 v49, v2  }
0x7c: {  	v55 =	vld [tilespmem:$0x4560];
	v3 =	vadd.f32 v50, v3  }
0x7d: {  	v56 =	vld [tilespmem:$0x4570];
	v2 =	vadd.f32 v51, v2  }
0x7e: {  	v57 =	vld [tilespmem:$0x4580];
	v3 =	vadd.f32 v52, v3  }
0x7f: {  	v58 =	vld [tilespmem:$0x4590];
	v2 =	vadd.f32 v53, v2  }
0x80: {  	v59 =	vld [tilespmem:$0x45A0];
	v3 =	vadd.f32 v54, v3  }
0x81: {  	v60 =	vld [tilespmem:$0x45B0];
	v2 =	vadd.f32 v55, v2  }
0x82: {  	v61 =	vld [tilespmem:$0x45C0];
	v3 =	vadd.f32 v56, v3  }
0x83: {  	v62 =	vld [tilespmem:$0x45D0];
	v2 =	vadd.f32 v57, v2  }
0x84: {  	v63 =	vld [tilespmem:$0x45E0];
	v3 =	vadd.f32 v58, v3  }
0x85: {  	v12 =	vld [tilespmem:$0x45F0];
	v2 =	vadd.f32 v59, v2  }
0x86: {  	v13 =	vld [tilespmem:$0x4600];
	v3 =	vadd.f32 v60, v3  }
0x87: {  	v14 =	vld [tilespmem:$0x4610];
	v2 =	vadd.f32 v61, v2  }
0x88: {  	v15 =	vld [tilespmem:$0x4620];
	v3 =	vadd.f32 v62, v3  }
0x89: {  	v16 =	vld [tilespmem:$0x4630];
	v2 =	vadd.f32 v63, v2  }
0x8a: {  	v17 =	vld [tilespmem:$0x4640];
	v3 =	vadd.f32 v12, v3  }
0x8b: {  	s28 =	sadd.s32 $0xFFFFFEFD, s25;
	v18 =	vld [tilespmem:$0x4650];
	v2 =	vadd.f32 v13, v2  }
0x8c: {  	v20 =	vmov s28;
	v19 =	vld [tilespmem:$0x4660];
	v3 =	vadd.f32 v14, v3  }
0x8d: {  	v9 =	vand.u32 $0xFC, v20;
	v21 =	vld [tilespmem:$0x4670];
	v2 =	vadd.f32 v15, v2  }
0x8e: {  	v22 =	vbroadcast v9, $0x0;
	v3 =	vadd.f32 v16, v3  }
0x8f: {  	v2 =	vadd.f32 v17, v2  }
0x90: {  	v23 =	vor.u32 v0, v22;
	v3 =	vadd.f32 v18, v3  }
0x91: {  	v4 =	vor.u32 v1, v22;
	v2 =	vadd.f32 v19, v2  }
0x92: {  	v3 =	vadd.f32 v21, v3  }
0x93: {  	v2 =	vmul.f32 $3.846153990e-02, v2  }
0x94: {  	v3 =	vmul.f32 $3.846153990e-02, v3  }
0x95: {  	[tilespmem:v23+s19+$0x0] =	vst.idx.msk $0xffff, v2  }
0x96: {  	[tilespmem:v4+s19+$0x0] =	vst.idx.msk $0xffff, v3  }
0x97: {  	v2 =	vld [tilespmem:$0x4680]  }
0x98: {  	v3 =	vld [tilespmem:$0x4690]  }
0x99: {  	v4 =	vld [tilespmem:$0x46A0]  }
0x9a: {  	v5 =	vld [tilespmem:$0x46B0]  }
0x9b: {  	v24 =	vld [tilespmem:$0x46C0]  }
0x9c: {  	v25 =	vld [tilespmem:$0x46D0]  }
0x9d: {  	v26 =	vld [tilespmem:$0x46E0]  }
0x9e: {  	v27 =	vld [tilespmem:$0x46F0];
	v2 =	vadd.f32 v4, v2  }
0x9f: {  	v28 =	vld [tilespmem:$0x4700];
	v3 =	vadd.f32 v5, v3  }
0xa0: {  	v29 =	vld [tilespmem:$0x4710];
	v2 =	vadd.f32 v24, v2  }
0xa1: {  	v30 =	vld [tilespmem:$0x4720];
	v3 =	vadd.f32 v25, v3  }
0xa2: {  	v31 =	vld [tilespmem:$0x4730];
	v2 =	vadd.f32 v26, v2  }
0xa3: {  	v32 =	vld [tilespmem:$0x4740];
	v3 =	vadd.f32 v27, v3  }
0xa4: {  	v33 =	vld [tilespmem:$0x4750];
	v2 =	vadd.f32 v28, v2  }
0xa5: {  	v34 =	vld [tilespmem:$0x4760];
	v3 =	vadd.f32 v29, v3  }
0xa6: {  	v35 =	vld [tilespmem:$0x4770];
	v2 =	vadd.f32 v30, v2  }
0xa7: {  	v36 =	vld [tilespmem:$0x4780];
	v3 =	vadd.f32 v31, v3  }
0xa8: {  	v37 =	vld [tilespmem:$0x4790];
	v2 =	vadd.f32 v32, v2  }
0xa9: {  	v38 =	vld [tilespmem:$0x47A0];
	v3 =	vadd.f32 v33, v3  }
0xaa: {  	v39 =	vld [tilespmem:$0x47B0];
	v2 =	vadd.f32 v34, v2  }
0xab: {  	v40 =	vld [tilespmem:$0x47C0];
	v3 =	vadd.f32 v35, v3  }
0xac: {  	v41 =	vld [tilespmem:$0x47D0];
	v2 =	vadd.f32 v36, v2  }
0xad: {  	v42 =	vld [tilespmem:$0x47E0];
	v3 =	vadd.f32 v37, v3  }
0xae: {  	v43 =	vld [tilespmem:$0x47F0];
	v2 =	vadd.f32 v38, v2  }
0xaf: {  	v44 =	vld [tilespmem:$0x4800];
	v3 =	vadd.f32 v39, v3  }
0xb0: {  	v45 =	vld [tilespmem:$0x4810];
	v2 =	vadd.f32 v40, v2  }
0xb1: {  	v46 =	vld [tilespmem:$0x4820];
	v3 =	vadd.f32 v41, v3  }
0xb2: {  	v47 =	vld [tilespmem:$0x4830];
	v2 =	vadd.f32 v42, v2  }
0xb3: {  	v48 =	vld [tilespmem:$0x4840];
	v3 =	vadd.f32 v43, v3  }
0xb4: {  	v49 =	vld [tilespmem:$0x4850];
	v2 =	vadd.f32 v44, v2  }
0xb5: {  	v50 =	vld [tilespmem:$0x4860];
	v3 =	vadd.f32 v45, v3  }
0xb6: {  	v51 =	vld [tilespmem:$0x4870];
	v2 =	vadd.f32 v46, v2  }
0xb7: {  	v52 =	vld [tilespmem:$0x4880];
	v3 =	vadd.f32 v47, v3  }
0xb8: {  	v53 =	vld [tilespmem:$0x4890];
	v2 =	vadd.f32 v48, v2  }
0xb9: {  	v54 =	vld [tilespmem:$0x48A0];
	v3 =	vadd.f32 v49, v3  }
0xba: {  	v55 =	vld [tilespmem:$0x48B0];
	v2 =	vadd.f32 v50, v2  }
0xbb: {  	v56 =	vld [tilespmem:$0x48C0];
	v3 =	vadd.f32 v51, v3  }
0xbc: {  	v57 =	vld [tilespmem:$0x48D0];
	v2 =	vadd.f32 v52, v2  }
0xbd: {  	v58 =	vld [tilespmem:$0x48E0];
	v3 =	vadd.f32 v53, v3  }
0xbe: {  	v59 =	vld [tilespmem:$0x48F0];
	v2 =	vadd.f32 v54, v2  }
0xbf: {  	v60 =	vld [tilespmem:$0x4900];
	v3 =	vadd.f32 v55, v3  }
0xc0: {  	v61 =	vld [tilespmem:$0x4910];
	v2 =	vadd.f32 v56, v2  }
0xc1: {  	v62 =	vld [tilespmem:$0x4920];
	v3 =	vadd.f32 v57, v3  }
0xc2: {  	v63 =	vld [tilespmem:$0x4930];
	v2 =	vadd.f32 v58, v2  }
0xc3: {  	v12 =	vld [tilespmem:$0x4940];
	v3 =	vadd.f32 v59, v3  }
0xc4: {  	v13 =	vld [tilespmem:$0x4950];
	v2 =	vadd.f32 v60, v2  }
0xc5: {  	v14 =	vld [tilespmem:$0x4960];
	v3 =	vadd.f32 v61, v3  }
0xc6: {  	v15 =	vld [tilespmem:$0x4970];
	v2 =	vadd.f32 v62, v2  }
0xc7: {  	v16 =	vld [tilespmem:$0x4980];
	v3 =	vadd.f32 v63, v3  }
0xc8: {  	s29 =	sadd.s32 $0xFFFFFF7D, s25;
	v17 =	vld [tilespmem:$0x4990];
	v2 =	vadd.f32 v12, v2  }
0xc9: {  	v19 =	vmov s29;
	v18 =	vld [tilespmem:$0x49A0];
	v3 =	vadd.f32 v13, v3  }
0xca: {  	v9 =	vand.u32 $0x17C, v19;
	v20 =	vld [tilespmem:$0x49B0];
	v2 =	vadd.f32 v14, v2  }
0xcb: {  	v21 =	vbroadcast v9, $0x0;
	v3 =	vadd.f32 v15, v3  }
0xcc: {  	v2 =	vadd.f32 v16, v2  }
0xcd: {  	v22 =	vor.u32 v0, v21;
	v3 =	vadd.f32 v17, v3  }
0xce: {  	v4 =	vor.u32 v1, v21;
	v2 =	vadd.f32 v18, v2  }
0xcf: {  	v3 =	vadd.f32 v20, v3  }
0xd0: {  	v2 =	vmul.f32 $3.846153990e-02, v2  }
0xd1: {  	v3 =	vmul.f32 $3.846153990e-02, v3  }
0xd2: {  	[tilespmem:v22+s19+$0x0] =	vst.idx.msk $0xffff, v2  }
0xd3: {  	[tilespmem:v4+s19+$0x0] =	vst.idx.msk $0xffff, v3  }
0xd4: {  	v2 =	vld [tilespmem:$0x49C0]  }
0xd5: {  	v3 =	vld [tilespmem:$0x49D0]  }
0xd6: {  	v4 =	vld [tilespmem:$0x49E0]  }
0xd7: {  	v5 =	vld [tilespmem:$0x49F0]  }
0xd8: {  	v23 =	vld [tilespmem:$0x4A00]  }
0xd9: {  	v24 =	vld [tilespmem:$0x4A10]  }
0xda: {  	v25 =	vld [tilespmem:$0x4A20]  }
0xdb: {  	v26 =	vld [tilespmem:$0x4A30];
	v2 =	vadd.f32 v4, v2  }
0xdc: {  	v27 =	vld [tilespmem:$0x4A40];
	v3 =	vadd.f32 v5, v3  }
0xdd: {  	v28 =	vld [tilespmem:$0x4A50];
	v2 =	vadd.f32 v23, v2  }
0xde: {  	v29 =	vld [tilespmem:$0x4A60];
	v3 =	vadd.f32 v24, v3  }
0xdf: {  	v30 =	vld [tilespmem:$0x4A70];
	v2 =	vadd.f32 v25, v2  }
0xe0: {  	v31 =	vld [tilespmem:$0x4A80];
	v3 =	vadd.f32 v26, v3  }
0xe1: {  	v32 =	vld [tilespmem:$0x4A90];
	v2 =	vadd.f32 v27, v2  }
0xe2: {  	v33 =	vld [tilespmem:$0x4AA0];
	v3 =	vadd.f32 v28, v3  }
0xe3: {  	v34 =	vld [tilespmem:$0x4AB0];
	v2 =	vadd.f32 v29, v2  }
0xe4: {  	v35 =	vld [tilespmem:$0x4AC0];
	v3 =	vadd.f32 v30, v3  }
0xe5: {  	v36 =	vld [tilespmem:$0x4AD0];
	v2 =	vadd.f32 v31, v2  }
0xe6: {  	v37 =	vld [tilespmem:$0x4AE0];
	v3 =	vadd.f32 v32, v3  }
0xe7: {  	v38 =	vld [tilespmem:$0x4AF0];
	v2 =	vadd.f32 v33, v2  }
0xe8: {  	v39 =	vld [tilespmem:$0x4B00];
	v3 =	vadd.f32 v34, v3  }
0xe9: {  	v40 =	vld [tilespmem:$0x4B10];
	v2 =	vadd.f32 v35, v2  }
0xea: {  	v41 =	vld [tilespmem:$0x4B20];
	v3 =	vadd.f32 v36, v3  }
0xeb: {  	v42 =	vld [tilespmem:$0x4B30];
	v2 =	vadd.f32 v37, v2  }
0xec: {  	v43 =	vld [tilespmem:$0x4B40];
	v3 =	vadd.f32 v38, v3  }
0xed: {  	v44 =	vld [tilespmem:$0x4B50];
	v2 =	vadd.f32 v39, v2  }
0xee: {  	v45 =	vld [tilespmem:$0x4B60];
	v3 =	vadd.f32 v40, v3  }
0xef: {  	v46 =	vld [tilespmem:$0x4B70];
	v2 =	vadd.f32 v41, v2  }
0xf0: {  	v47 =	vld [tilespmem:$0x4B80];
	v3 =	vadd.f32 v42, v3  }
0xf1: {  	v48 =	vld [tilespmem:$0x4B90];
	v2 =	vadd.f32 v43, v2  }
0xf2: {  	v49 =	vld [tilespmem:$0x4BA0];
	v3 =	vadd.f32 v44, v3  }
0xf3: {  	v50 =	vld [tilespmem:$0x4BB0];
	v2 =	vadd.f32 v45, v2  }
0xf4: {  	v51 =	vld [tilespmem:$0x4BC0];
	v3 =	vadd.f32 v46, v3  }
0xf5: {  	v52 =	vld [tilespmem:$0x4BD0];
	v2 =	vadd.f32 v47, v2  }
0xf6: {  	v53 =	vld [tilespmem:$0x4BE0];
	v3 =	vadd.f32 v48, v3  }
0xf7: {  	v54 =	vld [tilespmem:$0x4BF0];
	v2 =	vadd.f32 v49, v2  }
0xf8: {  	v55 =	vld [tilespmem:$0x4C00];
	v3 =	vadd.f32 v50, v3  }
0xf9: {  	v56 =	vld [tilespmem:$0x4C10];
	v2 =	vadd.f32 v51, v2  }
0xfa: {  	v57 =	vld [tilespmem:$0x4C20];
	v3 =	vadd.f32 v52, v3  }
0xfb: {  	v58 =	vld [tilespmem:$0x4C30];
	v2 =	vadd.f32 v53, v2  }
0xfc: {  	v59 =	vld [tilespmem:$0x4C40];
	v3 =	vadd.f32 v54, v3  }
0xfd: {  	v60 =	vld [tilespmem:$0x4C50];
	v2 =	vadd.f32 v55, v2  }
0xfe: {  	v61 =	vld [tilespmem:$0x4C60];
	v3 =	vadd.f32 v56, v3  }
0xff: {  	v62 =	vld [tilespmem:$0x4C70];
	v2 =	vadd.f32 v57, v2  }
0x100: {  	v63 =	vld [tilespmem:$0x4C80];
	v3 =	vadd.f32 v58, v3  }
0x101: {  	v12 =	vld [tilespmem:$0x4C90];
	v2 =	vadd.f32 v59, v2  }
0x102: {  	v13 =	vld [tilespmem:$0x4CA0];
	v3 =	vadd.f32 v60, v3  }
0x103: {  	v14 =	vld [tilespmem:$0x4CB0];
	v2 =	vadd.f32 v61, v2  }
0x104: {  	v15 =	vld [tilespmem:$0x4CC0];
	v3 =	vadd.f32 v62, v3  }
0x105: {  	s30 =	sadd.s32 $0xFFFFFFFD, s25;
	v16 =	vld [tilespmem:$0x4CD0];
	v2 =	vadd.f32 v63, v2  }
0x106: {  	v18 =	vmov s30;
	v17 =	vld [tilespmem:$0x4CE0];
	v3 =	vadd.f32 v12, v3  }
0x107: {  	v9 =	vand.u32 $0x1FC, v18;
	v19 =	vld [tilespmem:$0x4CF0];
	v2 =	vadd.f32 v13, v2  }
0x108: {  	v20 =	vbroadcast v9, $0x0;
	v3 =	vadd.f32 v14, v3  }
0x109: {  	v2 =	vadd.f32 v15, v2  }
0x10a: {  	v21 =	vor.u32 v0, v20;
	v3 =	vadd.f32 v16, v3  }
0x10b: {  	v4 =	vor.u32 v1, v20;
	v2 =	vadd.f32 v17, v2  }
0x10c: {  	v3 =	vadd.f32 v19, v3  }
0x10d: {  	v2 =	vmul.f32 $3.846153990e-02, v2  }
0x10e: {  	v3 =	vmul.f32 $3.846153990e-02, v3  }
0x10f: {  	p0 =	seq.s32 s25, $0x1FF;
	[tilespmem:v21+s19+$0x0] =	vst.idx.msk $0xffff, v2  }
0x110: {  	s26 =	simm.s32 @!p0 $0x68;
	s28 =	sadd.s32 @!p0 $0xFFFFFF00, s24;
	s29 =	simm.s32 @!p0 $0x4000;
	[tilespmem:v4+s19+$0x0] =	vst.idx.msk $0xffff, v3  }
0x111: {  	[tilespmem:s29], [sflag:$0x1] =	stream.indirect.gather @!p0 [hbm4b:s3+s26], $0x20, s28, s26, $0xb8;
	[tilespmem:$0xB400] =	vst v63  }
0x112: {  	_ =	swait.ge [sflag:s20], $0xD00  }
0x113: {  	[sflag:s20] =	ssyncset.done $0x0  }
0x114: {  	[sflag:s20] =	ssyncadd.s32 $0xFFFFF300  }
0x115: {  	v2 =	vld [tilespmem:$0x4D00]  }
0x116: {  	v3 =	vld [tilespmem:$0x4D10]  }
0x117: {  	v22 =	vld [tilespmem:$0x4D20]  }
0x118: {  	v23 =	vld [tilespmem:$0x4D30]  }
0x119: {  	v24 =	vld [tilespmem:$0x4D40]  }
0x11a: {  	v25 =	vld [tilespmem:$0x4D50]  }
0x11b: {  	v26 =	vld [tilespmem:$0x4D60]  }
0x11c: {  	v27 =	vld [tilespmem:$0x4D70];
	v2 =	vadd.f32 v22, v2  }
0x11d: {  	v28 =	vld [tilespmem:$0x4D80];
	v3 =	vadd.f32 v23, v3  }
0x11e: {  	v29 =	vld [tilespmem:$0x4D90];
	v2 =	vadd.f32 v24, v2  }
0x11f: {  	v30 =	vld [tilespmem:$0x4DA0];
	v3 =	vadd.f32 v25, v3  }
0x120: {  	v31 =	vld [tilespmem:$0x4DB0];
	v2 =	vadd.f32 v26, v2  }
0x121: {  	v32 =	vld [tilespmem:$0x4DC0];
	v3 =	vadd.f32 v27, v3  }
0x122: {  	v33 =	vld [tilespmem:$0x4DD0];
	v2 =	vadd.f32 v28, v2  }
0x123: {  	v34 =	vld [tilespmem:$0x4DE0];
	v3 =	vadd.f32 v29, v3  }
0x124: {  	v35 =	vld [tilespmem:$0x4DF0];
	v2 =	vadd.f32 v30, v2  }
0x125: {  	v36 =	vld [tilespmem:$0x4E00];
	v3 =	vadd.f32 v31, v3  }
0x126: {  	v37 =	vld [tilespmem:$0x4E10];
	v2 =	vadd.f32 v32, v2  }
0x127: {  	v38 =	vld [tilespmem:$0x4E20];
	v3 =	vadd.f32 v33, v3  }
0x128: {  	v39 =	vld [tilespmem:$0x4E30];
	v2 =	vadd.f32 v34, v2  }
0x129: {  	v40 =	vld [tilespmem:$0x4E40];
	v3 =	vadd.f32 v35, v3  }
0x12a: {  	v41 =	vld [tilespmem:$0x4E50];
	v2 =	vadd.f32 v36, v2  }
0x12b: {  	v42 =	vld [tilespmem:$0x4E60];
	v3 =	vadd.f32 v37, v3  }
0x12c: {  	v43 =	vld [tilespmem:$0x4E70];
	v2 =	vadd.f32 v38, v2  }
0x12d: {  	v44 =	vld [tilespmem:$0x4E80];
	v3 =	vadd.f32 v39, v3  }
0x12e: {  	v45 =	vld [tilespmem:$0x4E90];
	v2 =	vadd.f32 v40, v2  }
0x12f: {  	v46 =	vld [tilespmem:$0x4EA0];
	v3 =	vadd.f32 v41, v3  }
0x130: {  	v47 =	vld [tilespmem:$0x4EB0];
	v2 =	vadd.f32 v42, v2  }
0x131: {  	v48 =	vld [tilespmem:$0x4EC0];
	v3 =	vadd.f32 v43, v3  }
0x132: {  	v49 =	vld [tilespmem:$0x4ED0];
	v2 =	vadd.f32 v44, v2  }
0x133: {  	v50 =	vld [tilespmem:$0x4EE0];
	v3 =	vadd.f32 v45, v3  }
0x134: {  	v51 =	vld [tilespmem:$0x4EF0];
	v2 =	vadd.f32 v46, v2  }
0x135: {  	v52 =	vld [tilespmem:$0x4F00];
	v3 =	vadd.f32 v47, v3  }
0x136: {  	v53 =	vld [tilespmem:$0x4F10];
	v2 =	vadd.f32 v48, v2  }
0x137: {  	v54 =	vld [tilespmem:$0x4F20];
	v3 =	vadd.f32 v49, v3  }
0x138: {  	v55 =	vld [tilespmem:$0x4F30];
	v2 =	vadd.f32 v50, v2  }
0x139: {  	v56 =	vld [tilespmem:$0x4F40];
	v3 =	vadd.f32 v51, v3  }
0x13a: {  	v57 =	vld [tilespmem:$0x4F50];
	v2 =	vadd.f32 v52, v2  }
0x13b: {  	v58 =	vld [tilespmem:$0x4F60];
	v3 =	vadd.f32 v53, v3  }
0x13c: {  	v59 =	vld [tilespmem:$0x4F70];
	v2 =	vadd.f32 v54, v2  }
0x13d: {  	v60 =	vld [tilespmem:$0x4F80];
	v3 =	vadd.f32 v55, v3  }
0x13e: {  	v61 =	vld [tilespmem:$0x4F90];
	v2 =	vadd.f32 v56, v2  }
0x13f: {  	v62 =	vld [tilespmem:$0x4FA0];
	v3 =	vadd.f32 v57, v3  }
0x140: {  	v63 =	vld [tilespmem:$0x4FB0];
	v2 =	vadd.f32 v58, v2  }
0x141: {  	v12 =	vld [tilespmem:$0x4FC0];
	v3 =	vadd.f32 v59, v3  }
0x142: {  	v13 =	vld [tilespmem:$0x4FD0];
	v2 =	vadd.f32 v60, v2  }
0x143: {  	v14 =	vld [tilespmem:$0x4FE0];
	v3 =	vadd.f32 v61, v3  }
0x144: {  	v15 =	vld [tilespmem:$0x4FF0];
	v2 =	vadd.f32 v62, v2  }
0x145: {  	v16 =	vld [tilespmem:$0x5000];
	v3 =	vadd.f32 v63, v3  }
0x146: {  	s31 =	sadd.s32 $0xFFFFFE7E, s25;
	v17 =	vld [tilespmem:$0x5010];
	v2 =	vadd.f32 v12, v2  }
0x147: {  	v19 =	vmov s31;
	v18 =	vld [tilespmem:$0x5020];
	v3 =	vadd.f32 v13, v3  }
0x148: {  	v9 =	vand.u32 $0x7D, v19;
	v20 =	vld [tilespmem:$0x5030];
	v2 =	vadd.f32 v14, v2  }
0x149: {  	v21 =	vbroadcast v9, $0x0;
	v3 =	vadd.f32 v15, v3  }
0x14a: {  	v2 =	vadd.f32 v16, v2  }
0x14b: {  	v22 =	vor.u32 v0, v21;
	v3 =	vadd.f32 v17, v3  }
0x14c: {  	v4 =	vor.u32 v1, v21;
	v2 =	vadd.f32 v18, v2  }
0x14d: {  	v3 =	vadd.f32 v20, v3  }
0x14e: {  	v2 =	vmul.f32 $3.846153990e-02, v2  }
0x14f: {  	v3 =	vmul.f32 $3.846153990e-02, v3  }
0x150: {  	[tilespmem:v22+s19+$0x0] =	vst.idx.msk $0xffff, v2  }
0x151: {  	[tilespmem:v4+s19+$0x0] =	vst.idx.msk $0xffff, v3  }
0x152: {  	v2 =	vld [tilespmem:$0x5040]  }
0x153: {  	v3 =	vld [tilespmem:$0x5050]  }
0x154: {  	v4 =	vld [tilespmem:$0x5060]  }
0x155: {  	v5 =	vld [tilespmem:$0x5070]  }
0x156: {  	v23 =	vld [tilespmem:$0x5080]  }
0x157: {  	v24 =	vld [tilespmem:$0x5090]  }
0x158: {  	v25 =	vld [tilespmem:$0x50A0]  }
0x159: {  	v26 =	vld [tilespmem:$0x50B0];
	v2 =	vadd.f32 v4, v2  }
0x15a: {  	v27 =	vld [tilespmem:$0x50C0];
	v3 =	vadd.f32 v5, v3  }
0x15b: {  	v28 =	vld [tilespmem:$0x50D0];
	v2 =	vadd.f32 v23, v2  }
0x15c: {  	v29 =	vld [tilespmem:$0x50E0];
	v3 =	vadd.f32 v24, v3  }
0x15d: {  	v30 =	vld [tilespmem:$0x50F0];
	v2 =	vadd.f32 v25, v2  }
0x15e: {  	v31 =	vld [tilespmem:$0x5100];
	v3 =	vadd.f32 v26, v3  }
0x15f: {  	v32 =	vld [tilespmem:$0x5110];
	v2 =	vadd.f32 v27, v2  }
0x160: {  	v33 =	vld [tilespmem:$0x5120];
	v3 =	vadd.f32 v28, v3  }
0x161: {  	v34 =	vld [tilespmem:$0x5130];
	v2 =	vadd.f32 v29, v2  }
0x162: {  	v35 =	vld [tilespmem:$0x5140];
	v3 =	vadd.f32 v30, v3  }
0x163: {  	v36 =	vld [tilespmem:$0x5150];
	v2 =	vadd.f32 v31, v2  }
0x164: {  	v37 =	vld [tilespmem:$0x5160];
	v3 =	vadd.f32 v32, v3  }
0x165: {  	v38 =	vld [tilespmem:$0x5170];
	v2 =	vadd.f32 v33, v2  }
0x166: {  	v39 =	vld [tilespmem:$0x5180];
	v3 =	vadd.f32 v34, v3  }
0x167: {  	v40 =	vld [tilespmem:$0x5190];
	v2 =	vadd.f32 v35, v2  }
0x168: {  	v41 =	vld [tilespmem:$0x51A0];
	v3 =	vadd.f32 v36, v3  }
0x169: {  	v42 =	vld [tilespmem:$0x51B0];
	v2 =	vadd.f32 v37, v2  }
0x16a: {  	v43 =	vld [tilespmem:$0x51C0];
	v3 =	vadd.f32 v38, v3  }
0x16b: {  	v44 =	vld [tilespmem:$0x51D0];
	v2 =	vadd.f32 v39, v2  }
0x16c: {  	v45 =	vld [tilespmem:$0x51E0];
	v3 =	vadd.f32 v40, v3  }
0x16d: {  	v46 =	vld [tilespmem:$0x51F0];
	v2 =	vadd.f32 v41, v2  }
0x16e: {  	v47 =	vld [tilespmem:$0x5200];
	v3 =	vadd.f32 v42, v3  }
0x16f: {  	v48 =	vld [tilespmem:$0x5210];
	v2 =	vadd.f32 v43, v2  }
0x170: {  	v49 =	vld [tilespmem:$0x5220];
	v3 =	vadd.f32 v44, v3  }
0x171: {  	v50 =	vld [tilespmem:$0x5230];
	v2 =	vadd.f32 v45, v2  }
0x172: {  	v51 =	vld [tilespmem:$0x5240];
	v3 =	vadd.f32 v46, v3  }
0x173: {  	v52 =	vld [tilespmem:$0x5250];
	v2 =	vadd.f32 v47, v2  }
0x174: {  	v53 =	vld [tilespmem:$0x5260];
	v3 =	vadd.f32 v48, v3  }
0x175: {  	v54 =	vld [tilespmem:$0x5270];
	v2 =	vadd.f32 v49, v2  }
0x176: {  	v55 =	vld [tilespmem:$0x5280];
	v3 =	vadd.f32 v50, v3  }
0x177: {  	v56 =	vld [tilespmem:$0x5290];
	v2 =	vadd.f32 v51, v2  }
0x178: {  	v57 =	vld [tilespmem:$0x52A0];
	v3 =	vadd.f32 v52, v3  }
0x179: {  	v58 =	vld [tilespmem:$0x52B0];
	v2 =	vadd.f32 v53, v2  }
0x17a: {  	v59 =	vld [tilespmem:$0x52C0];
	v3 =	vadd.f32 v54, v3  }
0x17b: {  	v60 =	vld [tilespmem:$0x52D0];
	v2 =	vadd.f32 v55, v2  }
0x17c: {  	v61 =	vld [tilespmem:$0x52E0];
	v3 =	vadd.f32 v56, v3  }
0x17d: {  	v62 =	vld [tilespmem:$0x52F0];
	v2 =	vadd.f32 v57, v2  }
0x17e: {  	v63 =	vld [tilespmem:$0x5300];
	v3 =	vadd.f32 v58, v3  }
0x17f: {  	v12 =	vld [tilespmem:$0x5310];
	v2 =	vadd.f32 v59, v2  }
0x180: {  	v13 =	vld [tilespmem:$0x5320];
	v3 =	vadd.f32 v60, v3  }
0x181: {  	v14 =	vld [tilespmem:$0x5330];
	v2 =	vadd.f32 v61, v2  }
0x182: {  	v15 =	vld [tilespmem:$0x5340];
	v3 =	vadd.f32 v62, v3  }
0x183: {  	s29 =	sadd.s32 $0xFFFFFEFE, s25;
	v16 =	vld [tilespmem:$0x5350];
	v2 =	vadd.f32 v63, v2  }
0x184: {  	v18 =	vmov s29;
	v17 =	vld [tilespmem:$0x5360];
	v3 =	vadd.f32 v12, v3  }
0x185: {  	v9 =	vand.u32 $0xFD, v18;
	v19 =	vld [tilespmem:$0x5370];
	v2 =	vadd.f32 v13, v2  }
0x186: {  	v20 =	vbroadcast v9, $0x0;
	v3 =	vadd.f32 v14, v3  }
0x187: {  	v2 =	vadd.f32 v15, v2  }
0x188: {  	v21 =	vor.u32 v0, v20;
	v3 =	vadd.f32 v16, v3  }
0x189: {  	v4 =	vor.u32 v1, v20;
	v2 =	vadd.f32 v17, v2  }
0x18a: {  	v3 =	vadd.f32 v19, v3  }
0x18b: {  	v2 =	vmul.f32 $3.846153990e-02, v2  }
0x18c: {  	v3 =	vmul.f32 $3.846153990e-02, v3  }
0x18d: {  	[tilespmem:v21+s19+$0x0] =	vst.idx.msk $0xffff, v2  }
0x18e: {  	[tilespmem:v4+s19+$0x0] =	vst.idx.msk $0xffff, v3  }
0x18f: {  	v2 =	vld [tilespmem:$0x5380]  }
0x190: {  	v3 =	vld [tilespmem:$0x5390]  }
0x191: {  	v4 =	vld [tilespmem:$0x53A0]  }
0x192: {  	v5 =	vld [tilespmem:$0x53B0]  }
0x193: {  	v22 =	vld [tilespmem:$0x53C0]  }
0x194: {  	v23 =	vld [tilespmem:$0x53D0]  }
0x195: {  	v24 =	vld [tilespmem:$0x53E0]  }
0x196: {  	v25 =	vld [tilespmem:$0x53F0];
	v2 =	vadd.f32 v4, v2  }
0x197: {  	v26 =	vld [tilespmem:$0x5400];
	v3 =	vadd.f32 v5, v3  }
0x198: {  	v27 =	vld [tilespmem:$0x5410];
	v2 =	vadd.f32 v22, v2  }
0x199: {  	v28 =	vld [tilespmem:$0x5420];
	v3 =	vadd.f32 v23, v3  }
0x19a: {  	v29 =	vld [tilespmem:$0x5430];
	v2 =	vadd.f32 v24, v2  }
0x19b: {  	v30 =	vld [tilespmem:$0x5440];
	v3 =	vadd.f32 v25, v3  }
0x19c: {  	v31 =	vld [tilespmem:$0x5450];
	v2 =	vadd.f32 v26, v2  }
0x19d: {  	v32 =	vld [tilespmem:$0x5460];
	v3 =	vadd.f32 v27, v3  }
0x19e: {  	v33 =	vld [tilespmem:$0x5470];
	v2 =	vadd.f32 v28, v2  }
0x19f: {  	v34 =	vld [tilespmem:$0x5480];
	v3 =	vadd.f32 v29, v3  }
0x1a0: {  	v35 =	vld [tilespmem:$0x5490];
	v2 =	vadd.f32 v30, v2  }
0x1a1: {  	v36 =	vld [tilespmem:$0x54A0];
	v3 =	vadd.f32 v31, v3  }
0x1a2: {  	v37 =	vld [tilespmem:$0x54B0];
	v2 =	vadd.f32 v32, v2  }
0x1a3: {  	v38 =	vld [tilespmem:$0x54C0];
	v3 =	vadd.f32 v33, v3  }
0x1a4: {  	v39 =	vld [tilespmem:$0x54D0];
	v2 =	vadd.f32 v34, v2  }
0x1a5: {  	v40 =	vld [tilespmem:$0x54E0];
	v3 =	vadd.f32 v35, v3  }
0x1a6: {  	v41 =	vld [tilespmem:$0x54F0];
	v2 =	vadd.f32 v36, v2  }
0x1a7: {  	v42 =	vld [tilespmem:$0x5500];
	v3 =	vadd.f32 v37, v3  }
0x1a8: {  	v43 =	vld [tilespmem:$0x5510];
	v2 =	vadd.f32 v38, v2  }
0x1a9: {  	v44 =	vld [tilespmem:$0x5520];
	v3 =	vadd.f32 v39, v3  }
0x1aa: {  	v45 =	vld [tilespmem:$0x5530];
	v2 =	vadd.f32 v40, v2  }
0x1ab: {  	v46 =	vld [tilespmem:$0x5540];
	v3 =	vadd.f32 v41, v3  }
0x1ac: {  	v47 =	vld [tilespmem:$0x5550];
	v2 =	vadd.f32 v42, v2  }
0x1ad: {  	v48 =	vld [tilespmem:$0x5560];
	v3 =	vadd.f32 v43, v3  }
0x1ae: {  	v49 =	vld [tilespmem:$0x5570];
	v2 =	vadd.f32 v44, v2  }
0x1af: {  	v50 =	vld [tilespmem:$0x5580];
	v3 =	vadd.f32 v45, v3  }
0x1b0: {  	v51 =	vld [tilespmem:$0x5590];
	v2 =	vadd.f32 v46, v2  }
0x1b1: {  	v52 =	vld [tilespmem:$0x55A0];
	v3 =	vadd.f32 v47, v3  }
0x1b2: {  	v53 =	vld [tilespmem:$0x55B0];
	v2 =	vadd.f32 v48, v2  }
0x1b3: {  	v54 =	vld [tilespmem:$0x55C0];
	v3 =	vadd.f32 v49, v3  }
0x1b4: {  	v55 =	vld [tilespmem:$0x55D0];
	v2 =	vadd.f32 v50, v2  }
0x1b5: {  	v56 =	vld [tilespmem:$0x55E0];
	v3 =	vadd.f32 v51, v3  }
0x1b6: {  	v57 =	vld [tilespmem:$0x55F0];
	v2 =	vadd.f32 v52, v2  }
0x1b7: {  	v58 =	vld [tilespmem:$0x5600];
	v3 =	vadd.f32 v53, v3  }
0x1b8: {  	v59 =	vld [tilespmem:$0x5610];
	v2 =	vadd.f32 v54, v2  }
0x1b9: {  	v60 =	vld [tilespmem:$0x5620];
	v3 =	vadd.f32 v55, v3  }
0x1ba: {  	v61 =	vld [tilespmem:$0x5630];
	v2 =	vadd.f32 v56, v2  }
0x1bb: {  	v62 =	vld [tilespmem:$0x5640];
	v3 =	vadd.f32 v57, v3  }
0x1bc: {  	v63 =	vld [tilespmem:$0x5650];
	v2 =	vadd.f32 v58, v2  }
0x1bd: {  	v12 =	vld [tilespmem:$0x5660];
	v3 =	vadd.f32 v59, v3  }
0x1be: {  	v13 =	vld [tilespmem:$0x5670];
	v2 =	vadd.f32 v60, v2  }
0x1bf: {  	v14 =	vld [tilespmem:$0x5680];
	v3 =	vadd.f32 v61, v3  }
0x1c0: {  	s30 =	sadd.s32 $0xFFFFFF7E, s25;
	v15 =	vld [tilespmem:$0x5690];
	v2 =	vadd.f32 v62, v2  }
0x1c1: {  	v17 =	vmov s30;
	v16 =	vld [tilespmem:$0x56A0];
	v3 =	vadd.f32 v63, v3  }
0x1c2: {  	v9 =	vand.u32 $0x17D, v17;
	v18 =	vld [tilespmem:$0x56B0];
	v2 =	vadd.f32 v12, v2  }
0x1c3: {  	v19 =	vbroadcast v9, $0x0;
	v3 =	vadd.f32 v13, v3  }
0x1c4: {  	v2 =	vadd.f32 v14, v2  }
0x1c5: {  	v20 =	vor.u32 v0, v19;
	v3 =	vadd.f32 v15, v3  }
0x1c6: {  	v4 =	vor.u32 v1, v19;
	v2 =	vadd.f32 v16, v2  }
0x1c7: {  	v3 =	vadd.f32 v18, v3  }
0x1c8: {  	v2 =	vmul.f32 $3.846153990e-02, v2  }
0x1c9: {  	v3 =	vmul.f32 $3.846153990e-02, v3  }
0x1ca: {  	[tilespmem:v20+s19+$0x0] =	vst.idx.msk $0xffff, v2  }
0x1cb: {  	[tilespmem:v4+s19+$0x0] =	vst.idx.msk $0xffff, v3  }
0x1cc: {  	v2 =	vld [tilespmem:$0x56C0]  }
0x1cd: {  	v3 =	vld [tilespmem:$0x56D0]  }
0x1ce: {  	v4 =	vld [tilespmem:$0x56E0]  }
0x1cf: {  	v5 =	vld [tilespmem:$0x56F0]  }
0x1d0: {  	v21 =	vld [tilespmem:$0x5700]  }
0x1d1: {  	v22 =	vld [tilespmem:$0x5710]  }
0x1d2: {  	v23 =	vld [tilespmem:$0x5720]  }
0x1d3: {  	v24 =	vld [tilespmem:$0x5730];
	v2 =	vadd.f32 v4, v2  }
0x1d4: {  	v25 =	vld [tilespmem:$0x5740];
	v3 =	vadd.f32 v5, v3  }
0x1d5: {  	v26 =	vld [tilespmem:$0x5750];
	v2 =	vadd.f32 v21, v2  }
0x1d6: {  	v27 =	vld [tilespmem:$0x5760];
	v3 =	vadd.f32 v22, v3  }
0x1d7: {  	v28 =	vld [tilespmem:$0x5770];
	v2 =	vadd.f32 v23, v2  }
0x1d8: {  	v29 =	vld [tilespmem:$0x5780];
	v3 =	vadd.f32 v24, v3  }
0x1d9: {  	v30 =	vld [tilespmem:$0x5790];
	v2 =	vadd.f32 v25, v2  }
0x1da: {  	v31 =	vld [tilespmem:$0x57A0];
	v3 =	vadd.f32 v26, v3  }
0x1db: {  	v32 =	vld [tilespmem:$0x57B0];
	v2 =	vadd.f32 v27, v2  }
0x1dc: {  	v33 =	vld [tilespmem:$0x57C0];
	v3 =	vadd.f32 v28, v3  }
0x1dd: {  	v34 =	vld [tilespmem:$0x57D0];
	v2 =	vadd.f32 v29, v2  }
0x1de: {  	v35 =	vld [tilespmem:$0x57E0];
	v3 =	vadd.f32 v30, v3  }
0x1df: {  	v36 =	vld [tilespmem:$0x57F0];
	v2 =	vadd.f32 v31, v2  }
0x1e0: {  	v37 =	vld [tilespmem:$0x5800];
	v3 =	vadd.f32 v32, v3  }
0x1e1: {  	v38 =	vld [tilespmem:$0x5810];
	v2 =	vadd.f32 v33, v2  }
0x1e2: {  	v39 =	vld [tilespmem:$0x5820];
	v3 =	vadd.f32 v34, v3  }
0x1e3: {  	v40 =	vld [tilespmem:$0x5830];
	v2 =	vadd.f32 v35, v2  }
0x1e4: {  	v41 =	vld [tilespmem:$0x5840];
	v3 =	vadd.f32 v36, v3  }
0x1e5: {  	v42 =	vld [tilespmem:$0x5850];
	v2 =	vadd.f32 v37, v2  }
0x1e6: {  	v43 =	vld [tilespmem:$0x5860];
	v3 =	vadd.f32 v38, v3  }
0x1e7: {  	v44 =	vld [tilespmem:$0x5870];
	v2 =	vadd.f32 v39, v2  }
0x1e8: {  	v45 =	vld [tilespmem:$0x5880];
	v3 =	vadd.f32 v40, v3  }
0x1e9: {  	v46 =	vld [tilespmem:$0x5890];
	v2 =	vadd.f32 v41, v2  }
0x1ea: {  	v47 =	vld [tilespmem:$0x58A0];
	v3 =	vadd.f32 v42, v3  }
0x1eb: {  	v48 =	vld [tilespmem:$0x58B0];
	v2 =	vadd.f32 v43, v2  }
0x1ec: {  	v49 =	vld [tilespmem:$0x58C0];
	v3 =	vadd.f32 v44, v3  }
0x1ed: {  	v50 =	vld [tilespmem:$0x58D0];
	v2 =	vadd.f32 v45, v2  }
0x1ee: {  	v51 =	vld [tilespmem:$0x58E0];
	v3 =	vadd.f32 v46, v3  }
0x1ef: {  	v52 =	vld [tilespmem:$0x58F0];
	v2 =	vadd.f32 v47, v2  }
0x1f0: {  	v53 =	vld [tilespmem:$0x5900];
	v3 =	vadd.f32 v48, v3  }
0x1f1: {  	v54 =	vld [tilespmem:$0x5910];
	v2 =	vadd.f32 v49, v2  }
0x1f2: {  	v55 =	vld [tilespmem:$0x5920];
	v3 =	vadd.f32 v50, v3  }
0x1f3: {  	v56 =	vld [tilespmem:$0x5930];
	v2 =	vadd.f32 v51, v2  }
0x1f4: {  	v57 =	vld [tilespmem:$0x5940];
	v3 =	vadd.f32 v52, v3  }
0x1f5: {  	v58 =	vld [tilespmem:$0x5950];
	v2 =	vadd.f32 v53, v2  }
0x1f6: {  	v59 =	vld [tilespmem:$0x5960];
	v3 =	vadd.f32 v54, v3  }
0x1f7: {  	v60 =	vld [tilespmem:$0x5970];
	v2 =	vadd.f32 v55, v2  }
0x1f8: {  	v61 =	vld [tilespmem:$0x5980];
	v3 =	vadd.f32 v56, v3  }
0x1f9: {  	v62 =	vld [tilespmem:$0x5990];
	v2 =	vadd.f32 v57, v2  }
0x1fa: {  	v63 =	vld [tilespmem:$0x59A0];
	v3 =	vadd.f32 v58, v3  }
0x1fb: {  	v12 =	vld [tilespmem:$0x59B0];
	v2 =	vadd.f32 v59, v2  }
0x1fc: {  	v13 =	vld [tilespmem:$0x59C0];
	v3 =	vadd.f32 v60, v3  }
0x1fd: {  	s31 =	sadd.s32 $0xFFFFFFFE, s25;
	v14 =	vld [tilespmem:$0x59D0];
	v2 =	vadd.f32 v61, v2  }
0x1fe: {  	v16 =	vmov s31;
	v15 =	vld [tilespmem:$0x59E0];
	v3 =	vadd.f32 v62, v3  }
0x1ff: {  	v9 =	vand.u32 $0x1FD, v16;
	v17 =	vld [tilespmem:$0x59F0];
	v2 =	vadd.f32 v63, v2  }
0x200: {  	v18 =	vbroadcast v9, $0x0;
	v3 =	vadd.f32 v12, v3  }
0x201: {  	v2 =	vadd.f32 v13, v2  }
0x202: {  	v19 =	vor.u32 v0, v18;
	v3 =	vadd.f32 v14, v3  }
0x203: {  	v4 =	vor.u32 v1, v18;
	v2 =	vadd.f32 v15, v2  }
0x204: {  	v3 =	vadd.f32 v17, v3  }
0x205: {  	v2 =	vmul.f32 $3.846153990e-02, v2  }
0x206: {  	v3 =	vmul.f32 $3.846153990e-02, v3  }
0x207: {  	[tilespmem:v19+s19+$0x0] =	vst.idx.msk $0xffff, v2  }
0x208: {  	s28 =	sadd.s32 @!p0 $0xFFFFFF80, s24;
	s29 =	simm.s32 @!p0 $0x4D00;
	[tilespmem:v4+s19+$0x0] =	vst.idx.msk $0xffff, v3  }
0x209: {  	[tilespmem:s29], [sflag:$0x2] =	stream.indirect.gather @!p0 [hbm4b:s3+s26], $0x20, s28, s26, $0xb8;
	[tilespmem:$0xB400] =	vst v63  }
0x20a: {  	_ =	swait.ge [sflag:s21], $0xD00  }
0x20b: {  	[sflag:s21] =	ssyncset.done $0x0  }
0x20c: {  	[sflag:s21] =	ssyncadd.s32 $0xFFFFF300  }
0x20d: {  	v2 =	vld [tilespmem:$0x5A00]  }
0x20e: {  	v3 =	vld [tilespmem:$0x5A10]  }
0x20f: {  	v20 =	vld [tilespmem:$0x5A20]  }
0x210: {  	v21 =	vld [tilespmem:$0x5A30]  }
0x211: {  	v22 =	vld [tilespmem:$0x5A40]  }
0x212: {  	v23 =	vld [tilespmem:$0x5A50]  }
0x213: {  	v24 =	vld [tilespmem:$0x5A60]  }
0x214: {  	v25 =	vld [tilespmem:$0x5A70];
	v2 =	vadd.f32 v20, v2  }
0x215: {  	v26 =	vld [tilespmem:$0x5A80];
	v3 =	vadd.f32 v21, v3  }
0x216: {  	v27 =	vld [tilespmem:$0x5A90];
	v2 =	vadd.f32 v22, v2  }
0x217: {  	v28 =	vld [tilespmem:$0x5AA0];
	v3 =	vadd.f32 v23, v3  }
0x218: {  	v29 =	vld [tilespmem:$0x5AB0];
	v2 =	vadd.f32 v24, v2  }
0x219: {  	v30 =	vld [tilespmem:$0x5AC0];
	v3 =	vadd.f32 v25, v3  }
0x21a: {  	v31 =	vld [tilespmem:$0x5AD0];
	v2 =	vadd.f32 v26, v2  }
0x21b: {  	v32 =	vld [tilespmem:$0x5AE0];
	v3 =	vadd.f32 v27, v3  }
0x21c: {  	v33 =	vld [tilespmem:$0x5AF0];
	v2 =	vadd.f32 v28, v2  }
0x21d: {  	v34 =	vld [tilespmem:$0x5B00];
	v3 =	vadd.f32 v29, v3  }
0x21e: {  	v35 =	vld [tilespmem:$0x5B10];
	v2 =	vadd.f32 v30, v2  }
0x21f: {  	v36 =	vld [tilespmem:$0x5B20];
	v3 =	vadd.f32 v31, v3  }
0x220: {  	v37 =	vld [tilespmem:$0x5B30];
	v2 =	vadd.f32 v32, v2  }
0x221: {  	v38 =	vld [tilespmem:$0x5B40];
	v3 =	vadd.f32 v33, v3  }
0x222: {  	v39 =	vld [tilespmem:$0x5B50];
	v2 =	vadd.f32 v34, v2  }
0x223: {  	v40 =	vld [tilespmem:$0x5B60];
	v3 =	vadd.f32 v35, v3  }
0x224: {  	v41 =	vld [tilespmem:$0x5B70];
	v2 =	vadd.f32 v36, v2  }
0x225: {  	v42 =	vld [tilespmem:$0x5B80];
	v3 =	vadd.f32 v37, v3  }
0x226: {  	v43 =	vld [tilespmem:$0x5B90];
	v2 =	vadd.f32 v38, v2  }
0x227: {  	v44 =	vld [tilespmem:$0x5BA0];
	v3 =	vadd.f32 v39, v3  }
0x228: {  	v45 =	vld [tilespmem:$0x5BB0];
	v2 =	vadd.f32 v40, v2  }
0x229: {  	v46 =	vld [tilespmem:$0x5BC0];
	v3 =	vadd.f32 v41, v3  }
0x22a: {  	v47 =	vld [tilespmem:$0x5BD0];
	v2 =	vadd.f32 v42, v2  }
0x22b: {  	v48 =	vld [tilespmem:$0x5BE0];
	v3 =	vadd.f32 v43, v3  }
0x22c: {  	v49 =	vld [tilespmem:$0x5BF0];
	v2 =	vadd.f32 v44, v2  }
0x22d: {  	v50 =	vld [tilespmem:$0x5C00];
	v3 =	vadd.f32 v45, v3  }
0x22e: {  	v51 =	vld [tilespmem:$0x5C10];
	v2 =	vadd.f32 v46, v2  }
0x22f: {  	v52 =	vld [tilespmem:$0x5C20];
	v3 =	vadd.f32 v47, v3  }
0x230: {  	v53 =	vld [tilespmem:$0x5C30];
	v2 =	vadd.f32 v48, v2  }
0x231: {  	v54 =	vld [tilespmem:$0x5C40];
	v3 =	vadd.f32 v49, v3  }
0x232: {  	v55 =	vld [tilespmem:$0x5C50];
	v2 =	vadd.f32 v50, v2  }
0x233: {  	v56 =	vld [tilespmem:$0x5C60];
	v3 =	vadd.f32 v51, v3  }
0x234: {  	v57 =	vld [tilespmem:$0x5C70];
	v2 =	vadd.f32 v52, v2  }
0x235: {  	v58 =	vld [tilespmem:$0x5C80];
	v3 =	vadd.f32 v53, v3  }
0x236: {  	v59 =	vld [tilespmem:$0x5C90];
	v2 =	vadd.f32 v54, v2  }
0x237: {  	v60 =	vld [tilespmem:$0x5CA0];
	v3 =	vadd.f32 v55, v3  }
0x238: {  	v61 =	vld [tilespmem:$0x5CB0];
	v2 =	vadd.f32 v56, v2  }
0x239: {  	v62 =	vld [tilespmem:$0x5CC0];
	v3 =	vadd.f32 v57, v3  }
0x23a: {  	v63 =	vld [tilespmem:$0x5CD0];
	v2 =	vadd.f32 v58, v2  }
0x23b: {  	v12 =	vld [tilespmem:$0x5CE0];
	v3 =	vadd.f32 v59, v3  }
0x23c: {  	v13 =	vld [tilespmem:$0x5CF0];
	v2 =	vadd.f32 v60, v2  }
0x23d: {  	v14 =	vld [tilespmem:$0x5D00];
	v3 =	vadd.f32 v61, v3  }
0x23e: {  	s29 =	sadd.s32 $0xFFFFFE7F, s25;
	v15 =	vld [tilespmem:$0x5D10];
	v2 =	vadd.f32 v62, v2  }
0x23f: {  	v17 =	vmov s29;
	v16 =	vld [tilespmem:$0x5D20];
	v3 =	vadd.f32 v63, v3  }
0x240: {  	v9 =	vand.u32 $0x7E, v17;
	v18 =	vld [tilespmem:$0x5D30];
	v2 =	vadd.f32 v12, v2  }
0x241: {  	v19 =	vbroadcast v9, $0x0;
	v3 =	vadd.f32 v13, v3  }
0x242: {  	v2 =	vadd.f32 v14, v2  }
0x243: {  	v20 =	vor.u32 v0, v19;
	v3 =	vadd.f32 v15, v3  }
0x244: {  	v4 =	vor.u32 v1, v19;
	v2 =	vadd.f32 v16, v2  }
0x245: {  	v3 =	vadd.f32 v18, v3  }
0x246: {  	v2 =	vmul.f32 $3.846153990e-02, v2  }
0x247: {  	v3 =	vmul.f32 $3.846153990e-02, v3  }
0x248: {  	[tilespmem:v20+s19+$0x0] =	vst.idx.msk $0xffff, v2  }
0x249: {  	[tilespmem:v4+s19+$0x0] =	vst.idx.msk $0xffff, v3  }
0x24a: {  	v2 =	vld [tilespmem:$0x5D40]  }
0x24b: {  	v3 =	vld [tilespmem:$0x5D50]  }
0x24c: {  	v4 =	vld [tilespmem:$0x5D60]  }
0x24d: {  	v5 =	vld [tilespmem:$0x5D70]  }
0x24e: {  	v21 =	vld [tilespmem:$0x5D80]  }
0x24f: {  	v22 =	vld [tilespmem:$0x5D90]  }
0x250: {  	v23 =	vld [tilespmem:$0x5DA0]  }
0x251: {  	v24 =	vld [tilespmem:$0x5DB0];
	v2 =	vadd.f32 v4, v2  }
0x252: {  	v25 =	vld [tilespmem:$0x5DC0];
	v3 =	vadd.f32 v5, v3  }
0x253: {  	v26 =	vld [tilespmem:$0x5DD0];
	v2 =	vadd.f32 v21, v2  }
0x254: {  	v27 =	vld [tilespmem:$0x5DE0];
	v3 =	vadd.f32 v22, v3  }
0x255: {  	v28 =	vld [tilespmem:$0x5DF0];
	v2 =	vadd.f32 v23, v2  }
0x256: {  	v29 =	vld [tilespmem:$0x5E00];
	v3 =	vadd.f32 v24, v3  }
0x257: {  	v30 =	vld [tilespmem:$0x5E10];
	v2 =	vadd.f32 v25, v2  }
0x258: {  	v31 =	vld [tilespmem:$0x5E20];
	v3 =	vadd.f32 v26, v3  }
0x259: {  	v32 =	vld [tilespmem:$0x5E30];
	v2 =	vadd.f32 v27, v2  }
0x25a: {  	v33 =	vld [tilespmem:$0x5E40];
	v3 =	vadd.f32 v28, v3  }
0x25b: {  	v34 =	vld [tilespmem:$0x5E50];
	v2 =	vadd.f32 v29, v2  }
0x25c: {  	v35 =	vld [tilespmem:$0x5E60];
	v3 =	vadd.f32 v30, v3  }
0x25d: {  	v36 =	vld [tilespmem:$0x5E70];
	v2 =	vadd.f32 v31, v2  }
0x25e: {  	v37 =	vld [tilespmem:$0x5E80];
	v3 =	vadd.f32 v32, v3  }
0x25f: {  	v38 =	vld [tilespmem:$0x5E90];
	v2 =	vadd.f32 v33, v2  }
0x260: {  	v39 =	vld [tilespmem:$0x5EA0];
	v3 =	vadd.f32 v34, v3  }
0x261: {  	v40 =	vld [tilespmem:$0x5EB0];
	v2 =	vadd.f32 v35, v2  }
0x262: {  	v41 =	vld [tilespmem:$0x5EC0];
	v3 =	vadd.f32 v36, v3  }
0x263: {  	v42 =	vld [tilespmem:$0x5ED0];
	v2 =	vadd.f32 v37, v2  }
0x264: {  	v43 =	vld [tilespmem:$0x5EE0];
	v3 =	vadd.f32 v38, v3  }
0x265: {  	v44 =	vld [tilespmem:$0x5EF0];
	v2 =	vadd.f32 v39, v2  }
0x266: {  	v45 =	vld [tilespmem:$0x5F00];
	v3 =	vadd.f32 v40, v3  }
0x267: {  	v46 =	vld [tilespmem:$0x5F10];
	v2 =	vadd.f32 v41, v2  }
0x268: {  	v47 =	vld [tilespmem:$0x5F20];
	v3 =	vadd.f32 v42, v3  }
0x269: {  	v48 =	vld [tilespmem:$0x5F30];
	v2 =	vadd.f32 v43, v2  }
0x26a: {  	v49 =	vld [tilespmem:$0x5F40];
	v3 =	vadd.f32 v44, v3  }
0x26b: {  	v50 =	vld [tilespmem:$0x5F50];
	v2 =	vadd.f32 v45, v2  }
0x26c: {  	v51 =	vld [tilespmem:$0x5F60];
	v3 =	vadd.f32 v46, v3  }
0x26d: {  	v52 =	vld [tilespmem:$0x5F70];
	v2 =	vadd.f32 v47, v2  }
0x26e: {  	v53 =	vld [tilespmem:$0x5F80];
	v3 =	vadd.f32 v48, v3  }
0x26f: {  	v54 =	vld [tilespmem:$0x5F90];
	v2 =	vadd.f32 v49, v2  }
0x270: {  	v55 =	vld [tilespmem:$0x5FA0];
	v3 =	vadd.f32 v50, v3  }
0x271: {  	v56 =	vld [tilespmem:$0x5FB0];
	v2 =	vadd.f32 v51, v2  }
0x272: {  	v57 =	vld [tilespmem:$0x5FC0];
	v3 =	vadd.f32 v52, v3  }
0x273: {  	v58 =	vld [tilespmem:$0x5FD0];
	v2 =	vadd.f32 v53, v2  }
0x274: {  	v59 =	vld [tilespmem:$0x5FE0];
	v3 =	vadd.f32 v54, v3  }
0x275: {  	v60 =	vld [tilespmem:$0x5FF0];
	v2 =	vadd.f32 v55, v2  }
0x276: {  	v61 =	vld [tilespmem:$0x6000];
	v3 =	vadd.f32 v56, v3  }
0x277: {  	v62 =	vld [tilespmem:$0x6010];
	v2 =	vadd.f32 v57, v2  }
0x278: {  	v63 =	vld [tilespmem:$0x6020];
	v3 =	vadd.f32 v58, v3  }
0x279: {  	v12 =	vld [tilespmem:$0x6030];
	v2 =	vadd.f32 v59, v2  }
0x27a: {  	v13 =	vld [tilespmem:$0x6040];
	v3 =	vadd.f32 v60, v3  }
0x27b: {  	s30 =	sadd.s32 $0xFFFFFFFF, s25;
	v14 =	vld [tilespmem:$0x6050];
	v6 =	vadd.f32 v61, v2  }
0x27c: {  	v15 =	vld [tilespmem:$0x6060];
	v3 =	vadd.f32 v62, v3;
	v2 =	vmov s30  }
0x27d: {  	v16 =	vld [tilespmem:$0x6070];
	v10 =	vand.u32 $0xFE, v2;
	v6 =	vadd.f32 v63, v6  }
0x27e: {  	v3 =	vadd.f32 v12, v3;
	v17 =	vbroadcast v10, $0x0  }
0x27f: {  	v5 =	vadd.f32 v13, v6  }
0x280: {  	v3 =	vadd.f32 v14, v3;
	v18 =	vor.u32 v0, v17  }
0x281: {  	v4 =	vor.u32 v1, v17;
	v5 =	vadd.f32 v15, v5  }
0x282: {  	v3 =	vadd.f32 v16, v3  }
0x283: {  	v5 =	vmul.f32 $3.846153990e-02, v5  }
0x284: {  	v3 =	vmul.f32 $3.846153990e-02, v3  }
0x285: {  	[tilespmem:v18+s19+$0x0] =	vst.idx.msk $0xffff, v5  }
0x286: {  	[tilespmem:v4+s19+$0x0] =	vst.idx.msk $0xffff, v3  }
0x287: {  	v3 =	vld [tilespmem:$0x6080]  }
0x288: {  	v4 =	vld [tilespmem:$0x6090]  }
0x289: {  	v5 =	vld [tilespmem:$0x60A0]  }
0x28a: {  	v6 =	vld [tilespmem:$0x60B0]  }
0x28b: {  	v19 =	vld [tilespmem:$0x60C0]  }
0x28c: {  	v20 =	vld [tilespmem:$0x60D0]  }
0x28d: {  	v21 =	vld [tilespmem:$0x60E0]  }
0x28e: {  	v22 =	vld [tilespmem:$0x60F0];
	v3 =	vadd.f32 v5, v3  }
0x28f: {  	v23 =	vld [tilespmem:$0x6100];
	v4 =	vadd.f32 v6, v4  }
0x290: {  	v24 =	vld [tilespmem:$0x6110];
	v3 =	vadd.f32 v19, v3  }
0x291: {  	v25 =	vld [tilespmem:$0x6120];
	v4 =	vadd.f32 v20, v4  }
0x292: {  	v26 =	vld [tilespmem:$0x6130];
	v3 =	vadd.f32 v21, v3  }
0x293: {  	v27 =	vld [tilespmem:$0x6140];
	v4 =	vadd.f32 v22, v4  }
0x294: {  	v28 =	vld [tilespmem:$0x6150];
	v3 =	vadd.f32 v23, v3  }
0x295: {  	v29 =	vld [tilespmem:$0x6160];
	v4 =	vadd.f32 v24, v4  }
0x296: {  	v30 =	vld [tilespmem:$0x6170];
	v3 =	vadd.f32 v25, v3  }
0x297: {  	v31 =	vld [tilespmem:$0x6180];
	v4 =	vadd.f32 v26, v4  }
0x298: {  	v32 =	vld [tilespmem:$0x6190];
	v3 =	vadd.f32 v27, v3  }
0x299: {  	v33 =	vld [tilespmem:$0x61A0];
	v4 =	vadd.f32 v28, v4  }
0x29a: {  	v34 =	vld [tilespmem:$0x61B0];
	v3 =	vadd.f32 v29, v3  }
0x29b: {  	v35 =	vld [tilespmem:$0x61C0];
	v4 =	vadd.f32 v30, v4  }
0x29c: {  	v36 =	vld [tilespmem:$0x61D0];
	v3 =	vadd.f32 v31, v3  }
0x29d: {  	v37 =	vld [tilespmem:$0x61E0];
	v4 =	vadd.f32 v32, v4  }
0x29e: {  	v38 =	vld [tilespmem:$0x61F0];
	v3 =	vadd.f32 v33, v3  }
0x29f: {  	v39 =	vld [tilespmem:$0x6200];
	v4 =	vadd.f32 v34, v4  }
0x2a0: {  	v40 =	vld [tilespmem:$0x6210];
	v3 =	vadd.f32 v35, v3  }
0x2a1: {  	v41 =	vld [tilespmem:$0x6220];
	v4 =	vadd.f32 v36, v4  }
0x2a2: {  	v42 =	vld [tilespmem:$0x6230];
	v3 =	vadd.f32 v37, v3  }
0x2a3: {  	v43 =	vld [tilespmem:$0x6240];
	v4 =	vadd.f32 v38, v4  }
0x2a4: {  	v44 =	vld [tilespmem:$0x6250];
	v3 =	vadd.f32 v39, v3  }
0x2a5: {  	v45 =	vld [tilespmem:$0x6260];
	v4 =	vadd.f32 v40, v4  }
0x2a6: {  	v46 =	vld [tilespmem:$0x6270];
	v3 =	vadd.f32 v41, v3  }
0x2a7: {  	v47 =	vld [tilespmem:$0x6280];
	v4 =	vadd.f32 v42, v4  }
0x2a8: {  	v48 =	vld [tilespmem:$0x6290];
	v3 =	vadd.f32 v43, v3  }
0x2a9: {  	v49 =	vld [tilespmem:$0x62A0];
	v4 =	vadd.f32 v44, v4  }
0x2aa: {  	v50 =	vld [tilespmem:$0x62B0];
	v3 =	vadd.f32 v45, v3  }
0x2ab: {  	v51 =	vld [tilespmem:$0x62C0];
	v4 =	vadd.f32 v46, v4  }
0x2ac: {  	v52 =	vld [tilespmem:$0x62D0];
	v3 =	vadd.f32 v47, v3  }
0x2ad: {  	v53 =	vld [tilespmem:$0x62E0];
	v4 =	vadd.f32 v48, v4  }
0x2ae: {  	v54 =	vld [tilespmem:$0x62F0];
	v3 =	vadd.f32 v49, v3  }
0x2af: {  	v55 =	vld [tilespmem:$0x6300];
	v4 =	vadd.f32 v50, v4  }
0x2b0: {  	v56 =	vld [tilespmem:$0x6310];
	v3 =	vadd.f32 v51, v3  }
0x2b1: {  	v57 =	vld [tilespmem:$0x6320];
	v4 =	vadd.f32 v52, v4  }
0x2b2: {  	v58 =	vld [tilespmem:$0x6330];
	v3 =	vadd.f32 v53, v3  }
0x2b3: {  	v59 =	vld [tilespmem:$0x6340];
	v4 =	vadd.f32 v54, v4  }
0x2b4: {  	v60 =	vld [tilespmem:$0x6350];
	v3 =	vadd.f32 v55, v3  }
0x2b5: {  	v61 =	vld [tilespmem:$0x6360];
	v4 =	vadd.f32 v56, v4  }
0x2b6: {  	v62 =	vld [tilespmem:$0x6370];
	v3 =	vadd.f32 v57, v3  }
0x2b7: {  	v63 =	vld [tilespmem:$0x6380];
	v4 =	vadd.f32 v58, v4  }
0x2b8: {  	s31 =	sadd.s32 $0xFFFFFF7F, s25;
	v12 =	vld [tilespmem:$0x6390];
	v3 =	vadd.f32 v59, v3  }
0x2b9: {  	v14 =	vmov s31;
	v13 =	vld [tilespmem:$0x63A0];
	v4 =	vadd.f32 v60, v4  }
0x2ba: {  	v10 =	vand.u32 $0x17E, v14;
	v15 =	vld [tilespmem:$0x63B0];
	v3 =	vadd.f32 v61, v3  }
0x2bb: {  	v16 =	vbroadcast v10, $0x0;
	v4 =	vadd.f32 v62, v4  }
0x2bc: {  	v3 =	vadd.f32 v63, v3  }
0x2bd: {  	v17 =	vor.u32 v0, v16;
	v4 =	vadd.f32 v12, v4  }
0x2be: {  	v5 =	vor.u32 v1, v16;
	v3 =	vadd.f32 v13, v3  }
0x2bf: {  	v4 =	vadd.f32 v15, v4  }
0x2c0: {  	v3 =	vmul.f32 $3.846153990e-02, v3  }
0x2c1: {  	v4 =	vmul.f32 $3.846153990e-02, v4  }
0x2c2: {  	[tilespmem:v17+s19+$0x0] =	vst.idx.msk $0xffff, v3  }
0x2c3: {  	[tilespmem:v5+s19+$0x0] =	vst.idx.msk $0xffff, v4  }
0x2c4: {  	v3 =	vld [tilespmem:$0x63C0]  }
0x2c5: {  	v4 =	vld [tilespmem:$0x63D0]  }
0x2c6: {  	v5 =	vld [tilespmem:$0x63E0]  }
0x2c7: {  	v6 =	vld [tilespmem:$0x63F0]  }
0x2c8: {  	v18 =	vld [tilespmem:$0x6400]  }
0x2c9: {  	v19 =	vld [tilespmem:$0x6410]  }
0x2ca: {  	v20 =	vld [tilespmem:$0x6420]  }
0x2cb: {  	v21 =	vld [tilespmem:$0x6430];
	v3 =	vadd.f32 v5, v3  }
0x2cc: {  	v22 =	vld [tilespmem:$0x6440];
	v4 =	vadd.f32 v6, v4  }
0x2cd: {  	v23 =	vld [tilespmem:$0x6450];
	v3 =	vadd.f32 v18, v3  }
0x2ce: {  	v24 =	vld [tilespmem:$0x6460];
	v4 =	vadd.f32 v19, v4  }
0x2cf: {  	v25 =	vld [tilespmem:$0x6470];
	v3 =	vadd.f32 v20, v3  }
0x2d0: {  	v26 =	vld [tilespmem:$0x6480];
	v4 =	vadd.f32 v21, v4  }
0x2d1: {  	v27 =	vld [tilespmem:$0x6490];
	v3 =	vadd.f32 v22, v3  }
0x2d2: {  	v28 =	vld [tilespmem:$0x64A0];
	v4 =	vadd.f32 v23, v4  }
0x2d3: {  	v29 =	vld [tilespmem:$0x64B0];
	v3 =	vadd.f32 v24, v3  }
0x2d4: {  	v30 =	vld [tilespmem:$0x64C0];
	v4 =	vadd.f32 v25, v4  }
0x2d5: {  	v31 =	vld [tilespmem:$0x64D0];
	v3 =	vadd.f32 v26, v3  }
0x2d6: {  	v32 =	vld [tilespmem:$0x64E0];
	v4 =	vadd.f32 v27, v4  }
0x2d7: {  	v33 =	vld [tilespmem:$0x64F0];
	v3 =	vadd.f32 v28, v3  }
0x2d8: {  	v34 =	vld [tilespmem:$0x6500];
	v4 =	vadd.f32 v29, v4  }
0x2d9: {  	v35 =	vld [tilespmem:$0x6510];
	v3 =	vadd.f32 v30, v3  }
0x2da: {  	v36 =	vld [tilespmem:$0x6520];
	v4 =	vadd.f32 v31, v4  }
0x2db: {  	v37 =	vld [tilespmem:$0x6530];
	v3 =	vadd.f32 v32, v3  }
0x2dc: {  	v38 =	vld [tilespmem:$0x6540];
	v4 =	vadd.f32 v33, v4  }
0x2dd: {  	v39 =	vld [tilespmem:$0x6550];
	v3 =	vadd.f32 v34, v3  }
0x2de: {  	v40 =	vld [tilespmem:$0x6560];
	v4 =	vadd.f32 v35, v4  }
0x2df: {  	v41 =	vld [tilespmem:$0x6570];
	v3 =	vadd.f32 v36, v3  }
0x2e0: {  	v42 =	vld [tilespmem:$0x6580];
	v4 =	vadd.f32 v37, v4  }
0x2e1: {  	v43 =	vld [tilespmem:$0x6590];
	v3 =	vadd.f32 v38, v3  }
0x2e2: {  	v44 =	vld [tilespmem:$0x65A0];
	v4 =	vadd.f32 v39, v4  }
0x2e3: {  	v45 =	vld [tilespmem:$0x65B0];
	v3 =	vadd.f32 v40, v3  }
0x2e4: {  	v46 =	vld [tilespmem:$0x65C0];
	v4 =	vadd.f32 v41, v4  }
0x2e5: {  	v47 =	vld [tilespmem:$0x65D0];
	v3 =	vadd.f32 v42, v3  }
0x2e6: {  	v48 =	vld [tilespmem:$0x65E0];
	v4 =	vadd.f32 v43, v4  }
0x2e7: {  	v49 =	vld [tilespmem:$0x65F0];
	v3 =	vadd.f32 v44, v3  }
0x2e8: {  	v50 =	vld [tilespmem:$0x6600];
	v4 =	vadd.f32 v45, v4  }
0x2e9: {  	v51 =	vld [tilespmem:$0x6610];
	v3 =	vadd.f32 v46, v3  }
0x2ea: {  	v52 =	vld [tilespmem:$0x6620];
	v4 =	vadd.f32 v47, v4  }
0x2eb: {  	v53 =	vld [tilespmem:$0x6630];
	v3 =	vadd.f32 v48, v3  }
0x2ec: {  	v54 =	vld [tilespmem:$0x6640];
	v4 =	vadd.f32 v49, v4  }
0x2ed: {  	v55 =	vld [tilespmem:$0x6650];
	v3 =	vadd.f32 v50, v3  }
0x2ee: {  	v56 =	vld [tilespmem:$0x6660];
	v4 =	vadd.f32 v51, v4  }
0x2ef: {  	v57 =	vld [tilespmem:$0x6670];
	v3 =	vadd.f32 v52, v3  }
0x2f0: {  	v58 =	vld [tilespmem:$0x6680];
	v4 =	vadd.f32 v53, v4  }
0x2f1: {  	v59 =	vld [tilespmem:$0x6690];
	v3 =	vadd.f32 v54, v3  }
0x2f2: {  	v60 =	vld [tilespmem:$0x66A0];
	v4 =	vadd.f32 v55, v4  }
0x2f3: {  	v61 =	vld [tilespmem:$0x66B0];
	v3 =	vadd.f32 v56, v3  }
0x2f4: {  	v62 =	vld [tilespmem:$0x66C0];
	v4 =	vadd.f32 v57, v4  }
0x2f5: {  	v63 =	vld [tilespmem:$0x66D0];
	v3 =	vadd.f32 v58, v3  }
0x2f6: {  	v12 =	vld [tilespmem:$0x66E0];
	v4 =	vadd.f32 v59, v4  }
0x2f7: {  	v2 =	vand.u32 $0x1FE, v2;
	v13 =	vld [tilespmem:$0x66F0];
	v3 =	vadd.f32 v60, v3  }
0x2f8: {  	v2 =	vbroadcast v2, $0x0;
	v4 =	vadd.f32 v61, v4  }
0x2f9: {  	v3 =	vadd.f32 v62, v3  }
0x2fa: {  	v14 =	vor.u32 v0, v2;
	v4 =	vadd.f32 v63, v4  }
0x2fb: {  	v2 =	vor.u32 v1, v2;
	v3 =	vadd.f32 v12, v3  }
0x2fc: {  	v4 =	vadd.f32 v13, v4  }
0x2fd: {  	v3 =	vmul.f32 $3.846153990e-02, v3  }
0x2fe: {  	v4 =	vmul.f32 $3.846153990e-02, v4  }
0x2ff: {  	[tilespmem:v14+s19+$0x0] =	vst.idx.msk $0xffff, v3  }
0x300: {  	s28 =	simm.s32 @!p0 $0x5A00;
	[tilespmem:v2+s19+$0x0] =	vst.idx.msk $0xffff, v4  }
0x301: {  	[tilespmem:s28], [sflag:$0x3] =	stream.indirect.gather @!p0 [hbm4b:s3+s26], $0x20, s24, s26, $0xb8;
	[tilespmem:$0xB400] =	vst v63  }
0x302: {  	_ =	swait.ge [sflag:s22], $0xD00  }
0x303: {  	[sflag:s22] =	ssyncset.done $0x0  }
0x304: {  	[sflag:s22] =	ssyncadd.s32 $0xFFFFF300  }
0x305: {  	v2 =	vld [tilespmem:$0x6700]  }
0x306: {  	v3 =	vld [tilespmem:$0x6710]  }
0x307: {  	v15 =	vld [tilespmem:$0x6720]  }
0x308: {  	v16 =	vld [tilespmem:$0x6730]  }
0x309: {  	v17 =	vld [tilespmem:$0x6740]  }
0x30a: {  	v18 =	vld [tilespmem:$0x6750]  }
0x30b: {  	v19 =	vld [tilespmem:$0x6760]  }
0x30c: {  	v20 =	vld [tilespmem:$0x6770];
	v2 =	vadd.f32 v15, v2  }
0x30d: {  	v21 =	vld [tilespmem:$0x6780];
	v3 =	vadd.f32 v16, v3  }
0x30e: {  	v22 =	vld [tilespmem:$0x6790];
	v2 =	vadd.f32 v17, v2  }
0x30f: {  	v23 =	vld [tilespmem:$0x67A0];
	v3 =	vadd.f32 v18, v3  }
0x310: {  	v24 =	vld [tilespmem:$0x67B0];
	v2 =	vadd.f32 v19, v2  }
0x311: {  	v25 =	vld [tilespmem:$0x67C0];
	v3 =	vadd.f32 v20, v3  }
0x312: {  	v26 =	vld [tilespmem:$0x67D0];
	v2 =	vadd.f32 v21, v2  }
0x313: {  	v27 =	vld [tilespmem:$0x67E0];
	v3 =	vadd.f32 v22, v3  }
0x314: {  	v28 =	vld [tilespmem:$0x67F0];
	v2 =	vadd.f32 v23, v2  }
0x315: {  	v29 =	vld [tilespmem:$0x6800];
	v3 =	vadd.f32 v24, v3  }
0x316: {  	v30 =	vld [tilespmem:$0x6810];
	v2 =	vadd.f32 v25, v2  }
0x317: {  	v31 =	vld [tilespmem:$0x6820];
	v3 =	vadd.f32 v26, v3  }
0x318: {  	v32 =	vld [tilespmem:$0x6830];
	v2 =	vadd.f32 v27, v2  }
0x319: {  	v33 =	vld [tilespmem:$0x6840];
	v3 =	vadd.f32 v28, v3  }
0x31a: {  	v34 =	vld [tilespmem:$0x6850];
	v2 =	vadd.f32 v29, v2  }
0x31b: {  	v35 =	vld [tilespmem:$0x6860];
	v3 =	vadd.f32 v30, v3  }
0x31c: {  	v36 =	vld [tilespmem:$0x6870];
	v2 =	vadd.f32 v31, v2  }
0x31d: {  	v37 =	vld [tilespmem:$0x6880];
	v3 =	vadd.f32 v32, v3  }
0x31e: {  	v38 =	vld [tilespmem:$0x6890];
	v2 =	vadd.f32 v33, v2  }
0x31f: {  	v39 =	vld [tilespmem:$0x68A0];
	v3 =	vadd.f32 v34, v3  }
0x320: {  	v40 =	vld [tilespmem:$0x68B0];
	v2 =	vadd.f32 v35, v2  }
0x321: {  	v41 =	vld [tilespmem:$0x68C0];
	v3 =	vadd.f32 v36, v3  }
0x322: {  	v42 =	vld [tilespmem:$0x68D0];
	v2 =	vadd.f32 v37, v2  }
0x323: {  	v43 =	vld [tilespmem:$0x68E0];
	v3 =	vadd.f32 v38, v3  }
0x324: {  	v44 =	vld [tilespmem:$0x68F0];
	v2 =	vadd.f32 v39, v2  }
0x325: {  	v45 =	vld [tilespmem:$0x6900];
	v3 =	vadd.f32 v40, v3  }
0x326: {  	v46 =	vld [tilespmem:$0x6910];
	v2 =	vadd.f32 v41, v2  }
0x327: {  	v47 =	vld [tilespmem:$0x6920];
	v3 =	vadd.f32 v42, v3  }
0x328: {  	v48 =	vld [tilespmem:$0x6930];
	v2 =	vadd.f32 v43, v2  }
0x329: {  	v49 =	vld [tilespmem:$0x6940];
	v3 =	vadd.f32 v44, v3  }
0x32a: {  	v50 =	vld [tilespmem:$0x6950];
	v2 =	vadd.f32 v45, v2  }
0x32b: {  	v51 =	vld [tilespmem:$0x6960];
	v3 =	vadd.f32 v46, v3  }
0x32c: {  	v52 =	vld [tilespmem:$0x6970];
	v2 =	vadd.f32 v47, v2  }
0x32d: {  	v53 =	vld [tilespmem:$0x6980];
	v3 =	vadd.f32 v48, v3  }
0x32e: {  	v54 =	vld [tilespmem:$0x6990];
	v2 =	vadd.f32 v49, v2  }
0x32f: {  	v55 =	vld [tilespmem:$0x69A0];
	v3 =	vadd.f32 v50, v3  }
0x330: {  	v56 =	vld [tilespmem:$0x69B0];
	v2 =	vadd.f32 v51, v2  }
0x331: {  	v57 =	vld [tilespmem:$0x69C0];
	v3 =	vadd.f32 v52, v3  }
0x332: {  	v58 =	vld [tilespmem:$0x69D0];
	v2 =	vadd.f32 v53, v2  }
0x333: {  	v59 =	vld [tilespmem:$0x69E0];
	v3 =	vadd.f32 v54, v3  }
0x334: {  	v60 =	vld [tilespmem:$0x69F0];
	v2 =	vadd.f32 v55, v2  }
0x335: {  	v61 =	vld [tilespmem:$0x6A00];
	v3 =	vadd.f32 v56, v3  }
0x336: {  	s29 =	sadd.s32 $0xFFFFFE80, s25;
	v62 =	vld [tilespmem:$0x6A10];
	v2 =	vadd.f32 v57, v2  }
0x337: {  	v12 =	vmov s29;
	v63 =	vld [tilespmem:$0x6A20];
	v3 =	vadd.f32 v58, v3  }
0x338: {  	v9 =	vand.u32 $0x7F, v12;
	v13 =	vld [tilespmem:$0x6A30];
	v2 =	vadd.f32 v59, v2  }
0x339: {  	v14 =	vbroadcast v9, $0x0;
	v3 =	vadd.f32 v60, v3  }
0x33a: {  	v2 =	vadd.f32 v61, v2  }
0x33b: {  	v15 =	vor.u32 v0, v14;
	v3 =	vadd.f32 v62, v3  }
0x33c: {  	v4 =	vor.u32 v1, v14;
	v2 =	vadd.f32 v63, v2  }
0x33d: {  	v3 =	vadd.f32 v13, v3  }
0x33e: {  	v2 =	vmul.f32 $3.846153990e-02, v2  }
0x33f: {  	v3 =	vmul.f32 $3.846153990e-02, v3  }
0x340: {  	[tilespmem:v15+s19+$0x0] =	vst.idx.msk $0xffff, v2  }
0x341: {  	[tilespmem:v4+s19+$0x0] =	vst.idx.msk $0xffff, v3  }
0x342: {  	v2 =	vld [tilespmem:$0x6A40]  }
0x343: {  	v3 =	vld [tilespmem:$0x6A50]  }
0x344: {  	v4 =	vld [tilespmem:$0x6A60]  }
0x345: {  	v5 =	vld [tilespmem:$0x6A70]  }
0x346: {  	v16 =	vld [tilespmem:$0x6A80]  }
0x347: {  	v17 =	vld [tilespmem:$0x6A90]  }
0x348: {  	v18 =	vld [tilespmem:$0x6AA0]  }
0x349: {  	v19 =	vld [tilespmem:$0x6AB0];
	v2 =	vadd.f32 v4, v2  }
0x34a: {  	v20 =	vld [tilespmem:$0x6AC0];
	v3 =	vadd.f32 v5, v3  }
0x34b: {  	v21 =	vld [tilespmem:$0x6AD0];
	v2 =	vadd.f32 v16, v2  }
0x34c: {  	v22 =	vld [tilespmem:$0x6AE0];
	v3 =	vadd.f32 v17, v3  }
0x34d: {  	v23 =	vld [tilespmem:$0x6AF0];
	v2 =	vadd.f32 v18, v2  }
0x34e: {  	v24 =	vld [tilespmem:$0x6B00];
	v3 =	vadd.f32 v19, v3  }
0x34f: {  	v25 =	vld [tilespmem:$0x6B10];
	v2 =	vadd.f32 v20, v2  }
0x350: {  	v26 =	vld [tilespmem:$0x6B20];
	v3 =	vadd.f32 v21, v3  }
0x351: {  	v27 =	vld [tilespmem:$0x6B30];
	v2 =	vadd.f32 v22, v2  }
0x352: {  	v28 =	vld [tilespmem:$0x6B40];
	v3 =	vadd.f32 v23, v3  }
0x353: {  	v29 =	vld [tilespmem:$0x6B50];
	v2 =	vadd.f32 v24, v2  }
0x354: {  	v30 =	vld [tilespmem:$0x6B60];
	v3 =	vadd.f32 v25, v3  }
0x355: {  	v31 =	vld [tilespmem:$0x6B70];
	v2 =	vadd.f32 v26, v2  }
0x356: {  	v32 =	vld [tilespmem:$0x6B80];
	v3 =	vadd.f32 v27, v3  }
0x357: {  	v33 =	vld [tilespmem:$0x6B90];
	v2 =	vadd.f32 v28, v2  }
0x358: {  	v34 =	vld [tilespmem:$0x6BA0];
	v3 =	vadd.f32 v29, v3  }
0x359: {  	v35 =	vld [tilespmem:$0x6BB0];
	v2 =	vadd.f32 v30, v2  }
0x35a: {  	v36 =	vld [tilespmem:$0x6BC0];
	v3 =	vadd.f32 v31, v3  }
0x35b: {  	v37 =	vld [tilespmem:$0x6BD0];
	v2 =	vadd.f32 v32, v2  }
0x35c: {  	v38 =	vld [tilespmem:$0x6BE0];
	v3 =	vadd.f32 v33, v3  }
0x35d: {  	v39 =	vld [tilespmem:$0x6BF0];
	v2 =	vadd.f32 v34, v2  }
0x35e: {  	v40 =	vld [tilespmem:$0x6C00];
	v3 =	vadd.f32 v35, v3  }
0x35f: {  	v41 =	vld [tilespmem:$0x6C10];
	v2 =	vadd.f32 v36, v2  }
0x360: {  	v42 =	vld [tilespmem:$0x6C20];
	v3 =	vadd.f32 v37, v3  }
0x361: {  	v43 =	vld [tilespmem:$0x6C30];
	v2 =	vadd.f32 v38, v2  }
0x362: {  	v44 =	vld [tilespmem:$0x6C40];
	v3 =	vadd.f32 v39, v3  }
0x363: {  	v45 =	vld [tilespmem:$0x6C50];
	v2 =	vadd.f32 v40, v2  }
0x364: {  	v46 =	vld [tilespmem:$0x6C60];
	v3 =	vadd.f32 v41, v3  }
0x365: {  	v47 =	vld [tilespmem:$0x6C70];
	v2 =	vadd.f32 v42, v2  }
0x366: {  	v48 =	vld [tilespmem:$0x6C80];
	v3 =	vadd.f32 v43, v3  }
0x367: {  	v49 =	vld [tilespmem:$0x6C90];
	v2 =	vadd.f32 v44, v2  }
0x368: {  	v50 =	vld [tilespmem:$0x6CA0];
	v3 =	vadd.f32 v45, v3  }
0x369: {  	v51 =	vld [tilespmem:$0x6CB0];
	v2 =	vadd.f32 v46, v2  }
0x36a: {  	v52 =	vld [tilespmem:$0x6CC0];
	v3 =	vadd.f32 v47, v3  }
0x36b: {  	v53 =	vld [tilespmem:$0x6CD0];
	v2 =	vadd.f32 v48, v2  }
0x36c: {  	v54 =	vld [tilespmem:$0x6CE0];
	v3 =	vadd.f32 v49, v3  }
0x36d: {  	v55 =	vld [tilespmem:$0x6CF0];
	v2 =	vadd.f32 v50, v2  }
0x36e: {  	v56 =	vld [tilespmem:$0x6D00];
	v3 =	vadd.f32 v51, v3  }
0x36f: {  	v57 =	vld [tilespmem:$0x6D10];
	v2 =	vadd.f32 v52, v2  }
0x370: {  	v58 =	vld [tilespmem:$0x6D20];
	v3 =	vadd.f32 v53, v3  }
0x371: {  	v59 =	vld [tilespmem:$0x6D30];
	v2 =	vadd.f32 v54, v2  }
0x372: {  	v60 =	vld [tilespmem:$0x6D40];
	v3 =	vadd.f32 v55, v3  }
0x373: {  	s30 =	sadd.s32 $0xFFFFFF00, s25;
	v61 =	vld [tilespmem:$0x6D50];
	v2 =	vadd.f32 v56, v2  }
0x374: {  	v63 =	vmov s30;
	v62 =	vld [tilespmem:$0x6D60];
	v3 =	vadd.f32 v57, v3  }
0x375: {  	v9 =	vand.u32 $0xFF, v63;
	v12 =	vld [tilespmem:$0x6D70];
	v2 =	vadd.f32 v58, v2  }
0x376: {  	v13 =	vbroadcast v9, $0x0;
	v3 =	vadd.f32 v59, v3  }
0x377: {  	v2 =	vadd.f32 v60, v2  }
0x378: {  	v14 =	vor.u32 v0, v13;
	v3 =	vadd.f32 v61, v3  }
0x379: {  	v4 =	vor.u32 v1, v13;
	v2 =	vadd.f32 v62, v2  }
0x37a: {  	v3 =	vadd.f32 v12, v3  }
0x37b: {  	v2 =	vmul.f32 $3.846153990e-02, v2  }
0x37c: {  	v3 =	vmul.f32 $3.846153990e-02, v3  }
0x37d: {  	[tilespmem:v14+s19+$0x0] =	vst.idx.msk $0xffff, v2  }
0x37e: {  	[tilespmem:v4+s19+$0x0] =	vst.idx.msk $0xffff, v3  }
0x37f: {  	v2 =	vld [tilespmem:$0x6D80]  }
0x380: {  	v3 =	vld [tilespmem:$0x6D90]  }
0x381: {  	v4 =	vld [tilespmem:$0x6DA0]  }
0x382: {  	v5 =	vld [tilespmem:$0x6DB0]  }
0x383: {  	v15 =	vld [tilespmem:$0x6DC0]  }
0x384: {  	v16 =	vld [tilespmem:$0x6DD0]  }
0x385: {  	v17 =	vld [tilespmem:$0x6DE0]  }
0x386: {  	v18 =	vld [tilespmem:$0x6DF0];
	v2 =	vadd.f32 v4, v2  }
0x387: {  	v19 =	vld [tilespmem:$0x6E00];
	v3 =	vadd.f32 v5, v3  }
0x388: {  	v20 =	vld [tilespmem:$0x6E10];
	v2 =	vadd.f32 v15, v2  }
0x389: {  	v21 =	vld [tilespmem:$0x6E20];
	v3 =	vadd.f32 v16, v3  }
0x38a: {  	v22 =	vld [tilespmem:$0x6E30];
	v2 =	vadd.f32 v17, v2  }
0x38b: {  	v23 =	vld [tilespmem:$0x6E40];
	v3 =	vadd.f32 v18, v3  }
0x38c: {  	v24 =	vld [tilespmem:$0x6E50];
	v2 =	vadd.f32 v19, v2  }
0x38d: {  	v25 =	vld [tilespmem:$0x6E60];
	v3 =	vadd.f32 v20, v3  }
0x38e: {  	v26 =	vld [tilespmem:$0x6E70];
	v2 =	vadd.f32 v21, v2  }
0x38f: {  	v27 =	vld [tilespmem:$0x6E80];
	v3 =	vadd.f32 v22, v3  }
0x390: {  	v28 =	vld [tilespmem:$0x6E90];
	v2 =	vadd.f32 v23, v2  }
0x391: {  	v29 =	vld [tilespmem:$0x6EA0];
	v3 =	vadd.f32 v24, v3  }
0x392: {  	v30 =	vld [tilespmem:$0x6EB0];
	v2 =	vadd.f32 v25, v2  }
0x393: {  	v31 =	vld [tilespmem:$0x6EC0];
	v3 =	vadd.f32 v26, v3  }
0x394: {  	v32 =	vld [tilespmem:$0x6ED0];
	v2 =	vadd.f32 v27, v2  }
0x395: {  	v33 =	vld [tilespmem:$0x6EE0];
	v3 =	vadd.f32 v28, v3  }
0x396: {  	v34 =	vld [tilespmem:$0x6EF0];
	v2 =	vadd.f32 v29, v2  }
0x397: {  	v35 =	vld [tilespmem:$0x6F00];
	v3 =	vadd.f32 v30, v3  }
0x398: {  	v36 =	vld [tilespmem:$0x6F10];
	v2 =	vadd.f32 v31, v2  }
0x399: {  	v37 =	vld [tilespmem:$0x6F20];
	v3 =	vadd.f32 v32, v3  }
0x39a: {  	v38 =	vld [tilespmem:$0x6F30];
	v2 =	vadd.f32 v33, v2  }
0x39b: {  	v39 =	vld [tilespmem:$0x6F40];
	v3 =	vadd.f32 v34, v3  }
0x39c: {  	v40 =	vld [tilespmem:$0x6F50];
	v2 =	vadd.f32 v35, v2  }
0x39d: {  	v41 =	vld [tilespmem:$0x6F60];
	v3 =	vadd.f32 v36, v3  }
0x39e: {  	v42 =	vld [tilespmem:$0x6F70];
	v2 =	vadd.f32 v37, v2  }
0x39f: {  	v43 =	vld [tilespmem:$0x6F80];
	v3 =	vadd.f32 v38, v3  }
0x3a0: {  	v44 =	vld [tilespmem:$0x6F90];
	v2 =	vadd.f32 v39, v2  }
0x3a1: {  	v45 =	vld [tilespmem:$0x6FA0];
	v3 =	vadd.f32 v40, v3  }
0x3a2: {  	v46 =	vld [tilespmem:$0x6FB0];
	v2 =	vadd.f32 v41, v2  }
0x3a3: {  	v47 =	vld [tilespmem:$0x6FC0];
	v3 =	vadd.f32 v42, v3  }
0x3a4: {  	v48 =	vld [tilespmem:$0x6FD0];
	v2 =	vadd.f32 v43, v2  }
0x3a5: {  	v49 =	vld [tilespmem:$0x6FE0];
	v3 =	vadd.f32 v44, v3  }
0x3a6: {  	v50 =	vld [tilespmem:$0x6FF0];
	v2 =	vadd.f32 v45, v2  }
0x3a7: {  	v51 =	vld [tilespmem:$0x7000];
	v3 =	vadd.f32 v46, v3  }
0x3a8: {  	v52 =	vld [tilespmem:$0x7010];
	v2 =	vadd.f32 v47, v2  }
0x3a9: {  	v53 =	vld [tilespmem:$0x7020];
	v3 =	vadd.f32 v48, v3  }
0x3aa: {  	v54 =	vld [tilespmem:$0x7030];
	v2 =	vadd.f32 v49, v2  }
0x3ab: {  	v55 =	vld [tilespmem:$0x7040];
	v3 =	vadd.f32 v50, v3  }
0x3ac: {  	v56 =	vld [tilespmem:$0x7050];
	v2 =	vadd.f32 v51, v2  }
0x3ad: {  	v57 =	vld [tilespmem:$0x7060];
	v3 =	vadd.f32 v52, v3  }
0x3ae: {  	v58 =	vld [tilespmem:$0x7070];
	v2 =	vadd.f32 v53, v2  }
0x3af: {  	v59 =	vld [tilespmem:$0x7080];
	v3 =	vadd.f32 v54, v3  }
0x3b0: {  	s31 =	sadd.s32 $0xFFFFFF80, s25;
	v60 =	vld [tilespmem:$0x7090];
	v2 =	vadd.f32 v55, v2  }
0x3b1: {  	v62 =	vmov s31;
	v61 =	vld [tilespmem:$0x70A0];
	v3 =	vadd.f32 v56, v3  }
0x3b2: {  	v9 =	vand.u32 $0x17F, v62;
	v63 =	vld [tilespmem:$0x70B0];
	v2 =	vadd.f32 v57, v2  }
0x3b3: {  	v11 =	vbroadcast v9, $0x0;
	v3 =	vadd.f32 v58, v3  }
0x3b4: {  	v2 =	vadd.f32 v59, v2  }
0x3b5: {  	v12 =	vor.u32 v0, v11;
	v3 =	vadd.f32 v60, v3  }
0x3b6: {  	v4 =	vor.u32 v1, v11;
	v2 =	vadd.f32 v61, v2  }
0x3b7: {  	v3 =	vadd.f32 v63, v3  }
0x3b8: {  	v2 =	vmul.f32 $3.846153990e-02, v2  }
0x3b9: {  	v3 =	vmul.f32 $3.846153990e-02, v3  }
0x3ba: {  	[tilespmem:v12+s19+$0x0] =	vst.idx.msk $0xffff, v2  }
0x3bb: {  	[tilespmem:v4+s19+$0x0] =	vst.idx.msk $0xffff, v3  }
0x3bc: {  	v2 =	vld [tilespmem:$0x70C0]  }
0x3bd: {  	v3 =	vld [tilespmem:$0x70D0]  }
0x3be: {  	v4 =	vld [tilespmem:$0x70E0]  }
0x3bf: {  	v5 =	vld [tilespmem:$0x70F0]  }
0x3c0: {  	v13 =	vld [tilespmem:$0x7100]  }
0x3c1: {  	v14 =	vld [tilespmem:$0x7110]  }
0x3c2: {  	v15 =	vld [tilespmem:$0x7120]  }
0x3c3: {  	v16 =	vld [tilespmem:$0x7130];
	v2 =	vadd.f32 v4, v2  }
0x3c4: {  	v17 =	vld [tilespmem:$0x7140];
	v3 =	vadd.f32 v5, v3  }
0x3c5: {  	v18 =	vld [tilespmem:$0x7150];
	v2 =	vadd.f32 v13, v2  }
0x3c6: {  	v19 =	vld [tilespmem:$0x7160];
	v3 =	vadd.f32 v14, v3  }
0x3c7: {  	v20 =	vld [tilespmem:$0x7170];
	v2 =	vadd.f32 v15, v2  }
0x3c8: {  	v21 =	vld [tilespmem:$0x7180];
	v3 =	vadd.f32 v16, v3  }
0x3c9: {  	v22 =	vld [tilespmem:$0x7190];
	v2 =	vadd.f32 v17, v2  }
0x3ca: {  	v23 =	vld [tilespmem:$0x71A0];
	v3 =	vadd.f32 v18, v3  }
0x3cb: {  	v24 =	vld [tilespmem:$0x71B0];
	v2 =	vadd.f32 v19, v2  }
0x3cc: {  	v25 =	vld [tilespmem:$0x71C0];
	v3 =	vadd.f32 v20, v3  }
0x3cd: {  	v26 =	vld [tilespmem:$0x71D0];
	v2 =	vadd.f32 v21, v2  }
0x3ce: {  	v27 =	vld [tilespmem:$0x71E0];
	v3 =	vadd.f32 v22, v3  }
0x3cf: {  	v28 =	vld [tilespmem:$0x71F0];
	v2 =	vadd.f32 v23, v2  }
0x3d0: {  	v29 =	vld [tilespmem:$0x7200];
	v3 =	vadd.f32 v24, v3  }
0x3d1: {  	v30 =	vld [tilespmem:$0x7210];
	v2 =	vadd.f32 v25, v2  }
0x3d2: {  	v31 =	vld [tilespmem:$0x7220];
	v3 =	vadd.f32 v26, v3  }
0x3d3: {  	v32 =	vld [tilespmem:$0x7230];
	v2 =	vadd.f32 v27, v2  }
0x3d4: {  	v33 =	vld [tilespmem:$0x7240];
	v3 =	vadd.f32 v28, v3  }
0x3d5: {  	v34 =	vld [tilespmem:$0x7250];
	v2 =	vadd.f32 v29, v2  }
0x3d6: {  	v35 =	vld [tilespmem:$0x7260];
	v3 =	vadd.f32 v30, v3  }
0x3d7: {  	v36 =	vld [tilespmem:$0x7270];
	v2 =	vadd.f32 v31, v2  }
0x3d8: {  	v37 =	vld [tilespmem:$0x7280];
	v3 =	vadd.f32 v32, v3  }
0x3d9: {  	v38 =	vld [tilespmem:$0x7290];
	v2 =	vadd.f32 v33, v2  }
0x3da: {  	v39 =	vld [tilespmem:$0x72A0];
	v3 =	vadd.f32 v34, v3  }
0x3db: {  	v40 =	vld [tilespmem:$0x72B0];
	v2 =	vadd.f32 v35, v2  }
0x3dc: {  	v41 =	vld [tilespmem:$0x72C0];
	v3 =	vadd.f32 v36, v3  }
0x3dd: {  	v42 =	vld [tilespmem:$0x72D0];
	v2 =	vadd.f32 v37, v2  }
0x3de: {  	v43 =	vld [tilespmem:$0x72E0];
	v3 =	vadd.f32 v38, v3  }
0x3df: {  	v44 =	vld [tilespmem:$0x72F0];
	v2 =	vadd.f32 v39, v2  }
0x3e0: {  	v45 =	vld [tilespmem:$0x7300];
	v3 =	vadd.f32 v40, v3  }
0x3e1: {  	v46 =	vld [tilespmem:$0x7310];
	v2 =	vadd.f32 v41, v2  }
0x3e2: {  	v47 =	vld [tilespmem:$0x7320];
	v3 =	vadd.f32 v42, v3  }
0x3e3: {  	v48 =	vld [tilespmem:$0x7330];
	v2 =	vadd.f32 v43, v2  }
0x3e4: {  	v49 =	vld [tilespmem:$0x7340];
	v3 =	vadd.f32 v44, v3  }
0x3e5: {  	v50 =	vld [tilespmem:$0x7350];
	v2 =	vadd.f32 v45, v2  }
0x3e6: {  	v51 =	vld [tilespmem:$0x7360];
	v3 =	vadd.f32 v46, v3  }
0x3e7: {  	v52 =	vld [tilespmem:$0x7370];
	v2 =	vadd.f32 v47, v2  }
0x3e8: {  	v53 =	vld [tilespmem:$0x7380];
	v3 =	vadd.f32 v48, v3  }
0x3e9: {  	v54 =	vld [tilespmem:$0x7390];
	v2 =	vadd.f32 v49, v2  }
0x3ea: {  	v55 =	vld [tilespmem:$0x73A0];
	v3 =	vadd.f32 v50, v3  }
0x3eb: {  	v56 =	vld [tilespmem:$0x73B0];
	v2 =	vadd.f32 v51, v2  }
0x3ec: {  	v57 =	vld [tilespmem:$0x73C0];
	v3 =	vadd.f32 v52, v3  }
0x3ed: {  	v58 =	vld [tilespmem:$0x73D0];
	v2 =	vadd.f32 v53, v2  }
0x3ee: {  	v60 =	vmov s25;
	v59 =	vld [tilespmem:$0x73E0];
	v3 =	vadd.f32 v54, v3  }
0x3ef: {  	v9 =	vand.u32 $0x1FF, v60;
	v61 =	vld [tilespmem:$0x73F0];
	v2 =	vadd.f32 v55, v2  }
0x3f0: {  	v62 =	vbroadcast v9, $0x0;
	v3 =	vadd.f32 v56, v3  }
0x3f1: {  	v2 =	vadd.f32 v57, v2  }
0x3f2: {  	s25 =	sadd.s32 $0x4, s25;
	v63 =	vor.u32 v0, v62;
	v3 =	vadd.f32 v58, v3  }
0x3f3: {  	p0 =	sne.s32 s25, $0x203;
	v4 =	vor.u32 v1, v62;
	v2 =	vadd.f32 v59, v2  }
.Ltmp0:
0x3f4: {  	v3 =	vadd.f32 v61, v3;
	(pc) =	sbr.rel @p0 .LBB2_2-.Ltmp0, $4  }
0x3f5: {  	v2 =	vmul.f32 $3.846153990e-02, v2  }
0x3f6: {  	v3 =	vmul.f32 $3.846153990e-02, v3  }
0x3f7: {  	[tilespmem:v63+s19+$0x0] =	vst.idx.msk $0xffff, v2  }
0x3f8: {  	s24 =	sadd.s32 $0x200, s24;
	[tilespmem:v4+s19+$0x0] =	vst.idx.msk $0xffff, v3  }
0x3f9: {  	s24 =	simm.s32 $0x800;
	s25 =	simm.s32 $0x7400;
	s26 =	sadd.s32 $0x0, s4  }
.LBB2_4:
0x3fa: {  	[hbm4b:s26+s2] =	stream.linear.scatter [tilespmem:s25], [sflag:$0x5], $0x80, $0x38;
	[tilespmem:$0xB400] =	vst v63  }
0x3fb: {  	s26 =	smov.u32 s24;
	p0 =	sne.s32 s24, $0xF800  }
.Ltmp1:
0x3fc: {  	s24 =	sadd.s32 $0x800, s24;
	(pc) =	sbr.rel @p0 .LBB2_4-.Ltmp1, $3  }
0x3fd: {  	_ =	sdelay $0x1  }
0x3fe: {  	s25 =	sshra.s32 s26, $0x2  }
0x3ff: {  	s26 =	sadd.s32 s26, s4;
	s25 =	sadd.s32 $0x7400, s25  }
0x400: {  	[hbm4b:s26+s2] =	stream.linear.scatter [tilespmem:s25], [sflag:$0x5], $0x80, $0x38;
	[tilespmem:$0xB400] =	vst v63  }
0x401: {  	_ =	swait.ge [sflag:s10], $0x1000  }
0x402: {  	s24 =	simm.s32 $0x800;
	[sflag:s10] =	ssyncset.done $0x0  }
0x403: {  	s25 =	simm.s32 $0x7480;
	s26 =	sadd.s32 $0x0, s5;
	[sflag:s10] =	ssyncadd.s32 $0xFFFFF000  }
.LBB2_6:
0x404: {  	[hbm4b:s26+s2] =	stream.linear.scatter [tilespmem:s25], [sflag:$0x5], $0x80, $0x38;
	[tilespmem:$0xB400] =	vst v63  }
0x405: {  	s26 =	smov.u32 s24;
	p0 =	sne.s32 s24, $0xF800  }
.Ltmp2:
0x406: {  	s24 =	sadd.s32 $0x800, s24;
	(pc) =	sbr.rel @p0 .LBB2_6-.Ltmp2, $3  }
0x407: {  	_ =	sdelay $0x1  }
0x408: {  	s25 =	sshra.s32 s26, $0x2  }
0x409: {  	s26 =	sadd.s32 s26, s5;
	s25 =	sadd.s32 $0x7480, s25  }
0x40a: {  	[hbm4b:s26+s2] =	stream.linear.scatter [tilespmem:s25], [sflag:$0x5], $0x80, $0x38;
	[tilespmem:$0xB400] =	vst v63  }
0x40b: {  	_ =	swait.ge [sflag:s10], $0x1000  }
0x40c: {  	s24 =	simm.s32 $0x800;
	[sflag:s10] =	ssyncset.done $0x0  }
0x40d: {  	s25 =	simm.s32 $0x7500;
	s26 =	sadd.s32 $0x0, s7;
	[sflag:s10] =	ssyncadd.s32 $0xFFFFF000  }
.LBB2_8:
0x40e: {  	[hbm4b:s26+s2] =	stream.linear.scatter [tilespmem:s25], [sflag:$0x5], $0x80, $0x38;
	[tilespmem:$0xB400] =	vst v63  }
0x40f: {  	s26 =	smov.u32 s24;
	p0 =	sne.s32 s24, $0xF800  }
.Ltmp3:
0x410: {  	s24 =	sadd.s32 $0x800, s24;
	(pc) =	sbr.rel @p0 .LBB2_8-.Ltmp3, $3  }
0x411: {  	_ =	sdelay $0x1  }
0x412: {  	s25 =	sshra.s32 s26, $0x2  }
0x413: {  	s26 =	sadd.s32 s26, s7;
	s25 =	sadd.s32 $0x7500, s25  }
0x414: {  	[hbm4b:s26+s2] =	stream.linear.scatter [tilespmem:s25], [sflag:$0x5], $0x80, $0x38;
	[tilespmem:$0xB400] =	vst v63  }
0x415: {  	_ =	swait.ge [sflag:s10], $0x1000  }
0x416: {  	s24 =	simm.s32 $0x800;
	[sflag:s10] =	ssyncset.done $0x0  }
0x417: {  	s25 =	simm.s32 $0x7580;
	s26 =	sadd.s32 $0x0, s8;
	[sflag:s10] =	ssyncadd.s32 $0xFFFFF000  }
.LBB2_10:
0x418: {  	[hbm4b:s26+s2] =	stream.linear.scatter [tilespmem:s25], [sflag:$0x5], $0x80, $0x38;
	[tilespmem:$0xB400] =	vst v63  }
0x419: {  	s26 =	smov.u32 s24;
	p0 =	sne.s32 s24, $0xF800  }
.Ltmp4:
0x41a: {  	s24 =	sadd.s32 $0x800, s24;
	(pc) =	sbr.rel @p0 .LBB2_10-.Ltmp4, $3  }
0x41b: {  	_ =	sdelay $0x1  }
0x41c: {  	s25 =	sshra.s32 s26, $0x2  }
0x41d: {  	s26 =	sadd.s32 s26, s8;
	s25 =	sadd.s32 $0x7580, s25  }
0x41e: {  	s23 =	sadd.s32 $0x1, s23  }
0x41f: {  	p0 =	sne.s32 s23, s9  }
.Ltmp5:
0x420: {  	_ = 	snop;
	(pc) =	sbr.rel @p0 .LBB2_1-.Ltmp5, $4  }
0x421: {  	[hbm4b:s26+s2] =	stream.linear.scatter [tilespmem:s25], [sflag:$0x5], $0x80, $0x38;
	[tilespmem:$0xB400] =	vst v63  }
0x422: {  	_ =	swait.ge [sflag:s10], $0x1000  }
0x423: {  	[sflag:s10] =	ssyncset.done $0x0  }
0x424: {  	[sflag:s10] =	ssyncadd.s32 $0xFFFFF000  }
0x425: {  	_ =	sfence.sel $0x180000  }
0x426: {  	[bflag:$0x0] =	sbarrier.arrive $0xFFFF  }
0x427: {  	p0 =	sne.s32 s1, $0x0;
	_ =	strace $0x90000047  }
0x428: {  	s0 =	sadd.s32 @!p0 $0x100000, s0;
	[bflag:$0x2] =	sbarrier.arrive $0xFFFF  }
0x429: {  	[sflag:s0] =	ssyncadd.tile.s32 @!p0 $0x1;
	_ =	shalt  }
.Lfunc_end2:
_tile_overlayer_lowered:
.L_overlay_start_2:
0x42a: {  	(tag) =	ssettag $0x2  }
0x42b: {  	s0 =	rddreg [dreg:$0x0];
	s2 =	stileid.u32  }
0x42c: {  	s1 =	rddreg [dreg:$0x1];
	p0 =	sne.s32 s2, $0x0  }
0x42d: {  	s3 =	rddreg [dreg:$0x2];
	[bflag:$0x3] =	sbarrier.arrive $0xFFFF;
	s2 =	simm.s32 @!p0 $0x1C05  }
0x42e: {  	[timem:s3], [sflag:s2] =	dma.local @!p0 [hbm:s0], s1  }
0x42f: {  	s0 =	simm.s32 @!p0 $0x5  }
0x430: {  	_ =	swait.ge @!p0 [sflag:s0], s1  }
0x431: {  	s1 =	ssub.s32 @!p0 $0x0, s1;
	[sflag:s0] =	ssyncset.done @!p0 $0x0  }
0x432: {  	[sflag:s0] =	ssyncadd.s32 @!p0 s1  }
0x433: {  	[bflag:$0x3] =	sbarrier.arrive $0xFFFF  }
0x434: {  	_ =	shalt  }

</sc_bundles>
